<compile_context>
chip_gen: v7x
topology: tpu7x:2x2x1
jax: 0.10.2.dev20260603
libtpu: 0.0.44.dev20260713+nightly
codegen_flags: <defaults>
</compile_context>

<pallas_src>
import functools

import jax
import jax.numpy as jnp
from jax import lax
from jax.experimental import pallas as pl
from jax.experimental.pallas import tpu as pltpu
from jax.experimental.pallas import tpu_sc as plsc

NN = 10000
NE = 320000
DIN = 128
DHID = 256
NG = 64
DH = 128

_NTILE = 16
_K = 100
_KD = 80
_NBLKD = NE // (2 * _NTILE) // _KD
_NBLK = NE // _NTILE // _K
_CB = 10
_NCH = _NBLK // _CB
_CBD = 5
_NCHD = _NBLKD // _CBD
_STRIPE = 624
_TAIL = NN - _NTILE * _STRIPE

_mesh2 = plsc.VectorSubcoreMesh(core_axis_name="c", subcore_axis_name="s")
_mesh1 = plsc.VectorSubcoreMesh(core_axis_name="c", subcore_axis_name="s",
                                num_cores=1)


@functools.partial(
    pl.kernel,
    out_type=jax.ShapeDtypeStruct((2 * _NTILE, NN), jnp.float32),
    mesh=_mesh2,
    compiler_params=pltpu.CompilerParams(needs_layout_passes=False),
    scratch_types=[
        pltpu.VMEM((_CBD, _KD), jnp.int32),
        pltpu.VMEM((NN,), jnp.float32),
    ],
)
def _deg_kernel(dst_hbm, out_hbm, dbuf, hist):
    c = lax.axis_index("c")
    s = lax.axis_index("s")
    w = c * _NTILE + s
    zeros16 = jnp.zeros((16,), jnp.float32)
    ones16 = jnp.full((16,), 1.0, jnp.float32)

    def _z(i, _):
        hist[pl.ds(i * 16, 16)] = zeros16
        return 0

    lax.fori_loop(0, NN // 16, _z, 0)

    def _chunk(ci, _):
        pltpu.sync_copy(dst_hbm.at[w, ci], dbuf)
        for j in range(_CBD):
            for k in range(_KD // 16):
                idx = dbuf[j, pl.ds(k * 16, 16)]
                plsc.addupdate_scatter(hist, [idx], ones16)
        return 0

    lax.fori_loop(0, _NCHD, _chunk, 0)
    pltpu.sync_copy(hist, out_hbm.at[w])


@functools.partial(
    pl.kernel,
    out_type=jax.ShapeDtypeStruct((NN, DH), jnp.float32),
    mesh=_mesh1,
    scratch_types=[
        pltpu.VMEM((_CB, _K), jnp.int32),
        pltpu.VMEM((_CB, _K), jnp.int32),
        pltpu.VMEM((_K, DH), jnp.float32),
        pltpu.VMEM((_K, DH), jnp.float32),
        pltpu.VMEM_SHARED((NN, DH), jnp.float32),
        pltpu.SemaphoreType.DMA,
        pltpu.SemaphoreType.DMA,
    ],
)
def _agg_kernel(xs_hbm, src_hbm, dst_hbm, out_hbm, sbuf, dbuf, gb0, gb1,
                acc, gsem0, gsem1):
    s = lax.axis_index("s")

    def _zero_row(i, _):
        for k in range(DH // 16):
            gb0[i, pl.ds(k * 16, 16)] = jnp.zeros((16,), jnp.float32)
        return 0

    lax.fori_loop(0, _K, _zero_row, 0)
    for k in range(_STRIPE // 48):
        pltpu.sync_copy(gb0.at[pl.ds(0, 48)],
                        acc.at[pl.ds(s * _STRIPE + k * 48, 48)])

    @pl.when(s == _NTILE - 1)
    def _():
        pltpu.sync_copy(gb0.at[pl.ds(0, _TAIL)],
                        acc.at[pl.ds(_NTILE * _STRIPE, _TAIL)])

    plsc.subcore_barrier()

    bufs = ((gb0, gsem0), (gb1, gsem1))

    def _chunk(ci, _):
        pltpu.sync_copy(src_hbm.at[s, ci], sbuf)
        pltpu.sync_copy(dst_hbm.at[s, ci], dbuf)
        d = pltpu.async_copy(xs_hbm.at[sbuf.at[0]], gb0, gsem0)
        for j in range(_CB):
            gb, _sem = bufs[j % 2]
            d.wait()
            if j + 1 < _CB:
                nb, nsem = bufs[(j + 1) % 2]
                d = pltpu.async_copy(xs_hbm.at[sbuf.at[j + 1]], nb, nsem)
            pltpu.sync_copy(gb, acc.at[dbuf.at[j]], add=True)
        return 0

    lax.fori_loop(0, _NCH, _chunk, 0)
    plsc.subcore_barrier()
    pltpu.sync_copy(acc.at[pl.ds(s * _STRIPE, _STRIPE)],
                    out_hbm.at[pl.ds(s * _STRIPE, _STRIPE)])

    @pl.when(s == _NTILE - 1)
    def _():
        pltpu.sync_copy(acc.at[pl.ds(_NTILE * _STRIPE, _TAIL)],
                        out_hbm.at[pl.ds(_NTILE * _STRIPE, _TAIL)])


def _tc1_body(hist_ref, x_ref, dinv_ref, xs1_ref):
    ones_col = jnp.ones((2 * _NTILE, 1), jnp.float32)
    deg = lax.dot_general(hist_ref[...], ones_col, (((0,), (0,)), ((), ())),
                          preferred_element_type=jnp.float32) + 1.0
    dinv = lax.rsqrt(deg)
    dinv_ref[...] = dinv
    xs1_ref[...] = dinv * x_ref[...]


def _tc2_body(S1_ref, xs1_ref, dinv_ref, W1_ref, b1_ref, xs2a_ref, xs2b_ref):
    pre = (S1_ref[...] + xs1_ref[...]) * dinv_ref[...]
    h1 = jnp.dot(pre, W1_ref[...], preferred_element_type=jnp.float32)
    h1 = jnp.maximum(h1 + b1_ref[...], 0.0)
    hs = h1 * dinv_ref[...]
    xs2a_ref[...] = hs[:, :DH]
    xs2b_ref[...] = hs[:, DH:]


def _tc3_body(S2a_ref, S2b_ref, xs2a_ref, xs2b_ref, dinv_ref, batch_ref,
              W2_ref, b2_ref, Wout_ref, bout_ref, out_ref):
    pre = jnp.concatenate(
        [S2a_ref[...] + xs2a_ref[...], S2b_ref[...] + xs2b_ref[...]], axis=1)
    pre = pre * dinv_ref[...]
    h2 = jnp.dot(pre, W2_ref[...], preferred_element_type=jnp.float32)
    h2 = jnp.maximum(h2 + b2_ref[...], 0.0)
    onehot = (batch_ref[...] ==
              lax.broadcasted_iota(jnp.int32, (1, NG), 1)).astype(jnp.float32)
    sums = lax.dot_general(onehot, h2, (((0,), (0,)), ((), ())),
                           preferred_element_type=jnp.float32)
    counts = jnp.sum(onehot, axis=0)[:, None]
    g = sums / jnp.maximum(counts, 1.0)
    out_ref[...] = (jnp.dot(g, Wout_ref[...],
                            preferred_element_type=jnp.float32) + bout_ref[...])


_VSPEC = pl.BlockSpec(memory_space=pltpu.VMEM)


def _tc_call(body, n_in, out_shapes):
    return pl.pallas_call(
        body,
        in_specs=[_VSPEC] * n_in,
        out_specs=[_VSPEC] * len(out_shapes) if len(out_shapes) > 1 else _VSPEC,
        out_shape=(out_shapes if len(out_shapes) > 1 else out_shapes[0]),
    )


def kernel(x, edge_index, batch, W1, b1, W2, b2, Wout, bout):
    src = edge_index[0]
    dst = edge_index[1]
    srcT = src.reshape(_NTILE, _NCH, _CB, _K)
    dstT = dst.reshape(_NTILE, _NCH, _CB, _K)

    deg2 = _deg_kernel(dst.reshape(2 * _NTILE, _NCHD, _CBD, _KD))

    f32 = jnp.float32
    dinv, xs1 = _tc_call(
        _tc1_body, 2,
        [jax.ShapeDtypeStruct((NN, 1), f32),
         jax.ShapeDtypeStruct((NN, DIN), f32)])(deg2, x)

    S1 = _agg_kernel(xs1, srcT, dstT)

    xs2a, xs2b = _tc_call(
        _tc2_body, 5,
        [jax.ShapeDtypeStruct((NN, DH), f32),
         jax.ShapeDtypeStruct((NN, DH), f32)])(
            S1, xs1, dinv, W1, b1.reshape(1, DHID))

    S2a = _agg_kernel(xs2a, srcT, dstT)
    S2b = _agg_kernel(xs2b, srcT, dstT)

    out = _tc_call(
        _tc3_body, 10,
        [jax.ShapeDtypeStruct((NG, 1), f32)])(
            S2a, S2b, xs2a, xs2b, dinv,
            batch.reshape(NN, 1), W2, b2.reshape(1, DHID),
            Wout, bout.reshape(1, 1))
    return out

# --- scband reference (transcript-rebuilt; emitter-appended) ---
"""Pipeline reference for scband-simple-gnn-15899968930175 (READ-ONLY COPY).

The authoritative reference and input builder live on the scoring server;
editing this copy changes nothing except your own understanding.
"""

import jax, jax.numpy as jnp
import numpy as np

N_NODES = 10000
N_EDGES = 320000
D_IN = 128
D_HID = 256
N_GRAPHS = 64


def setup_inputs(seed: int = 0) -> dict:
    key = jax.random.key(seed)
    ks = jax.random.split(key, 10)
    x = jax.random.normal(ks[0], (N_NODES, D_IN), dtype=jnp.float32)
    edge_index = jax.random.randint(ks[1], (2, N_EDGES), 0, N_NODES, dtype=jnp.int64 if jax.config.jax_enable_x64 else jnp.int32).astype(jnp.int32)
    batch = jnp.sort(jax.random.randint(ks[2], (N_NODES,), 0, N_GRAPHS).astype(jnp.int32))
    # GCNConv params (glorot-style scale)
    W1 = jax.random.normal(ks[3], (D_IN, D_HID), dtype=jnp.float32) * (1.0 / np.sqrt(D_IN))
    b1 = jnp.zeros((D_HID,), dtype=jnp.float32)
    W2 = jax.random.normal(ks[4], (D_HID, D_HID), dtype=jnp.float32) * (1.0 / np.sqrt(D_HID))
    b2 = jnp.zeros((D_HID,), dtype=jnp.float32)
    Wout = jax.random.normal(ks[5], (D_HID, 1), dtype=jnp.float32) * (1.0 / np.sqrt(D_HID))
    bout = jnp.zeros((1,), dtype=jnp.float32)
    return {"x": x, "edge_index": edge_index, "batch": batch,
            "W1": W1, "b1": b1, "W2": W2, "b2": b2, "Wout": Wout, "bout": bout}


def _gcn_conv(x, src, dst, W, b, num_nodes):
    # GCNConv: add self-loops, symmetric normalization D^-1/2 (A+I) D^-1/2 X W + b
    loop = jnp.arange(num_nodes, dtype=src.dtype)
    s = jnp.concatenate([src, loop])
    d = jnp.concatenate([dst, loop])
    deg = jnp.zeros((num_nodes,), dtype=jnp.float32).at[d].add(1.0)
    dinv = jax.lax.rsqrt(jnp.maximum(deg, 1.0))
    xw = x @ W
    coef = (dinv[s] * dinv[d])[:, None]
    msg = xw[s] * coef
    out = jnp.zeros((num_nodes, W.shape[1]), dtype=jnp.float32).at[d].add(msg)
    return out + b


def _global_mean_pool(x, batch, num_graphs):
    sums = jax.ops.segment_sum(x, batch, num_segments=num_graphs)
    counts = jax.ops.segment_sum(jnp.ones((x.shape[0],), dtype=jnp.float32), batch, num_segments=num_graphs)
    return sums / jnp.maximum(counts, 1.0)[:, None]


def reference(x, edge_index, batch, W1, b1, W2, b2, Wout, bout):
    src = edge_index[0]
    dst = edge_index[1]
    h = jax.nn.relu(_gcn_conv(x, src, dst, W1, b1, N_NODES))
    h = jax.nn.relu(_gcn_conv(h, src, dst, W2, b2, N_NODES))
    g = _global_mean_pool(h, batch, N_GRAPHS)
    return g @ Wout + bout

if __name__ == "__main__":
    import jax
    _d = setup_inputs()
    print(jax.jit(kernel)(*tuple(_d.values())))

</pallas_src>

<mosaic_0001>
#map = affine_map<(d0, d1) -> (0, 0)>
#map1 = affine_map<(d0, d1) -> (0, 0, 0, 0)>
module attributes {stable_mosaic.version = 14 : i64} {
  func.func @_agg_kernel(%arg0: i32, %arg1: i32, %arg2: memref<10000x128xf32, #tpu.memory_space<hbm>>, %arg3: memref<16x20x10x100xi32, #tpu.memory_space<hbm>>, %arg4: memref<16x20x10x100xi32, #tpu.memory_space<hbm>>, %arg5: memref<10000x128xf32, #tpu.memory_space<hbm>>, %arg6: memref<10x100xi32, #tpu.memory_space<vmem>>, %arg7: memref<10x100xi32, #tpu.memory_space<vmem>>, %arg8: memref<100x128xf32, #tpu.memory_space<vmem>>, %arg9: memref<100x128xf32, #tpu.memory_space<vmem>>, %arg10: memref<10000x128xf32, #tpu.memory_space<vmem_shared>>, %arg11: memref<!tpu.dma_semaphore, #tpu.memory_space<semaphore_mem>>, %arg12: memref<!tpu.dma_semaphore, #tpu.memory_space<semaphore_mem>>) attributes {dimension_semantics = [#tpu.dimension_semantics<core_parallel>, #tpu.dimension_semantics<subcore_parallel>], iteration_bounds = array<i64: 1, 16>, scalar_prefetch = 0 : i64, scratch_operands = 7 : i64, tpu.core_type = #tpu.core_type<sc_vector_subcore>, window_params = [{transform_indices = #map}, {transform_indices = #map1}, {transform_indices = #map1}, {transform_indices = #map}]} {
    %scan3A = arith.constant 0 : i32
    %scan3A_0 = arith.constant 0 : i32
    %scan3A_1 = arith.constant 100 : i32
    %scan3A_2 = arith.addi %scan3A_0, %scan3A_1 : i32
    %scan3A_3 = arith.constant 1 : i32
    %scan3A_4 = scf.for %scan3A_75 = %scan3A_0 to %scan3A_2 step %scan3A_3 iter_args(%scan3A_76 = %scan3A) -> (i32)  : i32 {
      %broadcast_in_dim3A = arith.constant 0.000000e+00 : f32
      %broadcast_in_dim3A_77 = vector.broadcast %broadcast_in_dim3A : f32 to vector<16xf32>
      %swap3A = arith.index_cast %scan3A_75 : i32 to index
      %swap3A_78 = arith.constant 0 : index
      %swap3A_79 = tpu.vector_load %arg8[%swap3A, %swap3A_78] {strides = array<i32>} : memref<100x128xf32, #tpu.memory_space<vmem>>, vector<1x16xf32>,
      %swap3A_80 = vector.shape_cast %swap3A_79 : vector<1x16xf32> to vector<16xf32>
      %swap3A_81 = vector.shape_cast %broadcast_in_dim3A_77 : vector<16xf32> to vector<1x16xf32>
      tpu.vector_store %arg8[%swap3A, %swap3A_78], %swap3A_81 {strides = array<i32>} : memref<100x128xf32, #tpu.memory_space<vmem>>, vector<1x16xf32>,
      %broadcast_in_dim3A_82 = arith.constant 0.000000e+00 : f32
      %broadcast_in_dim3A_83 = vector.broadcast %broadcast_in_dim3A_82 : f32 to vector<16xf32>
      %swap3A_84 = arith.index_cast %scan3A_75 : i32 to index
      %swap3A_85 = arith.constant 16 : index
      %swap3A_86 = tpu.vector_load %arg8[%swap3A_84, %swap3A_85] {strides = array<i32>} : memref<100x128xf32, #tpu.memory_space<vmem>>, vector<1x16xf32>,
      %swap3A_87 = vector.shape_cast %swap3A_86 : vector<1x16xf32> to vector<16xf32>
      %swap3A_88 = vector.shape_cast %broadcast_in_dim3A_83 : vector<16xf32> to vector<1x16xf32>
      tpu.vector_store %arg8[%swap3A_84, %swap3A_85], %swap3A_88 {strides = array<i32>} : memref<100x128xf32, #tpu.memory_space<vmem>>, vector<1x16xf32>,
      %broadcast_in_dim3A_89 = arith.constant 0.000000e+00 : f32
      %broadcast_in_dim3A_90 = vector.broadcast %broadcast_in_dim3A_89 : f32 to vector<16xf32>
      %swap3A_91 = arith.index_cast %scan3A_75 : i32 to index
      %swap3A_92 = arith.constant 32 : index
      %swap3A_93 = tpu.vector_load %arg8[%swap3A_91, %swap3A_92] {strides = array<i32>} : memref<100x128xf32, #tpu.memory_space<vmem>>, vector<1x16xf32>,
      %swap3A_94 = vector.shape_cast %swap3A_93 : vector<1x16xf32> to vector<16xf32>
      %swap3A_95 = vector.shape_cast %broadcast_in_dim3A_90 : vector<16xf32> to vector<1x16xf32>
      tpu.vector_store %arg8[%swap3A_91, %swap3A_92], %swap3A_95 {strides = array<i32>} : memref<100x128xf32, #tpu.memory_space<vmem>>, vector<1x16xf32>,
      %broadcast_in_dim3A_96 = arith.constant 0.000000e+00 : f32
      %broadcast_in_dim3A_97 = vector.broadcast %broadcast_in_dim3A_96 : f32 to vector<16xf32>
      %swap3A_98 = arith.index_cast %scan3A_75 : i32 to index
      %swap3A_99 = arith.constant 48 : index
      %swap3A_100 = tpu.vector_load %arg8[%swap3A_98, %swap3A_99] {strides = array<i32>} : memref<100x128xf32, #tpu.memory_space<vmem>>, vector<1x16xf32>,
      %swap3A_101 = vector.shape_cast %swap3A_100 : vector<1x16xf32> to vector<16xf32>
      %swap3A_102 = vector.shape_cast %broadcast_in_dim3A_97 : vector<16xf32> to vector<1x16xf32>
      tpu.vector_store %arg8[%swap3A_98, %swap3A_99], %swap3A_102 {strides = array<i32>} : memref<100x128xf32, #tpu.memory_space<vmem>>, vector<1x16xf32>,
      %broadcast_in_dim3A_103 = arith.constant 0.000000e+00 : f32
      %broadcast_in_dim3A_104 = vector.broadcast %broadcast_in_dim3A_103 : f32 to vector<16xf32>
      %swap3A_105 = arith.index_cast %scan3A_75 : i32 to index
      %swap3A_106 = arith.constant 64 : index
      %swap3A_107 = tpu.vector_load %arg8[%swap3A_105, %swap3A_106] {strides = array<i32>} : memref<100x128xf32, #tpu.memory_space<vmem>>, vector<1x16xf32>,
      %swap3A_108 = vector.shape_cast %swap3A_107 : vector<1x16xf32> to vector<16xf32>
      %swap3A_109 = vector.shape_cast %broadcast_in_dim3A_104 : vector<16xf32> to vector<1x16xf32>
      tpu.vector_store %arg8[%swap3A_105, %swap3A_106], %swap3A_109 {strides = array<i32>} : memref<100x128xf32, #tpu.memory_space<vmem>>, vector<1x16xf32>,
      %broadcast_in_dim3A_110 = arith.constant 0.000000e+00 : f32
      %broadcast_in_dim3A_111 = vector.broadcast %broadcast_in_dim3A_110 : f32 to vector<16xf32>
      %swap3A_112 = arith.index_cast %scan3A_75 : i32 to index
      %swap3A_113 = arith.constant 80 : index
      %swap3A_114 = tpu.vector_load %arg8[%swap3A_112, %swap3A_113] {strides = array<i32>} : memref<100x128xf32, #tpu.memory_space<vmem>>, vector<1x16xf32>,
      %swap3A_115 = vector.shape_cast %swap3A_114 : vector<1x16xf32> to vector<16xf32>
      %swap3A_116 = vector.shape_cast %broadcast_in_dim3A_111 : vector<16xf32> to vector<1x16xf32>
      tpu.vector_store %arg8[%swap3A_112, %swap3A_113], %swap3A_116 {strides = array<i32>} : memref<100x128xf32, #tpu.memory_space<vmem>>, vector<1x16xf32>,
      %broadcast_in_dim3A_117 = arith.constant 0.000000e+00 : f32
      %broadcast_in_dim3A_118 = vector.broadcast %broadcast_in_dim3A_117 : f32 to vector<16xf32>
      %swap3A_119 = arith.index_cast %scan3A_75 : i32 to index
      %swap3A_120 = arith.constant 96 : index
      %swap3A_121 = tpu.vector_load %arg8[%swap3A_119, %swap3A_120] {strides = array<i32>} : memref<100x128xf32, #tpu.memory_space<vmem>>, vector<1x16xf32>,
      %swap3A_122 = vector.shape_cast %swap3A_121 : vector<1x16xf32> to vector<16xf32>
      %swap3A_123 = vector.shape_cast %broadcast_in_dim3A_118 : vector<16xf32> to vector<1x16xf32>
      tpu.vector_store %arg8[%swap3A_119, %swap3A_120], %swap3A_123 {strides = array<i32>} : memref<100x128xf32, #tpu.memory_space<vmem>>, vector<1x16xf32>,
      %broadcast_in_dim3A_124 = arith.constant 0.000000e+00 : f32
      %broadcast_in_dim3A_125 = vector.broadcast %broadcast_in_dim3A_124 : f32 to vector<16xf32>
      %swap3A_126 = arith.index_cast %scan3A_75 : i32 to index
      %swap3A_127 = arith.constant 112 : index
      %swap3A_128 = tpu.vector_load %arg8[%swap3A_126, %swap3A_127] {strides = array<i32>} : memref<100x128xf32, #tpu.memory_space<vmem>>, vector<1x16xf32>,
      %swap3A_129 = vector.shape_cast %swap3A_128 : vector<1x16xf32> to vector<16xf32>
      %swap3A_130 = vector.shape_cast %broadcast_in_dim3A_125 : vector<16xf32> to vector<1x16xf32>
      tpu.vector_store %arg8[%swap3A_126, %swap3A_127], %swap3A_130 {strides = array<i32>} : memref<100x128xf32, #tpu.memory_space<vmem>>, vector<1x16xf32>,
      %scan3A_131 = arith.constant 0 : i32
      scf.yield %scan3A_131 : i32
    }
    %scan3A_5 = arith.constant 100 : i32
    %mul3A = arith.constant 624 : i32
    %mul3A_6 = arith.muli %arg1, %mul3A : i32
    %add3A = arith.constant 0 : i32
    %add3A_7 = arith.addi %mul3A_6, %add3A : i32
    "tpu.region"() ({
      %run_scoped3A = tpu.sem_alloc : memref<!tpu.dma_semaphore, #tpu.memory_space<semaphore_mem>>
      %dma_start3A = arith.constant 0 : i32
      %dma_start3A_75 = arith.constant 0 : i32
      %dma_start3A_76 = tpu.memref_slice %arg8[%dma_start3A, %dma_start3A_75] : memref<100x128xf32, #tpu.memory_space<vmem>> -> memref<48x128xf32, #tpu.memory_space<vmem>>
      %dma_start3A_77 = arith.constant 0 : i32
      %dma_start3A_78 = tpu.memref_slice %arg10[%add3A_7, %dma_start3A_77] : memref<10000x128xf32, #tpu.memory_space<vmem_shared>> -> memref<48x128xf32, #tpu.memory_space<vmem_shared>>
      %dma_start3A_79 = arith.constant 0 : i32
      %dma_start3A_80 = tpu.memref_slice %arg10[%add3A_7, %dma_start3A_79] : memref<10000x128xf32, #tpu.memory_space<vmem_shared>> -> memref<48x128xf32, #tpu.memory_space<vmem_shared>>
      %dma_start3A_81 = arith.constant 0 : i32
      %dma_start3A_82 = arith.constant 0 : i32
      %dma_start3A_83 = tpu.memref_slice %arg8[%dma_start3A_81, %dma_start3A_82] : memref<100x128xf32, #tpu.memory_space<vmem>> -> memref<48x128xf32, #tpu.memory_space<vmem>>
      tpu.enqueue_dma source(%dma_start3A_83 : memref<48x128xf32, #tpu.memory_space<vmem>>) target(%dma_start3A_80 : memref<48x128xf32, #tpu.memory_space<vmem_shared>>) target_semaphore(%run_scoped3A : memref<!tpu.dma_semaphore, #tpu.memory_space<semaphore_mem>>)
      %dma_wait3A = arith.constant 0 : i32
      %dma_wait3A_84 = arith.constant 0 : i32
      %dma_wait3A_85 = tpu.memref_slice %arg8[%dma_wait3A, %dma_wait3A_84] : memref<100x128xf32, #tpu.memory_space<vmem>> -> memref<48x128xf32, #tpu.memory_space<vmem>>
      %dma_wait3A_86 = arith.constant 0 : i32
      %dma_wait3A_87 = tpu.memref_slice %arg10[%add3A_7, %dma_wait3A_86] : memref<10000x128xf32, #tpu.memory_space<vmem_shared>> -> memref<48x128xf32, #tpu.memory_space<vmem_shared>>
      %dma_wait3A_88 = arith.constant 0 : i32
      %dma_wait3A_89 = tpu.memref_slice %arg10[%add3A_7, %dma_wait3A_88] : memref<10000x128xf32, #tpu.memory_space<vmem_shared>> -> memref<48x128xf32, #tpu.memory_space<vmem_shared>>
      %dma_wait3A_90 = arith.constant 0 : i32
      %dma_wait3A_91 = arith.constant 0 : i32
      %dma_wait3A_92 = tpu.memref_slice %arg8[%dma_wait3A_90, %dma_wait3A_91] : memref<100x128xf32, #tpu.memory_space<vmem>> -> memref<48x128xf32, #tpu.memory_space<vmem>>
      tpu.wait_dma2 semaphore(%run_scoped3A : memref<!tpu.dma_semaphore, #tpu.memory_space<semaphore_mem>>) src(%dma_wait3A_92 : memref<48x128xf32, #tpu.memory_space<vmem>>) dst(%dma_wait3A_89 : memref<48x128xf32, #tpu.memory_space<vmem_shared>>)
      tpu.yield
    }) : () -> ()
    %mul3A_8 = arith.constant 624 : i32
    %mul3A_9 = arith.muli %arg1, %mul3A_8 : i32
    %add3A_10 = arith.constant 48 : i32
    %add3A_11 = arith.addi %mul3A_9, %add3A_10 : i32
    "tpu.region"() ({
      %run_scoped3A = tpu.sem_alloc : memref<!tpu.dma_semaphore, #tpu.memory_space<semaphore_mem>>
      %dma_start3A = arith.constant 0 : i32
      %dma_start3A_75 = arith.constant 0 : i32
      %dma_start3A_76 = tpu.memref_slice %arg8[%dma_start3A, %dma_start3A_75] : memref<100x128xf32, #tpu.memory_space<vmem>> -> memref<48x128xf32, #tpu.memory_space<vmem>>
      %dma_start3A_77 = arith.constant 0 : i32
      %dma_start3A_78 = tpu.memref_slice %arg10[%add3A_11, %dma_start3A_77] : memref<10000x128xf32, #tpu.memory_space<vmem_shared>> -> memref<48x128xf32, #tpu.memory_space<vmem_shared>>
      %dma_start3A_79 = arith.constant 0 : i32
      %dma_start3A_80 = tpu.memref_slice %arg10[%add3A_11, %dma_start3A_79] : memref<10000x128xf32, #tpu.memory_space<vmem_shared>> -> memref<48x128xf32, #tpu.memory_space<vmem_shared>>
      %dma_start3A_81 = arith.constant 0 : i32
      %dma_start3A_82 = arith.constant 0 : i32
      %dma_start3A_83 = tpu.memref_slice %arg8[%dma_start3A_81, %dma_start3A_82] : memref<100x128xf32, #tpu.memory_space<vmem>> -> memref<48x128xf32, #tpu.memory_space<vmem>>
      tpu.enqueue_dma source(%dma_start3A_83 : memref<48x128xf32, #tpu.memory_space<vmem>>) target(%dma_start3A_80 : memref<48x128xf32, #tpu.memory_space<vmem_shared>>) target_semaphore(%run_scoped3A : memref<!tpu.dma_semaphore, #tpu.memory_space<semaphore_mem>>)
      %dma_wait3A = arith.constant 0 : i32
      %dma_wait3A_84 = arith.constant 0 : i32
      %dma_wait3A_85 = tpu.memref_slice %arg8[%dma_wait3A, %dma_wait3A_84] : memref<100x128xf32, #tpu.memory_space<vmem>> -> memref<48x128xf32, #tpu.memory_space<vmem>>
      %dma_wait3A_86 = arith.constant 0 : i32
      %dma_wait3A_87 = tpu.memref_slice %arg10[%add3A_11, %dma_wait3A_86] : memref<10000x128xf32, #tpu.memory_space<vmem_shared>> -> memref<48x128xf32, #tpu.memory_space<vmem_shared>>
      %dma_wait3A_88 = arith.constant 0 : i32
      %dma_wait3A_89 = tpu.memref_slice %arg10[%add3A_11, %dma_wait3A_88] : memref<10000x128xf32, #tpu.memory_space<vmem_shared>> -> memref<48x128xf32, #tpu.memory_space<vmem_shared>>
      %dma_wait3A_90 = arith.constant 0 : i32
      %dma_wait3A_91 = arith.constant 0 : i32
      %dma_wait3A_92 = tpu.memref_slice %arg8[%dma_wait3A_90, %dma_wait3A_91] : memref<100x128xf32, #tpu.memory_space<vmem>> -> memref<48x128xf32, #tpu.memory_space<vmem>>
      tpu.wait_dma2 semaphore(%run_scoped3A : memref<!tpu.dma_semaphore, #tpu.memory_space<semaphore_mem>>) src(%dma_wait3A_92 : memref<48x128xf32, #tpu.memory_space<vmem>>) dst(%dma_wait3A_89 : memref<48x128xf32, #tpu.memory_space<vmem_shared>>)
      tpu.yield
    }) : () -> ()
    %mul3A_12 = arith.constant 624 : i32
    %mul3A_13 = arith.muli %arg1, %mul3A_12 : i32
    %add3A_14 = arith.constant 96 : i32
    %add3A_15 = arith.addi %mul3A_13, %add3A_14 : i32
    "tpu.region"() ({
      %run_scoped3A = tpu.sem_alloc : memref<!tpu.dma_semaphore, #tpu.memory_space<semaphore_mem>>
      %dma_start3A = arith.constant 0 : i32
      %dma_start3A_75 = arith.constant 0 : i32
      %dma_start3A_76 = tpu.memref_slice %arg8[%dma_start3A, %dma_start3A_75] : memref<100x128xf32, #tpu.memory_space<vmem>> -> memref<48x128xf32, #tpu.memory_space<vmem>>
      %dma_start3A_77 = arith.constant 0 : i32
      %dma_start3A_78 = tpu.memref_slice %arg10[%add3A_15, %dma_start3A_77] : memref<10000x128xf32, #tpu.memory_space<vmem_shared>> -> memref<48x128xf32, #tpu.memory_space<vmem_shared>>
      %dma_start3A_79 = arith.constant 0 : i32
      %dma_start3A_80 = tpu.memref_slice %arg10[%add3A_15, %dma_start3A_79] : memref<10000x128xf32, #tpu.memory_space<vmem_shared>> -> memref<48x128xf32, #tpu.memory_space<vmem_shared>>
      %dma_start3A_81 = arith.constant 0 : i32
      %dma_start3A_82 = arith.constant 0 : i32
      %dma_start3A_83 = tpu.memref_slice %arg8[%dma_start3A_81, %dma_start3A_82] : memref<100x128xf32, #tpu.memory_space<vmem>> -> memref<48x128xf32, #tpu.memory_space<vmem>>
      tpu.enqueue_dma source(%dma_start3A_83 : memref<48x128xf32, #tpu.memory_space<vmem>>) target(%dma_start3A_80 : memref<48x128xf32, #tpu.memory_space<vmem_shared>>) target_semaphore(%run_scoped3A : memref<!tpu.dma_semaphore, #tpu.memory_space<semaphore_mem>>)
      %dma_wait3A = arith.constant 0 : i32
      %dma_wait3A_84 = arith.constant 0 : i32
      %dma_wait3A_85 = tpu.memref_slice %arg8[%dma_wait3A, %dma_wait3A_84] : memref<100x128xf32, #tpu.memory_space<vmem>> -> memref<48x128xf32, #tpu.memory_space<vmem>>
      %dma_wait3A_86 = arith.constant 0 : i32
      %dma_wait3A_87 = tpu.memref_slice %arg10[%add3A_15, %dma_wait3A_86] : memref<10000x128xf32, #tpu.memory_space<vmem_shared>> -> memref<48x128xf32, #tpu.memory_space<vmem_shared>>
      %dma_wait3A_88 = arith.constant 0 : i32
      %dma_wait3A_89 = tpu.memref_slice %arg10[%add3A_15, %dma_wait3A_88] : memref<10000x128xf32, #tpu.memory_space<vmem_shared>> -> memref<48x128xf32, #tpu.memory_space<vmem_shared>>
      %dma_wait3A_90 = arith.constant 0 : i32
      %dma_wait3A_91 = arith.constant 0 : i32
      %dma_wait3A_92 = tpu.memref_slice %arg8[%dma_wait3A_90, %dma_wait3A_91] : memref<100x128xf32, #tpu.memory_space<vmem>> -> memref<48x128xf32, #tpu.memory_space<vmem>>
      tpu.wait_dma2 semaphore(%run_scoped3A : memref<!tpu.dma_semaphore, #tpu.memory_space<semaphore_mem>>) src(%dma_wait3A_92 : memref<48x128xf32, #tpu.memory_space<vmem>>) dst(%dma_wait3A_89 : memref<48x128xf32, #tpu.memory_space<vmem_shared>>)
      tpu.yield
    }) : () -> ()
    %mul3A_16 = arith.constant 624 : i32
    %mul3A_17 = arith.muli %arg1, %mul3A_16 : i32
    %add3A_18 = arith.constant 144 : i32
    %add3A_19 = arith.addi %mul3A_17, %add3A_18 : i32
    "tpu.region"() ({
      %run_scoped3A = tpu.sem_alloc : memref<!tpu.dma_semaphore, #tpu.memory_space<semaphore_mem>>
      %dma_start3A = arith.constant 0 : i32
      %dma_start3A_75 = arith.constant 0 : i32
      %dma_start3A_76 = tpu.memref_slice %arg8[%dma_start3A, %dma_start3A_75] : memref<100x128xf32, #tpu.memory_space<vmem>> -> memref<48x128xf32, #tpu.memory_space<vmem>>
      %dma_start3A_77 = arith.constant 0 : i32
      %dma_start3A_78 = tpu.memref_slice %arg10[%add3A_19, %dma_start3A_77] : memref<10000x128xf32, #tpu.memory_space<vmem_shared>> -> memref<48x128xf32, #tpu.memory_space<vmem_shared>>
      %dma_start3A_79 = arith.constant 0 : i32
      %dma_start3A_80 = tpu.memref_slice %arg10[%add3A_19, %dma_start3A_79] : memref<10000x128xf32, #tpu.memory_space<vmem_shared>> -> memref<48x128xf32, #tpu.memory_space<vmem_shared>>
      %dma_start3A_81 = arith.constant 0 : i32
      %dma_start3A_82 = arith.constant 0 : i32
      %dma_start3A_83 = tpu.memref_slice %arg8[%dma_start3A_81, %dma_start3A_82] : memref<100x128xf32, #tpu.memory_space<vmem>> -> memref<48x128xf32, #tpu.memory_space<vmem>>
      tpu.enqueue_dma source(%dma_start3A_83 : memref<48x128xf32, #tpu.memory_space<vmem>>) target(%dma_start3A_80 : memref<48x128xf32, #tpu.memory_space<vmem_shared>>) target_semaphore(%run_scoped3A : memref<!tpu.dma_semaphore, #tpu.memory_space<semaphore_mem>>)
      %dma_wait3A = arith.constant 0 : i32
      %dma_wait3A_84 = arith.constant 0 : i32
      %dma_wait3A_85 = tpu.memref_slice %arg8[%dma_wait3A, %dma_wait3A_84] : memref<100x128xf32, #tpu.memory_space<vmem>> -> memref<48x128xf32, #tpu.memory_space<vmem>>
      %dma_wait3A_86 = arith.constant 0 : i32
      %dma_wait3A_87 = tpu.memref_slice %arg10[%add3A_19, %dma_wait3A_86] : memref<10000x128xf32, #tpu.memory_space<vmem_shared>> -> memref<48x128xf32, #tpu.memory_space<vmem_shared>>
      %dma_wait3A_88 = arith.constant 0 : i32
      %dma_wait3A_89 = tpu.memref_slice %arg10[%add3A_19, %dma_wait3A_88] : memref<10000x128xf32, #tpu.memory_space<vmem_shared>> -> memref<48x128xf32, #tpu.memory_space<vmem_shared>>
      %dma_wait3A_90 = arith.constant 0 : i32
      %dma_wait3A_91 = arith.constant 0 : i32
      %dma_wait3A_92 = tpu.memref_slice %arg8[%dma_wait3A_90, %dma_wait3A_91] : memref<100x128xf32, #tpu.memory_space<vmem>> -> memref<48x128xf32, #tpu.memory_space<vmem>>
      tpu.wait_dma2 semaphore(%run_scoped3A : memref<!tpu.dma_semaphore, #tpu.memory_space<semaphore_mem>>) src(%dma_wait3A_92 : memref<48x128xf32, #tpu.memory_space<vmem>>) dst(%dma_wait3A_89 : memref<48x128xf32, #tpu.memory_space<vmem_shared>>)
      tpu.yield
    }) : () -> ()
    %mul3A_20 = arith.constant 624 : i32
    %mul3A_21 = arith.muli %arg1, %mul3A_20 : i32
    %add3A_22 = arith.constant 192 : i32
    %add3A_23 = arith.addi %mul3A_21, %add3A_22 : i32
    "tpu.region"() ({
      %run_scoped3A = tpu.sem_alloc : memref<!tpu.dma_semaphore, #tpu.memory_space<semaphore_mem>>
      %dma_start3A = arith.constant 0 : i32
      %dma_start3A_75 = arith.constant 0 : i32
      %dma_start3A_76 = tpu.memref_slice %arg8[%dma_start3A, %dma_start3A_75] : memref<100x128xf32, #tpu.memory_space<vmem>> -> memref<48x128xf32, #tpu.memory_space<vmem>>
      %dma_start3A_77 = arith.constant 0 : i32
      %dma_start3A_78 = tpu.memref_slice %arg10[%add3A_23, %dma_start3A_77] : memref<10000x128xf32, #tpu.memory_space<vmem_shared>> -> memref<48x128xf32, #tpu.memory_space<vmem_shared>>
      %dma_start3A_79 = arith.constant 0 : i32
      %dma_start3A_80 = tpu.memref_slice %arg10[%add3A_23, %dma_start3A_79] : memref<10000x128xf32, #tpu.memory_space<vmem_shared>> -> memref<48x128xf32, #tpu.memory_space<vmem_shared>>
      %dma_start3A_81 = arith.constant 0 : i32
      %dma_start3A_82 = arith.constant 0 : i32
      %dma_start3A_83 = tpu.memref_slice %arg8[%dma_start3A_81, %dma_start3A_82] : memref<100x128xf32, #tpu.memory_space<vmem>> -> memref<48x128xf32, #tpu.memory_space<vmem>>
      tpu.enqueue_dma source(%dma_start3A_83 : memref<48x128xf32, #tpu.memory_space<vmem>>) target(%dma_start3A_80 : memref<48x128xf32, #tpu.memory_space<vmem_shared>>) target_semaphore(%run_scoped3A : memref<!tpu.dma_semaphore, #tpu.memory_space<semaphore_mem>>)
      %dma_wait3A = arith.constant 0 : i32
      %dma_wait3A_84 = arith.constant 0 : i32
      %dma_wait3A_85 = tpu.memref_slice %arg8[%dma_wait3A, %dma_wait3A_84] : memref<100x128xf32, #tpu.memory_space<vmem>> -> memref<48x128xf32, #tpu.memory_space<vmem>>
      %dma_wait3A_86 = arith.constant 0 : i32
      %dma_wait3A_87 = tpu.memref_slice %arg10[%add3A_23, %dma_wait3A_86] : memref<10000x128xf32, #tpu.memory_space<vmem_shared>> -> memref<48x128xf32, #tpu.memory_space<vmem_shared>>
      %dma_wait3A_88 = arith.constant 0 : i32
      %dma_wait3A_89 = tpu.memref_slice %arg10[%add3A_23, %dma_wait3A_88] : memref<10000x128xf32, #tpu.memory_space<vmem_shared>> -> memref<48x128xf32, #tpu.memory_space<vmem_shared>>
      %dma_wait3A_90 = arith.constant 0 : i32
      %dma_wait3A_91 = arith.constant 0 : i32
      %dma_wait3A_92 = tpu.memref_slice %arg8[%dma_wait3A_90, %dma_wait3A_91] : memref<100x128xf32, #tpu.memory_space<vmem>> -> memref<48x128xf32, #tpu.memory_space<vmem>>
      tpu.wait_dma2 semaphore(%run_scoped3A : memref<!tpu.dma_semaphore, #tpu.memory_space<semaphore_mem>>) src(%dma_wait3A_92 : memref<48x128xf32, #tpu.memory_space<vmem>>) dst(%dma_wait3A_89 : memref<48x128xf32, #tpu.memory_space<vmem_shared>>)
      tpu.yield
    }) : () -> ()
    %mul3A_24 = arith.constant 624 : i32
    %mul3A_25 = arith.muli %arg1, %mul3A_24 : i32
    %add3A_26 = arith.constant 240 : i32
    %add3A_27 = arith.addi %mul3A_25, %add3A_26 : i32
    "tpu.region"() ({
      %run_scoped3A = tpu.sem_alloc : memref<!tpu.dma_semaphore, #tpu.memory_space<semaphore_mem>>
      %dma_start3A = arith.constant 0 : i32
      %dma_start3A_75 = arith.constant 0 : i32
      %dma_start3A_76 = tpu.memref_slice %arg8[%dma_start3A, %dma_start3A_75] : memref<100x128xf32, #tpu.memory_space<vmem>> -> memref<48x128xf32, #tpu.memory_space<vmem>>
      %dma_start3A_77 = arith.constant 0 : i32
      %dma_start3A_78 = tpu.memref_slice %arg10[%add3A_27, %dma_start3A_77] : memref<10000x128xf32, #tpu.memory_space<vmem_shared>> -> memref<48x128xf32, #tpu.memory_space<vmem_shared>>
      %dma_start3A_79 = arith.constant 0 : i32
      %dma_start3A_80 = tpu.memref_slice %arg10[%add3A_27, %dma_start3A_79] : memref<10000x128xf32, #tpu.memory_space<vmem_shared>> -> memref<48x128xf32, #tpu.memory_space<vmem_shared>>
      %dma_start3A_81 = arith.constant 0 : i32
      %dma_start3A_82 = arith.constant 0 : i32
      %dma_start3A_83 = tpu.memref_slice %arg8[%dma_start3A_81, %dma_start3A_82] : memref<100x128xf32, #tpu.memory_space<vmem>> -> memref<48x128xf32, #tpu.memory_space<vmem>>
      tpu.enqueue_dma source(%dma_start3A_83 : memref<48x128xf32, #tpu.memory_space<vmem>>) target(%dma_start3A_80 : memref<48x128xf32, #tpu.memory_space<vmem_shared>>) target_semaphore(%run_scoped3A : memref<!tpu.dma_semaphore, #tpu.memory_space<semaphore_mem>>)
      %dma_wait3A = arith.constant 0 : i32
      %dma_wait3A_84 = arith.constant 0 : i32
      %dma_wait3A_85 = tpu.memref_slice %arg8[%dma_wait3A, %dma_wait3A_84] : memref<100x128xf32, #tpu.memory_space<vmem>> -> memref<48x128xf32, #tpu.memory_space<vmem>>
      %dma_wait3A_86 = arith.constant 0 : i32
      %dma_wait3A_87 = tpu.memref_slice %arg10[%add3A_27, %dma_wait3A_86] : memref<10000x128xf32, #tpu.memory_space<vmem_shared>> -> memref<48x128xf32, #tpu.memory_space<vmem_shared>>
      %dma_wait3A_88 = arith.constant 0 : i32
      %dma_wait3A_89 = tpu.memref_slice %arg10[%add3A_27, %dma_wait3A_88] : memref<10000x128xf32, #tpu.memory_space<vmem_shared>> -> memref<48x128xf32, #tpu.memory_space<vmem_shared>>
      %dma_wait3A_90 = arith.constant 0 : i32
      %dma_wait3A_91 = arith.constant 0 : i32
      %dma_wait3A_92 = tpu.memref_slice %arg8[%dma_wait3A_90, %dma_wait3A_91] : memref<100x128xf32, #tpu.memory_space<vmem>> -> memref<48x128xf32, #tpu.memory_space<vmem>>
      tpu.wait_dma2 semaphore(%run_scoped3A : memref<!tpu.dma_semaphore, #tpu.memory_space<semaphore_mem>>) src(%dma_wait3A_92 : memref<48x128xf32, #tpu.memory_space<vmem>>) dst(%dma_wait3A_89 : memref<48x128xf32, #tpu.memory_space<vmem_shared>>)
      tpu.yield
    }) : () -> ()
    %mul3A_28 = arith.constant 624 : i32
    %mul3A_29 = arith.muli %arg1, %mul3A_28 : i32
    %add3A_30 = arith.constant 288 : i32
    %add3A_31 = arith.addi %mul3A_29, %add3A_30 : i32
    "tpu.region"() ({
      %run_scoped3A = tpu.sem_alloc : memref<!tpu.dma_semaphore, #tpu.memory_space<semaphore_mem>>
      %dma_start3A = arith.constant 0 : i32
      %dma_start3A_75 = arith.constant 0 : i32
      %dma_start3A_76 = tpu.memref_slice %arg8[%dma_start3A, %dma_start3A_75] : memref<100x128xf32, #tpu.memory_space<vmem>> -> memref<48x128xf32, #tpu.memory_space<vmem>>
      %dma_start3A_77 = arith.constant 0 : i32
      %dma_start3A_78 = tpu.memref_slice %arg10[%add3A_31, %dma_start3A_77] : memref<10000x128xf32, #tpu.memory_space<vmem_shared>> -> memref<48x128xf32, #tpu.memory_space<vmem_shared>>
      %dma_start3A_79 = arith.constant 0 : i32
      %dma_start3A_80 = tpu.memref_slice %arg10[%add3A_31, %dma_start3A_79] : memref<10000x128xf32, #tpu.memory_space<vmem_shared>> -> memref<48x128xf32, #tpu.memory_space<vmem_shared>>
      %dma_start3A_81 = arith.constant 0 : i32
      %dma_start3A_82 = arith.constant 0 : i32
      %dma_start3A_83 = tpu.memref_slice %arg8[%dma_start3A_81, %dma_start3A_82] : memref<100x128xf32, #tpu.memory_space<vmem>> -> memref<48x128xf32, #tpu.memory_space<vmem>>
      tpu.enqueue_dma source(%dma_start3A_83 : memref<48x128xf32, #tpu.memory_space<vmem>>) target(%dma_start3A_80 : memref<48x128xf32, #tpu.memory_space<vmem_shared>>) target_semaphore(%run_scoped3A : memref<!tpu.dma_semaphore, #tpu.memory_space<semaphore_mem>>)
      %dma_wait3A = arith.constant 0 : i32
      %dma_wait3A_84 = arith.constant 0 : i32
      %dma_wait3A_85 = tpu.memref_slice %arg8[%dma_wait3A, %dma_wait3A_84] : memref<100x128xf32, #tpu.memory_space<vmem>> -> memref<48x128xf32, #tpu.memory_space<vmem>>
      %dma_wait3A_86 = arith.constant 0 : i32
      %dma_wait3A_87 = tpu.memref_slice %arg10[%add3A_31, %dma_wait3A_86] : memref<10000x128xf32, #tpu.memory_space<vmem_shared>> -> memref<48x128xf32, #tpu.memory_space<vmem_shared>>
      %dma_wait3A_88 = arith.constant 0 : i32
      %dma_wait3A_89 = tpu.memref_slice %arg10[%add3A_31, %dma_wait3A_88] : memref<10000x128xf32, #tpu.memory_space<vmem_shared>> -> memref<48x128xf32, #tpu.memory_space<vmem_shared>>
      %dma_wait3A_90 = arith.constant 0 : i32
      %dma_wait3A_91 = arith.constant 0 : i32
      %dma_wait3A_92 = tpu.memref_slice %arg8[%dma_wait3A_90, %dma_wait3A_91] : memref<100x128xf32, #tpu.memory_space<vmem>> -> memref<48x128xf32, #tpu.memory_space<vmem>>
      tpu.wait_dma2 semaphore(%run_scoped3A : memref<!tpu.dma_semaphore, #tpu.memory_space<semaphore_mem>>) src(%dma_wait3A_92 : memref<48x128xf32, #tpu.memory_space<vmem>>) dst(%dma_wait3A_89 : memref<48x128xf32, #tpu.memory_space<vmem_shared>>)
      tpu.yield
    }) : () -> ()
    %mul3A_32 = arith.constant 624 : i32
    %mul3A_33 = arith.muli %arg1, %mul3A_32 : i32
    %add3A_34 = arith.constant 336 : i32
    %add3A_35 = arith.addi %mul3A_33, %add3A_34 : i32
    "tpu.region"() ({
      %run_scoped3A = tpu.sem_alloc : memref<!tpu.dma_semaphore, #tpu.memory_space<semaphore_mem>>
      %dma_start3A = arith.constant 0 : i32
      %dma_start3A_75 = arith.constant 0 : i32
      %dma_start3A_76 = tpu.memref_slice %arg8[%dma_start3A, %dma_start3A_75] : memref<100x128xf32, #tpu.memory_space<vmem>> -> memref<48x128xf32, #tpu.memory_space<vmem>>
      %dma_start3A_77 = arith.constant 0 : i32
      %dma_start3A_78 = tpu.memref_slice %arg10[%add3A_35, %dma_start3A_77] : memref<10000x128xf32, #tpu.memory_space<vmem_shared>> -> memref<48x128xf32, #tpu.memory_space<vmem_shared>>
      %dma_start3A_79 = arith.constant 0 : i32
      %dma_start3A_80 = tpu.memref_slice %arg10[%add3A_35, %dma_start3A_79] : memref<10000x128xf32, #tpu.memory_space<vmem_shared>> -> memref<48x128xf32, #tpu.memory_space<vmem_shared>>
      %dma_start3A_81 = arith.constant 0 : i32
      %dma_start3A_82 = arith.constant 0 : i32
      %dma_start3A_83 = tpu.memref_slice %arg8[%dma_start3A_81, %dma_start3A_82] : memref<100x128xf32, #tpu.memory_space<vmem>> -> memref<48x128xf32, #tpu.memory_space<vmem>>
      tpu.enqueue_dma source(%dma_start3A_83 : memref<48x128xf32, #tpu.memory_space<vmem>>) target(%dma_start3A_80 : memref<48x128xf32, #tpu.memory_space<vmem_shared>>) target_semaphore(%run_scoped3A : memref<!tpu.dma_semaphore, #tpu.memory_space<semaphore_mem>>)
      %dma_wait3A = arith.constant 0 : i32
      %dma_wait3A_84 = arith.constant 0 : i32
      %dma_wait3A_85 = tpu.memref_slice %arg8[%dma_wait3A, %dma_wait3A_84] : memref<100x128xf32, #tpu.memory_space<vmem>> -> memref<48x128xf32, #tpu.memory_space<vmem>>
      %dma_wait3A_86 = arith.constant 0 : i32
      %dma_wait3A_87 = tpu.memref_slice %arg10[%add3A_35, %dma_wait3A_86] : memref<10000x128xf32, #tpu.memory_space<vmem_shared>> -> memref<48x128xf32, #tpu.memory_space<vmem_shared>>
      %dma_wait3A_88 = arith.constant 0 : i32
      %dma_wait3A_89 = tpu.memref_slice %arg10[%add3A_35, %dma_wait3A_88] : memref<10000x128xf32, #tpu.memory_space<vmem_shared>> -> memref<48x128xf32, #tpu.memory_space<vmem_shared>>
      %dma_wait3A_90 = arith.constant 0 : i32
      %dma_wait3A_91 = arith.constant 0 : i32
      %dma_wait3A_92 = tpu.memref_slice %arg8[%dma_wait3A_90, %dma_wait3A_91] : memref<100x128xf32, #tpu.memory_space<vmem>> -> memref<48x128xf32, #tpu.memory_space<vmem>>
      tpu.wait_dma2 semaphore(%run_scoped3A : memref<!tpu.dma_semaphore, #tpu.memory_space<semaphore_mem>>) src(%dma_wait3A_92 : memref<48x128xf32, #tpu.memory_space<vmem>>) dst(%dma_wait3A_89 : memref<48x128xf32, #tpu.memory_space<vmem_shared>>)
      tpu.yield
    }) : () -> ()
    %mul3A_36 = arith.constant 624 : i32
    %mul3A_37 = arith.muli %arg1, %mul3A_36 : i32
    %add3A_38 = arith.constant 384 : i32
    %add3A_39 = arith.addi %mul3A_37, %add3A_38 : i32
    "tpu.region"() ({
      %run_scoped3A = tpu.sem_alloc : memref<!tpu.dma_semaphore, #tpu.memory_space<semaphore_mem>>
      %dma_start3A = arith.constant 0 : i32
      %dma_start3A_75 = arith.constant 0 : i32
      %dma_start3A_76 = tpu.memref_slice %arg8[%dma_start3A, %dma_start3A_75] : memref<100x128xf32, #tpu.memory_space<vmem>> -> memref<48x128xf32, #tpu.memory_space<vmem>>
      %dma_start3A_77 = arith.constant 0 : i32
      %dma_start3A_78 = tpu.memref_slice %arg10[%add3A_39, %dma_start3A_77] : memref<10000x128xf32, #tpu.memory_space<vmem_shared>> -> memref<48x128xf32, #tpu.memory_space<vmem_shared>>
      %dma_start3A_79 = arith.constant 0 : i32
      %dma_start3A_80 = tpu.memref_slice %arg10[%add3A_39, %dma_start3A_79] : memref<10000x128xf32, #tpu.memory_space<vmem_shared>> -> memref<48x128xf32, #tpu.memory_space<vmem_shared>>
      %dma_start3A_81 = arith.constant 0 : i32
      %dma_start3A_82 = arith.constant 0 : i32
      %dma_start3A_83 = tpu.memref_slice %arg8[%dma_start3A_81, %dma_start3A_82] : memref<100x128xf32, #tpu.memory_space<vmem>> -> memref<48x128xf32, #tpu.memory_space<vmem>>
      tpu.enqueue_dma source(%dma_start3A_83 : memref<48x128xf32, #tpu.memory_space<vmem>>) target(%dma_start3A_80 : memref<48x128xf32, #tpu.memory_space<vmem_shared>>) target_semaphore(%run_scoped3A : memref<!tpu.dma_semaphore, #tpu.memory_space<semaphore_mem>>)
      %dma_wait3A = arith.constant 0 : i32
      %dma_wait3A_84 = arith.constant 0 : i32
      %dma_wait3A_85 = tpu.memref_slice %arg8[%dma_wait3A, %dma_wait3A_84] : memref<100x128xf32, #tpu.memory_space<vmem>> -> memref<48x128xf32, #tpu.memory_space<vmem>>
      %dma_wait3A_86 = arith.constant 0 : i32
      %dma_wait3A_87 = tpu.memref_slice %arg10[%add3A_39, %dma_wait3A_86] : memref<10000x128xf32, #tpu.memory_space<vmem_shared>> -> memref<48x128xf32, #tpu.memory_space<vmem_shared>>
      %dma_wait3A_88 = arith.constant 0 : i32
      %dma_wait3A_89 = tpu.memref_slice %arg10[%add3A_39, %dma_wait3A_88] : memref<10000x128xf32, #tpu.memory_space<vmem_shared>> -> memref<48x128xf32, #tpu.memory_space<vmem_shared>>
      %dma_wait3A_90 = arith.constant 0 : i32
      %dma_wait3A_91 = arith.constant 0 : i32
      %dma_wait3A_92 = tpu.memref_slice %arg8[%dma_wait3A_90, %dma_wait3A_91] : memref<100x128xf32, #tpu.memory_space<vmem>> -> memref<48x128xf32, #tpu.memory_space<vmem>>
      tpu.wait_dma2 semaphore(%run_scoped3A : memref<!tpu.dma_semaphore, #tpu.memory_space<semaphore_mem>>) src(%dma_wait3A_92 : memref<48x128xf32, #tpu.memory_space<vmem>>) dst(%dma_wait3A_89 : memref<48x128xf32, #tpu.memory_space<vmem_shared>>)
      tpu.yield
    }) : () -> ()
    %mul3A_40 = arith.constant 624 : i32
    %mul3A_41 = arith.muli %arg1, %mul3A_40 : i32
    %add3A_42 = arith.constant 432 : i32
    %add3A_43 = arith.addi %mul3A_41, %add3A_42 : i32
    "tpu.region"() ({
      %run_scoped3A = tpu.sem_alloc : memref<!tpu.dma_semaphore, #tpu.memory_space<semaphore_mem>>
      %dma_start3A = arith.constant 0 : i32
      %dma_start3A_75 = arith.constant 0 : i32
      %dma_start3A_76 = tpu.memref_slice %arg8[%dma_start3A, %dma_start3A_75] : memref<100x128xf32, #tpu.memory_space<vmem>> -> memref<48x128xf32, #tpu.memory_space<vmem>>
      %dma_start3A_77 = arith.constant 0 : i32
      %dma_start3A_78 = tpu.memref_slice %arg10[%add3A_43, %dma_start3A_77] : memref<10000x128xf32, #tpu.memory_space<vmem_shared>> -> memref<48x128xf32, #tpu.memory_space<vmem_shared>>
      %dma_start3A_79 = arith.constant 0 : i32
      %dma_start3A_80 = tpu.memref_slice %arg10[%add3A_43, %dma_start3A_79] : memref<10000x128xf32, #tpu.memory_space<vmem_shared>> -> memref<48x128xf32, #tpu.memory_space<vmem_shared>>
      %dma_start3A_81 = arith.constant 0 : i32
      %dma_start3A_82 = arith.constant 0 : i32
      %dma_start3A_83 = tpu.memref_slice %arg8[%dma_start3A_81, %dma_start3A_82] : memref<100x128xf32, #tpu.memory_space<vmem>> -> memref<48x128xf32, #tpu.memory_space<vmem>>
      tpu.enqueue_dma source(%dma_start3A_83 : memref<48x128xf32, #tpu.memory_space<vmem>>) target(%dma_start3A_80 : memref<48x128xf32, #tpu.memory_space<vmem_shared>>) target_semaphore(%run_scoped3A : memref<!tpu.dma_semaphore, #tpu.memory_space<semaphore_mem>>)
      %dma_wait3A = arith.constant 0 : i32
      %dma_wait3A_84 = arith.constant 0 : i32
      %dma_wait3A_85 = tpu.memref_slice %arg8[%dma_wait3A, %dma_wait3A_84] : memref<100x128xf32, #tpu.memory_space<vmem>> -> memref<48x128xf32, #tpu.memory_space<vmem>>
      %dma_wait3A_86 = arith.constant 0 : i32
      %dma_wait3A_87 = tpu.memref_slice %arg10[%add3A_43, %dma_wait3A_86] : memref<10000x128xf32, #tpu.memory_space<vmem_shared>> -> memref<48x128xf32, #tpu.memory_space<vmem_shared>>
      %dma_wait3A_88 = arith.constant 0 : i32
      %dma_wait3A_89 = tpu.memref_slice %arg10[%add3A_43, %dma_wait3A_88] : memref<10000x128xf32, #tpu.memory_space<vmem_shared>> -> memref<48x128xf32, #tpu.memory_space<vmem_shared>>
      %dma_wait3A_90 = arith.constant 0 : i32
      %dma_wait3A_91 = arith.constant 0 : i32
      %dma_wait3A_92 = tpu.memref_slice %arg8[%dma_wait3A_90, %dma_wait3A_91] : memref<100x128xf32, #tpu.memory_space<vmem>> -> memref<48x128xf32, #tpu.memory_space<vmem>>
      tpu.wait_dma2 semaphore(%run_scoped3A : memref<!tpu.dma_semaphore, #tpu.memory_space<semaphore_mem>>) src(%dma_wait3A_92 : memref<48x128xf32, #tpu.memory_space<vmem>>) dst(%dma_wait3A_89 : memref<48x128xf32, #tpu.memory_space<vmem_shared>>)
      tpu.yield
    }) : () -> ()
    %mul3A_44 = arith.constant 624 : i32
    %mul3A_45 = arith.muli %arg1, %mul3A_44 : i32
    %add3A_46 = arith.constant 480 : i32
    %add3A_47 = arith.addi %mul3A_45, %add3A_46 : i32
    "tpu.region"() ({
      %run_scoped3A = tpu.sem_alloc : memref<!tpu.dma_semaphore, #tpu.memory_space<semaphore_mem>>
      %dma_start3A = arith.constant 0 : i32
      %dma_start3A_75 = arith.constant 0 : i32
      %dma_start3A_76 = tpu.memref_slice %arg8[%dma_start3A, %dma_start3A_75] : memref<100x128xf32, #tpu.memory_space<vmem>> -> memref<48x128xf32, #tpu.memory_space<vmem>>
      %dma_start3A_77 = arith.constant 0 : i32
      %dma_start3A_78 = tpu.memref_slice %arg10[%add3A_47, %dma_start3A_77] : memref<10000x128xf32, #tpu.memory_space<vmem_shared>> -> memref<48x128xf32, #tpu.memory_space<vmem_shared>>
      %dma_start3A_79 = arith.constant 0 : i32
      %dma_start3A_80 = tpu.memref_slice %arg10[%add3A_47, %dma_start3A_79] : memref<10000x128xf32, #tpu.memory_space<vmem_shared>> -> memref<48x128xf32, #tpu.memory_space<vmem_shared>>
      %dma_start3A_81 = arith.constant 0 : i32
      %dma_start3A_82 = arith.constant 0 : i32
      %dma_start3A_83 = tpu.memref_slice %arg8[%dma_start3A_81, %dma_start3A_82] : memref<100x128xf32, #tpu.memory_space<vmem>> -> memref<48x128xf32, #tpu.memory_space<vmem>>
      tpu.enqueue_dma source(%dma_start3A_83 : memref<48x128xf32, #tpu.memory_space<vmem>>) target(%dma_start3A_80 : memref<48x128xf32, #tpu.memory_space<vmem_shared>>) target_semaphore(%run_scoped3A : memref<!tpu.dma_semaphore, #tpu.memory_space<semaphore_mem>>)
      %dma_wait3A = arith.constant 0 : i32
      %dma_wait3A_84 = arith.constant 0 : i32
      %dma_wait3A_85 = tpu.memref_slice %arg8[%dma_wait3A, %dma_wait3A_84] : memref<100x128xf32, #tpu.memory_space<vmem>> -> memref<48x128xf32, #tpu.memory_space<vmem>>
      %dma_wait3A_86 = arith.constant 0 : i32
      %dma_wait3A_87 = tpu.memref_slice %arg10[%add3A_47, %dma_wait3A_86] : memref<10000x128xf32, #tpu.memory_space<vmem_shared>> -> memref<48x128xf32, #tpu.memory_space<vmem_shared>>
      %dma_wait3A_88 = arith.constant 0 : i32
      %dma_wait3A_89 = tpu.memref_slice %arg10[%add3A_47, %dma_wait3A_88] : memref<10000x128xf32, #tpu.memory_space<vmem_shared>> -> memref<48x128xf32, #tpu.memory_space<vmem_shared>>
      %dma_wait3A_90 = arith.constant 0 : i32
      %dma_wait3A_91 = arith.constant 0 : i32
      %dma_wait3A_92 = tpu.memref_slice %arg8[%dma_wait3A_90, %dma_wait3A_91] : memref<100x128xf32, #tpu.memory_space<vmem>> -> memref<48x128xf32, #tpu.memory_space<vmem>>
      tpu.wait_dma2 semaphore(%run_scoped3A : memref<!tpu.dma_semaphore, #tpu.memory_space<semaphore_mem>>) src(%dma_wait3A_92 : memref<48x128xf32, #tpu.memory_space<vmem>>) dst(%dma_wait3A_89 : memref<48x128xf32, #tpu.memory_space<vmem_shared>>)
      tpu.yield
    }) : () -> ()
    %mul3A_48 = arith.constant 624 : i32
    %mul3A_49 = arith.muli %arg1, %mul3A_48 : i32
    %add3A_50 = arith.constant 528 : i32
    %add3A_51 = arith.addi %mul3A_49, %add3A_50 : i32
    "tpu.region"() ({
      %run_scoped3A = tpu.sem_alloc : memref<!tpu.dma_semaphore, #tpu.memory_space<semaphore_mem>>
      %dma_start3A = arith.constant 0 : i32
      %dma_start3A_75 = arith.constant 0 : i32
      %dma_start3A_76 = tpu.memref_slice %arg8[%dma_start3A, %dma_start3A_75] : memref<100x128xf32, #tpu.memory_space<vmem>> -> memref<48x128xf32, #tpu.memory_space<vmem>>
      %dma_start3A_77 = arith.constant 0 : i32
      %dma_start3A_78 = tpu.memref_slice %arg10[%add3A_51, %dma_start3A_77] : memref<10000x128xf32, #tpu.memory_space<vmem_shared>> -> memref<48x128xf32, #tpu.memory_space<vmem_shared>>
      %dma_start3A_79 = arith.constant 0 : i32
      %dma_start3A_80 = tpu.memref_slice %arg10[%add3A_51, %dma_start3A_79] : memref<10000x128xf32, #tpu.memory_space<vmem_shared>> -> memref<48x128xf32, #tpu.memory_space<vmem_shared>>
      %dma_start3A_81 = arith.constant 0 : i32
      %dma_start3A_82 = arith.constant 0 : i32
      %dma_start3A_83 = tpu.memref_slice %arg8[%dma_start3A_81, %dma_start3A_82] : memref<100x128xf32, #tpu.memory_space<vmem>> -> memref<48x128xf32, #tpu.memory_space<vmem>>
      tpu.enqueue_dma source(%dma_start3A_83 : memref<48x128xf32, #tpu.memory_space<vmem>>) target(%dma_start3A_80 : memref<48x128xf32, #tpu.memory_space<vmem_shared>>) target_semaphore(%run_scoped3A : memref<!tpu.dma_semaphore, #tpu.memory_space<semaphore_mem>>)
      %dma_wait3A = arith.constant 0 : i32
      %dma_wait3A_84 = arith.constant 0 : i32
      %dma_wait3A_85 = tpu.memref_slice %arg8[%dma_wait3A, %dma_wait3A_84] : memref<100x128xf32, #tpu.memory_space<vmem>> -> memref<48x128xf32, #tpu.memory_space<vmem>>
      %dma_wait3A_86 = arith.constant 0 : i32
      %dma_wait3A_87 = tpu.memref_slice %arg10[%add3A_51, %dma_wait3A_86] : memref<10000x128xf32, #tpu.memory_space<vmem_shared>> -> memref<48x128xf32, #tpu.memory_space<vmem_shared>>
      %dma_wait3A_88 = arith.constant 0 : i32
      %dma_wait3A_89 = tpu.memref_slice %arg10[%add3A_51, %dma_wait3A_88] : memref<10000x128xf32, #tpu.memory_space<vmem_shared>> -> memref<48x128xf32, #tpu.memory_space<vmem_shared>>
      %dma_wait3A_90 = arith.constant 0 : i32
      %dma_wait3A_91 = arith.constant 0 : i32
      %dma_wait3A_92 = tpu.memref_slice %arg8[%dma_wait3A_90, %dma_wait3A_91] : memref<100x128xf32, #tpu.memory_space<vmem>> -> memref<48x128xf32, #tpu.memory_space<vmem>>
      tpu.wait_dma2 semaphore(%run_scoped3A : memref<!tpu.dma_semaphore, #tpu.memory_space<semaphore_mem>>) src(%dma_wait3A_92 : memref<48x128xf32, #tpu.memory_space<vmem>>) dst(%dma_wait3A_89 : memref<48x128xf32, #tpu.memory_space<vmem_shared>>)
      tpu.yield
    }) : () -> ()
    %mul3A_52 = arith.constant 624 : i32
    %mul3A_53 = arith.muli %arg1, %mul3A_52 : i32
    %add3A_54 = arith.constant 576 : i32
    %add3A_55 = arith.addi %mul3A_53, %add3A_54 : i32
    "tpu.region"() ({
      %run_scoped3A = tpu.sem_alloc : memref<!tpu.dma_semaphore, #tpu.memory_space<semaphore_mem>>
      %dma_start3A = arith.constant 0 : i32
      %dma_start3A_75 = arith.constant 0 : i32
      %dma_start3A_76 = tpu.memref_slice %arg8[%dma_start3A, %dma_start3A_75] : memref<100x128xf32, #tpu.memory_space<vmem>> -> memref<48x128xf32, #tpu.memory_space<vmem>>
      %dma_start3A_77 = arith.constant 0 : i32
      %dma_start3A_78 = tpu.memref_slice %arg10[%add3A_55, %dma_start3A_77] : memref<10000x128xf32, #tpu.memory_space<vmem_shared>> -> memref<48x128xf32, #tpu.memory_space<vmem_shared>>
      %dma_start3A_79 = arith.constant 0 : i32
      %dma_start3A_80 = tpu.memref_slice %arg10[%add3A_55, %dma_start3A_79] : memref<10000x128xf32, #tpu.memory_space<vmem_shared>> -> memref<48x128xf32, #tpu.memory_space<vmem_shared>>
      %dma_start3A_81 = arith.constant 0 : i32
      %dma_start3A_82 = arith.constant 0 : i32
      %dma_start3A_83 = tpu.memref_slice %arg8[%dma_start3A_81, %dma_start3A_82] : memref<100x128xf32, #tpu.memory_space<vmem>> -> memref<48x128xf32, #tpu.memory_space<vmem>>
      tpu.enqueue_dma source(%dma_start3A_83 : memref<48x128xf32, #tpu.memory_space<vmem>>) target(%dma_start3A_80 : memref<48x128xf32, #tpu.memory_space<vmem_shared>>) target_semaphore(%run_scoped3A : memref<!tpu.dma_semaphore, #tpu.memory_space<semaphore_mem>>)
      %dma_wait3A = arith.constant 0 : i32
      %dma_wait3A_84 = arith.constant 0 : i32
      %dma_wait3A_85 = tpu.memref_slice %arg8[%dma_wait3A, %dma_wait3A_84] : memref<100x128xf32, #tpu.memory_space<vmem>> -> memref<48x128xf32, #tpu.memory_space<vmem>>
      %dma_wait3A_86 = arith.constant 0 : i32
      %dma_wait3A_87 = tpu.memref_slice %arg10[%add3A_55, %dma_wait3A_86] : memref<10000x128xf32, #tpu.memory_space<vmem_shared>> -> memref<48x128xf32, #tpu.memory_space<vmem_shared>>
      %dma_wait3A_88 = arith.constant 0 : i32
      %dma_wait3A_89 = tpu.memref_slice %arg10[%add3A_55, %dma_wait3A_88] : memref<10000x128xf32, #tpu.memory_space<vmem_shared>> -> memref<48x128xf32, #tpu.memory_space<vmem_shared>>
      %dma_wait3A_90 = arith.constant 0 : i32
      %dma_wait3A_91 = arith.constant 0 : i32
      %dma_wait3A_92 = tpu.memref_slice %arg8[%dma_wait3A_90, %dma_wait3A_91] : memref<100x128xf32, #tpu.memory_space<vmem>> -> memref<48x128xf32, #tpu.memory_space<vmem>>
      tpu.wait_dma2 semaphore(%run_scoped3A : memref<!tpu.dma_semaphore, #tpu.memory_space<semaphore_mem>>) src(%dma_wait3A_92 : memref<48x128xf32, #tpu.memory_space<vmem>>) dst(%dma_wait3A_89 : memref<48x128xf32, #tpu.memory_space<vmem_shared>>)
      tpu.yield
    }) : () -> ()
    %eq3A = arith.constant 15 : i32
    %eq3A_56 = arith.cmpi eq, %arg1, %eq3A : i32
    %convert_element_type3A = arith.extui %eq3A_56 : i1 to i32
    %cond3A = arith.constant 0 : i32
    %cond3A_57 = arith.cmpi ne, %convert_element_type3A, %cond3A : i32
    scf.if %cond3A_57 {
      "tpu.region"() ({
        %run_scoped3A = tpu.sem_alloc : memref<!tpu.dma_semaphore, #tpu.memory_space<semaphore_mem>>
        %dma_start3A = arith.constant 0 : i32
        %dma_start3A_75 = arith.constant 0 : i32
        %dma_start3A_76 = tpu.memref_slice %arg8[%dma_start3A, %dma_start3A_75] : memref<100x128xf32, #tpu.memory_space<vmem>> -> memref<16x128xf32, #tpu.memory_space<vmem>>
        %dma_start3A_77 = arith.constant 9984 : i32
        %dma_start3A_78 = arith.constant 0 : i32
        %dma_start3A_79 = tpu.memref_slice %arg10[%dma_start3A_77, %dma_start3A_78] : memref<10000x128xf32, #tpu.memory_space<vmem_shared>> -> memref<16x128xf32, #tpu.memory_space<vmem_shared>>
        %dma_start3A_80 = arith.constant 9984 : i32
        %dma_start3A_81 = arith.constant 0 : i32
        %dma_start3A_82 = tpu.memref_slice %arg10[%dma_start3A_80, %dma_start3A_81] : memref<10000x128xf32, #tpu.memory_space<vmem_shared>> -> memref<16x128xf32, #tpu.memory_space<vmem_shared>>
        %dma_start3A_83 = arith.constant 0 : i32
        %dma_start3A_84 = arith.constant 0 : i32
        %dma_start3A_85 = tpu.memref_slice %arg8[%dma_start3A_83, %dma_start3A_84] : memref<100x128xf32, #tpu.memory_space<vmem>> -> memref<16x128xf32, #tpu.memory_space<vmem>>
        tpu.enqueue_dma source(%dma_start3A_85 : memref<16x128xf32, #tpu.memory_space<vmem>>) target(%dma_start3A_82 : memref<16x128xf32, #tpu.memory_space<vmem_shared>>) target_semaphore(%run_scoped3A : memref<!tpu.dma_semaphore, #tpu.memory_space<semaphore_mem>>)
        %dma_wait3A = arith.constant 0 : i32
        %dma_wait3A_86 = arith.constant 0 : i32
        %dma_wait3A_87 = tpu.memref_slice %arg8[%dma_wait3A, %dma_wait3A_86] : memref<100x128xf32, #tpu.memory_space<vmem>> -> memref<16x128xf32, #tpu.memory_space<vmem>>
        %dma_wait3A_88 = arith.constant 9984 : i32
        %dma_wait3A_89 = arith.constant 0 : i32
        %dma_wait3A_90 = tpu.memref_slice %arg10[%dma_wait3A_88, %dma_wait3A_89] : memref<10000x128xf32, #tpu.memory_space<vmem_shared>> -> memref<16x128xf32, #tpu.memory_space<vmem_shared>>
        %dma_wait3A_91 = arith.constant 9984 : i32
        %dma_wait3A_92 = arith.constant 0 : i32
        %dma_wait3A_93 = tpu.memref_slice %arg10[%dma_wait3A_91, %dma_wait3A_92] : memref<10000x128xf32, #tpu.memory_space<vmem_shared>> -> memref<16x128xf32, #tpu.memory_space<vmem_shared>>
        %dma_wait3A_94 = arith.constant 0 : i32
        %dma_wait3A_95 = arith.constant 0 : i32
        %dma_wait3A_96 = tpu.memref_slice %arg8[%dma_wait3A_94, %dma_wait3A_95] : memref<100x128xf32, #tpu.memory_space<vmem>> -> memref<16x128xf32, #tpu.memory_space<vmem>>
        tpu.wait_dma2 semaphore(%run_scoped3A : memref<!tpu.dma_semaphore, #tpu.memory_space<semaphore_mem>>) src(%dma_wait3A_96 : memref<16x128xf32, #tpu.memory_space<vmem>>) dst(%dma_wait3A_93 : memref<16x128xf32, #tpu.memory_space<vmem_shared>>)
        tpu.yield
      }) : () -> ()
    } else {
    }
    %barrier3A = arith.constant 0 : index
    tpu.barrier barrier_id(%barrier3A)
    %scan3A_58 = arith.constant 0 : i32
    %scan3A_59 = arith.constant 0 : i32
    %scan3A_60 = arith.constant 20 : i32
    %scan3A_61 = arith.addi %scan3A_59, %scan3A_60 : i32
    %scan3A_62 = arith.constant 1 : i32
    %scan3A_63 = scf.for %scan3A_75 = %scan3A_59 to %scan3A_61 step %scan3A_62 iter_args(%scan3A_76 = %scan3A_58) -> (i32)  : i32 {
      "tpu.region"() ({
        %run_scoped3A_225 = tpu.sem_alloc : memref<!tpu.dma_semaphore, #tpu.memory_space<semaphore_mem>>
        %dma_start3A_226 = arith.constant 0 : i32
        %dma_start3A_227 = arith.constant 0 : i32
        %dma_start3A_228 = tpu.memref_slice %arg3[%arg1, %scan3A_75, %dma_start3A_226, %dma_start3A_227] : memref<16x20x10x100xi32, #tpu.memory_space<hbm>> -> memref<1x1x10x100xi32, #tpu.memory_space<hbm>>
        %dma_start3A_229 = tpu.memref_squeeze %dma_start3A_228 : memref<1x1x10x100xi32, #tpu.memory_space<hbm>> -> memref<10x100xi32, #tpu.memory_space<hbm>>
        %dma_start3A_230 = arith.constant 0 : i32
        %dma_start3A_231 = arith.constant 0 : i32
        %dma_start3A_232 = tpu.memref_slice %arg3[%arg1, %scan3A_75, %dma_start3A_230, %dma_start3A_231] : memref<16x20x10x100xi32, #tpu.memory_space<hbm>> -> memref<1x1x10x100xi32, #tpu.memory_space<hbm>>
        %dma_start3A_233 = tpu.memref_squeeze %dma_start3A_232 : memref<1x1x10x100xi32, #tpu.memory_space<hbm>> -> memref<10x100xi32, #tpu.memory_space<hbm>>
        tpu.enqueue_dma source(%dma_start3A_233 : memref<10x100xi32, #tpu.memory_space<hbm>>) target(%arg6 : memref<10x100xi32, #tpu.memory_space<vmem>>) target_semaphore(%run_scoped3A_225 : memref<!tpu.dma_semaphore, #tpu.memory_space<semaphore_mem>>)
        %dma_wait3A_234 = arith.constant 0 : i32
        %dma_wait3A_235 = arith.constant 0 : i32
        %dma_wait3A_236 = tpu.memref_slice %arg3[%arg1, %scan3A_75, %dma_wait3A_234, %dma_wait3A_235] : memref<16x20x10x100xi32, #tpu.memory_space<hbm>> -> memref<1x1x10x100xi32, #tpu.memory_space<hbm>>
        %dma_wait3A_237 = tpu.memref_squeeze %dma_wait3A_236 : memref<1x1x10x100xi32, #tpu.memory_space<hbm>> -> memref<10x100xi32, #tpu.memory_space<hbm>>
        %dma_wait3A_238 = arith.constant 0 : i32
        %dma_wait3A_239 = arith.constant 0 : i32
        %dma_wait3A_240 = tpu.memref_slice %arg3[%arg1, %scan3A_75, %dma_wait3A_238, %dma_wait3A_239] : memref<16x20x10x100xi32, #tpu.memory_space<hbm>> -> memref<1x1x10x100xi32, #tpu.memory_space<hbm>>
        %dma_wait3A_241 = tpu.memref_squeeze %dma_wait3A_240 : memref<1x1x10x100xi32, #tpu.memory_space<hbm>> -> memref<10x100xi32, #tpu.memory_space<hbm>>
        tpu.wait_dma2 semaphore(%run_scoped3A_225 : memref<!tpu.dma_semaphore, #tpu.memory_space<semaphore_mem>>) src(%dma_wait3A_241 : memref<10x100xi32, #tpu.memory_space<hbm>>) dst(%arg6 : memref<10x100xi32, #tpu.memory_space<vmem>>)
        tpu.yield
      }) : () -> ()
      "tpu.region"() ({
        %run_scoped3A_225 = tpu.sem_alloc : memref<!tpu.dma_semaphore, #tpu.memory_space<semaphore_mem>>
        %dma_start3A_226 = arith.constant 0 : i32
        %dma_start3A_227 = arith.constant 0 : i32
        %dma_start3A_228 = tpu.memref_slice %arg4[%arg1, %scan3A_75, %dma_start3A_226, %dma_start3A_227] : memref<16x20x10x100xi32, #tpu.memory_space<hbm>> -> memref<1x1x10x100xi32, #tpu.memory_space<hbm>>
        %dma_start3A_229 = tpu.memref_squeeze %dma_start3A_228 : memref<1x1x10x100xi32, #tpu.memory_space<hbm>> -> memref<10x100xi32, #tpu.memory_space<hbm>>
        %dma_start3A_230 = arith.constant 0 : i32
        %dma_start3A_231 = arith.constant 0 : i32
        %dma_start3A_232 = tpu.memref_slice %arg4[%arg1, %scan3A_75, %dma_start3A_230, %dma_start3A_231] : memref<16x20x10x100xi32, #tpu.memory_space<hbm>> -> memref<1x1x10x100xi32, #tpu.memory_space<hbm>>
        %dma_start3A_233 = tpu.memref_squeeze %dma_start3A_232 : memref<1x1x10x100xi32, #tpu.memory_space<hbm>> -> memref<10x100xi32, #tpu.memory_space<hbm>>
        tpu.enqueue_dma source(%dma_start3A_233 : memref<10x100xi32, #tpu.memory_space<hbm>>) target(%arg7 : memref<10x100xi32, #tpu.memory_space<vmem>>) target_semaphore(%run_scoped3A_225 : memref<!tpu.dma_semaphore, #tpu.memory_space<semaphore_mem>>)
        %dma_wait3A_234 = arith.constant 0 : i32
        %dma_wait3A_235 = arith.constant 0 : i32
        %dma_wait3A_236 = tpu.memref_slice %arg4[%arg1, %scan3A_75, %dma_wait3A_234, %dma_wait3A_235] : memref<16x20x10x100xi32, #tpu.memory_space<hbm>> -> memref<1x1x10x100xi32, #tpu.memory_space<hbm>>
        %dma_wait3A_237 = tpu.memref_squeeze %dma_wait3A_236 : memref<1x1x10x100xi32, #tpu.memory_space<hbm>> -> memref<10x100xi32, #tpu.memory_space<hbm>>
        %dma_wait3A_238 = arith.constant 0 : i32
        %dma_wait3A_239 = arith.constant 0 : i32
        %dma_wait3A_240 = tpu.memref_slice %arg4[%arg1, %scan3A_75, %dma_wait3A_238, %dma_wait3A_239] : memref<16x20x10x100xi32, #tpu.memory_space<hbm>> -> memref<1x1x10x100xi32, #tpu.memory_space<hbm>>
        %dma_wait3A_241 = tpu.memref_squeeze %dma_wait3A_240 : memref<1x1x10x100xi32, #tpu.memory_space<hbm>> -> memref<10x100xi32, #tpu.memory_space<hbm>>
        tpu.wait_dma2 semaphore(%run_scoped3A_225 : memref<!tpu.dma_semaphore, #tpu.memory_space<semaphore_mem>>) src(%dma_wait3A_241 : memref<10x100xi32, #tpu.memory_space<hbm>>) dst(%arg7 : memref<10x100xi32, #tpu.memory_space<vmem>>)
        tpu.yield
      }) : () -> ()
      %dma_start3A = arith.constant 0 : i32
      %dma_start3A_77 = arith.constant 0 : i32
      %dma_start3A_78 = tpu.memref_slice %arg6[%dma_start3A, %dma_start3A_77] : memref<10x100xi32, #tpu.memory_space<vmem>> -> memref<1x100xi32, #tpu.memory_space<vmem>>
      %dma_start3A_79 = tpu.memref_squeeze %dma_start3A_78 : memref<1x100xi32, #tpu.memory_space<vmem>> -> memref<100xi32, #tpu.memory_space<vmem>>
      %dma_start3A_80 = arith.constant 0 : i32
      %dma_start3A_81 = arith.constant 0 : i32
      %dma_start3A_82 = tpu.memref_slice %arg2[%dma_start3A_80, %dma_start3A_81] : memref<10000x128xf32, #tpu.memory_space<hbm>> -> memref<10000x128xf32, #tpu.memory_space<hbm>>
      tpu.enqueue_indirect_dma source(%dma_start3A_82 : memref<10000x128xf32, #tpu.memory_space<hbm>>) target(%arg8 : memref<100x128xf32, #tpu.memory_space<vmem>>) offsets(%dma_start3A_79 : memref<100xi32, #tpu.memory_space<vmem>>) semaphore(%arg11 : memref<!tpu.dma_semaphore, #tpu.memory_space<semaphore_mem>>)
      %dma_wait3A = arith.constant 0 : i32
      %dma_wait3A_83 = arith.constant 0 : i32
      %dma_wait3A_84 = tpu.memref_slice %arg6[%dma_wait3A, %dma_wait3A_83] : memref<10x100xi32, #tpu.memory_space<vmem>> -> memref<1x100xi32, #tpu.memory_space<vmem>>
      %dma_wait3A_85 = tpu.memref_squeeze %dma_wait3A_84 : memref<1x100xi32, #tpu.memory_space<vmem>> -> memref<100xi32, #tpu.memory_space<vmem>>
      %dma_wait3A_86 = arith.constant 0 : i32
      %dma_wait3A_87 = arith.constant 0 : i32
      %dma_wait3A_88 = tpu.memref_slice %arg2[%dma_wait3A_86, %dma_wait3A_87] : memref<10000x128xf32, #tpu.memory_space<hbm>> -> memref<10000x128xf32, #tpu.memory_space<hbm>>
      tpu.wait_indirect_dma semaphore(%arg11 : memref<!tpu.dma_semaphore, #tpu.memory_space<semaphore_mem>>) src(%dma_wait3A_88 : memref<10000x128xf32, #tpu.memory_space<hbm>>) dst(%arg8 : memref<100x128xf32, #tpu.memory_space<vmem>>)
      %dma_start3A_89 = arith.constant 1 : i32
      %dma_start3A_90 = arith.constant 0 : i32
      %dma_start3A_91 = tpu.memref_slice %arg6[%dma_start3A_89, %dma_start3A_90] : memref<10x100xi32, #tpu.memory_space<vmem>> -> memref<1x100xi32, #tpu.memory_space<vmem>>
      %dma_start3A_92 = tpu.memref_squeeze %dma_start3A_91 : memref<1x100xi32, #tpu.memory_space<vmem>> -> memref<100xi32, #tpu.memory_space<vmem>>
      %dma_start3A_93 = arith.constant 0 : i32
      %dma_start3A_94 = arith.constant 0 : i32
      %dma_start3A_95 = tpu.memref_slice %arg2[%dma_start3A_93, %dma_start3A_94] : memref<10000x128xf32, #tpu.memory_space<hbm>> -> memref<10000x128xf32, #tpu.memory_space<hbm>>
      tpu.enqueue_indirect_dma source(%dma_start3A_95 : memref<10000x128xf32, #tpu.memory_space<hbm>>) target(%arg9 : memref<100x128xf32, #tpu.memory_space<vmem>>) offsets(%dma_start3A_92 : memref<100xi32, #tpu.memory_space<vmem>>) semaphore(%arg12 : memref<!tpu.dma_semaphore, #tpu.memory_space<semaphore_mem>>)
      %run_scoped3A = arith.constant 0 : i32
      "tpu.region"() ({
        %run_scoped3A_225 = tpu.sem_alloc : memref<!tpu.dma_semaphore, #tpu.memory_space<semaphore_mem>>
        %dma_start3A_226 = arith.constant 0 : i32
        %dma_start3A_227 = tpu.memref_slice %arg7[%run_scoped3A, %dma_start3A_226] : memref<10x100xi32, #tpu.memory_space<vmem>> -> memref<1x100xi32, #tpu.memory_space<vmem>>
        %dma_start3A_228 = tpu.memref_squeeze %dma_start3A_227 : memref<1x100xi32, #tpu.memory_space<vmem>> -> memref<100xi32, #tpu.memory_space<vmem>>
        %dma_start3A_229 = arith.constant 0 : i32
        %dma_start3A_230 = arith.constant 0 : i32
        %dma_start3A_231 = tpu.memref_slice %arg10[%dma_start3A_229, %dma_start3A_230] : memref<10000x128xf32, #tpu.memory_space<vmem_shared>> -> memref<10000x128xf32, #tpu.memory_space<vmem_shared>>
        tpu.enqueue_indirect_dma source(%arg8 : memref<100x128xf32, #tpu.memory_space<vmem>>) target(%dma_start3A_231 : memref<10000x128xf32, #tpu.memory_space<vmem_shared>>) offsets(%dma_start3A_228 : memref<100xi32, #tpu.memory_space<vmem>>) semaphore(%run_scoped3A_225 : memref<!tpu.dma_semaphore, #tpu.memory_space<semaphore_mem>>) {add = true}
        %dma_wait3A_232 = arith.constant 0 : i32
        %dma_wait3A_233 = tpu.memref_slice %arg7[%run_scoped3A, %dma_wait3A_232] : memref<10x100xi32, #tpu.memory_space<vmem>> -> memref<1x100xi32, #tpu.memory_space<vmem>>
        %dma_wait3A_234 = tpu.memref_squeeze %dma_wait3A_233 : memref<1x100xi32, #tpu.memory_space<vmem>> -> memref<100xi32, #tpu.memory_space<vmem>>
        %dma_wait3A_235 = arith.constant 0 : i32
        %dma_wait3A_236 = arith.constant 0 : i32
        %dma_wait3A_237 = tpu.memref_slice %arg10[%dma_wait3A_235, %dma_wait3A_236] : memref<10000x128xf32, #tpu.memory_space<vmem_shared>> -> memref<10000x128xf32, #tpu.memory_space<vmem_shared>>
        tpu.wait_indirect_dma semaphore(%run_scoped3A_225 : memref<!tpu.dma_semaphore, #tpu.memory_space<semaphore_mem>>) src(%arg8 : memref<100x128xf32, #tpu.memory_space<vmem>>) dst(%dma_wait3A_237 : memref<10000x128xf32, #tpu.memory_space<vmem_shared>>)
        tpu.yield
      }) : () -> ()
      %dma_wait3A_96 = arith.constant 1 : i32
      %dma_wait3A_97 = arith.constant 0 : i32
      %dma_wait3A_98 = tpu.memref_slice %arg6[%dma_wait3A_96, %dma_wait3A_97] : memref<10x100xi32, #tpu.memory_space<vmem>> -> memref<1x100xi32, #tpu.memory_space<vmem>>
      %dma_wait3A_99 = tpu.memref_squeeze %dma_wait3A_98 : memref<1x100xi32, #tpu.memory_space<vmem>> -> memref<100xi32, #tpu.memory_space<vmem>>
      %dma_wait3A_100 = arith.constant 0 : i32
      %dma_wait3A_101 = arith.constant 0 : i32
      %dma_wait3A_102 = tpu.memref_slice %arg2[%dma_wait3A_100, %dma_wait3A_101] : memref<10000x128xf32, #tpu.memory_space<hbm>> -> memref<10000x128xf32, #tpu.memory_space<hbm>>
      tpu.wait_indirect_dma semaphore(%arg12 : memref<!tpu.dma_semaphore, #tpu.memory_space<semaphore_mem>>) src(%dma_wait3A_102 : memref<10000x128xf32, #tpu.memory_space<hbm>>) dst(%arg9 : memref<100x128xf32, #tpu.memory_space<vmem>>)
      %dma_start3A_103 = arith.constant 2 : i32
      %dma_start3A_104 = arith.constant 0 : i32
      %dma_start3A_105 = tpu.memref_slice %arg6[%dma_start3A_103, %dma_start3A_104] : memref<10x100xi32, #tpu.memory_space<vmem>> -> memref<1x100xi32, #tpu.memory_space<vmem>>
      %dma_start3A_106 = tpu.memref_squeeze %dma_start3A_105 : memref<1x100xi32, #tpu.memory_space<vmem>> -> memref<100xi32, #tpu.memory_space<vmem>>
      %dma_start3A_107 = arith.constant 0 : i32
      %dma_start3A_108 = arith.constant 0 : i32
      %dma_start3A_109 = tpu.memref_slice %arg2[%dma_start3A_107, %dma_start3A_108] : memref<10000x128xf32, #tpu.memory_space<hbm>> -> memref<10000x128xf32, #tpu.memory_space<hbm>>
      tpu.enqueue_indirect_dma source(%dma_start3A_109 : memref<10000x128xf32, #tpu.memory_space<hbm>>) target(%arg8 : memref<100x128xf32, #tpu.memory_space<vmem>>) offsets(%dma_start3A_106 : memref<100xi32, #tpu.memory_space<vmem>>) semaphore(%arg11 : memref<!tpu.dma_semaphore, #tpu.memory_space<semaphore_mem>>)
      %run_scoped3A_110 = arith.constant 1 : i32
      "tpu.region"() ({
        %run_scoped3A_225 = tpu.sem_alloc : memref<!tpu.dma_semaphore, #tpu.memory_space<semaphore_mem>>
        %dma_start3A_226 = arith.constant 0 : i32
        %dma_start3A_227 = tpu.memref_slice %arg7[%run_scoped3A_110, %dma_start3A_226] : memref<10x100xi32, #tpu.memory_space<vmem>> -> memref<1x100xi32, #tpu.memory_space<vmem>>
        %dma_start3A_228 = tpu.memref_squeeze %dma_start3A_227 : memref<1x100xi32, #tpu.memory_space<vmem>> -> memref<100xi32, #tpu.memory_space<vmem>>
        %dma_start3A_229 = arith.constant 0 : i32
        %dma_start3A_230 = arith.constant 0 : i32
        %dma_start3A_231 = tpu.memref_slice %arg10[%dma_start3A_229, %dma_start3A_230] : memref<10000x128xf32, #tpu.memory_space<vmem_shared>> -> memref<10000x128xf32, #tpu.memory_space<vmem_shared>>
        tpu.enqueue_indirect_dma source(%arg9 : memref<100x128xf32, #tpu.memory_space<vmem>>) target(%dma_start3A_231 : memref<10000x128xf32, #tpu.memory_space<vmem_shared>>) offsets(%dma_start3A_228 : memref<100xi32, #tpu.memory_space<vmem>>) semaphore(%run_scoped3A_225 : memref<!tpu.dma_semaphore, #tpu.memory_space<semaphore_mem>>) {add = true}
        %dma_wait3A_232 = arith.constant 0 : i32
        %dma_wait3A_233 = tpu.memref_slice %arg7[%run_scoped3A_110, %dma_wait3A_232] : memref<10x100xi32, #tpu.memory_space<vmem>> -> memref<1x100xi32, #tpu.memory_space<vmem>>
        %dma_wait3A_234 = tpu.memref_squeeze %dma_wait3A_233 : memref<1x100xi32, #tpu.memory_space<vmem>> -> memref<100xi32, #tpu.memory_space<vmem>>
        %dma_wait3A_235 = arith.constant 0 : i32
        %dma_wait3A_236 = arith.constant 0 : i32
        %dma_wait3A_237 = tpu.memref_slice %arg10[%dma_wait3A_235, %dma_wait3A_236] : memref<10000x128xf32, #tpu.memory_space<vmem_shared>> -> memref<10000x128xf32, #tpu.memory_space<vmem_shared>>
        tpu.wait_indirect_dma semaphore(%run_scoped3A_225 : memref<!tpu.dma_semaphore, #tpu.memory_space<semaphore_mem>>) src(%arg9 : memref<100x128xf32, #tpu.memory_space<vmem>>) dst(%dma_wait3A_237 : memref<10000x128xf32, #tpu.memory_space<vmem_shared>>)
        tpu.yield
      }) : () -> ()
      %dma_wait3A_111 = arith.constant 2 : i32
      %dma_wait3A_112 = arith.constant 0 : i32
      %dma_wait3A_113 = tpu.memref_slice %arg6[%dma_wait3A_111, %dma_wait3A_112] : memref<10x100xi32, #tpu.memory_space<vmem>> -> memref<1x100xi32, #tpu.memory_space<vmem>>
      %dma_wait3A_114 = tpu.memref_squeeze %dma_wait3A_113 : memref<1x100xi32, #tpu.memory_space<vmem>> -> memref<100xi32, #tpu.memory_space<vmem>>
      %dma_wait3A_115 = arith.constant 0 : i32
      %dma_wait3A_116 = arith.constant 0 : i32
      %dma_wait3A_117 = tpu.memref_slice %arg2[%dma_wait3A_115, %dma_wait3A_116] : memref<10000x128xf32, #tpu.memory_space<hbm>> -> memref<10000x128xf32, #tpu.memory_space<hbm>>
      tpu.wait_indirect_dma semaphore(%arg11 : memref<!tpu.dma_semaphore, #tpu.memory_space<semaphore_mem>>) src(%dma_wait3A_117 : memref<10000x128xf32, #tpu.memory_space<hbm>>) dst(%arg8 : memref<100x128xf32, #tpu.memory_space<vmem>>)
      %dma_start3A_118 = arith.constant 3 : i32
      %dma_start3A_119 = arith.constant 0 : i32
      %dma_start3A_120 = tpu.memref_slice %arg6[%dma_start3A_118, %dma_start3A_119] : memref<10x100xi32, #tpu.memory_space<vmem>> -> memref<1x100xi32, #tpu.memory_space<vmem>>
      %dma_start3A_121 = tpu.memref_squeeze %dma_start3A_120 : memref<1x100xi32, #tpu.memory_space<vmem>> -> memref<100xi32, #tpu.memory_space<vmem>>
      %dma_start3A_122 = arith.constant 0 : i32
      %dma_start3A_123 = arith.constant 0 : i32
      %dma_start3A_124 = tpu.memref_slice %arg2[%dma_start3A_122, %dma_start3A_123] : memref<10000x128xf32, #tpu.memory_space<hbm>> -> memref<10000x128xf32, #tpu.memory_space<hbm>>
      tpu.enqueue_indirect_dma source(%dma_start3A_124 : memref<10000x128xf32, #tpu.memory_space<hbm>>) target(%arg9 : memref<100x128xf32, #tpu.memory_space<vmem>>) offsets(%dma_start3A_121 : memref<100xi32, #tpu.memory_space<vmem>>) semaphore(%arg12 : memref<!tpu.dma_semaphore, #tpu.memory_space<semaphore_mem>>)
      %run_scoped3A_125 = arith.constant 2 : i32
      "tpu.region"() ({
        %run_scoped3A_225 = tpu.sem_alloc : memref<!tpu.dma_semaphore, #tpu.memory_space<semaphore_mem>>
        %dma_start3A_226 = arith.constant 0 : i32
        %dma_start3A_227 = tpu.memref_slice %arg7[%run_scoped3A_125, %dma_start3A_226] : memref<10x100xi32, #tpu.memory_space<vmem>> -> memref<1x100xi32, #tpu.memory_space<vmem>>
        %dma_start3A_228 = tpu.memref_squeeze %dma_start3A_227 : memref<1x100xi32, #tpu.memory_space<vmem>> -> memref<100xi32, #tpu.memory_space<vmem>>
        %dma_start3A_229 = arith.constant 0 : i32
        %dma_start3A_230 = arith.constant 0 : i32
        %dma_start3A_231 = tpu.memref_slice %arg10[%dma_start3A_229, %dma_start3A_230] : memref<10000x128xf32, #tpu.memory_space<vmem_shared>> -> memref<10000x128xf32, #tpu.memory_space<vmem_shared>>
        tpu.enqueue_indirect_dma source(%arg8 : memref<100x128xf32, #tpu.memory_space<vmem>>) target(%dma_start3A_231 : memref<10000x128xf32, #tpu.memory_space<vmem_shared>>) offsets(%dma_start3A_228 : memref<100xi32, #tpu.memory_space<vmem>>) semaphore(%run_scoped3A_225 : memref<!tpu.dma_semaphore, #tpu.memory_space<semaphore_mem>>) {add = true}
        %dma_wait3A_232 = arith.constant 0 : i32
        %dma_wait3A_233 = tpu.memref_slice %arg7[%run_scoped3A_125, %dma_wait3A_232] : memref<10x100xi32, #tpu.memory_space<vmem>> -> memref<1x100xi32, #tpu.memory_space<vmem>>
        %dma_wait3A_234 = tpu.memref_squeeze %dma_wait3A_233 : memref<1x100xi32, #tpu.memory_space<vmem>> -> memref<100xi32, #tpu.memory_space<vmem>>
        %dma_wait3A_235 = arith.constant 0 : i32
        %dma_wait3A_236 = arith.constant 0 : i32
        %dma_wait3A_237 = tpu.memref_slice %arg10[%dma_wait3A_235, %dma_wait3A_236] : memref<10000x128xf32, #tpu.memory_space<vmem_shared>> -> memref<10000x128xf32, #tpu.memory_space<vmem_shared>>
        tpu.wait_indirect_dma semaphore(%run_scoped3A_225 : memref<!tpu.dma_semaphore, #tpu.memory_space<semaphore_mem>>) src(%arg8 : memref<100x128xf32, #tpu.memory_space<vmem>>) dst(%dma_wait3A_237 : memref<10000x128xf32, #tpu.memory_space<vmem_shared>>)
        tpu.yield
      }) : () -> ()
      %dma_wait3A_126 = arith.constant 3 : i32
      %dma_wait3A_127 = arith.constant 0 : i32
      %dma_wait3A_128 = tpu.memref_slice %arg6[%dma_wait3A_126, %dma_wait3A_127] : memref<10x100xi32, #tpu.memory_space<vmem>> -> memref<1x100xi32, #tpu.memory_space<vmem>>
      %dma_wait3A_129 = tpu.memref_squeeze %dma_wait3A_128 : memref<1x100xi32, #tpu.memory_space<vmem>> -> memref<100xi32, #tpu.memory_space<vmem>>
      %dma_wait3A_130 = arith.constant 0 : i32
      %dma_wait3A_131 = arith.constant 0 : i32
      %dma_wait3A_132 = tpu.memref_slice %arg2[%dma_wait3A_130, %dma_wait3A_131] : memref<10000x128xf32, #tpu.memory_space<hbm>> -> memref<10000x128xf32, #tpu.memory_space<hbm>>
      tpu.wait_indirect_dma semaphore(%arg12 : memref<!tpu.dma_semaphore, #tpu.memory_space<semaphore_mem>>) src(%dma_wait3A_132 : memref<10000x128xf32, #tpu.memory_space<hbm>>) dst(%arg9 : memref<100x128xf32, #tpu.memory_space<vmem>>)
      %dma_start3A_133 = arith.constant 4 : i32
      %dma_start3A_134 = arith.constant 0 : i32
      %dma_start3A_135 = tpu.memref_slice %arg6[%dma_start3A_133, %dma_start3A_134] : memref<10x100xi32, #tpu.memory_space<vmem>> -> memref<1x100xi32, #tpu.memory_space<vmem>>
      %dma_start3A_136 = tpu.memref_squeeze %dma_start3A_135 : memref<1x100xi32, #tpu.memory_space<vmem>> -> memref<100xi32, #tpu.memory_space<vmem>>
      %dma_start3A_137 = arith.constant 0 : i32
      %dma_start3A_138 = arith.constant 0 : i32
      %dma_start3A_139 = tpu.memref_slice %arg2[%dma_start3A_137, %dma_start3A_138] : memref<10000x128xf32, #tpu.memory_space<hbm>> -> memref<10000x128xf32, #tpu.memory_space<hbm>>
      tpu.enqueue_indirect_dma source(%dma_start3A_139 : memref<10000x128xf32, #tpu.memory_space<hbm>>) target(%arg8 : memref<100x128xf32, #tpu.memory_space<vmem>>) offsets(%dma_start3A_136 : memref<100xi32, #tpu.memory_space<vmem>>) semaphore(%arg11 : memref<!tpu.dma_semaphore, #tpu.memory_space<semaphore_mem>>)
      %run_scoped3A_140 = arith.constant 3 : i32
      "tpu.region"() ({
        %run_scoped3A_225 = tpu.sem_alloc : memref<!tpu.dma_semaphore, #tpu.memory_space<semaphore_mem>>
        %dma_start3A_226 = arith.constant 0 : i32
        %dma_start3A_227 = tpu.memref_slice %arg7[%run_scoped3A_140, %dma_start3A_226] : memref<10x100xi32, #tpu.memory_space<vmem>> -> memref<1x100xi32, #tpu.memory_space<vmem>>
        %dma_start3A_228 = tpu.memref_squeeze %dma_start3A_227 : memref<1x100xi32, #tpu.memory_space<vmem>> -> memref<100xi32, #tpu.memory_space<vmem>>
        %dma_start3A_229 = arith.constant 0 : i32
        %dma_start3A_230 = arith.constant 0 : i32
        %dma_start3A_231 = tpu.memref_slice %arg10[%dma_start3A_229, %dma_start3A_230] : memref<10000x128xf32, #tpu.memory_space<vmem_shared>> -> memref<10000x128xf32, #tpu.memory_space<vmem_shared>>
        tpu.enqueue_indirect_dma source(%arg9 : memref<100x128xf32, #tpu.memory_space<vmem>>) target(%dma_start3A_231 : memref<10000x128xf32, #tpu.memory_space<vmem_shared>>) offsets(%dma_start3A_228 : memref<100xi32, #tpu.memory_space<vmem>>) semaphore(%run_scoped3A_225 : memref<!tpu.dma_semaphore, #tpu.memory_space<semaphore_mem>>) {add = true}
        %dma_wait3A_232 = arith.constant 0 : i32
        %dma_wait3A_233 = tpu.memref_slice %arg7[%run_scoped3A_140, %dma_wait3A_232] : memref<10x100xi32, #tpu.memory_space<vmem>> -> memref<1x100xi32, #tpu.memory_space<vmem>>
        %dma_wait3A_234 = tpu.memref_squeeze %dma_wait3A_233 : memref<1x100xi32, #tpu.memory_space<vmem>> -> memref<100xi32, #tpu.memory_space<vmem>>
        %dma_wait3A_235 = arith.constant 0 : i32
        %dma_wait3A_236 = arith.constant 0 : i32
        %dma_wait3A_237 = tpu.memref_slice %arg10[%dma_wait3A_235, %dma_wait3A_236] : memref<10000x128xf32, #tpu.memory_space<vmem_shared>> -> memref<10000x128xf32, #tpu.memory_space<vmem_shared>>
        tpu.wait_indirect_dma semaphore(%run_scoped3A_225 : memref<!tpu.dma_semaphore, #tpu.memory_space<semaphore_mem>>) src(%arg9 : memref<100x128xf32, #tpu.memory_space<vmem>>) dst(%dma_wait3A_237 : memref<10000x128xf32, #tpu.memory_space<vmem_shared>>)
        tpu.yield
      }) : () -> ()
      %dma_wait3A_141 = arith.constant 4 : i32
      %dma_wait3A_142 = arith.constant 0 : i32
      %dma_wait3A_143 = tpu.memref_slice %arg6[%dma_wait3A_141, %dma_wait3A_142] : memref<10x100xi32, #tpu.memory_space<vmem>> -> memref<1x100xi32, #tpu.memory_space<vmem>>
      %dma_wait3A_144 = tpu.memref_squeeze %dma_wait3A_143 : memref<1x100xi32, #tpu.memory_space<vmem>> -> memref<100xi32, #tpu.memory_space<vmem>>
      %dma_wait3A_145 = arith.constant 0 : i32
      %dma_wait3A_146 = arith.constant 0 : i32
      %dma_wait3A_147 = tpu.memref_slice %arg2[%dma_wait3A_145, %dma_wait3A_146] : memref<10000x128xf32, #tpu.memory_space<hbm>> -> memref<10000x128xf32, #tpu.memory_space<hbm>>
      tpu.wait_indirect_dma semaphore(%arg11 : memref<!tpu.dma_semaphore, #tpu.memory_space<semaphore_mem>>) src(%dma_wait3A_147 : memref<10000x128xf32, #tpu.memory_space<hbm>>) dst(%arg8 : memref<100x128xf32, #tpu.memory_space<vmem>>)
      %dma_start3A_148 = arith.constant 5 : i32
      %dma_start3A_149 = arith.constant 0 : i32
      %dma_start3A_150 = tpu.memref_slice %arg6[%dma_start3A_148, %dma_start3A_149] : memref<10x100xi32, #tpu.memory_space<vmem>> -> memref<1x100xi32, #tpu.memory_space<vmem>>
      %dma_start3A_151 = tpu.memref_squeeze %dma_start3A_150 : memref<1x100xi32, #tpu.memory_space<vmem>> -> memref<100xi32, #tpu.memory_space<vmem>>
      %dma_start3A_152 = arith.constant 0 : i32
      %dma_start3A_153 = arith.constant 0 : i32
      %dma_start3A_154 = tpu.memref_slice %arg2[%dma_start3A_152, %dma_start3A_153] : memref<10000x128xf32, #tpu.memory_space<hbm>> -> memref<10000x128xf32, #tpu.memory_space<hbm>>
      tpu.enqueue_indirect_dma source(%dma_start3A_154 : memref<10000x128xf32, #tpu.memory_space<hbm>>) target(%arg9 : memref<100x128xf32, #tpu.memory_space<vmem>>) offsets(%dma_start3A_151 : memref<100xi32, #tpu.memory_space<vmem>>) semaphore(%arg12 : memref<!tpu.dma_semaphore, #tpu.memory_space<semaphore_mem>>)
      %run_scoped3A_155 = arith.constant 4 : i32
      "tpu.region"() ({
        %run_scoped3A_225 = tpu.sem_alloc : memref<!tpu.dma_semaphore, #tpu.memory_space<semaphore_mem>>
        %dma_start3A_226 = arith.constant 0 : i32
        %dma_start3A_227 = tpu.memref_slice %arg7[%run_scoped3A_155, %dma_start3A_226] : memref<10x100xi32, #tpu.memory_space<vmem>> -> memref<1x100xi32, #tpu.memory_space<vmem>>
        %dma_start3A_228 = tpu.memref_squeeze %dma_start3A_227 : memref<1x100xi32, #tpu.memory_space<vmem>> -> memref<100xi32, #tpu.memory_space<vmem>>
        %dma_start3A_229 = arith.constant 0 : i32
        %dma_start3A_230 = arith.constant 0 : i32
        %dma_start3A_231 = tpu.memref_slice %arg10[%dma_start3A_229, %dma_start3A_230] : memref<10000x128xf32, #tpu.memory_space<vmem_shared>> -> memref<10000x128xf32, #tpu.memory_space<vmem_shared>>
        tpu.enqueue_indirect_dma source(%arg8 : memref<100x128xf32, #tpu.memory_space<vmem>>) target(%dma_start3A_231 : memref<10000x128xf32, #tpu.memory_space<vmem_shared>>) offsets(%dma_start3A_228 : memref<100xi32, #tpu.memory_space<vmem>>) semaphore(%run_scoped3A_225 : memref<!tpu.dma_semaphore, #tpu.memory_space<semaphore_mem>>) {add = true}
        %dma_wait3A_232 = arith.constant 0 : i32
        %dma_wait3A_233 = tpu.memref_slice %arg7[%run_scoped3A_155, %dma_wait3A_232] : memref<10x100xi32, #tpu.memory_space<vmem>> -> memref<1x100xi32, #tpu.memory_space<vmem>>
        %dma_wait3A_234 = tpu.memref_squeeze %dma_wait3A_233 : memref<1x100xi32, #tpu.memory_space<vmem>> -> memref<100xi32, #tpu.memory_space<vmem>>
        %dma_wait3A_235 = arith.constant 0 : i32
        %dma_wait3A_236 = arith.constant 0 : i32
        %dma_wait3A_237 = tpu.memref_slice %arg10[%dma_wait3A_235, %dma_wait3A_236] : memref<10000x128xf32, #tpu.memory_space<vmem_shared>> -> memref<10000x128xf32, #tpu.memory_space<vmem_shared>>
        tpu.wait_indirect_dma semaphore(%run_scoped3A_225 : memref<!tpu.dma_semaphore, #tpu.memory_space<semaphore_mem>>) src(%arg8 : memref<100x128xf32, #tpu.memory_space<vmem>>) dst(%dma_wait3A_237 : memref<10000x128xf32, #tpu.memory_space<vmem_shared>>)
        tpu.yield
      }) : () -> ()
      %dma_wait3A_156 = arith.constant 5 : i32
      %dma_wait3A_157 = arith.constant 0 : i32
      %dma_wait3A_158 = tpu.memref_slice %arg6[%dma_wait3A_156, %dma_wait3A_157] : memref<10x100xi32, #tpu.memory_space<vmem>> -> memref<1x100xi32, #tpu.memory_space<vmem>>
      %dma_wait3A_159 = tpu.memref_squeeze %dma_wait3A_158 : memref<1x100xi32, #tpu.memory_space<vmem>> -> memref<100xi32, #tpu.memory_space<vmem>>
      %dma_wait3A_160 = arith.constant 0 : i32
      %dma_wait3A_161 = arith.constant 0 : i32
      %dma_wait3A_162 = tpu.memref_slice %arg2[%dma_wait3A_160, %dma_wait3A_161] : memref<10000x128xf32, #tpu.memory_space<hbm>> -> memref<10000x128xf32, #tpu.memory_space<hbm>>
      tpu.wait_indirect_dma semaphore(%arg12 : memref<!tpu.dma_semaphore, #tpu.memory_space<semaphore_mem>>) src(%dma_wait3A_162 : memref<10000x128xf32, #tpu.memory_space<hbm>>) dst(%arg9 : memref<100x128xf32, #tpu.memory_space<vmem>>)
      %dma_start3A_163 = arith.constant 6 : i32
      %dma_start3A_164 = arith.constant 0 : i32
      %dma_start3A_165 = tpu.memref_slice %arg6[%dma_start3A_163, %dma_start3A_164] : memref<10x100xi32, #tpu.memory_space<vmem>> -> memref<1x100xi32, #tpu.memory_space<vmem>>
      %dma_start3A_166 = tpu.memref_squeeze %dma_start3A_165 : memref<1x100xi32, #tpu.memory_space<vmem>> -> memref<100xi32, #tpu.memory_space<vmem>>
      %dma_start3A_167 = arith.constant 0 : i32
      %dma_start3A_168 = arith.constant 0 : i32
      %dma_start3A_169 = tpu.memref_slice %arg2[%dma_start3A_167, %dma_start3A_168] : memref<10000x128xf32, #tpu.memory_space<hbm>> -> memref<10000x128xf32, #tpu.memory_space<hbm>>
      tpu.enqueue_indirect_dma source(%dma_start3A_169 : memref<10000x128xf32, #tpu.memory_space<hbm>>) target(%arg8 : memref<100x128xf32, #tpu.memory_space<vmem>>) offsets(%dma_start3A_166 : memref<100xi32, #tpu.memory_space<vmem>>) semaphore(%arg11 : memref<!tpu.dma_semaphore, #tpu.memory_space<semaphore_mem>>)
      %run_scoped3A_170 = arith.constant 5 : i32
      "tpu.region"() ({
        %run_scoped3A_225 = tpu.sem_alloc : memref<!tpu.dma_semaphore, #tpu.memory_space<semaphore_mem>>
        %dma_start3A_226 = arith.constant 0 : i32
        %dma_start3A_227 = tpu.memref_slice %arg7[%run_scoped3A_170, %dma_start3A_226] : memref<10x100xi32, #tpu.memory_space<vmem>> -> memref<1x100xi32, #tpu.memory_space<vmem>>
        %dma_start3A_228 = tpu.memref_squeeze %dma_start3A_227 : memref<1x100xi32, #tpu.memory_space<vmem>> -> memref<100xi32, #tpu.memory_space<vmem>>
        %dma_start3A_229 = arith.constant 0 : i32
        %dma_start3A_230 = arith.constant 0 : i32
        %dma_start3A_231 = tpu.memref_slice %arg10[%dma_start3A_229, %dma_start3A_230] : memref<10000x128xf32, #tpu.memory_space<vmem_shared>> -> memref<10000x128xf32, #tpu.memory_space<vmem_shared>>
        tpu.enqueue_indirect_dma source(%arg9 : memref<100x128xf32, #tpu.memory_space<vmem>>) target(%dma_start3A_231 : memref<10000x128xf32, #tpu.memory_space<vmem_shared>>) offsets(%dma_start3A_228 : memref<100xi32, #tpu.memory_space<vmem>>) semaphore(%run_scoped3A_225 : memref<!tpu.dma_semaphore, #tpu.memory_space<semaphore_mem>>) {add = true}
        %dma_wait3A_232 = arith.constant 0 : i32
        %dma_wait3A_233 = tpu.memref_slice %arg7[%run_scoped3A_170, %dma_wait3A_232] : memref<10x100xi32, #tpu.memory_space<vmem>> -> memref<1x100xi32, #tpu.memory_space<vmem>>
        %dma_wait3A_234 = tpu.memref_squeeze %dma_wait3A_233 : memref<1x100xi32, #tpu.memory_space<vmem>> -> memref<100xi32, #tpu.memory_space<vmem>>
        %dma_wait3A_235 = arith.constant 0 : i32
        %dma_wait3A_236 = arith.constant 0 : i32
        %dma_wait3A_237 = tpu.memref_slice %arg10[%dma_wait3A_235, %dma_wait3A_236] : memref<10000x128xf32, #tpu.memory_space<vmem_shared>> -> memref<10000x128xf32, #tpu.memory_space<vmem_shared>>
        tpu.wait_indirect_dma semaphore(%run_scoped3A_225 : memref<!tpu.dma_semaphore, #tpu.memory_space<semaphore_mem>>) src(%arg9 : memref<100x128xf32, #tpu.memory_space<vmem>>) dst(%dma_wait3A_237 : memref<10000x128xf32, #tpu.memory_space<vmem_shared>>)
        tpu.yield
      }) : () -> ()
      %dma_wait3A_171 = arith.constant 6 : i32
      %dma_wait3A_172 = arith.constant 0 : i32
      %dma_wait3A_173 = tpu.memref_slice %arg6[%dma_wait3A_171, %dma_wait3A_172] : memref<10x100xi32, #tpu.memory_space<vmem>> -> memref<1x100xi32, #tpu.memory_space<vmem>>
      %dma_wait3A_174 = tpu.memref_squeeze %dma_wait3A_173 : memref<1x100xi32, #tpu.memory_space<vmem>> -> memref<100xi32, #tpu.memory_space<vmem>>
      %dma_wait3A_175 = arith.constant 0 : i32
      %dma_wait3A_176 = arith.constant 0 : i32
      %dma_wait3A_177 = tpu.memref_slice %arg2[%dma_wait3A_175, %dma_wait3A_176] : memref<10000x128xf32, #tpu.memory_space<hbm>> -> memref<10000x128xf32, #tpu.memory_space<hbm>>
      tpu.wait_indirect_dma semaphore(%arg11 : memref<!tpu.dma_semaphore, #tpu.memory_space<semaphore_mem>>) src(%dma_wait3A_177 : memref<10000x128xf32, #tpu.memory_space<hbm>>) dst(%arg8 : memref<100x128xf32, #tpu.memory_space<vmem>>)
      %dma_start3A_178 = arith.constant 7 : i32
      %dma_start3A_179 = arith.constant 0 : i32
      %dma_start3A_180 = tpu.memref_slice %arg6[%dma_start3A_178, %dma_start3A_179] : memref<10x100xi32, #tpu.memory_space<vmem>> -> memref<1x100xi32, #tpu.memory_space<vmem>>
      %dma_start3A_181 = tpu.memref_squeeze %dma_start3A_180 : memref<1x100xi32, #tpu.memory_space<vmem>> -> memref<100xi32, #tpu.memory_space<vmem>>
      %dma_start3A_182 = arith.constant 0 : i32
      %dma_start3A_183 = arith.constant 0 : i32
      %dma_start3A_184 = tpu.memref_slice %arg2[%dma_start3A_182, %dma_start3A_183] : memref<10000x128xf32, #tpu.memory_space<hbm>> -> memref<10000x128xf32, #tpu.memory_space<hbm>>
      tpu.enqueue_indirect_dma source(%dma_start3A_184 : memref<10000x128xf32, #tpu.memory_space<hbm>>) target(%arg9 : memref<100x128xf32, #tpu.memory_space<vmem>>) offsets(%dma_start3A_181 : memref<100xi32, #tpu.memory_space<vmem>>) semaphore(%arg12 : memref<!tpu.dma_semaphore, #tpu.memory_space<semaphore_mem>>)
      %run_scoped3A_185 = arith.constant 6 : i32
      "tpu.region"() ({
        %run_scoped3A_225 = tpu.sem_alloc : memref<!tpu.dma_semaphore, #tpu.memory_space<semaphore_mem>>
        %dma_start3A_226 = arith.constant 0 : i32
        %dma_start3A_227 = tpu.memref_slice %arg7[%run_scoped3A_185, %dma_start3A_226] : memref<10x100xi32, #tpu.memory_space<vmem>> -> memref<1x100xi32, #tpu.memory_space<vmem>>
        %dma_start3A_228 = tpu.memref_squeeze %dma_start3A_227 : memref<1x100xi32, #tpu.memory_space<vmem>> -> memref<100xi32, #tpu.memory_space<vmem>>
        %dma_start3A_229 = arith.constant 0 : i32
        %dma_start3A_230 = arith.constant 0 : i32
        %dma_start3A_231 = tpu.memref_slice %arg10[%dma_start3A_229, %dma_start3A_230] : memref<10000x128xf32, #tpu.memory_space<vmem_shared>> -> memref<10000x128xf32, #tpu.memory_space<vmem_shared>>
        tpu.enqueue_indirect_dma source(%arg8 : memref<100x128xf32, #tpu.memory_space<vmem>>) target(%dma_start3A_231 : memref<10000x128xf32, #tpu.memory_space<vmem_shared>>) offsets(%dma_start3A_228 : memref<100xi32, #tpu.memory_space<vmem>>) semaphore(%run_scoped3A_225 : memref<!tpu.dma_semaphore, #tpu.memory_space<semaphore_mem>>) {add = true}
        %dma_wait3A_232 = arith.constant 0 : i32
        %dma_wait3A_233 = tpu.memref_slice %arg7[%run_scoped3A_185, %dma_wait3A_232] : memref<10x100xi32, #tpu.memory_space<vmem>> -> memref<1x100xi32, #tpu.memory_space<vmem>>
        %dma_wait3A_234 = tpu.memref_squeeze %dma_wait3A_233 : memref<1x100xi32, #tpu.memory_space<vmem>> -> memref<100xi32, #tpu.memory_space<vmem>>
        %dma_wait3A_235 = arith.constant 0 : i32
        %dma_wait3A_236 = arith.constant 0 : i32
        %dma_wait3A_237 = tpu.memref_slice %arg10[%dma_wait3A_235, %dma_wait3A_236] : memref<10000x128xf32, #tpu.memory_space<vmem_shared>> -> memref<10000x128xf32, #tpu.memory_space<vmem_shared>>
        tpu.wait_indirect_dma semaphore(%run_scoped3A_225 : memref<!tpu.dma_semaphore, #tpu.memory_space<semaphore_mem>>) src(%arg8 : memref<100x128xf32, #tpu.memory_space<vmem>>) dst(%dma_wait3A_237 : memref<10000x128xf32, #tpu.memory_space<vmem_shared>>)
        tpu.yield
      }) : () -> ()
      %dma_wait3A_186 = arith.constant 7 : i32
      %dma_wait3A_187 = arith.constant 0 : i32
      %dma_wait3A_188 = tpu.memref_slice %arg6[%dma_wait3A_186, %dma_wait3A_187] : memref<10x100xi32, #tpu.memory_space<vmem>> -> memref<1x100xi32, #tpu.memory_space<vmem>>
      %dma_wait3A_189 = tpu.memref_squeeze %dma_wait3A_188 : memref<1x100xi32, #tpu.memory_space<vmem>> -> memref<100xi32, #tpu.memory_space<vmem>>
      %dma_wait3A_190 = arith.constant 0 : i32
      %dma_wait3A_191 = arith.constant 0 : i32
      %dma_wait3A_192 = tpu.memref_slice %arg2[%dma_wait3A_190, %dma_wait3A_191] : memref<10000x128xf32, #tpu.memory_space<hbm>> -> memref<10000x128xf32, #tpu.memory_space<hbm>>
      tpu.wait_indirect_dma semaphore(%arg12 : memref<!tpu.dma_semaphore, #tpu.memory_space<semaphore_mem>>) src(%dma_wait3A_192 : memref<10000x128xf32, #tpu.memory_space<hbm>>) dst(%arg9 : memref<100x128xf32, #tpu.memory_space<vmem>>)
      %dma_start3A_193 = arith.constant 8 : i32
      %dma_start3A_194 = arith.constant 0 : i32
      %dma_start3A_195 = tpu.memref_slice %arg6[%dma_start3A_193, %dma_start3A_194] : memref<10x100xi32, #tpu.memory_space<vmem>> -> memref<1x100xi32, #tpu.memory_space<vmem>>
      %dma_start3A_196 = tpu.memref_squeeze %dma_start3A_195 : memref<1x100xi32, #tpu.memory_space<vmem>> -> memref<100xi32, #tpu.memory_space<vmem>>
      %dma_start3A_197 = arith.constant 0 : i32
      %dma_start3A_198 = arith.constant 0 : i32
      %dma_start3A_199 = tpu.memref_slice %arg2[%dma_start3A_197, %dma_start3A_198] : memref<10000x128xf32, #tpu.memory_space<hbm>> -> memref<10000x128xf32, #tpu.memory_space<hbm>>
      tpu.enqueue_indirect_dma source(%dma_start3A_199 : memref<10000x128xf32, #tpu.memory_space<hbm>>) target(%arg8 : memref<100x128xf32, #tpu.memory_space<vmem>>) offsets(%dma_start3A_196 : memref<100xi32, #tpu.memory_space<vmem>>) semaphore(%arg11 : memref<!tpu.dma_semaphore, #tpu.memory_space<semaphore_mem>>)
      %run_scoped3A_200 = arith.constant 7 : i32
      "tpu.region"() ({
        %run_scoped3A_225 = tpu.sem_alloc : memref<!tpu.dma_semaphore, #tpu.memory_space<semaphore_mem>>
        %dma_start3A_226 = arith.constant 0 : i32
        %dma_start3A_227 = tpu.memref_slice %arg7[%run_scoped3A_200, %dma_start3A_226] : memref<10x100xi32, #tpu.memory_space<vmem>> -> memref<1x100xi32, #tpu.memory_space<vmem>>
        %dma_start3A_228 = tpu.memref_squeeze %dma_start3A_227 : memref<1x100xi32, #tpu.memory_space<vmem>> -> memref<100xi32, #tpu.memory_space<vmem>>
        %dma_start3A_229 = arith.constant 0 : i32
        %dma_start3A_230 = arith.constant 0 : i32
        %dma_start3A_231 = tpu.memref_slice %arg10[%dma_start3A_229, %dma_start3A_230] : memref<10000x128xf32, #tpu.memory_space<vmem_shared>> -> memref<10000x128xf32, #tpu.memory_space<vmem_shared>>
        tpu.enqueue_indirect_dma source(%arg9 : memref<100x128xf32, #tpu.memory_space<vmem>>) target(%dma_start3A_231 : memref<10000x128xf32, #tpu.memory_space<vmem_shared>>) offsets(%dma_start3A_228 : memref<100xi32, #tpu.memory_space<vmem>>) semaphore(%run_scoped3A_225 : memref<!tpu.dma_semaphore, #tpu.memory_space<semaphore_mem>>) {add = true}
        %dma_wait3A_232 = arith.constant 0 : i32
        %dma_wait3A_233 = tpu.memref_slice %arg7[%run_scoped3A_200, %dma_wait3A_232] : memref<10x100xi32, #tpu.memory_space<vmem>> -> memref<1x100xi32, #tpu.memory_space<vmem>>
        %dma_wait3A_234 = tpu.memref_squeeze %dma_wait3A_233 : memref<1x100xi32, #tpu.memory_space<vmem>> -> memref<100xi32, #tpu.memory_space<vmem>>
        %dma_wait3A_235 = arith.constant 0 : i32
        %dma_wait3A_236 = arith.constant 0 : i32
        %dma_wait3A_237 = tpu.memref_slice %arg10[%dma_wait3A_235, %dma_wait3A_236] : memref<10000x128xf32, #tpu.memory_space<vmem_shared>> -> memref<10000x128xf32, #tpu.memory_space<vmem_shared>>
        tpu.wait_indirect_dma semaphore(%run_scoped3A_225 : memref<!tpu.dma_semaphore, #tpu.memory_space<semaphore_mem>>) src(%arg9 : memref<100x128xf32, #tpu.memory_space<vmem>>) dst(%dma_wait3A_237 : memref<10000x128xf32, #tpu.memory_space<vmem_shared>>)
        tpu.yield
      }) : () -> ()
      %dma_wait3A_201 = arith.constant 8 : i32
      %dma_wait3A_202 = arith.constant 0 : i32
      %dma_wait3A_203 = tpu.memref_slice %arg6[%dma_wait3A_201, %dma_wait3A_202] : memref<10x100xi32, #tpu.memory_space<vmem>> -> memref<1x100xi32, #tpu.memory_space<vmem>>
      %dma_wait3A_204 = tpu.memref_squeeze %dma_wait3A_203 : memref<1x100xi32, #tpu.memory_space<vmem>> -> memref<100xi32, #tpu.memory_space<vmem>>
      %dma_wait3A_205 = arith.constant 0 : i32
      %dma_wait3A_206 = arith.constant 0 : i32
      %dma_wait3A_207 = tpu.memref_slice %arg2[%dma_wait3A_205, %dma_wait3A_206] : memref<10000x128xf32, #tpu.memory_space<hbm>> -> memref<10000x128xf32, #tpu.memory_space<hbm>>
      tpu.wait_indirect_dma semaphore(%arg11 : memref<!tpu.dma_semaphore, #tpu.memory_space<semaphore_mem>>) src(%dma_wait3A_207 : memref<10000x128xf32, #tpu.memory_space<hbm>>) dst(%arg8 : memref<100x128xf32, #tpu.memory_space<vmem>>)
      %dma_start3A_208 = arith.constant 9 : i32
      %dma_start3A_209 = arith.constant 0 : i32
      %dma_start3A_210 = tpu.memref_slice %arg6[%dma_start3A_208, %dma_start3A_209] : memref<10x100xi32, #tpu.memory_space<vmem>> -> memref<1x100xi32, #tpu.memory_space<vmem>>
      %dma_start3A_211 = tpu.memref_squeeze %dma_start3A_210 : memref<1x100xi32, #tpu.memory_space<vmem>> -> memref<100xi32, #tpu.memory_space<vmem>>
      %dma_start3A_212 = arith.constant 0 : i32
      %dma_start3A_213 = arith.constant 0 : i32
      %dma_start3A_214 = tpu.memref_slice %arg2[%dma_start3A_212, %dma_start3A_213] : memref<10000x128xf32, #tpu.memory_space<hbm>> -> memref<10000x128xf32, #tpu.memory_space<hbm>>
      tpu.enqueue_indirect_dma source(%dma_start3A_214 : memref<10000x128xf32, #tpu.memory_space<hbm>>) target(%arg9 : memref<100x128xf32, #tpu.memory_space<vmem>>) offsets(%dma_start3A_211 : memref<100xi32, #tpu.memory_space<vmem>>) semaphore(%arg12 : memref<!tpu.dma_semaphore, #tpu.memory_space<semaphore_mem>>)
      %run_scoped3A_215 = arith.constant 8 : i32
      "tpu.region"() ({
        %run_scoped3A_225 = tpu.sem_alloc : memref<!tpu.dma_semaphore, #tpu.memory_space<semaphore_mem>>
        %dma_start3A_226 = arith.constant 0 : i32
        %dma_start3A_227 = tpu.memref_slice %arg7[%run_scoped3A_215, %dma_start3A_226] : memref<10x100xi32, #tpu.memory_space<vmem>> -> memref<1x100xi32, #tpu.memory_space<vmem>>
        %dma_start3A_228 = tpu.memref_squeeze %dma_start3A_227 : memref<1x100xi32, #tpu.memory_space<vmem>> -> memref<100xi32, #tpu.memory_space<vmem>>
        %dma_start3A_229 = arith.constant 0 : i32
        %dma_start3A_230 = arith.constant 0 : i32
        %dma_start3A_231 = tpu.memref_slice %arg10[%dma_start3A_229, %dma_start3A_230] : memref<10000x128xf32, #tpu.memory_space<vmem_shared>> -> memref<10000x128xf32, #tpu.memory_space<vmem_shared>>
        tpu.enqueue_indirect_dma source(%arg8 : memref<100x128xf32, #tpu.memory_space<vmem>>) target(%dma_start3A_231 : memref<10000x128xf32, #tpu.memory_space<vmem_shared>>) offsets(%dma_start3A_228 : memref<100xi32, #tpu.memory_space<vmem>>) semaphore(%run_scoped3A_225 : memref<!tpu.dma_semaphore, #tpu.memory_space<semaphore_mem>>) {add = true}
        %dma_wait3A_232 = arith.constant 0 : i32
        %dma_wait3A_233 = tpu.memref_slice %arg7[%run_scoped3A_215, %dma_wait3A_232] : memref<10x100xi32, #tpu.memory_space<vmem>> -> memref<1x100xi32, #tpu.memory_space<vmem>>
        %dma_wait3A_234 = tpu.memref_squeeze %dma_wait3A_233 : memref<1x100xi32, #tpu.memory_space<vmem>> -> memref<100xi32, #tpu.memory_space<vmem>>
        %dma_wait3A_235 = arith.constant 0 : i32
        %dma_wait3A_236 = arith.constant 0 : i32
        %dma_wait3A_237 = tpu.memref_slice %arg10[%dma_wait3A_235, %dma_wait3A_236] : memref<10000x128xf32, #tpu.memory_space<vmem_shared>> -> memref<10000x128xf32, #tpu.memory_space<vmem_shared>>
        tpu.wait_indirect_dma semaphore(%run_scoped3A_225 : memref<!tpu.dma_semaphore, #tpu.memory_space<semaphore_mem>>) src(%arg8 : memref<100x128xf32, #tpu.memory_space<vmem>>) dst(%dma_wait3A_237 : memref<10000x128xf32, #tpu.memory_space<vmem_shared>>)
        tpu.yield
      }) : () -> ()
      %dma_wait3A_216 = arith.constant 9 : i32
      %dma_wait3A_217 = arith.constant 0 : i32
      %dma_wait3A_218 = tpu.memref_slice %arg6[%dma_wait3A_216, %dma_wait3A_217] : memref<10x100xi32, #tpu.memory_space<vmem>> -> memref<1x100xi32, #tpu.memory_space<vmem>>
      %dma_wait3A_219 = tpu.memref_squeeze %dma_wait3A_218 : memref<1x100xi32, #tpu.memory_space<vmem>> -> memref<100xi32, #tpu.memory_space<vmem>>
      %dma_wait3A_220 = arith.constant 0 : i32
      %dma_wait3A_221 = arith.constant 0 : i32
      %dma_wait3A_222 = tpu.memref_slice %arg2[%dma_wait3A_220, %dma_wait3A_221] : memref<10000x128xf32, #tpu.memory_space<hbm>> -> memref<10000x128xf32, #tpu.memory_space<hbm>>
      tpu.wait_indirect_dma semaphore(%arg12 : memref<!tpu.dma_semaphore, #tpu.memory_space<semaphore_mem>>) src(%dma_wait3A_222 : memref<10000x128xf32, #tpu.memory_space<hbm>>) dst(%arg9 : memref<100x128xf32, #tpu.memory_space<vmem>>)
      %run_scoped3A_223 = arith.constant 9 : i32
      "tpu.region"() ({
        %run_scoped3A_225 = tpu.sem_alloc : memref<!tpu.dma_semaphore, #tpu.memory_space<semaphore_mem>>
        %dma_start3A_226 = arith.constant 0 : i32
        %dma_start3A_227 = tpu.memref_slice %arg7[%run_scoped3A_223, %dma_start3A_226] : memref<10x100xi32, #tpu.memory_space<vmem>> -> memref<1x100xi32, #tpu.memory_space<vmem>>
        %dma_start3A_228 = tpu.memref_squeeze %dma_start3A_227 : memref<1x100xi32, #tpu.memory_space<vmem>> -> memref<100xi32, #tpu.memory_space<vmem>>
        %dma_start3A_229 = arith.constant 0 : i32
        %dma_start3A_230 = arith.constant 0 : i32
        %dma_start3A_231 = tpu.memref_slice %arg10[%dma_start3A_229, %dma_start3A_230] : memref<10000x128xf32, #tpu.memory_space<vmem_shared>> -> memref<10000x128xf32, #tpu.memory_space<vmem_shared>>
        tpu.enqueue_indirect_dma source(%arg9 : memref<100x128xf32, #tpu.memory_space<vmem>>) target(%dma_start3A_231 : memref<10000x128xf32, #tpu.memory_space<vmem_shared>>) offsets(%dma_start3A_228 : memref<100xi32, #tpu.memory_space<vmem>>) semaphore(%run_scoped3A_225 : memref<!tpu.dma_semaphore, #tpu.memory_space<semaphore_mem>>) {add = true}
        %dma_wait3A_232 = arith.constant 0 : i32
        %dma_wait3A_233 = tpu.memref_slice %arg7[%run_scoped3A_223, %dma_wait3A_232] : memref<10x100xi32, #tpu.memory_space<vmem>> -> memref<1x100xi32, #tpu.memory_space<vmem>>
        %dma_wait3A_234 = tpu.memref_squeeze %dma_wait3A_233 : memref<1x100xi32, #tpu.memory_space<vmem>> -> memref<100xi32, #tpu.memory_space<vmem>>
        %dma_wait3A_235 = arith.constant 0 : i32
        %dma_wait3A_236 = arith.constant 0 : i32
        %dma_wait3A_237 = tpu.memref_slice %arg10[%dma_wait3A_235, %dma_wait3A_236] : memref<10000x128xf32, #tpu.memory_space<vmem_shared>> -> memref<10000x128xf32, #tpu.memory_space<vmem_shared>>
        tpu.wait_indirect_dma semaphore(%run_scoped3A_225 : memref<!tpu.dma_semaphore, #tpu.memory_space<semaphore_mem>>) src(%arg9 : memref<100x128xf32, #tpu.memory_space<vmem>>) dst(%dma_wait3A_237 : memref<10000x128xf32, #tpu.memory_space<vmem_shared>>)
        tpu.yield
      }) : () -> ()
      %scan3A_224 = arith.constant 0 : i32
      scf.yield %scan3A_224 : i32
    }
    %scan3A_64 = arith.constant 20 : i32
    %barrier3A_65 = arith.constant 0 : index
    tpu.barrier barrier_id(%barrier3A_65)
    %mul3A_66 = arith.constant 624 : i32
    %mul3A_67 = arith.muli %arg1, %mul3A_66 : i32
    %mul3A_68 = arith.constant 624 : i32
    %mul3A_69 = arith.muli %arg1, %mul3A_68 : i32
    "tpu.region"() ({
      %run_scoped3A = tpu.sem_alloc : memref<!tpu.dma_semaphore, #tpu.memory_space<semaphore_mem>>
      %dma_start3A = arith.constant 0 : i32
      %dma_start3A_75 = tpu.memref_slice %arg5[%mul3A_69, %dma_start3A] : memref<10000x128xf32, #tpu.memory_space<hbm>> -> memref<624x128xf32, #tpu.memory_space<hbm>>
      %dma_start3A_76 = arith.constant 0 : i32
      %dma_start3A_77 = tpu.memref_slice %arg10[%mul3A_67, %dma_start3A_76] : memref<10000x128xf32, #tpu.memory_space<vmem_shared>> -> memref<624x128xf32, #tpu.memory_space<vmem_shared>>
      tpu.enqueue_dma source(%dma_start3A_77 : memref<624x128xf32, #tpu.memory_space<vmem_shared>>) target(%dma_start3A_75 : memref<624x128xf32, #tpu.memory_space<hbm>>) target_semaphore(%run_scoped3A : memref<!tpu.dma_semaphore, #tpu.memory_space<semaphore_mem>>)
      %dma_wait3A = arith.constant 0 : i32
      %dma_wait3A_78 = tpu.memref_slice %arg5[%mul3A_69, %dma_wait3A] : memref<10000x128xf32, #tpu.memory_space<hbm>> -> memref<624x128xf32, #tpu.memory_space<hbm>>
      %dma_wait3A_79 = arith.constant 0 : i32
      %dma_wait3A_80 = tpu.memref_slice %arg10[%mul3A_67, %dma_wait3A_79] : memref<10000x128xf32, #tpu.memory_space<vmem_shared>> -> memref<624x128xf32, #tpu.memory_space<vmem_shared>>
      tpu.wait_dma2 semaphore(%run_scoped3A : memref<!tpu.dma_semaphore, #tpu.memory_space<semaphore_mem>>) src(%dma_wait3A_80 : memref<624x128xf32, #tpu.memory_space<vmem_shared>>) dst(%dma_wait3A_78 : memref<624x128xf32, #tpu.memory_space<hbm>>)
      tpu.yield
    }) : () -> ()
    %eq3A_70 = arith.constant 15 : i32
    %eq3A_71 = arith.cmpi eq, %arg1, %eq3A_70 : i32
    %convert_element_type3A_72 = arith.extui %eq3A_71 : i1 to i32
    %cond3A_73 = arith.constant 0 : i32
    %cond3A_74 = arith.cmpi ne, %convert_element_type3A_72, %cond3A_73 : i32
    scf.if %cond3A_74 {
      "tpu.region"() ({
        %run_scoped3A = tpu.sem_alloc : memref<!tpu.dma_semaphore, #tpu.memory_space<semaphore_mem>>
        %dma_start3A = arith.constant 9984 : i32
        %dma_start3A_75 = arith.constant 0 : i32
        %dma_start3A_76 = tpu.memref_slice %arg5[%dma_start3A, %dma_start3A_75] : memref<10000x128xf32, #tpu.memory_space<hbm>> -> memref<16x128xf32, #tpu.memory_space<hbm>>
        %dma_start3A_77 = arith.constant 9984 : i32
        %dma_start3A_78 = arith.constant 0 : i32
        %dma_start3A_79 = tpu.memref_slice %arg10[%dma_start3A_77, %dma_start3A_78] : memref<10000x128xf32, #tpu.memory_space<vmem_shared>> -> memref<16x128xf32, #tpu.memory_space<vmem_shared>>
        tpu.enqueue_dma source(%dma_start3A_79 : memref<16x128xf32, #tpu.memory_space<vmem_shared>>) target(%dma_start3A_76 : memref<16x128xf32, #tpu.memory_space<hbm>>) target_semaphore(%run_scoped3A : memref<!tpu.dma_semaphore, #tpu.memory_space<semaphore_mem>>)
        %dma_wait3A = arith.constant 9984 : i32
        %dma_wait3A_80 = arith.constant 0 : i32
        %dma_wait3A_81 = tpu.memref_slice %arg5[%dma_wait3A, %dma_wait3A_80] : memref<10000x128xf32, #tpu.memory_space<hbm>> -> memref<16x128xf32, #tpu.memory_space<hbm>>
        %dma_wait3A_82 = arith.constant 9984 : i32
        %dma_wait3A_83 = arith.constant 0 : i32
        %dma_wait3A_84 = tpu.memref_slice %arg10[%dma_wait3A_82, %dma_wait3A_83] : memref<10000x128xf32, #tpu.memory_space<vmem_shared>> -> memref<16x128xf32, #tpu.memory_space<vmem_shared>>
        tpu.wait_dma2 semaphore(%run_scoped3A : memref<!tpu.dma_semaphore, #tpu.memory_space<semaphore_mem>>) src(%dma_wait3A_84 : memref<16x128xf32, #tpu.memory_space<vmem_shared>>) dst(%dma_wait3A_81 : memref<16x128xf32, #tpu.memory_space<hbm>>)
        tpu.yield
      }) : () -> ()
    } else {
    }
    return
  }
}

#map = affine_map<(d0, d1) -> (0, 0, 0, 0)>
#map1 = affine_map<(d0, d1) -> (0, 0)>
module attributes {stable_mosaic.version = 14 : i64} {
  func.func @_deg_kernel(%arg0: i32, %arg1: i32, %arg2: memref<32x25x5x80xi32, #tpu.memory_space<hbm>>, %arg3: memref<32x10000xf32, #tpu.memory_space<hbm>>, %arg4: memref<5x80xi32, #tpu.memory_space<vmem>>, %arg5: memref<10000xf32, #tpu.memory_space<vmem>>) attributes {dimension_semantics = [#tpu.dimension_semantics<core_parallel>, #tpu.dimension_semantics<subcore_parallel>], iteration_bounds = array<i64: 2, 16>, scalar_prefetch = 0 : i64, scratch_operands = 2 : i64, tpu.core_type = #tpu.core_type<sc_vector_subcore>, window_params = [{transform_indices = #map}, {transform_indices = #map1}]} {
    %mul3A = arith.constant 16 : i32
    %mul3A_0 = arith.muli %arg0, %mul3A : i32
    %add3A = arith.addi %mul3A_0, %arg1 : i32
    %broadcast_in_dim3A = arith.constant 0.000000e+00 : f32
    %broadcast_in_dim3A_1 = vector.broadcast %broadcast_in_dim3A : f32 to vector<16xf32>
    %broadcast_in_dim3A_2 = arith.constant 1.000000e+00 : f32
    %broadcast_in_dim3A_3 = vector.broadcast %broadcast_in_dim3A_2 : f32 to vector<16xf32>
    %scan3A = arith.constant 0 : i32
    %scan3A_4 = arith.constant 0 : i32
    %scan3A_5 = arith.constant 625 : i32
    %scan3A_6 = arith.addi %scan3A_4, %scan3A_5 : i32
    %scan3A_7 = arith.constant 1 : i32
    %scan3A_8 = scf.for %scan3A_17 = %scan3A_4 to %scan3A_6 step %scan3A_7 iter_args(%scan3A_18 = %scan3A) -> (i32)  : i32 {
      %mul3A_19 = arith.constant 16 : i32
      %mul3A_20 = arith.muli %scan3A_17, %mul3A_19 : i32
      %swap3A = arith.index_cast %mul3A_20 : i32 to index
      %swap3A_21 = tpu.vector_load %arg5[%swap3A] {strides = array<i32>} : memref<10000xf32, #tpu.memory_space<vmem>>, vector<16xf32>,
      tpu.vector_store %arg5[%swap3A], %broadcast_in_dim3A_1 {strides = array<i32>} : memref<10000xf32, #tpu.memory_space<vmem>>, vector<16xf32>,
      %scan3A_22 = arith.constant 0 : i32
      scf.yield %scan3A_22 : i32
    }
    %scan3A_9 = arith.constant 625 : i32
    %scan3A_10 = arith.constant 0 : i32
    %scan3A_11 = arith.constant 0 : i32
    %scan3A_12 = arith.constant 25 : i32
    %scan3A_13 = arith.addi %scan3A_11, %scan3A_12 : i32
    %scan3A_14 = arith.constant 1 : i32
    %scan3A_15 = scf.for %scan3A_17 = %scan3A_11 to %scan3A_13 step %scan3A_14 iter_args(%scan3A_18 = %scan3A_10) -> (i32)  : i32 {
      "tpu.region"() ({
        %run_scoped3A = tpu.sem_alloc : memref<!tpu.dma_semaphore, #tpu.memory_space<semaphore_mem>>
        %dma_start3A = arith.constant 0 : i32
        %dma_start3A_119 = arith.constant 0 : i32
        %dma_start3A_120 = tpu.memref_slice %arg2[%add3A, %scan3A_17, %dma_start3A, %dma_start3A_119] : memref<32x25x5x80xi32, #tpu.memory_space<hbm>> -> memref<1x1x5x80xi32, #tpu.memory_space<hbm>>
        %dma_start3A_121 = tpu.memref_squeeze %dma_start3A_120 : memref<1x1x5x80xi32, #tpu.memory_space<hbm>> -> memref<5x80xi32, #tpu.memory_space<hbm>>
        %dma_start3A_122 = arith.constant 0 : i32
        %dma_start3A_123 = arith.constant 0 : i32
        %dma_start3A_124 = tpu.memref_slice %arg2[%add3A, %scan3A_17, %dma_start3A_122, %dma_start3A_123] : memref<32x25x5x80xi32, #tpu.memory_space<hbm>> -> memref<1x1x5x80xi32, #tpu.memory_space<hbm>>
        %dma_start3A_125 = tpu.memref_squeeze %dma_start3A_124 : memref<1x1x5x80xi32, #tpu.memory_space<hbm>> -> memref<5x80xi32, #tpu.memory_space<hbm>>
        tpu.enqueue_dma source(%dma_start3A_125 : memref<5x80xi32, #tpu.memory_space<hbm>>) target(%arg4 : memref<5x80xi32, #tpu.memory_space<vmem>>) target_semaphore(%run_scoped3A : memref<!tpu.dma_semaphore, #tpu.memory_space<semaphore_mem>>)
        %dma_wait3A = arith.constant 0 : i32
        %dma_wait3A_126 = arith.constant 0 : i32
        %dma_wait3A_127 = tpu.memref_slice %arg2[%add3A, %scan3A_17, %dma_wait3A, %dma_wait3A_126] : memref<32x25x5x80xi32, #tpu.memory_space<hbm>> -> memref<1x1x5x80xi32, #tpu.memory_space<hbm>>
        %dma_wait3A_128 = tpu.memref_squeeze %dma_wait3A_127 : memref<1x1x5x80xi32, #tpu.memory_space<hbm>> -> memref<5x80xi32, #tpu.memory_space<hbm>>
        %dma_wait3A_129 = arith.constant 0 : i32
        %dma_wait3A_130 = arith.constant 0 : i32
        %dma_wait3A_131 = tpu.memref_slice %arg2[%add3A, %scan3A_17, %dma_wait3A_129, %dma_wait3A_130] : memref<32x25x5x80xi32, #tpu.memory_space<hbm>> -> memref<1x1x5x80xi32, #tpu.memory_space<hbm>>
        %dma_wait3A_132 = tpu.memref_squeeze %dma_wait3A_131 : memref<1x1x5x80xi32, #tpu.memory_space<hbm>> -> memref<5x80xi32, #tpu.memory_space<hbm>>
        tpu.wait_dma2 semaphore(%run_scoped3A : memref<!tpu.dma_semaphore, #tpu.memory_space<semaphore_mem>>) src(%dma_wait3A_132 : memref<5x80xi32, #tpu.memory_space<hbm>>) dst(%arg4 : memref<5x80xi32, #tpu.memory_space<vmem>>)
        tpu.yield
      }) : () -> ()
      %get3A = arith.constant 0 : i32
      %get3A_19 = arith.index_cast %get3A : i32 to index
      %get3A_20 = arith.constant 0 : index
      %get3A_21 = tpu.vector_load %arg4[%get3A_19, %get3A_20] {strides = array<i32>} : memref<5x80xi32, #tpu.memory_space<vmem>>, vector<16xi32>,
      tpu.vector_store_idx %arg5[%get3A_21], %broadcast_in_dim3A_3 {add = true} : memref<10000xf32, #tpu.memory_space<vmem>>[vector<16xi32>], vector<16xf32>,
      %get3A_22 = arith.constant 0 : i32
      %get3A_23 = arith.index_cast %get3A_22 : i32 to index
      %get3A_24 = arith.constant 16 : index
      %get3A_25 = tpu.vector_load %arg4[%get3A_23, %get3A_24] {strides = array<i32>} : memref<5x80xi32, #tpu.memory_space<vmem>>, vector<16xi32>,
      tpu.vector_store_idx %arg5[%get3A_25], %broadcast_in_dim3A_3 {add = true} : memref<10000xf32, #tpu.memory_space<vmem>>[vector<16xi32>], vector<16xf32>,
      %get3A_26 = arith.constant 0 : i32
      %get3A_27 = arith.index_cast %get3A_26 : i32 to index
      %get3A_28 = arith.constant 32 : index
      %get3A_29 = tpu.vector_load %arg4[%get3A_27, %get3A_28] {strides = array<i32>} : memref<5x80xi32, #tpu.memory_space<vmem>>, vector<16xi32>,
      tpu.vector_store_idx %arg5[%get3A_29], %broadcast_in_dim3A_3 {add = true} : memref<10000xf32, #tpu.memory_space<vmem>>[vector<16xi32>], vector<16xf32>,
      %get3A_30 = arith.constant 0 : i32
      %get3A_31 = arith.index_cast %get3A_30 : i32 to index
      %get3A_32 = arith.constant 48 : index
      %get3A_33 = tpu.vector_load %arg4[%get3A_31, %get3A_32] {strides = array<i32>} : memref<5x80xi32, #tpu.memory_space<vmem>>, vector<16xi32>,
      tpu.vector_store_idx %arg5[%get3A_33], %broadcast_in_dim3A_3 {add = true} : memref<10000xf32, #tpu.memory_space<vmem>>[vector<16xi32>], vector<16xf32>,
      %get3A_34 = arith.constant 0 : i32
      %get3A_35 = arith.index_cast %get3A_34 : i32 to index
      %get3A_36 = arith.constant 64 : index
      %get3A_37 = tpu.vector_load %arg4[%get3A_35, %get3A_36] {strides = array<i32>} : memref<5x80xi32, #tpu.memory_space<vmem>>, vector<16xi32>,
      tpu.vector_store_idx %arg5[%get3A_37], %broadcast_in_dim3A_3 {add = true} : memref<10000xf32, #tpu.memory_space<vmem>>[vector<16xi32>], vector<16xf32>,
      %get3A_38 = arith.constant 1 : i32
      %get3A_39 = arith.index_cast %get3A_38 : i32 to index
      %get3A_40 = arith.constant 0 : index
      %get3A_41 = tpu.vector_load %arg4[%get3A_39, %get3A_40] {strides = array<i32>} : memref<5x80xi32, #tpu.memory_space<vmem>>, vector<16xi32>,
      tpu.vector_store_idx %arg5[%get3A_41], %broadcast_in_dim3A_3 {add = true} : memref<10000xf32, #tpu.memory_space<vmem>>[vector<16xi32>], vector<16xf32>,
      %get3A_42 = arith.constant 1 : i32
      %get3A_43 = arith.index_cast %get3A_42 : i32 to index
      %get3A_44 = arith.constant 16 : index
      %get3A_45 = tpu.vector_load %arg4[%get3A_43, %get3A_44] {strides = array<i32>} : memref<5x80xi32, #tpu.memory_space<vmem>>, vector<16xi32>,
      tpu.vector_store_idx %arg5[%get3A_45], %broadcast_in_dim3A_3 {add = true} : memref<10000xf32, #tpu.memory_space<vmem>>[vector<16xi32>], vector<16xf32>,
      %get3A_46 = arith.constant 1 : i32
      %get3A_47 = arith.index_cast %get3A_46 : i32 to index
      %get3A_48 = arith.constant 32 : index
      %get3A_49 = tpu.vector_load %arg4[%get3A_47, %get3A_48] {strides = array<i32>} : memref<5x80xi32, #tpu.memory_space<vmem>>, vector<16xi32>,
      tpu.vector_store_idx %arg5[%get3A_49], %broadcast_in_dim3A_3 {add = true} : memref<10000xf32, #tpu.memory_space<vmem>>[vector<16xi32>], vector<16xf32>,
      %get3A_50 = arith.constant 1 : i32
      %get3A_51 = arith.index_cast %get3A_50 : i32 to index
      %get3A_52 = arith.constant 48 : index
      %get3A_53 = tpu.vector_load %arg4[%get3A_51, %get3A_52] {strides = array<i32>} : memref<5x80xi32, #tpu.memory_space<vmem>>, vector<16xi32>,
      tpu.vector_store_idx %arg5[%get3A_53], %broadcast_in_dim3A_3 {add = true} : memref<10000xf32, #tpu.memory_space<vmem>>[vector<16xi32>], vector<16xf32>,
      %get3A_54 = arith.constant 1 : i32
      %get3A_55 = arith.index_cast %get3A_54 : i32 to index
      %get3A_56 = arith.constant 64 : index
      %get3A_57 = tpu.vector_load %arg4[%get3A_55, %get3A_56] {strides = array<i32>} : memref<5x80xi32, #tpu.memory_space<vmem>>, vector<16xi32>,
      tpu.vector_store_idx %arg5[%get3A_57], %broadcast_in_dim3A_3 {add = true} : memref<10000xf32, #tpu.memory_space<vmem>>[vector<16xi32>], vector<16xf32>,
      %get3A_58 = arith.constant 2 : i32
      %get3A_59 = arith.index_cast %get3A_58 : i32 to index
      %get3A_60 = arith.constant 0 : index
      %get3A_61 = tpu.vector_load %arg4[%get3A_59, %get3A_60] {strides = array<i32>} : memref<5x80xi32, #tpu.memory_space<vmem>>, vector<16xi32>,
      tpu.vector_store_idx %arg5[%get3A_61], %broadcast_in_dim3A_3 {add = true} : memref<10000xf32, #tpu.memory_space<vmem>>[vector<16xi32>], vector<16xf32>,
      %get3A_62 = arith.constant 2 : i32
      %get3A_63 = arith.index_cast %get3A_62 : i32 to index
      %get3A_64 = arith.constant 16 : index
      %get3A_65 = tpu.vector_load %arg4[%get3A_63, %get3A_64] {strides = array<i32>} : memref<5x80xi32, #tpu.memory_space<vmem>>, vector<16xi32>,
      tpu.vector_store_idx %arg5[%get3A_65], %broadcast_in_dim3A_3 {add = true} : memref<10000xf32, #tpu.memory_space<vmem>>[vector<16xi32>], vector<16xf32>,
      %get3A_66 = arith.constant 2 : i32
      %get3A_67 = arith.index_cast %get3A_66 : i32 to index
      %get3A_68 = arith.constant 32 : index
      %get3A_69 = tpu.vector_load %arg4[%get3A_67, %get3A_68] {strides = array<i32>} : memref<5x80xi32, #tpu.memory_space<vmem>>, vector<16xi32>,
      tpu.vector_store_idx %arg5[%get3A_69], %broadcast_in_dim3A_3 {add = true} : memref<10000xf32, #tpu.memory_space<vmem>>[vector<16xi32>], vector<16xf32>,
      %get3A_70 = arith.constant 2 : i32
      %get3A_71 = arith.index_cast %get3A_70 : i32 to index
      %get3A_72 = arith.constant 48 : index
      %get3A_73 = tpu.vector_load %arg4[%get3A_71, %get3A_72] {strides = array<i32>} : memref<5x80xi32, #tpu.memory_space<vmem>>, vector<16xi32>,
      tpu.vector_store_idx %arg5[%get3A_73], %broadcast_in_dim3A_3 {add = true} : memref<10000xf32, #tpu.memory_space<vmem>>[vector<16xi32>], vector<16xf32>,
      %get3A_74 = arith.constant 2 : i32
      %get3A_75 = arith.index_cast %get3A_74 : i32 to index
      %get3A_76 = arith.constant 64 : index
      %get3A_77 = tpu.vector_load %arg4[%get3A_75, %get3A_76] {strides = array<i32>} : memref<5x80xi32, #tpu.memory_space<vmem>>, vector<16xi32>,
      tpu.vector_store_idx %arg5[%get3A_77], %broadcast_in_dim3A_3 {add = true} : memref<10000xf32, #tpu.memory_space<vmem>>[vector<16xi32>], vector<16xf32>,
      %get3A_78 = arith.constant 3 : i32
      %get3A_79 = arith.index_cast %get3A_78 : i32 to index
      %get3A_80 = arith.constant 0 : index
      %get3A_81 = tpu.vector_load %arg4[%get3A_79, %get3A_80] {strides = array<i32>} : memref<5x80xi32, #tpu.memory_space<vmem>>, vector<16xi32>,
      tpu.vector_store_idx %arg5[%get3A_81], %broadcast_in_dim3A_3 {add = true} : memref<10000xf32, #tpu.memory_space<vmem>>[vector<16xi32>], vector<16xf32>,
      %get3A_82 = arith.constant 3 : i32
      %get3A_83 = arith.index_cast %get3A_82 : i32 to index
      %get3A_84 = arith.constant 16 : index
      %get3A_85 = tpu.vector_load %arg4[%get3A_83, %get3A_84] {strides = array<i32>} : memref<5x80xi32, #tpu.memory_space<vmem>>, vector<16xi32>,
      tpu.vector_store_idx %arg5[%get3A_85], %broadcast_in_dim3A_3 {add = true} : memref<10000xf32, #tpu.memory_space<vmem>>[vector<16xi32>], vector<16xf32>,
      %get3A_86 = arith.constant 3 : i32
      %get3A_87 = arith.index_cast %get3A_86 : i32 to index
      %get3A_88 = arith.constant 32 : index
      %get3A_89 = tpu.vector_load %arg4[%get3A_87, %get3A_88] {strides = array<i32>} : memref<5x80xi32, #tpu.memory_space<vmem>>, vector<16xi32>,
      tpu.vector_store_idx %arg5[%get3A_89], %broadcast_in_dim3A_3 {add = true} : memref<10000xf32, #tpu.memory_space<vmem>>[vector<16xi32>], vector<16xf32>,
      %get3A_90 = arith.constant 3 : i32
      %get3A_91 = arith.index_cast %get3A_90 : i32 to index
      %get3A_92 = arith.constant 48 : index
      %get3A_93 = tpu.vector_load %arg4[%get3A_91, %get3A_92] {strides = array<i32>} : memref<5x80xi32, #tpu.memory_space<vmem>>, vector<16xi32>,
      tpu.vector_store_idx %arg5[%get3A_93], %broadcast_in_dim3A_3 {add = true} : memref<10000xf32, #tpu.memory_space<vmem>>[vector<16xi32>], vector<16xf32>,
      %get3A_94 = arith.constant 3 : i32
      %get3A_95 = arith.index_cast %get3A_94 : i32 to index
      %get3A_96 = arith.constant 64 : index
      %get3A_97 = tpu.vector_load %arg4[%get3A_95, %get3A_96] {strides = array<i32>} : memref<5x80xi32, #tpu.memory_space<vmem>>, vector<16xi32>,
      tpu.vector_store_idx %arg5[%get3A_97], %broadcast_in_dim3A_3 {add = true} : memref<10000xf32, #tpu.memory_space<vmem>>[vector<16xi32>], vector<16xf32>,
      %get3A_98 = arith.constant 4 : i32
      %get3A_99 = arith.index_cast %get3A_98 : i32 to index
      %get3A_100 = arith.constant 0 : index
      %get3A_101 = tpu.vector_load %arg4[%get3A_99, %get3A_100] {strides = array<i32>} : memref<5x80xi32, #tpu.memory_space<vmem>>, vector<16xi32>,
      tpu.vector_store_idx %arg5[%get3A_101], %broadcast_in_dim3A_3 {add = true} : memref<10000xf32, #tpu.memory_space<vmem>>[vector<16xi32>], vector<16xf32>,
      %get3A_102 = arith.constant 4 : i32
      %get3A_103 = arith.index_cast %get3A_102 : i32 to index
      %get3A_104 = arith.constant 16 : index
      %get3A_105 = tpu.vector_load %arg4[%get3A_103, %get3A_104] {strides = array<i32>} : memref<5x80xi32, #tpu.memory_space<vmem>>, vector<16xi32>,
      tpu.vector_store_idx %arg5[%get3A_105], %broadcast_in_dim3A_3 {add = true} : memref<10000xf32, #tpu.memory_space<vmem>>[vector<16xi32>], vector<16xf32>,
      %get3A_106 = arith.constant 4 : i32
      %get3A_107 = arith.index_cast %get3A_106 : i32 to index
      %get3A_108 = arith.constant 32 : index
      %get3A_109 = tpu.vector_load %arg4[%get3A_107, %get3A_108] {strides = array<i32>} : memref<5x80xi32, #tpu.memory_space<vmem>>, vector<16xi32>,
      tpu.vector_store_idx %arg5[%get3A_109], %broadcast_in_dim3A_3 {add = true} : memref<10000xf32, #tpu.memory_space<vmem>>[vector<16xi32>], vector<16xf32>,
      %get3A_110 = arith.constant 4 : i32
      %get3A_111 = arith.index_cast %get3A_110 : i32 to index
      %get3A_112 = arith.constant 48 : index
      %get3A_113 = tpu.vector_load %arg4[%get3A_111, %get3A_112] {strides = array<i32>} : memref<5x80xi32, #tpu.memory_space<vmem>>, vector<16xi32>,
      tpu.vector_store_idx %arg5[%get3A_113], %broadcast_in_dim3A_3 {add = true} : memref<10000xf32, #tpu.memory_space<vmem>>[vector<16xi32>], vector<16xf32>,
      %get3A_114 = arith.constant 4 : i32
      %get3A_115 = arith.index_cast %get3A_114 : i32 to index
      %get3A_116 = arith.constant 64 : index
      %get3A_117 = tpu.vector_load %arg4[%get3A_115, %get3A_116] {strides = array<i32>} : memref<5x80xi32, #tpu.memory_space<vmem>>, vector<16xi32>,
      tpu.vector_store_idx %arg5[%get3A_117], %broadcast_in_dim3A_3 {add = true} : memref<10000xf32, #tpu.memory_space<vmem>>[vector<16xi32>], vector<16xf32>,
      %scan3A_118 = arith.constant 0 : i32
      scf.yield %scan3A_118 : i32
    }
    %scan3A_16 = arith.constant 25 : i32
    "tpu.region"() ({
      %run_scoped3A = tpu.sem_alloc : memref<!tpu.dma_semaphore, #tpu.memory_space<semaphore_mem>>
      %dma_start3A = arith.constant 0 : i32
      %dma_start3A_17 = tpu.memref_slice %arg3[%add3A, %dma_start3A] : memref<32x10000xf32, #tpu.memory_space<hbm>> -> memref<1x10000xf32, #tpu.memory_space<hbm>>
      %dma_start3A_18 = tpu.memref_squeeze %dma_start3A_17 : memref<1x10000xf32, #tpu.memory_space<hbm>> -> memref<10000xf32, #tpu.memory_space<hbm>>
      %dma_start3A_19 = arith.constant 0 : i32
      %dma_start3A_20 = tpu.memref_slice %arg3[%add3A, %dma_start3A_19] : memref<32x10000xf32, #tpu.memory_space<hbm>> -> memref<1x10000xf32, #tpu.memory_space<hbm>>
      %dma_start3A_21 = tpu.memref_squeeze %dma_start3A_20 : memref<1x10000xf32, #tpu.memory_space<hbm>> -> memref<10000xf32, #tpu.memory_space<hbm>>
      tpu.enqueue_dma source(%arg5 : memref<10000xf32, #tpu.memory_space<vmem>>) target(%dma_start3A_21 : memref<10000xf32, #tpu.memory_space<hbm>>) target_semaphore(%run_scoped3A : memref<!tpu.dma_semaphore, #tpu.memory_space<semaphore_mem>>)
      %dma_wait3A = arith.constant 0 : i32
      %dma_wait3A_22 = tpu.memref_slice %arg3[%add3A, %dma_wait3A] : memref<32x10000xf32, #tpu.memory_space<hbm>> -> memref<1x10000xf32, #tpu.memory_space<hbm>>
      %dma_wait3A_23 = tpu.memref_squeeze %dma_wait3A_22 : memref<1x10000xf32, #tpu.memory_space<hbm>> -> memref<10000xf32, #tpu.memory_space<hbm>>
      %dma_wait3A_24 = arith.constant 0 : i32
      %dma_wait3A_25 = tpu.memref_slice %arg3[%add3A, %dma_wait3A_24] : memref<32x10000xf32, #tpu.memory_space<hbm>> -> memref<1x10000xf32, #tpu.memory_space<hbm>>
      %dma_wait3A_26 = tpu.memref_squeeze %dma_wait3A_25 : memref<1x10000xf32, #tpu.memory_space<hbm>> -> memref<10000xf32, #tpu.memory_space<hbm>>
      tpu.wait_dma2 semaphore(%run_scoped3A : memref<!tpu.dma_semaphore, #tpu.memory_space<semaphore_mem>>) src(%arg5 : memref<10000xf32, #tpu.memory_space<vmem>>) dst(%dma_wait3A_26 : memref<10000xf32, #tpu.memory_space<hbm>>)
      tpu.yield
    }) : () -> ()
    return
  }
}

#map = affine_map<(d0, d1) -> (0, 0)>
#map1 = affine_map<(d0, d1) -> (0, 0, 0, 0)>
module attributes {stable_mosaic.version = 14 : i64} {
  func.func @_agg_kernel(%arg0: i32, %arg1: i32, %arg2: memref<10000x128xf32, #tpu.memory_space<hbm>>, %arg3: memref<16x20x10x100xi32, #tpu.memory_space<hbm>>, %arg4: memref<16x20x10x100xi32, #tpu.memory_space<hbm>>, %arg5: memref<10000x128xf32, #tpu.memory_space<hbm>>, %arg6: memref<10x100xi32, #tpu.memory_space<vmem>>, %arg7: memref<10x100xi32, #tpu.memory_space<vmem>>, %arg8: memref<100x128xf32, #tpu.memory_space<vmem>>, %arg9: memref<100x128xf32, #tpu.memory_space<vmem>>, %arg10: memref<10000x128xf32, #tpu.memory_space<vmem_shared>>, %arg11: memref<!tpu.dma_semaphore, #tpu.memory_space<semaphore_mem>>, %arg12: memref<!tpu.dma_semaphore, #tpu.memory_space<semaphore_mem>>) attributes {dimension_semantics = [#tpu.dimension_semantics<core_parallel>, #tpu.dimension_semantics<subcore_parallel>], iteration_bounds = array<i64: 1, 16>, scalar_prefetch = 0 : i64, scratch_operands = 7 : i64, tpu.core_type = #tpu.core_type<sc_vector_subcore>, window_params = [{transform_indices = #map}, {transform_indices = #map1}, {transform_indices = #map1}, {transform_indices = #map}]} {
    %scan3A = arith.constant 0 : i32
    %scan3A_0 = arith.constant 0 : i32
    %scan3A_1 = arith.constant 100 : i32
    %scan3A_2 = arith.addi %scan3A_0, %scan3A_1 : i32
    %scan3A_3 = arith.constant 1 : i32
    %scan3A_4 = scf.for %scan3A_75 = %scan3A_0 to %scan3A_2 step %scan3A_3 iter_args(%scan3A_76 = %scan3A) -> (i32)  : i32 {
      %broadcast_in_dim3A = arith.constant 0.000000e+00 : f32
      %broadcast_in_dim3A_77 = vector.broadcast %broadcast_in_dim3A : f32 to vector<16xf32>
      %swap3A = arith.index_cast %scan3A_75 : i32 to index
      %swap3A_78 = arith.constant 0 : index
      %swap3A_79 = tpu.vector_load %arg8[%swap3A, %swap3A_78] {strides = array<i32>} : memref<100x128xf32, #tpu.memory_space<vmem>>, vector<1x16xf32>,
      %swap3A_80 = vector.shape_cast %swap3A_79 : vector<1x16xf32> to vector<16xf32>
      %swap3A_81 = vector.shape_cast %broadcast_in_dim3A_77 : vector<16xf32> to vector<1x16xf32>
      tpu.vector_store %arg8[%swap3A, %swap3A_78], %swap3A_81 {strides = array<i32>} : memref<100x128xf32, #tpu.memory_space<vmem>>, vector<1x16xf32>,
      %broadcast_in_dim3A_82 = arith.constant 0.000000e+00 : f32
      %broadcast_in_dim3A_83 = vector.broadcast %broadcast_in_dim3A_82 : f32 to vector<16xf32>
      %swap3A_84 = arith.index_cast %scan3A_75 : i32 to index
      %swap3A_85 = arith.constant 16 : index
      %swap3A_86 = tpu.vector_load %arg8[%swap3A_84, %swap3A_85] {strides = array<i32>} : memref<100x128xf32, #tpu.memory_space<vmem>>, vector<1x16xf32>,
      %swap3A_87 = vector.shape_cast %swap3A_86 : vector<1x16xf32> to vector<16xf32>
      %swap3A_88 = vector.shape_cast %broadcast_in_dim3A_83 : vector<16xf32> to vector<1x16xf32>
      tpu.vector_store %arg8[%swap3A_84, %swap3A_85], %swap3A_88 {strides = array<i32>} : memref<100x128xf32, #tpu.memory_space<vmem>>, vector<1x16xf32>,
      %broadcast_in_dim3A_89 = arith.constant 0.000000e+00 : f32
      %broadcast_in_dim3A_90 = vector.broadcast %broadcast_in_dim3A_89 : f32 to vector<16xf32>
      %swap3A_91 = arith.index_cast %scan3A_75 : i32 to index
      %swap3A_92 = arith.constant 32 : index
      %swap3A_93 = tpu.vector_load %arg8[%swap3A_91, %swap3A_92] {strides = array<i32>} : memref<100x128xf32, #tpu.memory_space<vmem>>, vector<1x16xf32>,
      %swap3A_94 = vector.shape_cast %swap3A_93 : vector<1x16xf32> to vector<16xf32>
      %swap3A_95 = vector.shape_cast %broadcast_in_dim3A_90 : vector<16xf32> to vector<1x16xf32>
      tpu.vector_store %arg8[%swap3A_91, %swap3A_92], %swap3A_95 {strides = array<i32>} : memref<100x128xf32, #tpu.memory_space<vmem>>, vector<1x16xf32>,
      %broadcast_in_dim3A_96 = arith.constant 0.000000e+00 : f32
      %broadcast_in_dim3A_97 = vector.broadcast %broadcast_in_dim3A_96 : f32 to vector<16xf32>
      %swap3A_98 = arith.index_cast %scan3A_75 : i32 to index
      %swap3A_99 = arith.constant 48 : index
      %swap3A_100 = tpu.vector_load %arg8[%swap3A_98, %swap3A_99] {strides = array<i32>} : memref<100x128xf32, #tpu.memory_space<vmem>>, vector<1x16xf32>,
      %swap3A_101 = vector.shape_cast %swap3A_100 : vector<1x16xf32> to vector<16xf32>
      %swap3A_102 = vector.shape_cast %broadcast_in_dim3A_97 : vector<16xf32> to vector<1x16xf32>
      tpu.vector_store %arg8[%swap3A_98, %swap3A_99], %swap3A_102 {strides = array<i32>} : memref<100x128xf32, #tpu.memory_space<vmem>>, vector<1x16xf32>,
      %broadcast_in_dim3A_103 = arith.constant 0.000000e+00 : f32
      %broadcast_in_dim3A_104 = vector.broadcast %broadcast_in_dim3A_103 : f32 to vector<16xf32>
      %swap3A_105 = arith.index_cast %scan3A_75 : i32 to index
      %swap3A_106 = arith.constant 64 : index
      %swap3A_107 = tpu.vector_load %arg8[%swap3A_105, %swap3A_106] {strides = array<i32>} : memref<100x128xf32, #tpu.memory_space<vmem>>, vector<1x16xf32>,
      %swap3A_108 = vector.shape_cast %swap3A_107 : vector<1x16xf32> to vector<16xf32>
      %swap3A_109 = vector.shape_cast %broadcast_in_dim3A_104 : vector<16xf32> to vector<1x16xf32>
      tpu.vector_store %arg8[%swap3A_105, %swap3A_106], %swap3A_109 {strides = array<i32>} : memref<100x128xf32, #tpu.memory_space<vmem>>, vector<1x16xf32>,
      %broadcast_in_dim3A_110 = arith.constant 0.000000e+00 : f32
      %broadcast_in_dim3A_111 = vector.broadcast %broadcast_in_dim3A_110 : f32 to vector<16xf32>
      %swap3A_112 = arith.index_cast %scan3A_75 : i32 to index
      %swap3A_113 = arith.constant 80 : index
      %swap3A_114 = tpu.vector_load %arg8[%swap3A_112, %swap3A_113] {strides = array<i32>} : memref<100x128xf32, #tpu.memory_space<vmem>>, vector<1x16xf32>,
      %swap3A_115 = vector.shape_cast %swap3A_114 : vector<1x16xf32> to vector<16xf32>
      %swap3A_116 = vector.shape_cast %broadcast_in_dim3A_111 : vector<16xf32> to vector<1x16xf32>
      tpu.vector_store %arg8[%swap3A_112, %swap3A_113], %swap3A_116 {strides = array<i32>} : memref<100x128xf32, #tpu.memory_space<vmem>>, vector<1x16xf32>,
      %broadcast_in_dim3A_117 = arith.constant 0.000000e+00 : f32
      %broadcast_in_dim3A_118 = vector.broadcast %broadcast_in_dim3A_117 : f32 to vector<16xf32>
      %swap3A_119 = arith.index_cast %scan3A_75 : i32 to index
      %swap3A_120 = arith.constant 96 : index
      %swap3A_121 = tpu.vector_load %arg8[%swap3A_119, %swap3A_120] {strides = array<i32>} : memref<100x128xf32, #tpu.memory_space<vmem>>, vector<1x16xf32>,
      %swap3A_122 = vector.shape_cast %swap3A_121 : vector<1x16xf32> to vector<16xf32>
      %swap3A_123 = vector.shape_cast %broadcast_in_dim3A_118 : vector<16xf32> to vector<1x16xf32>
      tpu.vector_store %arg8[%swap3A_119, %swap3A_120], %swap3A_123 {strides = array<i32>} : memref<100x128xf32, #tpu.memory_space<vmem>>, vector<1x16xf32>,
      %broadcast_in_dim3A_124 = arith.constant 0.000000e+00 : f32
      %broadcast_in_dim3A_125 = vector.broadcast %broadcast_in_dim3A_124 : f32 to vector<16xf32>
      %swap3A_126 = arith.index_cast %scan3A_75 : i32 to index
      %swap3A_127 = arith.constant 112 : index
      %swap3A_128 = tpu.vector_load %arg8[%swap3A_126, %swap3A_127] {strides = array<i32>} : memref<100x128xf32, #tpu.memory_space<vmem>>, vector<1x16xf32>,
      %swap3A_129 = vector.shape_cast %swap3A_128 : vector<1x16xf32> to vector<16xf32>
      %swap3A_130 = vector.shape_cast %broadcast_in_dim3A_125 : vector<16xf32> to vector<1x16xf32>
      tpu.vector_store %arg8[%swap3A_126, %swap3A_127], %swap3A_130 {strides = array<i32>} : memref<100x128xf32, #tpu.memory_space<vmem>>, vector<1x16xf32>,
      %scan3A_131 = arith.constant 0 : i32
      scf.yield %scan3A_131 : i32
    }
    %scan3A_5 = arith.constant 100 : i32
    %mul3A = arith.constant 624 : i32
    %mul3A_6 = arith.muli %arg1, %mul3A : i32
    %add3A = arith.constant 0 : i32
    %add3A_7 = arith.addi %mul3A_6, %add3A : i32
    "tpu.region"() ({
      %run_scoped3A = tpu.sem_alloc : memref<!tpu.dma_semaphore, #tpu.memory_space<semaphore_mem>>
      %dma_start3A = arith.constant 0 : i32
      %dma_start3A_75 = arith.constant 0 : i32
      %dma_start3A_76 = tpu.memref_slice %arg8[%dma_start3A, %dma_start3A_75] : memref<100x128xf32, #tpu.memory_space<vmem>> -> memref<48x128xf32, #tpu.memory_space<vmem>>
      %dma_start3A_77 = arith.constant 0 : i32
      %dma_start3A_78 = tpu.memref_slice %arg10[%add3A_7, %dma_start3A_77] : memref<10000x128xf32, #tpu.memory_space<vmem_shared>> -> memref<48x128xf32, #tpu.memory_space<vmem_shared>>
      %dma_start3A_79 = arith.constant 0 : i32
      %dma_start3A_80 = tpu.memref_slice %arg10[%add3A_7, %dma_start3A_79] : memref<10000x128xf32, #tpu.memory_space<vmem_shared>> -> memref<48x128xf32, #tpu.memory_space<vmem_shared>>
      %dma_start3A_81 = arith.constant 0 : i32
      %dma_start3A_82 = arith.constant 0 : i32
      %dma_start3A_83 = tpu.memref_slice %arg8[%dma_start3A_81, %dma_start3A_82] : memref<100x128xf32, #tpu.memory_space<vmem>> -> memref<48x128xf32, #tpu.memory_space<vmem>>
      tpu.enqueue_dma source(%dma_start3A_83 : memref<48x128xf32, #tpu.memory_space<vmem>>) target(%dma_start3A_80 : memref<48x128xf32, #tpu.memory_space<vmem_shared>>) target_semaphore(%run_scoped3A : memref<!tpu.dma_semaphore, #tpu.memory_space<semaphore_mem>>)
      %dma_wait3A = arith.constant 0 : i32
      %dma_wait3A_84 = arith.constant 0 : i32
      %dma_wait3A_85 = tpu.memref_slice %arg8[%dma_wait3A, %dma_wait3A_84] : memref<100x128xf32, #tpu.memory_space<vmem>> -> memref<48x128xf32, #tpu.memory_space<vmem>>
      %dma_wait3A_86 = arith.constant 0 : i32
      %dma_wait3A_87 = tpu.memref_slice %arg10[%add3A_7, %dma_wait3A_86] : memref<10000x128xf32, #tpu.memory_space<vmem_shared>> -> memref<48x128xf32, #tpu.memory_space<vmem_shared>>
      %dma_wait3A_88 = arith.constant 0 : i32
      %dma_wait3A_89 = tpu.memref_slice %arg10[%add3A_7, %dma_wait3A_88] : memref<10000x128xf32, #tpu.memory_space<vmem_shared>> -> memref<48x128xf32, #tpu.memory_space<vmem_shared>>
      %dma_wait3A_90 = arith.constant 0 : i32
      %dma_wait3A_91 = arith.constant 0 : i32
      %dma_wait3A_92 = tpu.memref_slice %arg8[%dma_wait3A_90, %dma_wait3A_91] : memref<100x128xf32, #tpu.memory_space<vmem>> -> memref<48x128xf32, #tpu.memory_space<vmem>>
      tpu.wait_dma2 semaphore(%run_scoped3A : memref<!tpu.dma_semaphore, #tpu.memory_space<semaphore_mem>>) src(%dma_wait3A_92 : memref<48x128xf32, #tpu.memory_space<vmem>>) dst(%dma_wait3A_89 : memref<48x128xf32, #tpu.memory_space<vmem_shared>>)
      tpu.yield
    }) : () -> ()
    %mul3A_8 = arith.constant 624 : i32
    %mul3A_9 = arith.muli %arg1, %mul3A_8 : i32
    %add3A_10 = arith.constant 48 : i32
    %add3A_11 = arith.addi %mul3A_9, %add3A_10 : i32
    "tpu.region"() ({
      %run_scoped3A = tpu.sem_alloc : memref<!tpu.dma_semaphore, #tpu.memory_space<semaphore_mem>>
      %dma_start3A = arith.constant 0 : i32
      %dma_start3A_75 = arith.constant 0 : i32
      %dma_start3A_76 = tpu.memref_slice %arg8[%dma_start3A, %dma_start3A_75] : memref<100x128xf32, #tpu.memory_space<vmem>> -> memref<48x128xf32, #tpu.memory_space<vmem>>
      %dma_start3A_77 = arith.constant 0 : i32
      %dma_start3A_78 = tpu.memref_slice %arg10[%add3A_11, %dma_start3A_77] : memref<10000x128xf32, #tpu.memory_space<vmem_shared>> -> memref<48x128xf32, #tpu.memory_space<vmem_shared>>
      %dma_start3A_79 = arith.constant 0 : i32
      %dma_start3A_80 = tpu.memref_slice %arg10[%add3A_11, %dma_start3A_79] : memref<10000x128xf32, #tpu.memory_space<vmem_shared>> -> memref<48x128xf32, #tpu.memory_space<vmem_shared>>
      %dma_start3A_81 = arith.constant 0 : i32
      %dma_start3A_82 = arith.constant 0 : i32
      %dma_start3A_83 = tpu.memref_slice %arg8[%dma_start3A_81, %dma_start3A_82] : memref<100x128xf32, #tpu.memory_space<vmem>> -> memref<48x128xf32, #tpu.memory_space<vmem>>
      tpu.enqueue_dma source(%dma_start3A_83 : memref<48x128xf32, #tpu.memory_space<vmem>>) target(%dma_start3A_80 : memref<48x128xf32, #tpu.memory_space<vmem_shared>>) target_semaphore(%run_scoped3A : memref<!tpu.dma_semaphore, #tpu.memory_space<semaphore_mem>>)
      %dma_wait3A = arith.constant 0 : i32
      %dma_wait3A_84 = arith.constant 0 : i32
      %dma_wait3A_85 = tpu.memref_slice %arg8[%dma_wait3A, %dma_wait3A_84] : memref<100x128xf32, #tpu.memory_space<vmem>> -> memref<48x128xf32, #tpu.memory_space<vmem>>
      %dma_wait3A_86 = arith.constant 0 : i32
      %dma_wait3A_87 = tpu.memref_slice %arg10[%add3A_11, %dma_wait3A_86] : memref<10000x128xf32, #tpu.memory_space<vmem_shared>> -> memref<48x128xf32, #tpu.memory_space<vmem_shared>>
      %dma_wait3A_88 = arith.constant 0 : i32
      %dma_wait3A_89 = tpu.memref_slice %arg10[%add3A_11, %dma_wait3A_88] : memref<10000x128xf32, #tpu.memory_space<vmem_shared>> -> memref<48x128xf32, #tpu.memory_space<vmem_shared>>
      %dma_wait3A_90 = arith.constant 0 : i32
      %dma_wait3A_91 = arith.constant 0 : i32
      %dma_wait3A_92 = tpu.memref_slice %arg8[%dma_wait3A_90, %dma_wait3A_91] : memref<100x128xf32, #tpu.memory_space<vmem>> -> memref<48x128xf32, #tpu.memory_space<vmem>>
      tpu.wait_dma2 semaphore(%run_scoped3A : memref<!tpu.dma_semaphore, #tpu.memory_space<semaphore_mem>>) src(%dma_wait3A_92 : memref<48x128xf32, #tpu.memory_space<vmem>>) dst(%dma_wait3A_89 : memref<48x128xf32, #tpu.memory_space<vmem_shared>>)
      tpu.yield
    }) : () -> ()
    %mul3A_12 = arith.constant 624 : i32
    %mul3A_13 = arith.muli %arg1, %mul3A_12 : i32
    %add3A_14 = arith.constant 96 : i32
    %add3A_15 = arith.addi %mul3A_13, %add3A_14 : i32
    "tpu.region"() ({
      %run_scoped3A = tpu.sem_alloc : memref<!tpu.dma_semaphore, #tpu.memory_space<semaphore_mem>>
      %dma_start3A = arith.constant 0 : i32
      %dma_start3A_75 = arith.constant 0 : i32
      %dma_start3A_76 = tpu.memref_slice %arg8[%dma_start3A, %dma_start3A_75] : memref<100x128xf32, #tpu.memory_space<vmem>> -> memref<48x128xf32, #tpu.memory_space<vmem>>
      %dma_start3A_77 = arith.constant 0 : i32
      %dma_start3A_78 = tpu.memref_slice %arg10[%add3A_15, %dma_start3A_77] : memref<10000x128xf32, #tpu.memory_space<vmem_shared>> -> memref<48x128xf32, #tpu.memory_space<vmem_shared>>
      %dma_start3A_79 = arith.constant 0 : i32
      %dma_start3A_80 = tpu.memref_slice %arg10[%add3A_15, %dma_start3A_79] : memref<10000x128xf32, #tpu.memory_space<vmem_shared>> -> memref<48x128xf32, #tpu.memory_space<vmem_shared>>
      %dma_start3A_81 = arith.constant 0 : i32
      %dma_start3A_82 = arith.constant 0 : i32
      %dma_start3A_83 = tpu.memref_slice %arg8[%dma_start3A_81, %dma_start3A_82] : memref<100x128xf32, #tpu.memory_space<vmem>> -> memref<48x128xf32, #tpu.memory_space<vmem>>
      tpu.enqueue_dma source(%dma_start3A_83 : memref<48x128xf32, #tpu.memory_space<vmem>>) target(%dma_start3A_80 : memref<48x128xf32, #tpu.memory_space<vmem_shared>>) target_semaphore(%run_scoped3A : memref<!tpu.dma_semaphore, #tpu.memory_space<semaphore_mem>>)
      %dma_wait3A = arith.constant 0 : i32
      %dma_wait3A_84 = arith.constant 0 : i32
      %dma_wait3A_85 = tpu.memref_slice %arg8[%dma_wait3A, %dma_wait3A_84] : memref<100x128xf32, #tpu.memory_space<vmem>> -> memref<48x128xf32, #tpu.memory_space<vmem>>
      %dma_wait3A_86 = arith.constant 0 : i32
      %dma_wait3A_87 = tpu.memref_slice %arg10[%add3A_15, %dma_wait3A_86] : memref<10000x128xf32, #tpu.memory_space<vmem_shared>> -> memref<48x128xf32, #tpu.memory_space<vmem_shared>>
      %dma_wait3A_88 = arith.constant 0 : i32
      %dma_wait3A_89 = tpu.memref_slice %arg10[%add3A_15, %dma_wait3A_88] : memref<10000x128xf32, #tpu.memory_space<vmem_shared>> -> memref<48x128xf32, #tpu.memory_space<vmem_shared>>
      %dma_wait3A_90 = arith.constant 0 : i32
      %dma_wait3A_91 = arith.constant 0 : i32
      %dma_wait3A_92 = tpu.memref_slice %arg8[%dma_wait3A_90, %dma_wait3A_91] : memref<100x128xf32, #tpu.memory_space<vmem>> -> memref<48x128xf32, #tpu.memory_space<vmem>>
      tpu.wait_dma2 semaphore(%run_scoped3A : memref<!tpu.dma_semaphore, #tpu.memory_space<semaphore_mem>>) src(%dma_wait3A_92 : memref<48x128xf32, #tpu.memory_space<vmem>>) dst(%dma_wait3A_89 : memref<48x128xf32, #tpu.memory_space<vmem_shared>>)
      tpu.yield
    }) : () -> ()
    %mul3A_16 = arith.constant 624 : i32
    %mul3A_17 = arith.muli %arg1, %mul3A_16 : i32
    %add3A_18 = arith.constant 144 : i32
    %add3A_19 = arith.addi %mul3A_17, %add3A_18 : i32
    "tpu.region"() ({
      %run_scoped3A = tpu.sem_alloc : memref<!tpu.dma_semaphore, #tpu.memory_space<semaphore_mem>>
      %dma_start3A = arith.constant 0 : i32
      %dma_start3A_75 = arith.constant 0 : i32
      %dma_start3A_76 = tpu.memref_slice %arg8[%dma_start3A, %dma_start3A_75] : memref<100x128xf32, #tpu.memory_space<vmem>> -> memref<48x128xf32, #tpu.memory_space<vmem>>
      %dma_start3A_77 = arith.constant 0 : i32
      %dma_start3A_78 = tpu.memref_slice %arg10[%add3A_19, %dma_start3A_77] : memref<10000x128xf32, #tpu.memory_space<vmem_shared>> -> memref<48x128xf32, #tpu.memory_space<vmem_shared>>
      %dma_start3A_79 = arith.constant 0 : i32
      %dma_start3A_80 = tpu.memref_slice %arg10[%add3A_19, %dma_start3A_79] : memref<10000x128xf32, #tpu.memory_space<vmem_shared>> -> memref<48x128xf32, #tpu.memory_space<vmem_shared>>
      %dma_start3A_81 = arith.constant 0 : i32
      %dma_start3A_82 = arith.constant 0 : i32
      %dma_start3A_83 = tpu.memref_slice %arg8[%dma_start3A_81, %dma_start3A_82] : memref<100x128xf32, #tpu.memory_space<vmem>> -> memref<48x128xf32, #tpu.memory_space<vmem>>
      tpu.enqueue_dma source(%dma_start3A_83 : memref<48x128xf32, #tpu.memory_space<vmem>>) target(%dma_start3A_80 : memref<48x128xf32, #tpu.memory_space<vmem_shared>>) target_semaphore(%run_scoped3A : memref<!tpu.dma_semaphore, #tpu.memory_space<semaphore_mem>>)
      %dma_wait3A = arith.constant 0 : i32
      %dma_wait3A_84 = arith.constant 0 : i32
      %dma_wait3A_85 = tpu.memref_slice %arg8[%dma_wait3A, %dma_wait3A_84] : memref<100x128xf32, #tpu.memory_space<vmem>> -> memref<48x128xf32, #tpu.memory_space<vmem>>
      %dma_wait3A_86 = arith.constant 0 : i32
      %dma_wait3A_87 = tpu.memref_slice %arg10[%add3A_19, %dma_wait3A_86] : memref<10000x128xf32, #tpu.memory_space<vmem_shared>> -> memref<48x128xf32, #tpu.memory_space<vmem_shared>>
      %dma_wait3A_88 = arith.constant 0 : i32
      %dma_wait3A_89 = tpu.memref_slice %arg10[%add3A_19, %dma_wait3A_88] : memref<10000x128xf32, #tpu.memory_space<vmem_shared>> -> memref<48x128xf32, #tpu.memory_space<vmem_shared>>
      %dma_wait3A_90 = arith.constant 0 : i32
      %dma_wait3A_91 = arith.constant 0 : i32
      %dma_wait3A_92 = tpu.memref_slice %arg8[%dma_wait3A_90, %dma_wait3A_91] : memref<100x128xf32, #tpu.memory_space<vmem>> -> memref<48x128xf32, #tpu.memory_space<vmem>>
      tpu.wait_dma2 semaphore(%run_scoped3A : memref<!tpu.dma_semaphore, #tpu.memory_space<semaphore_mem>>) src(%dma_wait3A_92 : memref<48x128xf32, #tpu.memory_space<vmem>>) dst(%dma_wait3A_89 : memref<48x128xf32, #tpu.memory_space<vmem_shared>>)
      tpu.yield
    }) : () -> ()
    %mul3A_20 = arith.constant 624 : i32
    %mul3A_21 = arith.muli %arg1, %mul3A_20 : i32
    %add3A_22 = arith.constant 192 : i32
    %add3A_23 = arith.addi %mul3A_21, %add3A_22 : i32
    "tpu.region"() ({
      %run_scoped3A = tpu.sem_alloc : memref<!tpu.dma_semaphore, #tpu.memory_space<semaphore_mem>>
      %dma_start3A = arith.constant 0 : i32
      %dma_start3A_75 = arith.constant 0 : i32
      %dma_start3A_76 = tpu.memref_slice %arg8[%dma_start3A, %dma_start3A_75] : memref<100x128xf32, #tpu.memory_space<vmem>> -> memref<48x128xf32, #tpu.memory_space<vmem>>
      %dma_start3A_77 = arith.constant 0 : i32
      %dma_start3A_78 = tpu.memref_slice %arg10[%add3A_23, %dma_start3A_77] : memref<10000x128xf32, #tpu.memory_space<vmem_shared>> -> memref<48x128xf32, #tpu.memory_space<vmem_shared>>
      %dma_start3A_79 = arith.constant 0 : i32
      %dma_start3A_80 = tpu.memref_slice %arg10[%add3A_23, %dma_start3A_79] : memref<10000x128xf32, #tpu.memory_space<vmem_shared>> -> memref<48x128xf32, #tpu.memory_space<vmem_shared>>
      %dma_start3A_81 = arith.constant 0 : i32
      %dma_start3A_82 = arith.constant 0 : i32
      %dma_start3A_83 = tpu.memref_slice %arg8[%dma_start3A_81, %dma_start3A_82] : memref<100x128xf32, #tpu.memory_space<vmem>> -> memref<48x128xf32, #tpu.memory_space<vmem>>
      tpu.enqueue_dma source(%dma_start3A_83 : memref<48x128xf32, #tpu.memory_space<vmem>>) target(%dma_start3A_80 : memref<48x128xf32, #tpu.memory_space<vmem_shared>>) target_semaphore(%run_scoped3A : memref<!tpu.dma_semaphore, #tpu.memory_space<semaphore_mem>>)
      %dma_wait3A = arith.constant 0 : i32
      %dma_wait3A_84 = arith.constant 0 : i32
      %dma_wait3A_85 = tpu.memref_slice %arg8[%dma_wait3A, %dma_wait3A_84] : memref<100x128xf32, #tpu.memory_space<vmem>> -> memref<48x128xf32, #tpu.memory_space<vmem>>
      %dma_wait3A_86 = arith.constant 0 : i32
      %dma_wait3A_87 = tpu.memref_slice %arg10[%add3A_23, %dma_wait3A_86] : memref<10000x128xf32, #tpu.memory_space<vmem_shared>> -> memref<48x128xf32, #tpu.memory_space<vmem_shared>>
      %dma_wait3A_88 = arith.constant 0 : i32
      %dma_wait3A_89 = tpu.memref_slice %arg10[%add3A_23, %dma_wait3A_88] : memref<10000x128xf32, #tpu.memory_space<vmem_shared>> -> memref<48x128xf32, #tpu.memory_space<vmem_shared>>
      %dma_wait3A_90 = arith.constant 0 : i32
      %dma_wait3A_91 = arith.constant 0 : i32
      %dma_wait3A_92 = tpu.memref_slice %arg8[%dma_wait3A_90, %dma_wait3A_91] : memref<100x128xf32, #tpu.memory_space<vmem>> -> memref<48x128xf32, #tpu.memory_space<vmem>>
      tpu.wait_dma2 semaphore(%run_scoped3A : memref<!tpu.dma_semaphore, #tpu.memory_space<semaphore_mem>>) src(%dma_wait3A_92 : memref<48x128xf32, #tpu.memory_space<vmem>>) dst(%dma_wait3A_89 : memref<48x128xf32, #tpu.memory_space<vmem_shared>>)
      tpu.yield
    }) : () -> ()
    %mul3A_24 = arith.constant 624 : i32
    %mul3A_25 = arith.muli %arg1, %mul3A_24 : i32
    %add3A_26 = arith.constant 240 : i32
    %add3A_27 = arith.addi %mul3A_25, %add3A_26 : i32
    "tpu.region"() ({
      %run_scoped3A = tpu.sem_alloc : memref<!tpu.dma_semaphore, #tpu.memory_space<semaphore_mem>>
      %dma_start3A = arith.constant 0 : i32
      %dma_start3A_75 = arith.constant 0 : i32
      %dma_start3A_76 = tpu.memref_slice %arg8[%dma_start3A, %dma_start3A_75] : memref<100x128xf32, #tpu.memory_space<vmem>> -> memref<48x128xf32, #tpu.memory_space<vmem>>
      %dma_start3A_77 = arith.constant 0 : i32
      %dma_start3A_78 = tpu.memref_slice %arg10[%add3A_27, %dma_start3A_77] : memref<10000x128xf32, #tpu.memory_space<vmem_shared>> -> memref<48x128xf32, #tpu.memory_space<vmem_shared>>
      %dma_start3A_79 = arith.constant 0 : i32
      %dma_start3A_80 = tpu.memref_slice %arg10[%add3A_27, %dma_start3A_79] : memref<10000x128xf32, #tpu.memory_space<vmem_shared>> -> memref<48x128xf32, #tpu.memory_space<vmem_shared>>
      %dma_start3A_81 = arith.constant 0 : i32
      %dma_start3A_82 = arith.constant 0 : i32
      %dma_start3A_83 = tpu.memref_slice %arg8[%dma_start3A_81, %dma_start3A_82] : memref<100x128xf32, #tpu.memory_space<vmem>> -> memref<48x128xf32, #tpu.memory_space<vmem>>
      tpu.enqueue_dma source(%dma_start3A_83 : memref<48x128xf32, #tpu.memory_space<vmem>>) target(%dma_start3A_80 : memref<48x128xf32, #tpu.memory_space<vmem_shared>>) target_semaphore(%run_scoped3A : memref<!tpu.dma_semaphore, #tpu.memory_space<semaphore_mem>>)
      %dma_wait3A = arith.constant 0 : i32
      %dma_wait3A_84 = arith.constant 0 : i32
      %dma_wait3A_85 = tpu.memref_slice %arg8[%dma_wait3A, %dma_wait3A_84] : memref<100x128xf32, #tpu.memory_space<vmem>> -> memref<48x128xf32, #tpu.memory_space<vmem>>
      %dma_wait3A_86 = arith.constant 0 : i32
      %dma_wait3A_87 = tpu.memref_slice %arg10[%add3A_27, %dma_wait3A_86] : memref<10000x128xf32, #tpu.memory_space<vmem_shared>> -> memref<48x128xf32, #tpu.memory_space<vmem_shared>>
      %dma_wait3A_88 = arith.constant 0 : i32
      %dma_wait3A_89 = tpu.memref_slice %arg10[%add3A_27, %dma_wait3A_88] : memref<10000x128xf32, #tpu.memory_space<vmem_shared>> -> memref<48x128xf32, #tpu.memory_space<vmem_shared>>
      %dma_wait3A_90 = arith.constant 0 : i32
      %dma_wait3A_91 = arith.constant 0 : i32
      %dma_wait3A_92 = tpu.memref_slice %arg8[%dma_wait3A_90, %dma_wait3A_91] : memref<100x128xf32, #tpu.memory_space<vmem>> -> memref<48x128xf32, #tpu.memory_space<vmem>>
      tpu.wait_dma2 semaphore(%run_scoped3A : memref<!tpu.dma_semaphore, #tpu.memory_space<semaphore_mem>>) src(%dma_wait3A_92 : memref<48x128xf32, #tpu.memory_space<vmem>>) dst(%dma_wait3A_89 : memref<48x128xf32, #tpu.memory_space<vmem_shared>>)
      tpu.yield
    }) : () -> ()
    %mul3A_28 = arith.constant 624 : i32
    %mul3A_29 = arith.muli %arg1, %mul3A_28 : i32
    %add3A_30 = arith.constant 288 : i32
    %add3A_31 = arith.addi %mul3A_29, %add3A_30 : i32
    "tpu.region"() ({
      %run_scoped3A = tpu.sem_alloc : memref<!tpu.dma_semaphore, #tpu.memory_space<semaphore_mem>>
      %dma_start3A = arith.constant 0 : i32
      %dma_start3A_75 = arith.constant 0 : i32
      %dma_start3A_76 = tpu.memref_slice %arg8[%dma_start3A, %dma_start3A_75] : memref<100x128xf32, #tpu.memory_space<vmem>> -> memref<48x128xf32, #tpu.memory_space<vmem>>
      %dma_start3A_77 = arith.constant 0 : i32
      %dma_start3A_78 = tpu.memref_slice %arg10[%add3A_31, %dma_start3A_77] : memref<10000x128xf32, #tpu.memory_space<vmem_shared>> -> memref<48x128xf32, #tpu.memory_space<vmem_shared>>
      %dma_start3A_79 = arith.constant 0 : i32
      %dma_start3A_80 = tpu.memref_slice %arg10[%add3A_31, %dma_start3A_79] : memref<10000x128xf32, #tpu.memory_space<vmem_shared>> -> memref<48x128xf32, #tpu.memory_space<vmem_shared>>
      %dma_start3A_81 = arith.constant 0 : i32
      %dma_start3A_82 = arith.constant 0 : i32
      %dma_start3A_83 = tpu.memref_slice %arg8[%dma_start3A_81, %dma_start3A_82] : memref<100x128xf32, #tpu.memory_space<vmem>> -> memref<48x128xf32, #tpu.memory_space<vmem>>
      tpu.enqueue_dma source(%dma_start3A_83 : memref<48x128xf32, #tpu.memory_space<vmem>>) target(%dma_start3A_80 : memref<48x128xf32, #tpu.memory_space<vmem_shared>>) target_semaphore(%run_scoped3A : memref<!tpu.dma_semaphore, #tpu.memory_space<semaphore_mem>>)
      %dma_wait3A = arith.constant 0 : i32
      %dma_wait3A_84 = arith.constant 0 : i32
      %dma_wait3A_85 = tpu.memref_slice %arg8[%dma_wait3A, %dma_wait3A_84] : memref<100x128xf32, #tpu.memory_space<vmem>> -> memref<48x128xf32, #tpu.memory_space<vmem>>
      %dma_wait3A_86 = arith.constant 0 : i32
      %dma_wait3A_87 = tpu.memref_slice %arg10[%add3A_31, %dma_wait3A_86] : memref<10000x128xf32, #tpu.memory_space<vmem_shared>> -> memref<48x128xf32, #tpu.memory_space<vmem_shared>>
      %dma_wait3A_88 = arith.constant 0 : i32
      %dma_wait3A_89 = tpu.memref_slice %arg10[%add3A_31, %dma_wait3A_88] : memref<10000x128xf32, #tpu.memory_space<vmem_shared>> -> memref<48x128xf32, #tpu.memory_space<vmem_shared>>
      %dma_wait3A_90 = arith.constant 0 : i32
      %dma_wait3A_91 = arith.constant 0 : i32
      %dma_wait3A_92 = tpu.memref_slice %arg8[%dma_wait3A_90, %dma_wait3A_91] : memref<100x128xf32, #tpu.memory_space<vmem>> -> memref<48x128xf32, #tpu.memory_space<vmem>>
      tpu.wait_dma2 semaphore(%run_scoped3A : memref<!tpu.dma_semaphore, #tpu.memory_space<semaphore_mem>>) src(%dma_wait3A_92 : memref<48x128xf32, #tpu.memory_space<vmem>>) dst(%dma_wait3A_89 : memref<48x128xf32, #tpu.memory_space<vmem_shared>>)
      tpu.yield
    }) : () -> ()
    %mul3A_32 = arith.constant 624 : i32
    %mul3A_33 = arith.muli %arg1, %mul3A_32 : i32
    %add3A_34 = arith.constant 336 : i32
    %add3A_35 = arith.addi %mul3A_33, %add3A_34 : i32
    "tpu.region"() ({
      %run_scoped3A = tpu.sem_alloc : memref<!tpu.dma_semaphore, #tpu.memory_space<semaphore_mem>>
      %dma_start3A = arith.constant 0 : i32
      %dma_start3A_75 = arith.constant 0 : i32
      %dma_start3A_76 = tpu.memref_slice %arg8[%dma_start3A, %dma_start3A_75] : memref<100x128xf32, #tpu.memory_space<vmem>> -> memref<48x128xf32, #tpu.memory_space<vmem>>
      %dma_start3A_77 = arith.constant 0 : i32
      %dma_start3A_78 = tpu.memref_slice %arg10[%add3A_35, %dma_start3A_77] : memref<10000x128xf32, #tpu.memory_space<vmem_shared>> -> memref<48x128xf32, #tpu.memory_space<vmem_shared>>
      %dma_start3A_79 = arith.constant 0 : i32
      %dma_start3A_80 = tpu.memref_slice %arg10[%add3A_35, %dma_start3A_79] : memref<10000x128xf32, #tpu.memory_space<vmem_shared>> -> memref<48x128xf32, #tpu.memory_space<vmem_shared>>
      %dma_start3A_81 = arith.constant 0 : i32
      %dma_start3A_82 = arith.constant 0 : i32
      %dma_start3A_83 = tpu.memref_slice %arg8[%dma_start3A_81, %dma_start3A_82] : memref<100x128xf32, #tpu.memory_space<vmem>> -> memref<48x128xf32, #tpu.memory_space<vmem>>
      tpu.enqueue_dma source(%dma_start3A_83 : memref<48x128xf32, #tpu.memory_space<vmem>>) target(%dma_start3A_80 : memref<48x128xf32, #tpu.memory_space<vmem_shared>>) target_semaphore(%run_scoped3A : memref<!tpu.dma_semaphore, #tpu.memory_space<semaphore_mem>>)
      %dma_wait3A = arith.constant 0 : i32
      %dma_wait3A_84 = arith.constant 0 : i32
      %dma_wait3A_85 = tpu.memref_slice %arg8[%dma_wait3A, %dma_wait3A_84] : memref<100x128xf32, #tpu.memory_space<vmem>> -> memref<48x128xf32, #tpu.memory_space<vmem>>
      %dma_wait3A_86 = arith.constant 0 : i32
      %dma_wait3A_87 = tpu.memref_slice %arg10[%add3A_35, %dma_wait3A_86] : memref<10000x128xf32, #tpu.memory_space<vmem_shared>> -> memref<48x128xf32, #tpu.memory_space<vmem_shared>>
      %dma_wait3A_88 = arith.constant 0 : i32
      %dma_wait3A_89 = tpu.memref_slice %arg10[%add3A_35, %dma_wait3A_88] : memref<10000x128xf32, #tpu.memory_space<vmem_shared>> -> memref<48x128xf32, #tpu.memory_space<vmem_shared>>
      %dma_wait3A_90 = arith.constant 0 : i32
      %dma_wait3A_91 = arith.constant 0 : i32
      %dma_wait3A_92 = tpu.memref_slice %arg8[%dma_wait3A_90, %dma_wait3A_91] : memref<100x128xf32, #tpu.memory_space<vmem>> -> memref<48x128xf32, #tpu.memory_space<vmem>>
      tpu.wait_dma2 semaphore(%run_scoped3A : memref<!tpu.dma_semaphore, #tpu.memory_space<semaphore_mem>>) src(%dma_wait3A_92 : memref<48x128xf32, #tpu.memory_space<vmem>>) dst(%dma_wait3A_89 : memref<48x128xf32, #tpu.memory_space<vmem_shared>>)
      tpu.yield
    }) : () -> ()
    %mul3A_36 = arith.constant 624 : i32
    %mul3A_37 = arith.muli %arg1, %mul3A_36 : i32
    %add3A_38 = arith.constant 384 : i32
    %add3A_39 = arith.addi %mul3A_37, %add3A_38 : i32
    "tpu.region"() ({
      %run_scoped3A = tpu.sem_alloc : memref<!tpu.dma_semaphore, #tpu.memory_space<semaphore_mem>>
      %dma_start3A = arith.constant 0 : i32
      %dma_start3A_75 = arith.constant 0 : i32
      %dma_start3A_76 = tpu.memref_slice %arg8[%dma_start3A, %dma_start3A_75] : memref<100x128xf32, #tpu.memory_space<vmem>> -> memref<48x128xf32, #tpu.memory_space<vmem>>
      %dma_start3A_77 = arith.constant 0 : i32
      %dma_start3A_78 = tpu.memref_slice %arg10[%add3A_39, %dma_start3A_77] : memref<10000x128xf32, #tpu.memory_space<vmem_shared>> -> memref<48x128xf32, #tpu.memory_space<vmem_shared>>
      %dma_start3A_79 = arith.constant 0 : i32
      %dma_start3A_80 = tpu.memref_slice %arg10[%add3A_39, %dma_start3A_79] : memref<10000x128xf32, #tpu.memory_space<vmem_shared>> -> memref<48x128xf32, #tpu.memory_space<vmem_shared>>
      %dma_start3A_81 = arith.constant 0 : i32
      %dma_start3A_82 = arith.constant 0 : i32
      %dma_start3A_83 = tpu.memref_slice %arg8[%dma_start3A_81, %dma_start3A_82] : memref<100x128xf32, #tpu.memory_space<vmem>> -> memref<48x128xf32, #tpu.memory_space<vmem>>
      tpu.enqueue_dma source(%dma_start3A_83 : memref<48x128xf32, #tpu.memory_space<vmem>>) target(%dma_start3A_80 : memref<48x128xf32, #tpu.memory_space<vmem_shared>>) target_semaphore(%run_scoped3A : memref<!tpu.dma_semaphore, #tpu.memory_space<semaphore_mem>>)
      %dma_wait3A = arith.constant 0 : i32
      %dma_wait3A_84 = arith.constant 0 : i32
      %dma_wait3A_85 = tpu.memref_slice %arg8[%dma_wait3A, %dma_wait3A_84] : memref<100x128xf32, #tpu.memory_space<vmem>> -> memref<48x128xf32, #tpu.memory_space<vmem>>
      %dma_wait3A_86 = arith.constant 0 : i32
      %dma_wait3A_87 = tpu.memref_slice %arg10[%add3A_39, %dma_wait3A_86] : memref<10000x128xf32, #tpu.memory_space<vmem_shared>> -> memref<48x128xf32, #tpu.memory_space<vmem_shared>>
      %dma_wait3A_88 = arith.constant 0 : i32
      %dma_wait3A_89 = tpu.memref_slice %arg10[%add3A_39, %dma_wait3A_88] : memref<10000x128xf32, #tpu.memory_space<vmem_shared>> -> memref<48x128xf32, #tpu.memory_space<vmem_shared>>
      %dma_wait3A_90 = arith.constant 0 : i32
      %dma_wait3A_91 = arith.constant 0 : i32
      %dma_wait3A_92 = tpu.memref_slice %arg8[%dma_wait3A_90, %dma_wait3A_91] : memref<100x128xf32, #tpu.memory_space<vmem>> -> memref<48x128xf32, #tpu.memory_space<vmem>>
      tpu.wait_dma2 semaphore(%run_scoped3A : memref<!tpu.dma_semaphore, #tpu.memory_space<semaphore_mem>>) src(%dma_wait3A_92 : memref<48x128xf32, #tpu.memory_space<vmem>>) dst(%dma_wait3A_89 : memref<48x128xf32, #tpu.memory_space<vmem_shared>>)
      tpu.yield
    }) : () -> ()
    %mul3A_40 = arith.constant 624 : i32
    %mul3A_41 = arith.muli %arg1, %mul3A_40 : i32
    %add3A_42 = arith.constant 432 : i32
    %add3A_43 = arith.addi %mul3A_41, %add3A_42 : i32
    "tpu.region"() ({
      %run_scoped3A = tpu.sem_alloc : memref<!tpu.dma_semaphore, #tpu.memory_space<semaphore_mem>>
      %dma_start3A = arith.constant 0 : i32
      %dma_start3A_75 = arith.constant 0 : i32
      %dma_start3A_76 = tpu.memref_slice %arg8[%dma_start3A, %dma_start3A_75] : memref<100x128xf32, #tpu.memory_space<vmem>> -> memref<48x128xf32, #tpu.memory_space<vmem>>
      %dma_start3A_77 = arith.constant 0 : i32
      %dma_start3A_78 = tpu.memref_slice %arg10[%add3A_43, %dma_start3A_77] : memref<10000x128xf32, #tpu.memory_space<vmem_shared>> -> memref<48x128xf32, #tpu.memory_space<vmem_shared>>
      %dma_start3A_79 = arith.constant 0 : i32
      %dma_start3A_80 = tpu.memref_slice %arg10[%add3A_43, %dma_start3A_79] : memref<10000x128xf32, #tpu.memory_space<vmem_shared>> -> memref<48x128xf32, #tpu.memory_space<vmem_shared>>
      %dma_start3A_81 = arith.constant 0 : i32
      %dma_start3A_82 = arith.constant 0 : i32
      %dma_start3A_83 = tpu.memref_slice %arg8[%dma_start3A_81, %dma_start3A_82] : memref<100x128xf32, #tpu.memory_space<vmem>> -> memref<48x128xf32, #tpu.memory_space<vmem>>
      tpu.enqueue_dma source(%dma_start3A_83 : memref<48x128xf32, #tpu.memory_space<vmem>>) target(%dma_start3A_80 : memref<48x128xf32, #tpu.memory_space<vmem_shared>>) target_semaphore(%run_scoped3A : memref<!tpu.dma_semaphore, #tpu.memory_space<semaphore_mem>>)
      %dma_wait3A = arith.constant 0 : i32
      %dma_wait3A_84 = arith.constant 0 : i32
      %dma_wait3A_85 = tpu.memref_slice %arg8[%dma_wait3A, %dma_wait3A_84] : memref<100x128xf32, #tpu.memory_space<vmem>> -> memref<48x128xf32, #tpu.memory_space<vmem>>
      %dma_wait3A_86 = arith.constant 0 : i32
      %dma_wait3A_87 = tpu.memref_slice %arg10[%add3A_43, %dma_wait3A_86] : memref<10000x128xf32, #tpu.memory_space<vmem_shared>> -> memref<48x128xf32, #tpu.memory_space<vmem_shared>>
      %dma_wait3A_88 = arith.constant 0 : i32
      %dma_wait3A_89 = tpu.memref_slice %arg10[%add3A_43, %dma_wait3A_88] : memref<10000x128xf32, #tpu.memory_space<vmem_shared>> -> memref<48x128xf32, #tpu.memory_space<vmem_shared>>
      %dma_wait3A_90 = arith.constant 0 : i32
      %dma_wait3A_91 = arith.constant 0 : i32
      %dma_wait3A_92 = tpu.memref_slice %arg8[%dma_wait3A_90, %dma_wait3A_91] : memref<100x128xf32, #tpu.memory_space<vmem>> -> memref<48x128xf32, #tpu.memory_space<vmem>>
      tpu.wait_dma2 semaphore(%run_scoped3A : memref<!tpu.dma_semaphore, #tpu.memory_space<semaphore_mem>>) src(%dma_wait3A_92 : memref<48x128xf32, #tpu.memory_space<vmem>>) dst(%dma_wait3A_89 : memref<48x128xf32, #tpu.memory_space<vmem_shared>>)
      tpu.yield
    }) : () -> ()
    %mul3A_44 = arith.constant 624 : i32
    %mul3A_45 = arith.muli %arg1, %mul3A_44 : i32
    %add3A_46 = arith.constant 480 : i32
    %add3A_47 = arith.addi %mul3A_45, %add3A_46 : i32
    "tpu.region"() ({
      %run_scoped3A = tpu.sem_alloc : memref<!tpu.dma_semaphore, #tpu.memory_space<semaphore_mem>>
      %dma_start3A = arith.constant 0 : i32
      %dma_start3A_75 = arith.constant 0 : i32
      %dma_start3A_76 = tpu.memref_slice %arg8[%dma_start3A, %dma_start3A_75] : memref<100x128xf32, #tpu.memory_space<vmem>> -> memref<48x128xf32, #tpu.memory_space<vmem>>
      %dma_start3A_77 = arith.constant 0 : i32
      %dma_start3A_78 = tpu.memref_slice %arg10[%add3A_47, %dma_start3A_77] : memref<10000x128xf32, #tpu.memory_space<vmem_shared>> -> memref<48x128xf32, #tpu.memory_space<vmem_shared>>
      %dma_start3A_79 = arith.constant 0 : i32
      %dma_start3A_80 = tpu.memref_slice %arg10[%add3A_47, %dma_start3A_79] : memref<10000x128xf32, #tpu.memory_space<vmem_shared>> -> memref<48x128xf32, #tpu.memory_space<vmem_shared>>
      %dma_start3A_81 = arith.constant 0 : i32
      %dma_start3A_82 = arith.constant 0 : i32
      %dma_start3A_83 = tpu.memref_slice %arg8[%dma_start3A_81, %dma_start3A_82] : memref<100x128xf32, #tpu.memory_space<vmem>> -> memref<48x128xf32, #tpu.memory_space<vmem>>
      tpu.enqueue_dma source(%dma_start3A_83 : memref<48x128xf32, #tpu.memory_space<vmem>>) target(%dma_start3A_80 : memref<48x128xf32, #tpu.memory_space<vmem_shared>>) target_semaphore(%run_scoped3A : memref<!tpu.dma_semaphore, #tpu.memory_space<semaphore_mem>>)
      %dma_wait3A = arith.constant 0 : i32
      %dma_wait3A_84 = arith.constant 0 : i32
      %dma_wait3A_85 = tpu.memref_slice %arg8[%dma_wait3A, %dma_wait3A_84] : memref<100x128xf32, #tpu.memory_space<vmem>> -> memref<48x128xf32, #tpu.memory_space<vmem>>
      %dma_wait3A_86 = arith.constant 0 : i32
      %dma_wait3A_87 = tpu.memref_slice %arg10[%add3A_47, %dma_wait3A_86] : memref<10000x128xf32, #tpu.memory_space<vmem_shared>> -> memref<48x128xf32, #tpu.memory_space<vmem_shared>>
      %dma_wait3A_88 = arith.constant 0 : i32
      %dma_wait3A_89 = tpu.memref_slice %arg10[%add3A_47, %dma_wait3A_88] : memref<10000x128xf32, #tpu.memory_space<vmem_shared>> -> memref<48x128xf32, #tpu.memory_space<vmem_shared>>
      %dma_wait3A_90 = arith.constant 0 : i32
      %dma_wait3A_91 = arith.constant 0 : i32
      %dma_wait3A_92 = tpu.memref_slice %arg8[%dma_wait3A_90, %dma_wait3A_91] : memref<100x128xf32, #tpu.memory_space<vmem>> -> memref<48x128xf32, #tpu.memory_space<vmem>>
      tpu.wait_dma2 semaphore(%run_scoped3A : memref<!tpu.dma_semaphore, #tpu.memory_space<semaphore_mem>>) src(%dma_wait3A_92 : memref<48x128xf32, #tpu.memory_space<vmem>>) dst(%dma_wait3A_89 : memref<48x128xf32, #tpu.memory_space<vmem_shared>>)
      tpu.yield
    }) : () -> ()
    %mul3A_48 = arith.constant 624 : i32
    %mul3A_49 = arith.muli %arg1, %mul3A_48 : i32
    %add3A_50 = arith.constant 528 : i32
    %add3A_51 = arith.addi %mul3A_49, %add3A_50 : i32
    "tpu.region"() ({
      %run_scoped3A = tpu.sem_alloc : memref<!tpu.dma_semaphore, #tpu.memory_space<semaphore_mem>>
      %dma_start3A = arith.constant 0 : i32
      %dma_start3A_75 = arith.constant 0 : i32
      %dma_start3A_76 = tpu.memref_slice %arg8[%dma_start3A, %dma_start3A_75] : memref<100x128xf32, #tpu.memory_space<vmem>> -> memref<48x128xf32, #tpu.memory_space<vmem>>
      %dma_start3A_77 = arith.constant 0 : i32
      %dma_start3A_78 = tpu.memref_slice %arg10[%add3A_51, %dma_start3A_77] : memref<10000x128xf32, #tpu.memory_space<vmem_shared>> -> memref<48x128xf32, #tpu.memory_space<vmem_shared>>
      %dma_start3A_79 = arith.constant 0 : i32
      %dma_start3A_80 = tpu.memref_slice %arg10[%add3A_51, %dma_start3A_79] : memref<10000x128xf32, #tpu.memory_space<vmem_shared>> -> memref<48x128xf32, #tpu.memory_space<vmem_shared>>
      %dma_start3A_81 = arith.constant 0 : i32
      %dma_start3A_82 = arith.constant 0 : i32
      %dma_start3A_83 = tpu.memref_slice %arg8[%dma_start3A_81, %dma_start3A_82] : memref<100x128xf32, #tpu.memory_space<vmem>> -> memref<48x128xf32, #tpu.memory_space<vmem>>
      tpu.enqueue_dma source(%dma_start3A_83 : memref<48x128xf32, #tpu.memory_space<vmem>>) target(%dma_start3A_80 : memref<48x128xf32, #tpu.memory_space<vmem_shared>>) target_semaphore(%run_scoped3A : memref<!tpu.dma_semaphore, #tpu.memory_space<semaphore_mem>>)
      %dma_wait3A = arith.constant 0 : i32
      %dma_wait3A_84 = arith.constant 0 : i32
      %dma_wait3A_85 = tpu.memref_slice %arg8[%dma_wait3A, %dma_wait3A_84] : memref<100x128xf32, #tpu.memory_space<vmem>> -> memref<48x128xf32, #tpu.memory_space<vmem>>
      %dma_wait3A_86 = arith.constant 0 : i32
      %dma_wait3A_87 = tpu.memref_slice %arg10[%add3A_51, %dma_wait3A_86] : memref<10000x128xf32, #tpu.memory_space<vmem_shared>> -> memref<48x128xf32, #tpu.memory_space<vmem_shared>>
      %dma_wait3A_88 = arith.constant 0 : i32
      %dma_wait3A_89 = tpu.memref_slice %arg10[%add3A_51, %dma_wait3A_88] : memref<10000x128xf32, #tpu.memory_space<vmem_shared>> -> memref<48x128xf32, #tpu.memory_space<vmem_shared>>
      %dma_wait3A_90 = arith.constant 0 : i32
      %dma_wait3A_91 = arith.constant 0 : i32
      %dma_wait3A_92 = tpu.memref_slice %arg8[%dma_wait3A_90, %dma_wait3A_91] : memref<100x128xf32, #tpu.memory_space<vmem>> -> memref<48x128xf32, #tpu.memory_space<vmem>>
      tpu.wait_dma2 semaphore(%run_scoped3A : memref<!tpu.dma_semaphore, #tpu.memory_space<semaphore_mem>>) src(%dma_wait3A_92 : memref<48x128xf32, #tpu.memory_space<vmem>>) dst(%dma_wait3A_89 : memref<48x128xf32, #tpu.memory_space<vmem_shared>>)
      tpu.yield
    }) : () -> ()
    %mul3A_52 = arith.constant 624 : i32
    %mul3A_53 = arith.muli %arg1, %mul3A_52 : i32
    %add3A_54 = arith.constant 576 : i32
    %add3A_55 = arith.addi %mul3A_53, %add3A_54 : i32
    "tpu.region"() ({
      %run_scoped3A = tpu.sem_alloc : memref<!tpu.dma_semaphore, #tpu.memory_space<semaphore_mem>>
      %dma_start3A = arith.constant 0 : i32
      %dma_start3A_75 = arith.constant 0 : i32
      %dma_start3A_76 = tpu.memref_slice %arg8[%dma_start3A, %dma_start3A_75] : memref<100x128xf32, #tpu.memory_space<vmem>> -> memref<48x128xf32, #tpu.memory_space<vmem>>
      %dma_start3A_77 = arith.constant 0 : i32
      %dma_start3A_78 = tpu.memref_slice %arg10[%add3A_55, %dma_start3A_77] : memref<10000x128xf32, #tpu.memory_space<vmem_shared>> -> memref<48x128xf32, #tpu.memory_space<vmem_shared>>
      %dma_start3A_79 = arith.constant 0 : i32
      %dma_start3A_80 = tpu.memref_slice %arg10[%add3A_55, %dma_start3A_79] : memref<10000x128xf32, #tpu.memory_space<vmem_shared>> -> memref<48x128xf32, #tpu.memory_space<vmem_shared>>
      %dma_start3A_81 = arith.constant 0 : i32
      %dma_start3A_82 = arith.constant 0 : i32
      %dma_start3A_83 = tpu.memref_slice %arg8[%dma_start3A_81, %dma_start3A_82] : memref<100x128xf32, #tpu.memory_space<vmem>> -> memref<48x128xf32, #tpu.memory_space<vmem>>
      tpu.enqueue_dma source(%dma_start3A_83 : memref<48x128xf32, #tpu.memory_space<vmem>>) target(%dma_start3A_80 : memref<48x128xf32, #tpu.memory_space<vmem_shared>>) target_semaphore(%run_scoped3A : memref<!tpu.dma_semaphore, #tpu.memory_space<semaphore_mem>>)
      %dma_wait3A = arith.constant 0 : i32
      %dma_wait3A_84 = arith.constant 0 : i32
      %dma_wait3A_85 = tpu.memref_slice %arg8[%dma_wait3A, %dma_wait3A_84] : memref<100x128xf32, #tpu.memory_space<vmem>> -> memref<48x128xf32, #tpu.memory_space<vmem>>
      %dma_wait3A_86 = arith.constant 0 : i32
      %dma_wait3A_87 = tpu.memref_slice %arg10[%add3A_55, %dma_wait3A_86] : memref<10000x128xf32, #tpu.memory_space<vmem_shared>> -> memref<48x128xf32, #tpu.memory_space<vmem_shared>>
      %dma_wait3A_88 = arith.constant 0 : i32
      %dma_wait3A_89 = tpu.memref_slice %arg10[%add3A_55, %dma_wait3A_88] : memref<10000x128xf32, #tpu.memory_space<vmem_shared>> -> memref<48x128xf32, #tpu.memory_space<vmem_shared>>
      %dma_wait3A_90 = arith.constant 0 : i32
      %dma_wait3A_91 = arith.constant 0 : i32
      %dma_wait3A_92 = tpu.memref_slice %arg8[%dma_wait3A_90, %dma_wait3A_91] : memref<100x128xf32, #tpu.memory_space<vmem>> -> memref<48x128xf32, #tpu.memory_space<vmem>>
      tpu.wait_dma2 semaphore(%run_scoped3A : memref<!tpu.dma_semaphore, #tpu.memory_space<semaphore_mem>>) src(%dma_wait3A_92 : memref<48x128xf32, #tpu.memory_space<vmem>>) dst(%dma_wait3A_89 : memref<48x128xf32, #tpu.memory_space<vmem_shared>>)
      tpu.yield
    }) : () -> ()
    %eq3A = arith.constant 15 : i32
    %eq3A_56 = arith.cmpi eq, %arg1, %eq3A : i32
    %convert_element_type3A = arith.extui %eq3A_56 : i1 to i32
    %cond3A = arith.constant 0 : i32
    %cond3A_57 = arith.cmpi ne, %convert_element_type3A, %cond3A : i32
    scf.if %cond3A_57 {
      "tpu.region"() ({
        %run_scoped3A = tpu.sem_alloc : memref<!tpu.dma_semaphore, #tpu.memory_space<semaphore_mem>>
        %dma_start3A = arith.constant 0 : i32
        %dma_start3A_75 = arith.constant 0 : i32
        %dma_start3A_76 = tpu.memref_slice %arg8[%dma_start3A, %dma_start3A_75] : memref<100x128xf32, #tpu.memory_space<vmem>> -> memref<16x128xf32, #tpu.memory_space<vmem>>
        %dma_start3A_77 = arith.constant 9984 : i32
        %dma_start3A_78 = arith.constant 0 : i32
        %dma_start3A_79 = tpu.memref_slice %arg10[%dma_start3A_77, %dma_start3A_78] : memref<10000x128xf32, #tpu.memory_space<vmem_shared>> -> memref<16x128xf32, #tpu.memory_space<vmem_shared>>
        %dma_start3A_80 = arith.constant 9984 : i32
        %dma_start3A_81 = arith.constant 0 : i32
        %dma_start3A_82 = tpu.memref_slice %arg10[%dma_start3A_80, %dma_start3A_81] : memref<10000x128xf32, #tpu.memory_space<vmem_shared>> -> memref<16x128xf32, #tpu.memory_space<vmem_shared>>
        %dma_start3A_83 = arith.constant 0 : i32
        %dma_start3A_84 = arith.constant 0 : i32
        %dma_start3A_85 = tpu.memref_slice %arg8[%dma_start3A_83, %dma_start3A_84] : memref<100x128xf32, #tpu.memory_space<vmem>> -> memref<16x128xf32, #tpu.memory_space<vmem>>
        tpu.enqueue_dma source(%dma_start3A_85 : memref<16x128xf32, #tpu.memory_space<vmem>>) target(%dma_start3A_82 : memref<16x128xf32, #tpu.memory_space<vmem_shared>>) target_semaphore(%run_scoped3A : memref<!tpu.dma_semaphore, #tpu.memory_space<semaphore_mem>>)
        %dma_wait3A = arith.constant 0 : i32
        %dma_wait3A_86 = arith.constant 0 : i32
        %dma_wait3A_87 = tpu.memref_slice %arg8[%dma_wait3A, %dma_wait3A_86] : memref<100x128xf32, #tpu.memory_space<vmem>> -> memref<16x128xf32, #tpu.memory_space<vmem>>
        %dma_wait3A_88 = arith.constant 9984 : i32
        %dma_wait3A_89 = arith.constant 0 : i32
        %dma_wait3A_90 = tpu.memref_slice %arg10[%dma_wait3A_88, %dma_wait3A_89] : memref<10000x128xf32, #tpu.memory_space<vmem_shared>> -> memref<16x128xf32, #tpu.memory_space<vmem_shared>>
        %dma_wait3A_91 = arith.constant 9984 : i32
        %dma_wait3A_92 = arith.constant 0 : i32
        %dma_wait3A_93 = tpu.memref_slice %arg10[%dma_wait3A_91, %dma_wait3A_92] : memref<10000x128xf32, #tpu.memory_space<vmem_shared>> -> memref<16x128xf32, #tpu.memory_space<vmem_shared>>
        %dma_wait3A_94 = arith.constant 0 : i32
        %dma_wait3A_95 = arith.constant 0 : i32
        %dma_wait3A_96 = tpu.memref_slice %arg8[%dma_wait3A_94, %dma_wait3A_95] : memref<100x128xf32, #tpu.memory_space<vmem>> -> memref<16x128xf32, #tpu.memory_space<vmem>>
        tpu.wait_dma2 semaphore(%run_scoped3A : memref<!tpu.dma_semaphore, #tpu.memory_space<semaphore_mem>>) src(%dma_wait3A_96 : memref<16x128xf32, #tpu.memory_space<vmem>>) dst(%dma_wait3A_93 : memref<16x128xf32, #tpu.memory_space<vmem_shared>>)
        tpu.yield
      }) : () -> ()
    } else {
    }
    %barrier3A = arith.constant 0 : index
    tpu.barrier barrier_id(%barrier3A)
    %scan3A_58 = arith.constant 0 : i32
    %scan3A_59 = arith.constant 0 : i32
    %scan3A_60 = arith.constant 20 : i32
    %scan3A_61 = arith.addi %scan3A_59, %scan3A_60 : i32
    %scan3A_62 = arith.constant 1 : i32
    %scan3A_63 = scf.for %scan3A_75 = %scan3A_59 to %scan3A_61 step %scan3A_62 iter_args(%scan3A_76 = %scan3A_58) -> (i32)  : i32 {
      "tpu.region"() ({
        %run_scoped3A_225 = tpu.sem_alloc : memref<!tpu.dma_semaphore, #tpu.memory_space<semaphore_mem>>
        %dma_start3A_226 = arith.constant 0 : i32
        %dma_start3A_227 = arith.constant 0 : i32
        %dma_start3A_228 = tpu.memref_slice %arg3[%arg1, %scan3A_75, %dma_start3A_226, %dma_start3A_227] : memref<16x20x10x100xi32, #tpu.memory_space<hbm>> -> memref<1x1x10x100xi32, #tpu.memory_space<hbm>>
        %dma_start3A_229 = tpu.memref_squeeze %dma_start3A_228 : memref<1x1x10x100xi32, #tpu.memory_space<hbm>> -> memref<10x100xi32, #tpu.memory_space<hbm>>
        %dma_start3A_230 = arith.constant 0 : i32
        %dma_start3A_231 = arith.constant 0 : i32
        %dma_start3A_232 = tpu.memref_slice %arg3[%arg1, %scan3A_75, %dma_start3A_230, %dma_start3A_231] : memref<16x20x10x100xi32, #tpu.memory_space<hbm>> -> memref<1x1x10x100xi32, #tpu.memory_space<hbm>>
        %dma_start3A_233 = tpu.memref_squeeze %dma_start3A_232 : memref<1x1x10x100xi32, #tpu.memory_space<hbm>> -> memref<10x100xi32, #tpu.memory_space<hbm>>
        tpu.enqueue_dma source(%dma_start3A_233 : memref<10x100xi32, #tpu.memory_space<hbm>>) target(%arg6 : memref<10x100xi32, #tpu.memory_space<vmem>>) target_semaphore(%run_scoped3A_225 : memref<!tpu.dma_semaphore, #tpu.memory_space<semaphore_mem>>)
        %dma_wait3A_234 = arith.constant 0 : i32
        %dma_wait3A_235 = arith.constant 0 : i32
        %dma_wait3A_236 = tpu.memref_slice %arg3[%arg1, %scan3A_75, %dma_wait3A_234, %dma_wait3A_235] : memref<16x20x10x100xi32, #tpu.memory_space<hbm>> -> memref<1x1x10x100xi32, #tpu.memory_space<hbm>>
        %dma_wait3A_237 = tpu.memref_squeeze %dma_wait3A_236 : memref<1x1x10x100xi32, #tpu.memory_space<hbm>> -> memref<10x100xi32, #tpu.memory_space<hbm>>
        %dma_wait3A_238 = arith.constant 0 : i32
        %dma_wait3A_239 = arith.constant 0 : i32
        %dma_wait3A_240 = tpu.memref_slice %arg3[%arg1, %scan3A_75, %dma_wait3A_238, %dma_wait3A_239] : memref<16x20x10x100xi32, #tpu.memory_space<hbm>> -> memref<1x1x10x100xi32, #tpu.memory_space<hbm>>
        %dma_wait3A_241 = tpu.memref_squeeze %dma_wait3A_240 : memref<1x1x10x100xi32, #tpu.memory_space<hbm>> -> memref<10x100xi32, #tpu.memory_space<hbm>>
        tpu.wait_dma2 semaphore(%run_scoped3A_225 : memref<!tpu.dma_semaphore, #tpu.memory_space<semaphore_mem>>) src(%dma_wait3A_241 : memref<10x100xi32, #tpu.memory_space<hbm>>) dst(%arg6 : memref<10x100xi32, #tpu.memory_space<vmem>>)
        tpu.yield
      }) : () -> ()
      "tpu.region"() ({
        %run_scoped3A_225 = tpu.sem_alloc : memref<!tpu.dma_semaphore, #tpu.memory_space<semaphore_mem>>
        %dma_start3A_226 = arith.constant 0 : i32
        %dma_start3A_227 = arith.constant 0 : i32
        %dma_start3A_228 = tpu.memref_slice %arg4[%arg1, %scan3A_75, %dma_start3A_226, %dma_start3A_227] : memref<16x20x10x100xi32, #tpu.memory_space<hbm>> -> memref<1x1x10x100xi32, #tpu.memory_space<hbm>>
        %dma_start3A_229 = tpu.memref_squeeze %dma_start3A_228 : memref<1x1x10x100xi32, #tpu.memory_space<hbm>> -> memref<10x100xi32, #tpu.memory_space<hbm>>
        %dma_start3A_230 = arith.constant 0 : i32
        %dma_start3A_231 = arith.constant 0 : i32
        %dma_start3A_232 = tpu.memref_slice %arg4[%arg1, %scan3A_75, %dma_start3A_230, %dma_start3A_231] : memref<16x20x10x100xi32, #tpu.memory_space<hbm>> -> memref<1x1x10x100xi32, #tpu.memory_space<hbm>>
        %dma_start3A_233 = tpu.memref_squeeze %dma_start3A_232 : memref<1x1x10x100xi32, #tpu.memory_space<hbm>> -> memref<10x100xi32, #tpu.memory_space<hbm>>
        tpu.enqueue_dma source(%dma_start3A_233 : memref<10x100xi32, #tpu.memory_space<hbm>>) target(%arg7 : memref<10x100xi32, #tpu.memory_space<vmem>>) target_semaphore(%run_scoped3A_225 : memref<!tpu.dma_semaphore, #tpu.memory_space<semaphore_mem>>)
        %dma_wait3A_234 = arith.constant 0 : i32
        %dma_wait3A_235 = arith.constant 0 : i32
        %dma_wait3A_236 = tpu.memref_slice %arg4[%arg1, %scan3A_75, %dma_wait3A_234, %dma_wait3A_235] : memref<16x20x10x100xi32, #tpu.memory_space<hbm>> -> memref<1x1x10x100xi32, #tpu.memory_space<hbm>>
        %dma_wait3A_237 = tpu.memref_squeeze %dma_wait3A_236 : memref<1x1x10x100xi32, #tpu.memory_space<hbm>> -> memref<10x100xi32, #tpu.memory_space<hbm>>
        %dma_wait3A_238 = arith.constant 0 : i32
        %dma_wait3A_239 = arith.constant 0 : i32
        %dma_wait3A_240 = tpu.memref_slice %arg4[%arg1, %scan3A_75, %dma_wait3A_238, %dma_wait3A_239] : memref<16x20x10x100xi32, #tpu.memory_space<hbm>> -> memref<1x1x10x100xi32, #tpu.memory_space<hbm>>
        %dma_wait3A_241 = tpu.memref_squeeze %dma_wait3A_240 : memref<1x1x10x100xi32, #tpu.memory_space<hbm>> -> memref<10x100xi32, #tpu.memory_space<hbm>>
        tpu.wait_dma2 semaphore(%run_scoped3A_225 : memref<!tpu.dma_semaphore, #tpu.memory_space<semaphore_mem>>) src(%dma_wait3A_241 : memref<10x100xi32, #tpu.memory_space<hbm>>) dst(%arg7 : memref<10x100xi32, #tpu.memory_space<vmem>>)
        tpu.yield
      }) : () -> ()
      %dma_start3A = arith.constant 0 : i32
      %dma_start3A_77 = arith.constant 0 : i32
      %dma_start3A_78 = tpu.memref_slice %arg6[%dma_start3A, %dma_start3A_77] : memref<10x100xi32, #tpu.memory_space<vmem>> -> memref<1x100xi32, #tpu.memory_space<vmem>>
      %dma_start3A_79 = tpu.memref_squeeze %dma_start3A_78 : memref<1x100xi32, #tpu.memory_space<vmem>> -> memref<100xi32, #tpu.memory_space<vmem>>
      %dma_start3A_80 = arith.constant 0 : i32
      %dma_start3A_81 = arith.constant 0 : i32
      %dma_start3A_82 = tpu.memref_slice %arg2[%dma_start3A_80, %dma_start3A_81] : memref<10000x128xf32, #tpu.memory_space<hbm>> -> memref<10000x128xf32, #tpu.memory_space<hbm>>
      tpu.enqueue_indirect_dma source(%dma_start3A_82 : memref<10000x128xf32, #tpu.memory_space<hbm>>) target(%arg8 : memref<100x128xf32, #tpu.memory_space<vmem>>) offsets(%dma_start3A_79 : memref<100xi32, #tpu.memory_space<vmem>>) semaphore(%arg11 : memref<!tpu.dma_semaphore, #tpu.memory_space<semaphore_mem>>)
      %dma_wait3A = arith.constant 0 : i32
      %dma_wait3A_83 = arith.constant 0 : i32
      %dma_wait3A_84 = tpu.memref_slice %arg6[%dma_wait3A, %dma_wait3A_83] : memref<10x100xi32, #tpu.memory_space<vmem>> -> memref<1x100xi32, #tpu.memory_space<vmem>>
      %dma_wait3A_85 = tpu.memref_squeeze %dma_wait3A_84 : memref<1x100xi32, #tpu.memory_space<vmem>> -> memref<100xi32, #tpu.memory_space<vmem>>
      %dma_wait3A_86 = arith.constant 0 : i32
      %dma_wait3A_87 = arith.constant 0 : i32
      %dma_wait3A_88 = tpu.memref_slice %arg2[%dma_wait3A_86, %dma_wait3A_87] : memref<10000x128xf32, #tpu.memory_space<hbm>> -> memref<10000x128xf32, #tpu.memory_space<hbm>>
      tpu.wait_indirect_dma semaphore(%arg11 : memref<!tpu.dma_semaphore, #tpu.memory_space<semaphore_mem>>) src(%dma_wait3A_88 : memref<10000x128xf32, #tpu.memory_space<hbm>>) dst(%arg8 : memref<100x128xf32, #tpu.memory_space<vmem>>)
      %dma_start3A_89 = arith.constant 1 : i32
      %dma_start3A_90 = arith.constant 0 : i32
      %dma_start3A_91 = tpu.memref_slice %arg6[%dma_start3A_89, %dma_start3A_90] : memref<10x100xi32, #tpu.memory_space<vmem>> -> memref<1x100xi32, #tpu.memory_space<vmem>>
      %dma_start3A_92 = tpu.memref_squeeze %dma_start3A_91 : memref<1x100xi32, #tpu.memory_space<vmem>> -> memref<100xi32, #tpu.memory_space<vmem>>
      %dma_start3A_93 = arith.constant 0 : i32
      %dma_start3A_94 = arith.constant 0 : i32
      %dma_start3A_95 = tpu.memref_slice %arg2[%dma_start3A_93, %dma_start3A_94] : memref<10000x128xf32, #tpu.memory_space<hbm>> -> memref<10000x128xf32, #tpu.memory_space<hbm>>
      tpu.enqueue_indirect_dma source(%dma_start3A_95 : memref<10000x128xf32, #tpu.memory_space<hbm>>) target(%arg9 : memref<100x128xf32, #tpu.memory_space<vmem>>) offsets(%dma_start3A_92 : memref<100xi32, #tpu.memory_space<vmem>>) semaphore(%arg12 : memref<!tpu.dma_semaphore, #tpu.memory_space<semaphore_mem>>)
      %run_scoped3A = arith.constant 0 : i32
      "tpu.region"() ({
        %run_scoped3A_225 = tpu.sem_alloc : memref<!tpu.dma_semaphore, #tpu.memory_space<semaphore_mem>>
        %dma_start3A_226 = arith.constant 0 : i32
        %dma_start3A_227 = tpu.memref_slice %arg7[%run_scoped3A, %dma_start3A_226] : memref<10x100xi32, #tpu.memory_space<vmem>> -> memref<1x100xi32, #tpu.memory_space<vmem>>
        %dma_start3A_228 = tpu.memref_squeeze %dma_start3A_227 : memref<1x100xi32, #tpu.memory_space<vmem>> -> memref<100xi32, #tpu.memory_space<vmem>>
        %dma_start3A_229 = arith.constant 0 : i32
        %dma_start3A_230 = arith.constant 0 : i32
        %dma_start3A_231 = tpu.memref_slice %arg10[%dma_start3A_229, %dma_start3A_230] : memref<10000x128xf32, #tpu.memory_space<vmem_shared>> -> memref<10000x128xf32, #tpu.memory_space<vmem_shared>>
        tpu.enqueue_indirect_dma source(%arg8 : memref<100x128xf32, #tpu.memory_space<vmem>>) target(%dma_start3A_231 : memref<10000x128xf32, #tpu.memory_space<vmem_shared>>) offsets(%dma_start3A_228 : memref<100xi32, #tpu.memory_space<vmem>>) semaphore(%run_scoped3A_225 : memref<!tpu.dma_semaphore, #tpu.memory_space<semaphore_mem>>) {add = true}
        %dma_wait3A_232 = arith.constant 0 : i32
        %dma_wait3A_233 = tpu.memref_slice %arg7[%run_scoped3A, %dma_wait3A_232] : memref<10x100xi32, #tpu.memory_space<vmem>> -> memref<1x100xi32, #tpu.memory_space<vmem>>
        %dma_wait3A_234 = tpu.memref_squeeze %dma_wait3A_233 : memref<1x100xi32, #tpu.memory_space<vmem>> -> memref<100xi32, #tpu.memory_space<vmem>>
        %dma_wait3A_235 = arith.constant 0 : i32
        %dma_wait3A_236 = arith.constant 0 : i32
        %dma_wait3A_237 = tpu.memref_slice %arg10[%dma_wait3A_235, %dma_wait3A_236] : memref<10000x128xf32, #tpu.memory_space<vmem_shared>> -> memref<10000x128xf32, #tpu.memory_space<vmem_shared>>
        tpu.wait_indirect_dma semaphore(%run_scoped3A_225 : memref<!tpu.dma_semaphore, #tpu.memory_space<semaphore_mem>>) src(%arg8 : memref<100x128xf32, #tpu.memory_space<vmem>>) dst(%dma_wait3A_237 : memref<10000x128xf32, #tpu.memory_space<vmem_shared>>)
        tpu.yield
      }) : () -> ()
      %dma_wait3A_96 = arith.constant 1 : i32
      %dma_wait3A_97 = arith.constant 0 : i32
      %dma_wait3A_98 = tpu.memref_slice %arg6[%dma_wait3A_96, %dma_wait3A_97] : memref<10x100xi32, #tpu.memory_space<vmem>> -> memref<1x100xi32, #tpu.memory_space<vmem>>
      %dma_wait3A_99 = tpu.memref_squeeze %dma_wait3A_98 : memref<1x100xi32, #tpu.memory_space<vmem>> -> memref<100xi32, #tpu.memory_space<vmem>>
      %dma_wait3A_100 = arith.constant 0 : i32
      %dma_wait3A_101 = arith.constant 0 : i32
      %dma_wait3A_102 = tpu.memref_slice %arg2[%dma_wait3A_100, %dma_wait3A_101] : memref<10000x128xf32, #tpu.memory_space<hbm>> -> memref<10000x128xf32, #tpu.memory_space<hbm>>
      tpu.wait_indirect_dma semaphore(%arg12 : memref<!tpu.dma_semaphore, #tpu.memory_space<semaphore_mem>>) src(%dma_wait3A_102 : memref<10000x128xf32, #tpu.memory_space<hbm>>) dst(%arg9 : memref<100x128xf32, #tpu.memory_space<vmem>>)
      %dma_start3A_103 = arith.constant 2 : i32
      %dma_start3A_104 = arith.constant 0 : i32
      %dma_start3A_105 = tpu.memref_slice %arg6[%dma_start3A_103, %dma_start3A_104] : memref<10x100xi32, #tpu.memory_space<vmem>> -> memref<1x100xi32, #tpu.memory_space<vmem>>
      %dma_start3A_106 = tpu.memref_squeeze %dma_start3A_105 : memref<1x100xi32, #tpu.memory_space<vmem>> -> memref<100xi32, #tpu.memory_space<vmem>>
      %dma_start3A_107 = arith.constant 0 : i32
      %dma_start3A_108 = arith.constant 0 : i32
      %dma_start3A_109 = tpu.memref_slice %arg2[%dma_start3A_107, %dma_start3A_108] : memref<10000x128xf32, #tpu.memory_space<hbm>> -> memref<10000x128xf32, #tpu.memory_space<hbm>>
      tpu.enqueue_indirect_dma source(%dma_start3A_109 : memref<10000x128xf32, #tpu.memory_space<hbm>>) target(%arg8 : memref<100x128xf32, #tpu.memory_space<vmem>>) offsets(%dma_start3A_106 : memref<100xi32, #tpu.memory_space<vmem>>) semaphore(%arg11 : memref<!tpu.dma_semaphore, #tpu.memory_space<semaphore_mem>>)
      %run_scoped3A_110 = arith.constant 1 : i32
      "tpu.region"() ({
        %run_scoped3A_225 = tpu.sem_alloc : memref<!tpu.dma_semaphore, #tpu.memory_space<semaphore_mem>>
        %dma_start3A_226 = arith.constant 0 : i32
        %dma_start3A_227 = tpu.memref_slice %arg7[%run_scoped3A_110, %dma_start3A_226] : memref<10x100xi32, #tpu.memory_space<vmem>> -> memref<1x100xi32, #tpu.memory_space<vmem>>
        %dma_start3A_228 = tpu.memref_squeeze %dma_start3A_227 : memref<1x100xi32, #tpu.memory_space<vmem>> -> memref<100xi32, #tpu.memory_space<vmem>>
        %dma_start3A_229 = arith.constant 0 : i32
        %dma_start3A_230 = arith.constant 0 : i32
        %dma_start3A_231 = tpu.memref_slice %arg10[%dma_start3A_229, %dma_start3A_230] : memref<10000x128xf32, #tpu.memory_space<vmem_shared>> -> memref<10000x128xf32, #tpu.memory_space<vmem_shared>>
        tpu.enqueue_indirect_dma source(%arg9 : memref<100x128xf32, #tpu.memory_space<vmem>>) target(%dma_start3A_231 : memref<10000x128xf32, #tpu.memory_space<vmem_shared>>) offsets(%dma_start3A_228 : memref<100xi32, #tpu.memory_space<vmem>>) semaphore(%run_scoped3A_225 : memref<!tpu.dma_semaphore, #tpu.memory_space<semaphore_mem>>) {add = true}
        %dma_wait3A_232 = arith.constant 0 : i32
        %dma_wait3A_233 = tpu.memref_slice %arg7[%run_scoped3A_110, %dma_wait3A_232] : memref<10x100xi32, #tpu.memory_space<vmem>> -> memref<1x100xi32, #tpu.memory_space<vmem>>
        %dma_wait3A_234 = tpu.memref_squeeze %dma_wait3A_233 : memref<1x100xi32, #tpu.memory_space<vmem>> -> memref<100xi32, #tpu.memory_space<vmem>>
        %dma_wait3A_235 = arith.constant 0 : i32
        %dma_wait3A_236 = arith.constant 0 : i32
        %dma_wait3A_237 = tpu.memref_slice %arg10[%dma_wait3A_235, %dma_wait3A_236] : memref<10000x128xf32, #tpu.memory_space<vmem_shared>> -> memref<10000x128xf32, #tpu.memory_space<vmem_shared>>
        tpu.wait_indirect_dma semaphore(%run_scoped3A_225 : memref<!tpu.dma_semaphore, #tpu.memory_space<semaphore_mem>>) src(%arg9 : memref<100x128xf32, #tpu.memory_space<vmem>>) dst(%dma_wait3A_237 : memref<10000x128xf32, #tpu.memory_space<vmem_shared>>)
        tpu.yield
      }) : () -> ()
      %dma_wait3A_111 = arith.constant 2 : i32
      %dma_wait3A_112 = arith.constant 0 : i32
      %dma_wait3A_113 = tpu.memref_slice %arg6[%dma_wait3A_111, %dma_wait3A_112] : memref<10x100xi32, #tpu.memory_space<vmem>> -> memref<1x100xi32, #tpu.memory_space<vmem>>
      %dma_wait3A_114 = tpu.memref_squeeze %dma_wait3A_113 : memref<1x100xi32, #tpu.memory_space<vmem>> -> memref<100xi32, #tpu.memory_space<vmem>>
      %dma_wait3A_115 = arith.constant 0 : i32
      %dma_wait3A_116 = arith.constant 0 : i32
      %dma_wait3A_117 = tpu.memref_slice %arg2[%dma_wait3A_115, %dma_wait3A_116] : memref<10000x128xf32, #tpu.memory_space<hbm>> -> memref<10000x128xf32, #tpu.memory_space<hbm>>
      tpu.wait_indirect_dma semaphore(%arg11 : memref<!tpu.dma_semaphore, #tpu.memory_space<semaphore_mem>>) src(%dma_wait3A_117 : memref<10000x128xf32, #tpu.memory_space<hbm>>) dst(%arg8 : memref<100x128xf32, #tpu.memory_space<vmem>>)
      %dma_start3A_118 = arith.constant 3 : i32
      %dma_start3A_119 = arith.constant 0 : i32
      %dma_start3A_120 = tpu.memref_slice %arg6[%dma_start3A_118, %dma_start3A_119] : memref<10x100xi32, #tpu.memory_space<vmem>> -> memref<1x100xi32, #tpu.memory_space<vmem>>
      %dma_start3A_121 = tpu.memref_squeeze %dma_start3A_120 : memref<1x100xi32, #tpu.memory_space<vmem>> -> memref<100xi32, #tpu.memory_space<vmem>>
      %dma_start3A_122 = arith.constant 0 : i32
      %dma_start3A_123 = arith.constant 0 : i32
      %dma_start3A_124 = tpu.memref_slice %arg2[%dma_start3A_122, %dma_start3A_123] : memref<10000x128xf32, #tpu.memory_space<hbm>> -> memref<10000x128xf32, #tpu.memory_space<hbm>>
      tpu.enqueue_indirect_dma source(%dma_start3A_124 : memref<10000x128xf32, #tpu.memory_space<hbm>>) target(%arg9 : memref<100x128xf32, #tpu.memory_space<vmem>>) offsets(%dma_start3A_121 : memref<100xi32, #tpu.memory_space<vmem>>) semaphore(%arg12 : memref<!tpu.dma_semaphore, #tpu.memory_space<semaphore_mem>>)
      %run_scoped3A_125 = arith.constant 2 : i32
      "tpu.region"() ({
        %run_scoped3A_225 = tpu.sem_alloc : memref<!tpu.dma_semaphore, #tpu.memory_space<semaphore_mem>>
        %dma_start3A_226 = arith.constant 0 : i32
        %dma_start3A_227 = tpu.memref_slice %arg7[%run_scoped3A_125, %dma_start3A_226] : memref<10x100xi32, #tpu.memory_space<vmem>> -> memref<1x100xi32, #tpu.memory_space<vmem>>
        %dma_start3A_228 = tpu.memref_squeeze %dma_start3A_227 : memref<1x100xi32, #tpu.memory_space<vmem>> -> memref<100xi32, #tpu.memory_space<vmem>>
        %dma_start3A_229 = arith.constant 0 : i32
        %dma_start3A_230 = arith.constant 0 : i32
        %dma_start3A_231 = tpu.memref_slice %arg10[%dma_start3A_229, %dma_start3A_230] : memref<10000x128xf32, #tpu.memory_space<vmem_shared>> -> memref<10000x128xf32, #tpu.memory_space<vmem_shared>>
        tpu.enqueue_indirect_dma source(%arg8 : memref<100x128xf32, #tpu.memory_space<vmem>>) target(%dma_start3A_231 : memref<10000x128xf32, #tpu.memory_space<vmem_shared>>) offsets(%dma_start3A_228 : memref<100xi32, #tpu.memory_space<vmem>>) semaphore(%run_scoped3A_225 : memref<!tpu.dma_semaphore, #tpu.memory_space<semaphore_mem>>) {add = true}
        %dma_wait3A_232 = arith.constant 0 : i32
        %dma_wait3A_233 = tpu.memref_slice %arg7[%run_scoped3A_125, %dma_wait3A_232] : memref<10x100xi32, #tpu.memory_space<vmem>> -> memref<1x100xi32, #tpu.memory_space<vmem>>
        %dma_wait3A_234 = tpu.memref_squeeze %dma_wait3A_233 : memref<1x100xi32, #tpu.memory_space<vmem>> -> memref<100xi32, #tpu.memory_space<vmem>>
        %dma_wait3A_235 = arith.constant 0 : i32
        %dma_wait3A_236 = arith.constant 0 : i32
        %dma_wait3A_237 = tpu.memref_slice %arg10[%dma_wait3A_235, %dma_wait3A_236] : memref<10000x128xf32, #tpu.memory_space<vmem_shared>> -> memref<10000x128xf32, #tpu.memory_space<vmem_shared>>
        tpu.wait_indirect_dma semaphore(%run_scoped3A_225 : memref<!tpu.dma_semaphore, #tpu.memory_space<semaphore_mem>>) src(%arg8 : memref<100x128xf32, #tpu.memory_space<vmem>>) dst(%dma_wait3A_237 : memref<10000x128xf32, #tpu.memory_space<vmem_shared>>)
        tpu.yield
      }) : () -> ()
      %dma_wait3A_126 = arith.constant 3 : i32
      %dma_wait3A_127 = arith.constant 0 : i32
      %dma_wait3A_128 = tpu.memref_slice %arg6[%dma_wait3A_126, %dma_wait3A_127] : memref<10x100xi32, #tpu.memory_space<vmem>> -> memref<1x100xi32, #tpu.memory_space<vmem>>
      %dma_wait3A_129 = tpu.memref_squeeze %dma_wait3A_128 : memref<1x100xi32, #tpu.memory_space<vmem>> -> memref<100xi32, #tpu.memory_space<vmem>>
      %dma_wait3A_130 = arith.constant 0 : i32
      %dma_wait3A_131 = arith.constant 0 : i32
      %dma_wait3A_132 = tpu.memref_slice %arg2[%dma_wait3A_130, %dma_wait3A_131] : memref<10000x128xf32, #tpu.memory_space<hbm>> -> memref<10000x128xf32, #tpu.memory_space<hbm>>
      tpu.wait_indirect_dma semaphore(%arg12 : memref<!tpu.dma_semaphore, #tpu.memory_space<semaphore_mem>>) src(%dma_wait3A_132 : memref<10000x128xf32, #tpu.memory_space<hbm>>) dst(%arg9 : memref<100x128xf32, #tpu.memory_space<vmem>>)
      %dma_start3A_133 = arith.constant 4 : i32
      %dma_start3A_134 = arith.constant 0 : i32
      %dma_start3A_135 = tpu.memref_slice %arg6[%dma_start3A_133, %dma_start3A_134] : memref<10x100xi32, #tpu.memory_space<vmem>> -> memref<1x100xi32, #tpu.memory_space<vmem>>
      %dma_start3A_136 = tpu.memref_squeeze %dma_start3A_135 : memref<1x100xi32, #tpu.memory_space<vmem>> -> memref<100xi32, #tpu.memory_space<vmem>>
      %dma_start3A_137 = arith.constant 0 : i32
      %dma_start3A_138 = arith.constant 0 : i32
      %dma_start3A_139 = tpu.memref_slice %arg2[%dma_start3A_137, %dma_start3A_138] : memref<10000x128xf32, #tpu.memory_space<hbm>> -> memref<10000x128xf32, #tpu.memory_space<hbm>>
      tpu.enqueue_indirect_dma source(%dma_start3A_139 : memref<10000x128xf32, #tpu.memory_space<hbm>>) target(%arg8 : memref<100x128xf32, #tpu.memory_space<vmem>>) offsets(%dma_start3A_136 : memref<100xi32, #tpu.memory_space<vmem>>) semaphore(%arg11 : memref<!tpu.dma_semaphore, #tpu.memory_space<semaphore_mem>>)
      %run_scoped3A_140 = arith.constant 3 : i32
      "tpu.region"() ({
        %run_scoped3A_225 = tpu.sem_alloc : memref<!tpu.dma_semaphore, #tpu.memory_space<semaphore_mem>>
        %dma_start3A_226 = arith.constant 0 : i32
        %dma_start3A_227 = tpu.memref_slice %arg7[%run_scoped3A_140, %dma_start3A_226] : memref<10x100xi32, #tpu.memory_space<vmem>> -> memref<1x100xi32, #tpu.memory_space<vmem>>
        %dma_start3A_228 = tpu.memref_squeeze %dma_start3A_227 : memref<1x100xi32, #tpu.memory_space<vmem>> -> memref<100xi32, #tpu.memory_space<vmem>>
        %dma_start3A_229 = arith.constant 0 : i32
        %dma_start3A_230 = arith.constant 0 : i32
        %dma_start3A_231 = tpu.memref_slice %arg10[%dma_start3A_229, %dma_start3A_230] : memref<10000x128xf32, #tpu.memory_space<vmem_shared>> -> memref<10000x128xf32, #tpu.memory_space<vmem_shared>>
        tpu.enqueue_indirect_dma source(%arg9 : memref<100x128xf32, #tpu.memory_space<vmem>>) target(%dma_start3A_231 : memref<10000x128xf32, #tpu.memory_space<vmem_shared>>) offsets(%dma_start3A_228 : memref<100xi32, #tpu.memory_space<vmem>>) semaphore(%run_scoped3A_225 : memref<!tpu.dma_semaphore, #tpu.memory_space<semaphore_mem>>) {add = true}
        %dma_wait3A_232 = arith.constant 0 : i32
        %dma_wait3A_233 = tpu.memref_slice %arg7[%run_scoped3A_140, %dma_wait3A_232] : memref<10x100xi32, #tpu.memory_space<vmem>> -> memref<1x100xi32, #tpu.memory_space<vmem>>
        %dma_wait3A_234 = tpu.memref_squeeze %dma_wait3A_233 : memref<1x100xi32, #tpu.memory_space<vmem>> -> memref<100xi32, #tpu.memory_space<vmem>>
        %dma_wait3A_235 = arith.constant 0 : i32
        %dma_wait3A_236 = arith.constant 0 : i32
        %dma_wait3A_237 = tpu.memref_slice %arg10[%dma_wait3A_235, %dma_wait3A_236] : memref<10000x128xf32, #tpu.memory_space<vmem_shared>> -> memref<10000x128xf32, #tpu.memory_space<vmem_shared>>
        tpu.wait_indirect_dma semaphore(%run_scoped3A_225 : memref<!tpu.dma_semaphore, #tpu.memory_space<semaphore_mem>>) src(%arg9 : memref<100x128xf32, #tpu.memory_space<vmem>>) dst(%dma_wait3A_237 : memref<10000x128xf32, #tpu.memory_space<vmem_shared>>)
        tpu.yield
      }) : () -> ()
      %dma_wait3A_141 = arith.constant 4 : i32
      %dma_wait3A_142 = arith.constant 0 : i32
      %dma_wait3A_143 = tpu.memref_slice %arg6[%dma_wait3A_141, %dma_wait3A_142] : memref<10x100xi32, #tpu.memory_space<vmem>> -> memref<1x100xi32, #tpu.memory_space<vmem>>
      %dma_wait3A_144 = tpu.memref_squeeze %dma_wait3A_143 : memref<1x100xi32, #tpu.memory_space<vmem>> -> memref<100xi32, #tpu.memory_space<vmem>>
      %dma_wait3A_145 = arith.constant 0 : i32
      %dma_wait3A_146 = arith.constant 0 : i32
      %dma_wait3A_147 = tpu.memref_slice %arg2[%dma_wait3A_145, %dma_wait3A_146] : memref<10000x128xf32, #tpu.memory_space<hbm>> -> memref<10000x128xf32, #tpu.memory_space<hbm>>
      tpu.wait_indirect_dma semaphore(%arg11 : memref<!tpu.dma_semaphore, #tpu.memory_space<semaphore_mem>>) src(%dma_wait3A_147 : memref<10000x128xf32, #tpu.memory_space<hbm>>) dst(%arg8 : memref<100x128xf32, #tpu.memory_space<vmem>>)
      %dma_start3A_148 = arith.constant 5 : i32
      %dma_start3A_149 = arith.constant 0 : i32
      %dma_start3A_150 = tpu.memref_slice %arg6[%dma_start3A_148, %dma_start3A_149] : memref<10x100xi32, #tpu.memory_space<vmem>> -> memref<1x100xi32, #tpu.memory_space<vmem>>
      %dma_start3A_151 = tpu.memref_squeeze %dma_start3A_150 : memref<1x100xi32, #tpu.memory_space<vmem>> -> memref<100xi32, #tpu.memory_space<vmem>>
      %dma_start3A_152 = arith.constant 0 : i32
      %dma_start3A_153 = arith.constant 0 : i32
      %dma_start3A_154 = tpu.memref_slice %arg2[%dma_start3A_152, %dma_start3A_153] : memref<10000x128xf32, #tpu.memory_space<hbm>> -> memref<10000x128xf32, #tpu.memory_space<hbm>>
      tpu.enqueue_indirect_dma source(%dma_start3A_154 : memref<10000x128xf32, #tpu.memory_space<hbm>>) target(%arg9 : memref<100x128xf32, #tpu.memory_space<vmem>>) offsets(%dma_start3A_151 : memref<100xi32, #tpu.memory_space<vmem>>) semaphore(%arg12 : memref<!tpu.dma_semaphore, #tpu.memory_space<semaphore_mem>>)
      %run_scoped3A_155 = arith.constant 4 : i32
      "tpu.region"() ({
        %run_scoped3A_225 = tpu.sem_alloc : memref<!tpu.dma_semaphore, #tpu.memory_space<semaphore_mem>>
        %dma_start3A_226 = arith.constant 0 : i32
        %dma_start3A_227 = tpu.memref_slice %arg7[%run_scoped3A_155, %dma_start3A_226] : memref<10x100xi32, #tpu.memory_space<vmem>> -> memref<1x100xi32, #tpu.memory_space<vmem>>
        %dma_start3A_228 = tpu.memref_squeeze %dma_start3A_227 : memref<1x100xi32, #tpu.memory_space<vmem>> -> memref<100xi32, #tpu.memory_space<vmem>>
        %dma_start3A_229 = arith.constant 0 : i32
        %dma_start3A_230 = arith.constant 0 : i32
        %dma_start3A_231 = tpu.memref_slice %arg10[%dma_start3A_229, %dma_start3A_230] : memref<10000x128xf32, #tpu.memory_space<vmem_shared>> -> memref<10000x128xf32, #tpu.memory_space<vmem_shared>>
        tpu.enqueue_indirect_dma source(%arg8 : memref<100x128xf32, #tpu.memory_space<vmem>>) target(%dma_start3A_231 : memref<10000x128xf32, #tpu.memory_space<vmem_shared>>) offsets(%dma_start3A_228 : memref<100xi32, #tpu.memory_space<vmem>>) semaphore(%run_scoped3A_225 : memref<!tpu.dma_semaphore, #tpu.memory_space<semaphore_mem>>) {add = true}
        %dma_wait3A_232 = arith.constant 0 : i32
        %dma_wait3A_233 = tpu.memref_slice %arg7[%run_scoped3A_155, %dma_wait3A_232] : memref<10x100xi32, #tpu.memory_space<vmem>> -> memref<1x100xi32, #tpu.memory_space<vmem>>
        %dma_wait3A_234 = tpu.memref_squeeze %dma_wait3A_233 : memref<1x100xi32, #tpu.memory_space<vmem>> -> memref<100xi32, #tpu.memory_space<vmem>>
        %dma_wait3A_235 = arith.constant 0 : i32
        %dma_wait3A_236 = arith.constant 0 : i32
        %dma_wait3A_237 = tpu.memref_slice %arg10[%dma_wait3A_235, %dma_wait3A_236] : memref<10000x128xf32, #tpu.memory_space<vmem_shared>> -> memref<10000x128xf32, #tpu.memory_space<vmem_shared>>
        tpu.wait_indirect_dma semaphore(%run_scoped3A_225 : memref<!tpu.dma_semaphore, #tpu.memory_space<semaphore_mem>>) src(%arg8 : memref<100x128xf32, #tpu.memory_space<vmem>>) dst(%dma_wait3A_237 : memref<10000x128xf32, #tpu.memory_space<vmem_shared>>)
        tpu.yield
      }) : () -> ()
      %dma_wait3A_156 = arith.constant 5 : i32
      %dma_wait3A_157 = arith.constant 0 : i32
      %dma_wait3A_158 = tpu.memref_slice %arg6[%dma_wait3A_156, %dma_wait3A_157] : memref<10x100xi32, #tpu.memory_space<vmem>> -> memref<1x100xi32, #tpu.memory_space<vmem>>
      %dma_wait3A_159 = tpu.memref_squeeze %dma_wait3A_158 : memref<1x100xi32, #tpu.memory_space<vmem>> -> memref<100xi32, #tpu.memory_space<vmem>>
      %dma_wait3A_160 = arith.constant 0 : i32
      %dma_wait3A_161 = arith.constant 0 : i32
      %dma_wait3A_162 = tpu.memref_slice %arg2[%dma_wait3A_160, %dma_wait3A_161] : memref<10000x128xf32, #tpu.memory_space<hbm>> -> memref<10000x128xf32, #tpu.memory_space<hbm>>
      tpu.wait_indirect_dma semaphore(%arg12 : memref<!tpu.dma_semaphore, #tpu.memory_space<semaphore_mem>>) src(%dma_wait3A_162 : memref<10000x128xf32, #tpu.memory_space<hbm>>) dst(%arg9 : memref<100x128xf32, #tpu.memory_space<vmem>>)
      %dma_start3A_163 = arith.constant 6 : i32
      %dma_start3A_164 = arith.constant 0 : i32
      %dma_start3A_165 = tpu.memref_slice %arg6[%dma_start3A_163, %dma_start3A_164] : memref<10x100xi32, #tpu.memory_space<vmem>> -> memref<1x100xi32, #tpu.memory_space<vmem>>
      %dma_start3A_166 = tpu.memref_squeeze %dma_start3A_165 : memref<1x100xi32, #tpu.memory_space<vmem>> -> memref<100xi32, #tpu.memory_space<vmem>>
      %dma_start3A_167 = arith.constant 0 : i32
      %dma_start3A_168 = arith.constant 0 : i32
      %dma_start3A_169 = tpu.memref_slice %arg2[%dma_start3A_167, %dma_start3A_168] : memref<10000x128xf32, #tpu.memory_space<hbm>> -> memref<10000x128xf32, #tpu.memory_space<hbm>>
      tpu.enqueue_indirect_dma source(%dma_start3A_169 : memref<10000x128xf32, #tpu.memory_space<hbm>>) target(%arg8 : memref<100x128xf32, #tpu.memory_space<vmem>>) offsets(%dma_start3A_166 : memref<100xi32, #tpu.memory_space<vmem>>) semaphore(%arg11 : memref<!tpu.dma_semaphore, #tpu.memory_space<semaphore_mem>>)
      %run_scoped3A_170 = arith.constant 5 : i32
      "tpu.region"() ({
        %run_scoped3A_225 = tpu.sem_alloc : memref<!tpu.dma_semaphore, #tpu.memory_space<semaphore_mem>>
        %dma_start3A_226 = arith.constant 0 : i32
        %dma_start3A_227 = tpu.memref_slice %arg7[%run_scoped3A_170, %dma_start3A_226] : memref<10x100xi32, #tpu.memory_space<vmem>> -> memref<1x100xi32, #tpu.memory_space<vmem>>
        %dma_start3A_228 = tpu.memref_squeeze %dma_start3A_227 : memref<1x100xi32, #tpu.memory_space<vmem>> -> memref<100xi32, #tpu.memory_space<vmem>>
        %dma_start3A_229 = arith.constant 0 : i32
        %dma_start3A_230 = arith.constant 0 : i32
        %dma_start3A_231 = tpu.memref_slice %arg10[%dma_start3A_229, %dma_start3A_230] : memref<10000x128xf32, #tpu.memory_space<vmem_shared>> -> memref<10000x128xf32, #tpu.memory_space<vmem_shared>>
        tpu.enqueue_indirect_dma source(%arg9 : memref<100x128xf32, #tpu.memory_space<vmem>>) target(%dma_start3A_231 : memref<10000x128xf32, #tpu.memory_space<vmem_shared>>) offsets(%dma_start3A_228 : memref<100xi32, #tpu.memory_space<vmem>>) semaphore(%run_scoped3A_225 : memref<!tpu.dma_semaphore, #tpu.memory_space<semaphore_mem>>) {add = true}
        %dma_wait3A_232 = arith.constant 0 : i32
        %dma_wait3A_233 = tpu.memref_slice %arg7[%run_scoped3A_170, %dma_wait3A_232] : memref<10x100xi32, #tpu.memory_space<vmem>> -> memref<1x100xi32, #tpu.memory_space<vmem>>
        %dma_wait3A_234 = tpu.memref_squeeze %dma_wait3A_233 : memref<1x100xi32, #tpu.memory_space<vmem>> -> memref<100xi32, #tpu.memory_space<vmem>>
        %dma_wait3A_235 = arith.constant 0 : i32
        %dma_wait3A_236 = arith.constant 0 : i32
        %dma_wait3A_237 = tpu.memref_slice %arg10[%dma_wait3A_235, %dma_wait3A_236] : memref<10000x128xf32, #tpu.memory_space<vmem_shared>> -> memref<10000x128xf32, #tpu.memory_space<vmem_shared>>
        tpu.wait_indirect_dma semaphore(%run_scoped3A_225 : memref<!tpu.dma_semaphore, #tpu.memory_space<semaphore_mem>>) src(%arg9 : memref<100x128xf32, #tpu.memory_space<vmem>>) dst(%dma_wait3A_237 : memref<10000x128xf32, #tpu.memory_space<vmem_shared>>)
        tpu.yield
      }) : () -> ()
      %dma_wait3A_171 = arith.constant 6 : i32
      %dma_wait3A_172 = arith.constant 0 : i32
      %dma_wait3A_173 = tpu.memref_slice %arg6[%dma_wait3A_171, %dma_wait3A_172] : memref<10x100xi32, #tpu.memory_space<vmem>> -> memref<1x100xi32, #tpu.memory_space<vmem>>
      %dma_wait3A_174 = tpu.memref_squeeze %dma_wait3A_173 : memref<1x100xi32, #tpu.memory_space<vmem>> -> memref<100xi32, #tpu.memory_space<vmem>>
      %dma_wait3A_175 = arith.constant 0 : i32
      %dma_wait3A_176 = arith.constant 0 : i32
      %dma_wait3A_177 = tpu.memref_slice %arg2[%dma_wait3A_175, %dma_wait3A_176] : memref<10000x128xf32, #tpu.memory_space<hbm>> -> memref<10000x128xf32, #tpu.memory_space<hbm>>
      tpu.wait_indirect_dma semaphore(%arg11 : memref<!tpu.dma_semaphore, #tpu.memory_space<semaphore_mem>>) src(%dma_wait3A_177 : memref<10000x128xf32, #tpu.memory_space<hbm>>) dst(%arg8 : memref<100x128xf32, #tpu.memory_space<vmem>>)
      %dma_start3A_178 = arith.constant 7 : i32
      %dma_start3A_179 = arith.constant 0 : i32
      %dma_start3A_180 = tpu.memref_slice %arg6[%dma_start3A_178, %dma_start3A_179] : memref<10x100xi32, #tpu.memory_space<vmem>> -> memref<1x100xi32, #tpu.memory_space<vmem>>
      %dma_start3A_181 = tpu.memref_squeeze %dma_start3A_180 : memref<1x100xi32, #tpu.memory_space<vmem>> -> memref<100xi32, #tpu.memory_space<vmem>>
      %dma_start3A_182 = arith.constant 0 : i32
      %dma_start3A_183 = arith.constant 0 : i32
      %dma_start3A_184 = tpu.memref_slice %arg2[%dma_start3A_182, %dma_start3A_183] : memref<10000x128xf32, #tpu.memory_space<hbm>> -> memref<10000x128xf32, #tpu.memory_space<hbm>>
      tpu.enqueue_indirect_dma source(%dma_start3A_184 : memref<10000x128xf32, #tpu.memory_space<hbm>>) target(%arg9 : memref<100x128xf32, #tpu.memory_space<vmem>>) offsets(%dma_start3A_181 : memref<100xi32, #tpu.memory_space<vmem>>) semaphore(%arg12 : memref<!tpu.dma_semaphore, #tpu.memory_space<semaphore_mem>>)
      %run_scoped3A_185 = arith.constant 6 : i32
      "tpu.region"() ({
        %run_scoped3A_225 = tpu.sem_alloc : memref<!tpu.dma_semaphore, #tpu.memory_space<semaphore_mem>>
        %dma_start3A_226 = arith.constant 0 : i32
        %dma_start3A_227 = tpu.memref_slice %arg7[%run_scoped3A_185, %dma_start3A_226] : memref<10x100xi32, #tpu.memory_space<vmem>> -> memref<1x100xi32, #tpu.memory_space<vmem>>
        %dma_start3A_228 = tpu.memref_squeeze %dma_start3A_227 : memref<1x100xi32, #tpu.memory_space<vmem>> -> memref<100xi32, #tpu.memory_space<vmem>>
        %dma_start3A_229 = arith.constant 0 : i32
        %dma_start3A_230 = arith.constant 0 : i32
        %dma_start3A_231 = tpu.memref_slice %arg10[%dma_start3A_229, %dma_start3A_230] : memref<10000x128xf32, #tpu.memory_space<vmem_shared>> -> memref<10000x128xf32, #tpu.memory_space<vmem_shared>>
        tpu.enqueue_indirect_dma source(%arg8 : memref<100x128xf32, #tpu.memory_space<vmem>>) target(%dma_start3A_231 : memref<10000x128xf32, #tpu.memory_space<vmem_shared>>) offsets(%dma_start3A_228 : memref<100xi32, #tpu.memory_space<vmem>>) semaphore(%run_scoped3A_225 : memref<!tpu.dma_semaphore, #tpu.memory_space<semaphore_mem>>) {add = true}
        %dma_wait3A_232 = arith.constant 0 : i32
        %dma_wait3A_233 = tpu.memref_slice %arg7[%run_scoped3A_185, %dma_wait3A_232] : memref<10x100xi32, #tpu.memory_space<vmem>> -> memref<1x100xi32, #tpu.memory_space<vmem>>
        %dma_wait3A_234 = tpu.memref_squeeze %dma_wait3A_233 : memref<1x100xi32, #tpu.memory_space<vmem>> -> memref<100xi32, #tpu.memory_space<vmem>>
        %dma_wait3A_235 = arith.constant 0 : i32
        %dma_wait3A_236 = arith.constant 0 : i32
        %dma_wait3A_237 = tpu.memref_slice %arg10[%dma_wait3A_235, %dma_wait3A_236] : memref<10000x128xf32, #tpu.memory_space<vmem_shared>> -> memref<10000x128xf32, #tpu.memory_space<vmem_shared>>
        tpu.wait_indirect_dma semaphore(%run_scoped3A_225 : memref<!tpu.dma_semaphore, #tpu.memory_space<semaphore_mem>>) src(%arg8 : memref<100x128xf32, #tpu.memory_space<vmem>>) dst(%dma_wait3A_237 : memref<10000x128xf32, #tpu.memory_space<vmem_shared>>)
        tpu.yield
      }) : () -> ()
      %dma_wait3A_186 = arith.constant 7 : i32
      %dma_wait3A_187 = arith.constant 0 : i32
      %dma_wait3A_188 = tpu.memref_slice %arg6[%dma_wait3A_186, %dma_wait3A_187] : memref<10x100xi32, #tpu.memory_space<vmem>> -> memref<1x100xi32, #tpu.memory_space<vmem>>
      %dma_wait3A_189 = tpu.memref_squeeze %dma_wait3A_188 : memref<1x100xi32, #tpu.memory_space<vmem>> -> memref<100xi32, #tpu.memory_space<vmem>>
      %dma_wait3A_190 = arith.constant 0 : i32
      %dma_wait3A_191 = arith.constant 0 : i32
      %dma_wait3A_192 = tpu.memref_slice %arg2[%dma_wait3A_190, %dma_wait3A_191] : memref<10000x128xf32, #tpu.memory_space<hbm>> -> memref<10000x128xf32, #tpu.memory_space<hbm>>
      tpu.wait_indirect_dma semaphore(%arg12 : memref<!tpu.dma_semaphore, #tpu.memory_space<semaphore_mem>>) src(%dma_wait3A_192 : memref<10000x128xf32, #tpu.memory_space<hbm>>) dst(%arg9 : memref<100x128xf32, #tpu.memory_space<vmem>>)
      %dma_start3A_193 = arith.constant 8 : i32
      %dma_start3A_194 = arith.constant 0 : i32
      %dma_start3A_195 = tpu.memref_slice %arg6[%dma_start3A_193, %dma_start3A_194] : memref<10x100xi32, #tpu.memory_space<vmem>> -> memref<1x100xi32, #tpu.memory_space<vmem>>
      %dma_start3A_196 = tpu.memref_squeeze %dma_start3A_195 : memref<1x100xi32, #tpu.memory_space<vmem>> -> memref<100xi32, #tpu.memory_space<vmem>>
      %dma_start3A_197 = arith.constant 0 : i32
      %dma_start3A_198 = arith.constant 0 : i32
      %dma_start3A_199 = tpu.memref_slice %arg2[%dma_start3A_197, %dma_start3A_198] : memref<10000x128xf32, #tpu.memory_space<hbm>> -> memref<10000x128xf32, #tpu.memory_space<hbm>>
      tpu.enqueue_indirect_dma source(%dma_start3A_199 : memref<10000x128xf32, #tpu.memory_space<hbm>>) target(%arg8 : memref<100x128xf32, #tpu.memory_space<vmem>>) offsets(%dma_start3A_196 : memref<100xi32, #tpu.memory_space<vmem>>) semaphore(%arg11 : memref<!tpu.dma_semaphore, #tpu.memory_space<semaphore_mem>>)
      %run_scoped3A_200 = arith.constant 7 : i32
      "tpu.region"() ({
        %run_scoped3A_225 = tpu.sem_alloc : memref<!tpu.dma_semaphore, #tpu.memory_space<semaphore_mem>>
        %dma_start3A_226 = arith.constant 0 : i32
        %dma_start3A_227 = tpu.memref_slice %arg7[%run_scoped3A_200, %dma_start3A_226] : memref<10x100xi32, #tpu.memory_space<vmem>> -> memref<1x100xi32, #tpu.memory_space<vmem>>
        %dma_start3A_228 = tpu.memref_squeeze %dma_start3A_227 : memref<1x100xi32, #tpu.memory_space<vmem>> -> memref<100xi32, #tpu.memory_space<vmem>>
        %dma_start3A_229 = arith.constant 0 : i32
        %dma_start3A_230 = arith.constant 0 : i32
        %dma_start3A_231 = tpu.memref_slice %arg10[%dma_start3A_229, %dma_start3A_230] : memref<10000x128xf32, #tpu.memory_space<vmem_shared>> -> memref<10000x128xf32, #tpu.memory_space<vmem_shared>>
        tpu.enqueue_indirect_dma source(%arg9 : memref<100x128xf32, #tpu.memory_space<vmem>>) target(%dma_start3A_231 : memref<10000x128xf32, #tpu.memory_space<vmem_shared>>) offsets(%dma_start3A_228 : memref<100xi32, #tpu.memory_space<vmem>>) semaphore(%run_scoped3A_225 : memref<!tpu.dma_semaphore, #tpu.memory_space<semaphore_mem>>) {add = true}
        %dma_wait3A_232 = arith.constant 0 : i32
        %dma_wait3A_233 = tpu.memref_slice %arg7[%run_scoped3A_200, %dma_wait3A_232] : memref<10x100xi32, #tpu.memory_space<vmem>> -> memref<1x100xi32, #tpu.memory_space<vmem>>
        %dma_wait3A_234 = tpu.memref_squeeze %dma_wait3A_233 : memref<1x100xi32, #tpu.memory_space<vmem>> -> memref<100xi32, #tpu.memory_space<vmem>>
        %dma_wait3A_235 = arith.constant 0 : i32
        %dma_wait3A_236 = arith.constant 0 : i32
        %dma_wait3A_237 = tpu.memref_slice %arg10[%dma_wait3A_235, %dma_wait3A_236] : memref<10000x128xf32, #tpu.memory_space<vmem_shared>> -> memref<10000x128xf32, #tpu.memory_space<vmem_shared>>
        tpu.wait_indirect_dma semaphore(%run_scoped3A_225 : memref<!tpu.dma_semaphore, #tpu.memory_space<semaphore_mem>>) src(%arg9 : memref<100x128xf32, #tpu.memory_space<vmem>>) dst(%dma_wait3A_237 : memref<10000x128xf32, #tpu.memory_space<vmem_shared>>)
        tpu.yield
      }) : () -> ()
      %dma_wait3A_201 = arith.constant 8 : i32
      %dma_wait3A_202 = arith.constant 0 : i32
      %dma_wait3A_203 = tpu.memref_slice %arg6[%dma_wait3A_201, %dma_wait3A_202] : memref<10x100xi32, #tpu.memory_space<vmem>> -> memref<1x100xi32, #tpu.memory_space<vmem>>
      %dma_wait3A_204 = tpu.memref_squeeze %dma_wait3A_203 : memref<1x100xi32, #tpu.memory_space<vmem>> -> memref<100xi32, #tpu.memory_space<vmem>>
      %dma_wait3A_205 = arith.constant 0 : i32
      %dma_wait3A_206 = arith.constant 0 : i32
      %dma_wait3A_207 = tpu.memref_slice %arg2[%dma_wait3A_205, %dma_wait3A_206] : memref<10000x128xf32, #tpu.memory_space<hbm>> -> memref<10000x128xf32, #tpu.memory_space<hbm>>
      tpu.wait_indirect_dma semaphore(%arg11 : memref<!tpu.dma_semaphore, #tpu.memory_space<semaphore_mem>>) src(%dma_wait3A_207 : memref<10000x128xf32, #tpu.memory_space<hbm>>) dst(%arg8 : memref<100x128xf32, #tpu.memory_space<vmem>>)
      %dma_start3A_208 = arith.constant 9 : i32
      %dma_start3A_209 = arith.constant 0 : i32
      %dma_start3A_210 = tpu.memref_slice %arg6[%dma_start3A_208, %dma_start3A_209] : memref<10x100xi32, #tpu.memory_space<vmem>> -> memref<1x100xi32, #tpu.memory_space<vmem>>
      %dma_start3A_211 = tpu.memref_squeeze %dma_start3A_210 : memref<1x100xi32, #tpu.memory_space<vmem>> -> memref<100xi32, #tpu.memory_space<vmem>>
      %dma_start3A_212 = arith.constant 0 : i32
      %dma_start3A_213 = arith.constant 0 : i32
      %dma_start3A_214 = tpu.memref_slice %arg2[%dma_start3A_212, %dma_start3A_213] : memref<10000x128xf32, #tpu.memory_space<hbm>> -> memref<10000x128xf32, #tpu.memory_space<hbm>>
      tpu.enqueue_indirect_dma source(%dma_start3A_214 : memref<10000x128xf32, #tpu.memory_space<hbm>>) target(%arg9 : memref<100x128xf32, #tpu.memory_space<vmem>>) offsets(%dma_start3A_211 : memref<100xi32, #tpu.memory_space<vmem>>) semaphore(%arg12 : memref<!tpu.dma_semaphore, #tpu.memory_space<semaphore_mem>>)
      %run_scoped3A_215 = arith.constant 8 : i32
      "tpu.region"() ({
        %run_scoped3A_225 = tpu.sem_alloc : memref<!tpu.dma_semaphore, #tpu.memory_space<semaphore_mem>>
        %dma_start3A_226 = arith.constant 0 : i32
        %dma_start3A_227 = tpu.memref_slice %arg7[%run_scoped3A_215, %dma_start3A_226] : memref<10x100xi32, #tpu.memory_space<vmem>> -> memref<1x100xi32, #tpu.memory_space<vmem>>
        %dma_start3A_228 = tpu.memref_squeeze %dma_start3A_227 : memref<1x100xi32, #tpu.memory_space<vmem>> -> memref<100xi32, #tpu.memory_space<vmem>>
        %dma_start3A_229 = arith.constant 0 : i32
        %dma_start3A_230 = arith.constant 0 : i32
        %dma_start3A_231 = tpu.memref_slice %arg10[%dma_start3A_229, %dma_start3A_230] : memref<10000x128xf32, #tpu.memory_space<vmem_shared>> -> memref<10000x128xf32, #tpu.memory_space<vmem_shared>>
        tpu.enqueue_indirect_dma source(%arg8 : memref<100x128xf32, #tpu.memory_space<vmem>>) target(%dma_start3A_231 : memref<10000x128xf32, #tpu.memory_space<vmem_shared>>) offsets(%dma_start3A_228 : memref<100xi32, #tpu.memory_space<vmem>>) semaphore(%run_scoped3A_225 : memref<!tpu.dma_semaphore, #tpu.memory_space<semaphore_mem>>) {add = true}
        %dma_wait3A_232 = arith.constant 0 : i32
        %dma_wait3A_233 = tpu.memref_slice %arg7[%run_scoped3A_215, %dma_wait3A_232] : memref<10x100xi32, #tpu.memory_space<vmem>> -> memref<1x100xi32, #tpu.memory_space<vmem>>
        %dma_wait3A_234 = tpu.memref_squeeze %dma_wait3A_233 : memref<1x100xi32, #tpu.memory_space<vmem>> -> memref<100xi32, #tpu.memory_space<vmem>>
        %dma_wait3A_235 = arith.constant 0 : i32
        %dma_wait3A_236 = arith.constant 0 : i32
        %dma_wait3A_237 = tpu.memref_slice %arg10[%dma_wait3A_235, %dma_wait3A_236] : memref<10000x128xf32, #tpu.memory_space<vmem_shared>> -> memref<10000x128xf32, #tpu.memory_space<vmem_shared>>
        tpu.wait_indirect_dma semaphore(%run_scoped3A_225 : memref<!tpu.dma_semaphore, #tpu.memory_space<semaphore_mem>>) src(%arg8 : memref<100x128xf32, #tpu.memory_space<vmem>>) dst(%dma_wait3A_237 : memref<10000x128xf32, #tpu.memory_space<vmem_shared>>)
        tpu.yield
      }) : () -> ()
      %dma_wait3A_216 = arith.constant 9 : i32
      %dma_wait3A_217 = arith.constant 0 : i32
      %dma_wait3A_218 = tpu.memref_slice %arg6[%dma_wait3A_216, %dma_wait3A_217] : memref<10x100xi32, #tpu.memory_space<vmem>> -> memref<1x100xi32, #tpu.memory_space<vmem>>
      %dma_wait3A_219 = tpu.memref_squeeze %dma_wait3A_218 : memref<1x100xi32, #tpu.memory_space<vmem>> -> memref<100xi32, #tpu.memory_space<vmem>>
      %dma_wait3A_220 = arith.constant 0 : i32
      %dma_wait3A_221 = arith.constant 0 : i32
      %dma_wait3A_222 = tpu.memref_slice %arg2[%dma_wait3A_220, %dma_wait3A_221] : memref<10000x128xf32, #tpu.memory_space<hbm>> -> memref<10000x128xf32, #tpu.memory_space<hbm>>
      tpu.wait_indirect_dma semaphore(%arg12 : memref<!tpu.dma_semaphore, #tpu.memory_space<semaphore_mem>>) src(%dma_wait3A_222 : memref<10000x128xf32, #tpu.memory_space<hbm>>) dst(%arg9 : memref<100x128xf32, #tpu.memory_space<vmem>>)
      %run_scoped3A_223 = arith.constant 9 : i32
      "tpu.region"() ({
        %run_scoped3A_225 = tpu.sem_alloc : memref<!tpu.dma_semaphore, #tpu.memory_space<semaphore_mem>>
        %dma_start3A_226 = arith.constant 0 : i32
        %dma_start3A_227 = tpu.memref_slice %arg7[%run_scoped3A_223, %dma_start3A_226] : memref<10x100xi32, #tpu.memory_space<vmem>> -> memref<1x100xi32, #tpu.memory_space<vmem>>
        %dma_start3A_228 = tpu.memref_squeeze %dma_start3A_227 : memref<1x100xi32, #tpu.memory_space<vmem>> -> memref<100xi32, #tpu.memory_space<vmem>>
        %dma_start3A_229 = arith.constant 0 : i32
        %dma_start3A_230 = arith.constant 0 : i32
        %dma_start3A_231 = tpu.memref_slice %arg10[%dma_start3A_229, %dma_start3A_230] : memref<10000x128xf32, #tpu.memory_space<vmem_shared>> -> memref<10000x128xf32, #tpu.memory_space<vmem_shared>>
        tpu.enqueue_indirect_dma source(%arg9 : memref<100x128xf32, #tpu.memory_space<vmem>>) target(%dma_start3A_231 : memref<10000x128xf32, #tpu.memory_space<vmem_shared>>) offsets(%dma_start3A_228 : memref<100xi32, #tpu.memory_space<vmem>>) semaphore(%run_scoped3A_225 : memref<!tpu.dma_semaphore, #tpu.memory_space<semaphore_mem>>) {add = true}
        %dma_wait3A_232 = arith.constant 0 : i32
        %dma_wait3A_233 = tpu.memref_slice %arg7[%run_scoped3A_223, %dma_wait3A_232] : memref<10x100xi32, #tpu.memory_space<vmem>> -> memref<1x100xi32, #tpu.memory_space<vmem>>
        %dma_wait3A_234 = tpu.memref_squeeze %dma_wait3A_233 : memref<1x100xi32, #tpu.memory_space<vmem>> -> memref<100xi32, #tpu.memory_space<vmem>>
        %dma_wait3A_235 = arith.constant 0 : i32
        %dma_wait3A_236 = arith.constant 0 : i32
        %dma_wait3A_237 = tpu.memref_slice %arg10[%dma_wait3A_235, %dma_wait3A_236] : memref<10000x128xf32, #tpu.memory_space<vmem_shared>> -> memref<10000x128xf32, #tpu.memory_space<vmem_shared>>
        tpu.wait_indirect_dma semaphore(%run_scoped3A_225 : memref<!tpu.dma_semaphore, #tpu.memory_space<semaphore_mem>>) src(%arg9 : memref<100x128xf32, #tpu.memory_space<vmem>>) dst(%dma_wait3A_237 : memref<10000x128xf32, #tpu.memory_space<vmem_shared>>)
        tpu.yield
      }) : () -> ()
      %scan3A_224 = arith.constant 0 : i32
      scf.yield %scan3A_224 : i32
    }
    %scan3A_64 = arith.constant 20 : i32
    %barrier3A_65 = arith.constant 0 : index
    tpu.barrier barrier_id(%barrier3A_65)
    %mul3A_66 = arith.constant 624 : i32
    %mul3A_67 = arith.muli %arg1, %mul3A_66 : i32
    %mul3A_68 = arith.constant 624 : i32
    %mul3A_69 = arith.muli %arg1, %mul3A_68 : i32
    "tpu.region"() ({
      %run_scoped3A = tpu.sem_alloc : memref<!tpu.dma_semaphore, #tpu.memory_space<semaphore_mem>>
      %dma_start3A = arith.constant 0 : i32
      %dma_start3A_75 = tpu.memref_slice %arg5[%mul3A_69, %dma_start3A] : memref<10000x128xf32, #tpu.memory_space<hbm>> -> memref<624x128xf32, #tpu.memory_space<hbm>>
      %dma_start3A_76 = arith.constant 0 : i32
      %dma_start3A_77 = tpu.memref_slice %arg10[%mul3A_67, %dma_start3A_76] : memref<10000x128xf32, #tpu.memory_space<vmem_shared>> -> memref<624x128xf32, #tpu.memory_space<vmem_shared>>
      tpu.enqueue_dma source(%dma_start3A_77 : memref<624x128xf32, #tpu.memory_space<vmem_shared>>) target(%dma_start3A_75 : memref<624x128xf32, #tpu.memory_space<hbm>>) target_semaphore(%run_scoped3A : memref<!tpu.dma_semaphore, #tpu.memory_space<semaphore_mem>>)
      %dma_wait3A = arith.constant 0 : i32
      %dma_wait3A_78 = tpu.memref_slice %arg5[%mul3A_69, %dma_wait3A] : memref<10000x128xf32, #tpu.memory_space<hbm>> -> memref<624x128xf32, #tpu.memory_space<hbm>>
      %dma_wait3A_79 = arith.constant 0 : i32
      %dma_wait3A_80 = tpu.memref_slice %arg10[%mul3A_67, %dma_wait3A_79] : memref<10000x128xf32, #tpu.memory_space<vmem_shared>> -> memref<624x128xf32, #tpu.memory_space<vmem_shared>>
      tpu.wait_dma2 semaphore(%run_scoped3A : memref<!tpu.dma_semaphore, #tpu.memory_space<semaphore_mem>>) src(%dma_wait3A_80 : memref<624x128xf32, #tpu.memory_space<vmem_shared>>) dst(%dma_wait3A_78 : memref<624x128xf32, #tpu.memory_space<hbm>>)
      tpu.yield
    }) : () -> ()
    %eq3A_70 = arith.constant 15 : i32
    %eq3A_71 = arith.cmpi eq, %arg1, %eq3A_70 : i32
    %convert_element_type3A_72 = arith.extui %eq3A_71 : i1 to i32
    %cond3A_73 = arith.constant 0 : i32
    %cond3A_74 = arith.cmpi ne, %convert_element_type3A_72, %cond3A_73 : i32
    scf.if %cond3A_74 {
      "tpu.region"() ({
        %run_scoped3A = tpu.sem_alloc : memref<!tpu.dma_semaphore, #tpu.memory_space<semaphore_mem>>
        %dma_start3A = arith.constant 9984 : i32
        %dma_start3A_75 = arith.constant 0 : i32
        %dma_start3A_76 = tpu.memref_slice %arg5[%dma_start3A, %dma_start3A_75] : memref<10000x128xf32, #tpu.memory_space<hbm>> -> memref<16x128xf32, #tpu.memory_space<hbm>>
        %dma_start3A_77 = arith.constant 9984 : i32
        %dma_start3A_78 = arith.constant 0 : i32
        %dma_start3A_79 = tpu.memref_slice %arg10[%dma_start3A_77, %dma_start3A_78] : memref<10000x128xf32, #tpu.memory_space<vmem_shared>> -> memref<16x128xf32, #tpu.memory_space<vmem_shared>>
        tpu.enqueue_dma source(%dma_start3A_79 : memref<16x128xf32, #tpu.memory_space<vmem_shared>>) target(%dma_start3A_76 : memref<16x128xf32, #tpu.memory_space<hbm>>) target_semaphore(%run_scoped3A : memref<!tpu.dma_semaphore, #tpu.memory_space<semaphore_mem>>)
        %dma_wait3A = arith.constant 9984 : i32
        %dma_wait3A_80 = arith.constant 0 : i32
        %dma_wait3A_81 = tpu.memref_slice %arg5[%dma_wait3A, %dma_wait3A_80] : memref<10000x128xf32, #tpu.memory_space<hbm>> -> memref<16x128xf32, #tpu.memory_space<hbm>>
        %dma_wait3A_82 = arith.constant 9984 : i32
        %dma_wait3A_83 = arith.constant 0 : i32
        %dma_wait3A_84 = tpu.memref_slice %arg10[%dma_wait3A_82, %dma_wait3A_83] : memref<10000x128xf32, #tpu.memory_space<vmem_shared>> -> memref<16x128xf32, #tpu.memory_space<vmem_shared>>
        tpu.wait_dma2 semaphore(%run_scoped3A : memref<!tpu.dma_semaphore, #tpu.memory_space<semaphore_mem>>) src(%dma_wait3A_84 : memref<16x128xf32, #tpu.memory_space<vmem_shared>>) dst(%dma_wait3A_81 : memref<16x128xf32, #tpu.memory_space<hbm>>)
        tpu.yield
      }) : () -> ()
    } else {
    }
    return
  }
}

#map = affine_map<(d0, d1) -> (0, 0)>
#map1 = affine_map<(d0, d1) -> (0, 0, 0, 0)>
module attributes {stable_mosaic.version = 14 : i64} {
  func.func @_agg_kernel(%arg0: i32, %arg1: i32, %arg2: memref<10000x128xf32, #tpu.memory_space<hbm>>, %arg3: memref<16x20x10x100xi32, #tpu.memory_space<hbm>>, %arg4: memref<16x20x10x100xi32, #tpu.memory_space<hbm>>, %arg5: memref<10000x128xf32, #tpu.memory_space<hbm>>, %arg6: memref<10x100xi32, #tpu.memory_space<vmem>>, %arg7: memref<10x100xi32, #tpu.memory_space<vmem>>, %arg8: memref<100x128xf32, #tpu.memory_space<vmem>>, %arg9: memref<100x128xf32, #tpu.memory_space<vmem>>, %arg10: memref<10000x128xf32, #tpu.memory_space<vmem_shared>>, %arg11: memref<!tpu.dma_semaphore, #tpu.memory_space<semaphore_mem>>, %arg12: memref<!tpu.dma_semaphore, #tpu.memory_space<semaphore_mem>>) attributes {dimension_semantics = [#tpu.dimension_semantics<core_parallel>, #tpu.dimension_semantics<subcore_parallel>], iteration_bounds = array<i64: 1, 16>, scalar_prefetch = 0 : i64, scratch_operands = 7 : i64, tpu.core_type = #tpu.core_type<sc_vector_subcore>, window_params = [{transform_indices = #map}, {transform_indices = #map1}, {transform_indices = #map1}, {transform_indices = #map}]} {
    %scan3A = arith.constant 0 : i32
    %scan3A_0 = arith.constant 0 : i32
    %scan3A_1 = arith.constant 100 : i32
    %scan3A_2 = arith.addi %scan3A_0, %scan3A_1 : i32
    %scan3A_3 = arith.constant 1 : i32
    %scan3A_4 = scf.for %scan3A_75 = %scan3A_0 to %scan3A_2 step %scan3A_3 iter_args(%scan3A_76 = %scan3A) -> (i32)  : i32 {
      %broadcast_in_dim3A = arith.constant 0.000000e+00 : f32
      %broadcast_in_dim3A_77 = vector.broadcast %broadcast_in_dim3A : f32 to vector<16xf32>
      %swap3A = arith.index_cast %scan3A_75 : i32 to index
      %swap3A_78 = arith.constant 0 : index
      %swap3A_79 = tpu.vector_load %arg8[%swap3A, %swap3A_78] {strides = array<i32>} : memref<100x128xf32, #tpu.memory_space<vmem>>, vector<1x16xf32>,
      %swap3A_80 = vector.shape_cast %swap3A_79 : vector<1x16xf32> to vector<16xf32>
      %swap3A_81 = vector.shape_cast %broadcast_in_dim3A_77 : vector<16xf32> to vector<1x16xf32>
      tpu.vector_store %arg8[%swap3A, %swap3A_78], %swap3A_81 {strides = array<i32>} : memref<100x128xf32, #tpu.memory_space<vmem>>, vector<1x16xf32>,
      %broadcast_in_dim3A_82 = arith.constant 0.000000e+00 : f32
      %broadcast_in_dim3A_83 = vector.broadcast %broadcast_in_dim3A_82 : f32 to vector<16xf32>
      %swap3A_84 = arith.index_cast %scan3A_75 : i32 to index
      %swap3A_85 = arith.constant 16 : index
      %swap3A_86 = tpu.vector_load %arg8[%swap3A_84, %swap3A_85] {strides = array<i32>} : memref<100x128xf32, #tpu.memory_space<vmem>>, vector<1x16xf32>,
      %swap3A_87 = vector.shape_cast %swap3A_86 : vector<1x16xf32> to vector<16xf32>
      %swap3A_88 = vector.shape_cast %broadcast_in_dim3A_83 : vector<16xf32> to vector<1x16xf32>
      tpu.vector_store %arg8[%swap3A_84, %swap3A_85], %swap3A_88 {strides = array<i32>} : memref<100x128xf32, #tpu.memory_space<vmem>>, vector<1x16xf32>,
      %broadcast_in_dim3A_89 = arith.constant 0.000000e+00 : f32
      %broadcast_in_dim3A_90 = vector.broadcast %broadcast_in_dim3A_89 : f32 to vector<16xf32>
      %swap3A_91 = arith.index_cast %scan3A_75 : i32 to index
      %swap3A_92 = arith.constant 32 : index
      %swap3A_93 = tpu.vector_load %arg8[%swap3A_91, %swap3A_92] {strides = array<i32>} : memref<100x128xf32, #tpu.memory_space<vmem>>, vector<1x16xf32>,
      %swap3A_94 = vector.shape_cast %swap3A_93 : vector<1x16xf32> to vector<16xf32>
      %swap3A_95 = vector.shape_cast %broadcast_in_dim3A_90 : vector<16xf32> to vector<1x16xf32>
      tpu.vector_store %arg8[%swap3A_91, %swap3A_92], %swap3A_95 {strides = array<i32>} : memref<100x128xf32, #tpu.memory_space<vmem>>, vector<1x16xf32>,
      %broadcast_in_dim3A_96 = arith.constant 0.000000e+00 : f32
      %broadcast_in_dim3A_97 = vector.broadcast %broadcast_in_dim3A_96 : f32 to vector<16xf32>
      %swap3A_98 = arith.index_cast %scan3A_75 : i32 to index
      %swap3A_99 = arith.constant 48 : index
      %swap3A_100 = tpu.vector_load %arg8[%swap3A_98, %swap3A_99] {strides = array<i32>} : memref<100x128xf32, #tpu.memory_space<vmem>>, vector<1x16xf32>,
      %swap3A_101 = vector.shape_cast %swap3A_100 : vector<1x16xf32> to vector<16xf32>
      %swap3A_102 = vector.shape_cast %broadcast_in_dim3A_97 : vector<16xf32> to vector<1x16xf32>
      tpu.vector_store %arg8[%swap3A_98, %swap3A_99], %swap3A_102 {strides = array<i32>} : memref<100x128xf32, #tpu.memory_space<vmem>>, vector<1x16xf32>,
      %broadcast_in_dim3A_103 = arith.constant 0.000000e+00 : f32
      %broadcast_in_dim3A_104 = vector.broadcast %broadcast_in_dim3A_103 : f32 to vector<16xf32>
      %swap3A_105 = arith.index_cast %scan3A_75 : i32 to index
      %swap3A_106 = arith.constant 64 : index
      %swap3A_107 = tpu.vector_load %arg8[%swap3A_105, %swap3A_106] {strides = array<i32>} : memref<100x128xf32, #tpu.memory_space<vmem>>, vector<1x16xf32>,
      %swap3A_108 = vector.shape_cast %swap3A_107 : vector<1x16xf32> to vector<16xf32>
      %swap3A_109 = vector.shape_cast %broadcast_in_dim3A_104 : vector<16xf32> to vector<1x16xf32>
      tpu.vector_store %arg8[%swap3A_105, %swap3A_106], %swap3A_109 {strides = array<i32>} : memref<100x128xf32, #tpu.memory_space<vmem>>, vector<1x16xf32>,
      %broadcast_in_dim3A_110 = arith.constant 0.000000e+00 : f32
      %broadcast_in_dim3A_111 = vector.broadcast %broadcast_in_dim3A_110 : f32 to vector<16xf32>
      %swap3A_112 = arith.index_cast %scan3A_75 : i32 to index
      %swap3A_113 = arith.constant 80 : index
      %swap3A_114 = tpu.vector_load %arg8[%swap3A_112, %swap3A_113] {strides = array<i32>} : memref<100x128xf32, #tpu.memory_space<vmem>>, vector<1x16xf32>,
      %swap3A_115 = vector.shape_cast %swap3A_114 : vector<1x16xf32> to vector<16xf32>
      %swap3A_116 = vector.shape_cast %broadcast_in_dim3A_111 : vector<16xf32> to vector<1x16xf32>
      tpu.vector_store %arg8[%swap3A_112, %swap3A_113], %swap3A_116 {strides = array<i32>} : memref<100x128xf32, #tpu.memory_space<vmem>>, vector<1x16xf32>,
      %broadcast_in_dim3A_117 = arith.constant 0.000000e+00 : f32
      %broadcast_in_dim3A_118 = vector.broadcast %broadcast_in_dim3A_117 : f32 to vector<16xf32>
      %swap3A_119 = arith.index_cast %scan3A_75 : i32 to index
      %swap3A_120 = arith.constant 96 : index
      %swap3A_121 = tpu.vector_load %arg8[%swap3A_119, %swap3A_120] {strides = array<i32>} : memref<100x128xf32, #tpu.memory_space<vmem>>, vector<1x16xf32>,
      %swap3A_122 = vector.shape_cast %swap3A_121 : vector<1x16xf32> to vector<16xf32>
      %swap3A_123 = vector.shape_cast %broadcast_in_dim3A_118 : vector<16xf32> to vector<1x16xf32>
      tpu.vector_store %arg8[%swap3A_119, %swap3A_120], %swap3A_123 {strides = array<i32>} : memref<100x128xf32, #tpu.memory_space<vmem>>, vector<1x16xf32>,
      %broadcast_in_dim3A_124 = arith.constant 0.000000e+00 : f32
      %broadcast_in_dim3A_125 = vector.broadcast %broadcast_in_dim3A_124 : f32 to vector<16xf32>
      %swap3A_126 = arith.index_cast %scan3A_75 : i32 to index
      %swap3A_127 = arith.constant 112 : index
      %swap3A_128 = tpu.vector_load %arg8[%swap3A_126, %swap3A_127] {strides = array<i32>} : memref<100x128xf32, #tpu.memory_space<vmem>>, vector<1x16xf32>,
      %swap3A_129 = vector.shape_cast %swap3A_128 : vector<1x16xf32> to vector<16xf32>
      %swap3A_130 = vector.shape_cast %broadcast_in_dim3A_125 : vector<16xf32> to vector<1x16xf32>
      tpu.vector_store %arg8[%swap3A_126, %swap3A_127], %swap3A_130 {strides = array<i32>} : memref<100x128xf32, #tpu.memory_space<vmem>>, vector<1x16xf32>,
      %scan3A_131 = arith.constant 0 : i32
      scf.yield %scan3A_131 : i32
    }
    %scan3A_5 = arith.constant 100 : i32
    %mul3A = arith.constant 624 : i32
    %mul3A_6 = arith.muli %arg1, %mul3A : i32
    %add3A = arith.constant 0 : i32
    %add3A_7 = arith.addi %mul3A_6, %add3A : i32
    "tpu.region"() ({
      %run_scoped3A = tpu.sem_alloc : memref<!tpu.dma_semaphore, #tpu.memory_space<semaphore_mem>>
      %dma_start3A = arith.constant 0 : i32
      %dma_start3A_75 = arith.constant 0 : i32
      %dma_start3A_76 = tpu.memref_slice %arg8[%dma_start3A, %dma_start3A_75] : memref<100x128xf32, #tpu.memory_space<vmem>> -> memref<48x128xf32, #tpu.memory_space<vmem>>
      %dma_start3A_77 = arith.constant 0 : i32
      %dma_start3A_78 = tpu.memref_slice %arg10[%add3A_7, %dma_start3A_77] : memref<10000x128xf32, #tpu.memory_space<vmem_shared>> -> memref<48x128xf32, #tpu.memory_space<vmem_shared>>
      %dma_start3A_79 = arith.constant 0 : i32
      %dma_start3A_80 = tpu.memref_slice %arg10[%add3A_7, %dma_start3A_79] : memref<10000x128xf32, #tpu.memory_space<vmem_shared>> -> memref<48x128xf32, #tpu.memory_space<vmem_shared>>
      %dma_start3A_81 = arith.constant 0 : i32
      %dma_start3A_82 = arith.constant 0 : i32
      %dma_start3A_83 = tpu.memref_slice %arg8[%dma_start3A_81, %dma_start3A_82] : memref<100x128xf32, #tpu.memory_space<vmem>> -> memref<48x128xf32, #tpu.memory_space<vmem>>
      tpu.enqueue_dma source(%dma_start3A_83 : memref<48x128xf32, #tpu.memory_space<vmem>>) target(%dma_start3A_80 : memref<48x128xf32, #tpu.memory_space<vmem_shared>>) target_semaphore(%run_scoped3A : memref<!tpu.dma_semaphore, #tpu.memory_space<semaphore_mem>>)
      %dma_wait3A = arith.constant 0 : i32
      %dma_wait3A_84 = arith.constant 0 : i32
      %dma_wait3A_85 = tpu.memref_slice %arg8[%dma_wait3A, %dma_wait3A_84] : memref<100x128xf32, #tpu.memory_space<vmem>> -> memref<48x128xf32, #tpu.memory_space<vmem>>
      %dma_wait3A_86 = arith.constant 0 : i32
      %dma_wait3A_87 = tpu.memref_slice %arg10[%add3A_7, %dma_wait3A_86] : memref<10000x128xf32, #tpu.memory_space<vmem_shared>> -> memref<48x128xf32, #tpu.memory_space<vmem_shared>>
      %dma_wait3A_88 = arith.constant 0 : i32
      %dma_wait3A_89 = tpu.memref_slice %arg10[%add3A_7, %dma_wait3A_88] : memref<10000x128xf32, #tpu.memory_space<vmem_shared>> -> memref<48x128xf32, #tpu.memory_space<vmem_shared>>
      %dma_wait3A_90 = arith.constant 0 : i32
      %dma_wait3A_91 = arith.constant 0 : i32
      %dma_wait3A_92 = tpu.memref_slice %arg8[%dma_wait3A_90, %dma_wait3A_91] : memref<100x128xf32, #tpu.memory_space<vmem>> -> memref<48x128xf32, #tpu.memory_space<vmem>>
      tpu.wait_dma2 semaphore(%run_scoped3A : memref<!tpu.dma_semaphore, #tpu.memory_space<semaphore_mem>>) src(%dma_wait3A_92 : memref<48x128xf32, #tpu.memory_space<vmem>>) dst(%dma_wait3A_89 : memref<48x128xf32, #tpu.memory_space<vmem_shared>>)
      tpu.yield
    }) : () -> ()
    %mul3A_8 = arith.constant 624 : i32
    %mul3A_9 = arith.muli %arg1, %mul3A_8 : i32
    %add3A_10 = arith.constant 48 : i32
    %add3A_11 = arith.addi %mul3A_9, %add3A_10 : i32
    "tpu.region"() ({
      %run_scoped3A = tpu.sem_alloc : memref<!tpu.dma_semaphore, #tpu.memory_space<semaphore_mem>>
      %dma_start3A = arith.constant 0 : i32
      %dma_start3A_75 = arith.constant 0 : i32
      %dma_start3A_76 = tpu.memref_slice %arg8[%dma_start3A, %dma_start3A_75] : memref<100x128xf32, #tpu.memory_space<vmem>> -> memref<48x128xf32, #tpu.memory_space<vmem>>
      %dma_start3A_77 = arith.constant 0 : i32
      %dma_start3A_78 = tpu.memref_slice %arg10[%add3A_11, %dma_start3A_77] : memref<10000x128xf32, #tpu.memory_space<vmem_shared>> -> memref<48x128xf32, #tpu.memory_space<vmem_shared>>
      %dma_start3A_79 = arith.constant 0 : i32
      %dma_start3A_80 = tpu.memref_slice %arg10[%add3A_11, %dma_start3A_79] : memref<10000x128xf32, #tpu.memory_space<vmem_shared>> -> memref<48x128xf32, #tpu.memory_space<vmem_shared>>
      %dma_start3A_81 = arith.constant 0 : i32
      %dma_start3A_82 = arith.constant 0 : i32
      %dma_start3A_83 = tpu.memref_slice %arg8[%dma_start3A_81, %dma_start3A_82] : memref<100x128xf32, #tpu.memory_space<vmem>> -> memref<48x128xf32, #tpu.memory_space<vmem>>
      tpu.enqueue_dma source(%dma_start3A_83 : memref<48x128xf32, #tpu.memory_space<vmem>>) target(%dma_start3A_80 : memref<48x128xf32, #tpu.memory_space<vmem_shared>>) target_semaphore(%run_scoped3A : memref<!tpu.dma_semaphore, #tpu.memory_space<semaphore_mem>>)
      %dma_wait3A = arith.constant 0 : i32
      %dma_wait3A_84 = arith.constant 0 : i32
      %dma_wait3A_85 = tpu.memref_slice %arg8[%dma_wait3A, %dma_wait3A_84] : memref<100x128xf32, #tpu.memory_space<vmem>> -> memref<48x128xf32, #tpu.memory_space<vmem>>
      %dma_wait3A_86 = arith.constant 0 : i32
      %dma_wait3A_87 = tpu.memref_slice %arg10[%add3A_11, %dma_wait3A_86] : memref<10000x128xf32, #tpu.memory_space<vmem_shared>> -> memref<48x128xf32, #tpu.memory_space<vmem_shared>>
      %dma_wait3A_88 = arith.constant 0 : i32
      %dma_wait3A_89 = tpu.memref_slice %arg10[%add3A_11, %dma_wait3A_88] : memref<10000x128xf32, #tpu.memory_space<vmem_shared>> -> memref<48x128xf32, #tpu.memory_space<vmem_shared>>
      %dma_wait3A_90 = arith.constant 0 : i32
      %dma_wait3A_91 = arith.constant 0 : i32
      %dma_wait3A_92 = tpu.memref_slice %arg8[%dma_wait3A_90, %dma_wait3A_91] : memref<100x128xf32, #tpu.memory_space<vmem>> -> memref<48x128xf32, #tpu.memory_space<vmem>>
      tpu.wait_dma2 semaphore(%run_scoped3A : memref<!tpu.dma_semaphore, #tpu.memory_space<semaphore_mem>>) src(%dma_wait3A_92 : memref<48x128xf32, #tpu.memory_space<vmem>>) dst(%dma_wait3A_89 : memref<48x128xf32, #tpu.memory_space<vmem_shared>>)
      tpu.yield
    }) : () -> ()
    %mul3A_12 = arith.constant 624 : i32
    %mul3A_13 = arith.muli %arg1, %mul3A_12 : i32
    %add3A_14 = arith.constant 96 : i32
    %add3A_15 = arith.addi %mul3A_13, %add3A_14 : i32
    "tpu.region"() ({
      %run_scoped3A = tpu.sem_alloc : memref<!tpu.dma_semaphore, #tpu.memory_space<semaphore_mem>>
      %dma_start3A = arith.constant 0 : i32
      %dma_start3A_75 = arith.constant 0 : i32
      %dma_start3A_76 = tpu.memref_slice %arg8[%dma_start3A, %dma_start3A_75] : memref<100x128xf32, #tpu.memory_space<vmem>> -> memref<48x128xf32, #tpu.memory_space<vmem>>
      %dma_start3A_77 = arith.constant 0 : i32
      %dma_start3A_78 = tpu.memref_slice %arg10[%add3A_15, %dma_start3A_77] : memref<10000x128xf32, #tpu.memory_space<vmem_shared>> -> memref<48x128xf32, #tpu.memory_space<vmem_shared>>
      %dma_start3A_79 = arith.constant 0 : i32
      %dma_start3A_80 = tpu.memref_slice %arg10[%add3A_15, %dma_start3A_79] : memref<10000x128xf32, #tpu.memory_space<vmem_shared>> -> memref<48x128xf32, #tpu.memory_space<vmem_shared>>
      %dma_start3A_81 = arith.constant 0 : i32
      %dma_start3A_82 = arith.constant 0 : i32
      %dma_start3A_83 = tpu.memref_slice %arg8[%dma_start3A_81, %dma_start3A_82] : memref<100x128xf32, #tpu.memory_space<vmem>> -> memref<48x128xf32, #tpu.memory_space<vmem>>
      tpu.enqueue_dma source(%dma_start3A_83 : memref<48x128xf32, #tpu.memory_space<vmem>>) target(%dma_start3A_80 : memref<48x128xf32, #tpu.memory_space<vmem_shared>>) target_semaphore(%run_scoped3A : memref<!tpu.dma_semaphore, #tpu.memory_space<semaphore_mem>>)
      %dma_wait3A = arith.constant 0 : i32
      %dma_wait3A_84 = arith.constant 0 : i32
      %dma_wait3A_85 = tpu.memref_slice %arg8[%dma_wait3A, %dma_wait3A_84] : memref<100x128xf32, #tpu.memory_space<vmem>> -> memref<48x128xf32, #tpu.memory_space<vmem>>
      %dma_wait3A_86 = arith.constant 0 : i32
      %dma_wait3A_87 = tpu.memref_slice %arg10[%add3A_15, %dma_wait3A_86] : memref<10000x128xf32, #tpu.memory_space<vmem_shared>> -> memref<48x128xf32, #tpu.memory_space<vmem_shared>>
      %dma_wait3A_88 = arith.constant 0 : i32
      %dma_wait3A_89 = tpu.memref_slice %arg10[%add3A_15, %dma_wait3A_88] : memref<10000x128xf32, #tpu.memory_space<vmem_shared>> -> memref<48x128xf32, #tpu.memory_space<vmem_shared>>
      %dma_wait3A_90 = arith.constant 0 : i32
      %dma_wait3A_91 = arith.constant 0 : i32
      %dma_wait3A_92 = tpu.memref_slice %arg8[%dma_wait3A_90, %dma_wait3A_91] : memref<100x128xf32, #tpu.memory_space<vmem>> -> memref<48x128xf32, #tpu.memory_space<vmem>>
      tpu.wait_dma2 semaphore(%run_scoped3A : memref<!tpu.dma_semaphore, #tpu.memory_space<semaphore_mem>>) src(%dma_wait3A_92 : memref<48x128xf32, #tpu.memory_space<vmem>>) dst(%dma_wait3A_89 : memref<48x128xf32, #tpu.memory_space<vmem_shared>>)
      tpu.yield
    }) : () -> ()
    %mul3A_16 = arith.constant 624 : i32
    %mul3A_17 = arith.muli %arg1, %mul3A_16 : i32
    %add3A_18 = arith.constant 144 : i32
    %add3A_19 = arith.addi %mul3A_17, %add3A_18 : i32
    "tpu.region"() ({
      %run_scoped3A = tpu.sem_alloc : memref<!tpu.dma_semaphore, #tpu.memory_space<semaphore_mem>>
      %dma_start3A = arith.constant 0 : i32
      %dma_start3A_75 = arith.constant 0 : i32
      %dma_start3A_76 = tpu.memref_slice %arg8[%dma_start3A, %dma_start3A_75] : memref<100x128xf32, #tpu.memory_space<vmem>> -> memref<48x128xf32, #tpu.memory_space<vmem>>
      %dma_start3A_77 = arith.constant 0 : i32
      %dma_start3A_78 = tpu.memref_slice %arg10[%add3A_19, %dma_start3A_77] : memref<10000x128xf32, #tpu.memory_space<vmem_shared>> -> memref<48x128xf32, #tpu.memory_space<vmem_shared>>
      %dma_start3A_79 = arith.constant 0 : i32
      %dma_start3A_80 = tpu.memref_slice %arg10[%add3A_19, %dma_start3A_79] : memref<10000x128xf32, #tpu.memory_space<vmem_shared>> -> memref<48x128xf32, #tpu.memory_space<vmem_shared>>
      %dma_start3A_81 = arith.constant 0 : i32
      %dma_start3A_82 = arith.constant 0 : i32
      %dma_start3A_83 = tpu.memref_slice %arg8[%dma_start3A_81, %dma_start3A_82] : memref<100x128xf32, #tpu.memory_space<vmem>> -> memref<48x128xf32, #tpu.memory_space<vmem>>
      tpu.enqueue_dma source(%dma_start3A_83 : memref<48x128xf32, #tpu.memory_space<vmem>>) target(%dma_start3A_80 : memref<48x128xf32, #tpu.memory_space<vmem_shared>>) target_semaphore(%run_scoped3A : memref<!tpu.dma_semaphore, #tpu.memory_space<semaphore_mem>>)
      %dma_wait3A = arith.constant 0 : i32
      %dma_wait3A_84 = arith.constant 0 : i32
      %dma_wait3A_85 = tpu.memref_slice %arg8[%dma_wait3A, %dma_wait3A_84] : memref<100x128xf32, #tpu.memory_space<vmem>> -> memref<48x128xf32, #tpu.memory_space<vmem>>
      %dma_wait3A_86 = arith.constant 0 : i32
      %dma_wait3A_87 = tpu.memref_slice %arg10[%add3A_19, %dma_wait3A_86] : memref<10000x128xf32, #tpu.memory_space<vmem_shared>> -> memref<48x128xf32, #tpu.memory_space<vmem_shared>>
      %dma_wait3A_88 = arith.constant 0 : i32
      %dma_wait3A_89 = tpu.memref_slice %arg10[%add3A_19, %dma_wait3A_88] : memref<10000x128xf32, #tpu.memory_space<vmem_shared>> -> memref<48x128xf32, #tpu.memory_space<vmem_shared>>
      %dma_wait3A_90 = arith.constant 0 : i32
      %dma_wait3A_91 = arith.constant 0 : i32
      %dma_wait3A_92 = tpu.memref_slice %arg8[%dma_wait3A_90, %dma_wait3A_91] : memref<100x128xf32, #tpu.memory_space<vmem>> -> memref<48x128xf32, #tpu.memory_space<vmem>>
      tpu.wait_dma2 semaphore(%run_scoped3A : memref<!tpu.dma_semaphore, #tpu.memory_space<semaphore_mem>>) src(%dma_wait3A_92 : memref<48x128xf32, #tpu.memory_space<vmem>>) dst(%dma_wait3A_89 : memref<48x128xf32, #tpu.memory_space<vmem_shared>>)
      tpu.yield
    }) : () -> ()
    %mul3A_20 = arith.constant 624 : i32
    %mul3A_21 = arith.muli %arg1, %mul3A_20 : i32
    %add3A_22 = arith.constant 192 : i32
    %add3A_23 = arith.addi %mul3A_21, %add3A_22 : i32
    "tpu.region"() ({
      %run_scoped3A = tpu.sem_alloc : memref<!tpu.dma_semaphore, #tpu.memory_space<semaphore_mem>>
      %dma_start3A = arith.constant 0 : i32
      %dma_start3A_75 = arith.constant 0 : i32
      %dma_start3A_76 = tpu.memref_slice %arg8[%dma_start3A, %dma_start3A_75] : memref<100x128xf32, #tpu.memory_space<vmem>> -> memref<48x128xf32, #tpu.memory_space<vmem>>
      %dma_start3A_77 = arith.constant 0 : i32
      %dma_start3A_78 = tpu.memref_slice %arg10[%add3A_23, %dma_start3A_77] : memref<10000x128xf32, #tpu.memory_space<vmem_shared>> -> memref<48x128xf32, #tpu.memory_space<vmem_shared>>
      %dma_start3A_79 = arith.constant 0 : i32
      %dma_start3A_80 = tpu.memref_slice %arg10[%add3A_23, %dma_start3A_79] : memref<10000x128xf32, #tpu.memory_space<vmem_shared>> -> memref<48x128xf32, #tpu.memory_space<vmem_shared>>
      %dma_start3A_81 = arith.constant 0 : i32
      %dma_start3A_82 = arith.constant 0 : i32
      %dma_start3A_83 = tpu.memref_slice %arg8[%dma_start3A_81, %dma_start3A_82] : memref<100x128xf32, #tpu.memory_space<vmem>> -> memref<48x128xf32, #tpu.memory_space<vmem>>
      tpu.enqueue_dma source(%dma_start3A_83 : memref<48x128xf32, #tpu.memory_space<vmem>>) target(%dma_start3A_80 : memref<48x128xf32, #tpu.memory_space<vmem_shared>>) target_semaphore(%run_scoped3A : memref<!tpu.dma_semaphore, #tpu.memory_space<semaphore_mem>>)
      %dma_wait3A = arith.constant 0 : i32
      %dma_wait3A_84 = arith.constant 0 : i32
      %dma_wait3A_85 = tpu.memref_slice %arg8[%dma_wait3A, %dma_wait3A_84] : memref<100x128xf32, #tpu.memory_space<vmem>> -> memref<48x128xf32, #tpu.memory_space<vmem>>
      %dma_wait3A_86 = arith.constant 0 : i32
      %dma_wait3A_87 = tpu.memref_slice %arg10[%add3A_23, %dma_wait3A_86] : memref<10000x128xf32, #tpu.memory_space<vmem_shared>> -> memref<48x128xf32, #tpu.memory_space<vmem_shared>>
      %dma_wait3A_88 = arith.constant 0 : i32
      %dma_wait3A_89 = tpu.memref_slice %arg10[%add3A_23, %dma_wait3A_88] : memref<10000x128xf32, #tpu.memory_space<vmem_shared>> -> memref<48x128xf32, #tpu.memory_space<vmem_shared>>
      %dma_wait3A_90 = arith.constant 0 : i32
      %dma_wait3A_91 = arith.constant 0 : i32
      %dma_wait3A_92 = tpu.memref_slice %arg8[%dma_wait3A_90, %dma_wait3A_91] : memref<100x128xf32, #tpu.memory_space<vmem>> -> memref<48x128xf32, #tpu.memory_space<vmem>>
      tpu.wait_dma2 semaphore(%run_scoped3A : memref<!tpu.dma_semaphore, #tpu.memory_space<semaphore_mem>>) src(%dma_wait3A_92 : memref<48x128xf32, #tpu.memory_space<vmem>>) dst(%dma_wait3A_89 : memref<48x128xf32, #tpu.memory_space<vmem_shared>>)
      tpu.yield
    }) : () -> ()
    %mul3A_24 = arith.constant 624 : i32
    %mul3A_25 = arith.muli %arg1, %mul3A_24 : i32
    %add3A_26 = arith.constant 240 : i32
    %add3A_27 = arith.addi %mul3A_25, %add3A_26 : i32
    "tpu.region"() ({
      %run_scoped3A = tpu.sem_alloc : memref<!tpu.dma_semaphore, #tpu.memory_space<semaphore_mem>>
      %dma_start3A = arith.constant 0 : i32
      %dma_start3A_75 = arith.constant 0 : i32
      %dma_start3A_76 = tpu.memref_slice %arg8[%dma_start3A, %dma_start3A_75] : memref<100x128xf32, #tpu.memory_space<vmem>> -> memref<48x128xf32, #tpu.memory_space<vmem>>
      %dma_start3A_77 = arith.constant 0 : i32
      %dma_start3A_78 = tpu.memref_slice %arg10[%add3A_27, %dma_start3A_77] : memref<10000x128xf32, #tpu.memory_space<vmem_shared>> -> memref<48x128xf32, #tpu.memory_space<vmem_shared>>
      %dma_start3A_79 = arith.constant 0 : i32
      %dma_start3A_80 = tpu.memref_slice %arg10[%add3A_27, %dma_start3A_79] : memref<10000x128xf32, #tpu.memory_space<vmem_shared>> -> memref<48x128xf32, #tpu.memory_space<vmem_shared>>
      %dma_start3A_81 = arith.constant 0 : i32
      %dma_start3A_82 = arith.constant 0 : i32
      %dma_start3A_83 = tpu.memref_slice %arg8[%dma_start3A_81, %dma_start3A_82] : memref<100x128xf32, #tpu.memory_space<vmem>> -> memref<48x128xf32, #tpu.memory_space<vmem>>
      tpu.enqueue_dma source(%dma_start3A_83 : memref<48x128xf32, #tpu.memory_space<vmem>>) target(%dma_start3A_80 : memref<48x128xf32, #tpu.memory_space<vmem_shared>>) target_semaphore(%run_scoped3A : memref<!tpu.dma_semaphore, #tpu.memory_space<semaphore_mem>>)
      %dma_wait3A = arith.constant 0 : i32
      %dma_wait3A_84 = arith.constant 0 : i32
      %dma_wait3A_85 = tpu.memref_slice %arg8[%dma_wait3A, %dma_wait3A_84] : memref<100x128xf32, #tpu.memory_space<vmem>> -> memref<48x128xf32, #tpu.memory_space<vmem>>
      %dma_wait3A_86 = arith.constant 0 : i32
      %dma_wait3A_87 = tpu.memref_slice %arg10[%add3A_27, %dma_wait3A_86] : memref<10000x128xf32, #tpu.memory_space<vmem_shared>> -> memref<48x128xf32, #tpu.memory_space<vmem_shared>>
      %dma_wait3A_88 = arith.constant 0 : i32
      %dma_wait3A_89 = tpu.memref_slice %arg10[%add3A_27, %dma_wait3A_88] : memref<10000x128xf32, #tpu.memory_space<vmem_shared>> -> memref<48x128xf32, #tpu.memory_space<vmem_shared>>
      %dma_wait3A_90 = arith.constant 0 : i32
      %dma_wait3A_91 = arith.constant 0 : i32
      %dma_wait3A_92 = tpu.memref_slice %arg8[%dma_wait3A_90, %dma_wait3A_91] : memref<100x128xf32, #tpu.memory_space<vmem>> -> memref<48x128xf32, #tpu.memory_space<vmem>>
      tpu.wait_dma2 semaphore(%run_scoped3A : memref<!tpu.dma_semaphore, #tpu.memory_space<semaphore_mem>>) src(%dma_wait3A_92 : memref<48x128xf32, #tpu.memory_space<vmem>>) dst(%dma_wait3A_89 : memref<48x128xf32, #tpu.memory_space<vmem_shared>>)
      tpu.yield
    }) : () -> ()
    %mul3A_28 = arith.constant 624 : i32
    %mul3A_29 = arith.muli %arg1, %mul3A_28 : i32
    %add3A_30 = arith.constant 288 : i32
    %add3A_31 = arith.addi %mul3A_29, %add3A_30 : i32
    "tpu.region"() ({
      %run_scoped3A = tpu.sem_alloc : memref<!tpu.dma_semaphore, #tpu.memory_space<semaphore_mem>>
      %dma_start3A = arith.constant 0 : i32
      %dma_start3A_75 = arith.constant 0 : i32
      %dma_start3A_76 = tpu.memref_slice %arg8[%dma_start3A, %dma_start3A_75] : memref<100x128xf32, #tpu.memory_space<vmem>> -> memref<48x128xf32, #tpu.memory_space<vmem>>
      %dma_start3A_77 = arith.constant 0 : i32
      %dma_start3A_78 = tpu.memref_slice %arg10[%add3A_31, %dma_start3A_77] : memref<10000x128xf32, #tpu.memory_space<vmem_shared>> -> memref<48x128xf32, #tpu.memory_space<vmem_shared>>
      %dma_start3A_79 = arith.constant 0 : i32
      %dma_start3A_80 = tpu.memref_slice %arg10[%add3A_31, %dma_start3A_79] : memref<10000x128xf32, #tpu.memory_space<vmem_shared>> -> memref<48x128xf32, #tpu.memory_space<vmem_shared>>
      %dma_start3A_81 = arith.constant 0 : i32
      %dma_start3A_82 = arith.constant 0 : i32
      %dma_start3A_83 = tpu.memref_slice %arg8[%dma_start3A_81, %dma_start3A_82] : memref<100x128xf32, #tpu.memory_space<vmem>> -> memref<48x128xf32, #tpu.memory_space<vmem>>
      tpu.enqueue_dma source(%dma_start3A_83 : memref<48x128xf32, #tpu.memory_space<vmem>>) target(%dma_start3A_80 : memref<48x128xf32, #tpu.memory_space<vmem_shared>>) target_semaphore(%run_scoped3A : memref<!tpu.dma_semaphore, #tpu.memory_space<semaphore_mem>>)
      %dma_wait3A = arith.constant 0 : i32
      %dma_wait3A_84 = arith.constant 0 : i32
      %dma_wait3A_85 = tpu.memref_slice %arg8[%dma_wait3A, %dma_wait3A_84] : memref<100x128xf32, #tpu.memory_space<vmem>> -> memref<48x128xf32, #tpu.memory_space<vmem>>
      %dma_wait3A_86 = arith.constant 0 : i32
      %dma_wait3A_87 = tpu.memref_slice %arg10[%add3A_31, %dma_wait3A_86] : memref<10000x128xf32, #tpu.memory_space<vmem_shared>> -> memref<48x128xf32, #tpu.memory_space<vmem_shared>>
      %dma_wait3A_88 = arith.constant 0 : i32
      %dma_wait3A_89 = tpu.memref_slice %arg10[%add3A_31, %dma_wait3A_88] : memref<10000x128xf32, #tpu.memory_space<vmem_shared>> -> memref<48x128xf32, #tpu.memory_space<vmem_shared>>
      %dma_wait3A_90 = arith.constant 0 : i32
      %dma_wait3A_91 = arith.constant 0 : i32
      %dma_wait3A_92 = tpu.memref_slice %arg8[%dma_wait3A_90, %dma_wait3A_91] : memref<100x128xf32, #tpu.memory_space<vmem>> -> memref<48x128xf32, #tpu.memory_space<vmem>>
      tpu.wait_dma2 semaphore(%run_scoped3A : memref<!tpu.dma_semaphore, #tpu.memory_space<semaphore_mem>>) src(%dma_wait3A_92 : memref<48x128xf32, #tpu.memory_space<vmem>>) dst(%dma_wait3A_89 : memref<48x128xf32, #tpu.memory_space<vmem_shared>>)
      tpu.yield
    }) : () -> ()
    %mul3A_32 = arith.constant 624 : i32
    %mul3A_33 = arith.muli %arg1, %mul3A_32 : i32
    %add3A_34 = arith.constant 336 : i32
    %add3A_35 = arith.addi %mul3A_33, %add3A_34 : i32
    "tpu.region"() ({
      %run_scoped3A = tpu.sem_alloc : memref<!tpu.dma_semaphore, #tpu.memory_space<semaphore_mem>>
      %dma_start3A = arith.constant 0 : i32
      %dma_start3A_75 = arith.constant 0 : i32
      %dma_start3A_76 = tpu.memref_slice %arg8[%dma_start3A, %dma_start3A_75] : memref<100x128xf32, #tpu.memory_space<vmem>> -> memref<48x128xf32, #tpu.memory_space<vmem>>
      %dma_start3A_77 = arith.constant 0 : i32
      %dma_start3A_78 = tpu.memref_slice %arg10[%add3A_35, %dma_start3A_77] : memref<10000x128xf32, #tpu.memory_space<vmem_shared>> -> memref<48x128xf32, #tpu.memory_space<vmem_shared>>
      %dma_start3A_79 = arith.constant 0 : i32
      %dma_start3A_80 = tpu.memref_slice %arg10[%add3A_35, %dma_start3A_79] : memref<10000x128xf32, #tpu.memory_space<vmem_shared>> -> memref<48x128xf32, #tpu.memory_space<vmem_shared>>
      %dma_start3A_81 = arith.constant 0 : i32
      %dma_start3A_82 = arith.constant 0 : i32
      %dma_start3A_83 = tpu.memref_slice %arg8[%dma_start3A_81, %dma_start3A_82] : memref<100x128xf32, #tpu.memory_space<vmem>> -> memref<48x128xf32, #tpu.memory_space<vmem>>
      tpu.enqueue_dma source(%dma_start3A_83 : memref<48x128xf32, #tpu.memory_space<vmem>>) target(%dma_start3A_80 : memref<48x128xf32, #tpu.memory_space<vmem_shared>>) target_semaphore(%run_scoped3A : memref<!tpu.dma_semaphore, #tpu.memory_space<semaphore_mem>>)
      %dma_wait3A = arith.constant 0 : i32
      %dma_wait3A_84 = arith.constant 0 : i32
      %dma_wait3A_85 = tpu.memref_slice %arg8[%dma_wait3A, %dma_wait3A_84] : memref<100x128xf32, #tpu.memory_space<vmem>> -> memref<48x128xf32, #tpu.memory_space<vmem>>
      %dma_wait3A_86 = arith.constant 0 : i32
      %dma_wait3A_87 = tpu.memref_slice %arg10[%add3A_35, %dma_wait3A_86] : memref<10000x128xf32, #tpu.memory_space<vmem_shared>> -> memref<48x128xf32, #tpu.memory_space<vmem_shared>>
      %dma_wait3A_88 = arith.constant 0 : i32
      %dma_wait3A_89 = tpu.memref_slice %arg10[%add3A_35, %dma_wait3A_88] : memref<10000x128xf32, #tpu.memory_space<vmem_shared>> -> memref<48x128xf32, #tpu.memory_space<vmem_shared>>
      %dma_wait3A_90 = arith.constant 0 : i32
      %dma_wait3A_91 = arith.constant 0 : i32
      %dma_wait3A_92 = tpu.memref_slice %arg8[%dma_wait3A_90, %dma_wait3A_91] : memref<100x128xf32, #tpu.memory_space<vmem>> -> memref<48x128xf32, #tpu.memory_space<vmem>>
      tpu.wait_dma2 semaphore(%run_scoped3A : memref<!tpu.dma_semaphore, #tpu.memory_space<semaphore_mem>>) src(%dma_wait3A_92 : memref<48x128xf32, #tpu.memory_space<vmem>>) dst(%dma_wait3A_89 : memref<48x128xf32, #tpu.memory_space<vmem_shared>>)
      tpu.yield
    }) : () -> ()
    %mul3A_36 = arith.constant 624 : i32
    %mul3A_37 = arith.muli %arg1, %mul3A_36 : i32
    %add3A_38 = arith.constant 384 : i32
    %add3A_39 = arith.addi %mul3A_37, %add3A_38 : i32
    "tpu.region"() ({
      %run_scoped3A = tpu.sem_alloc : memref<!tpu.dma_semaphore, #tpu.memory_space<semaphore_mem>>
      %dma_start3A = arith.constant 0 : i32
      %dma_start3A_75 = arith.constant 0 : i32
      %dma_start3A_76 = tpu.memref_slice %arg8[%dma_start3A, %dma_start3A_75] : memref<100x128xf32, #tpu.memory_space<vmem>> -> memref<48x128xf32, #tpu.memory_space<vmem>>
      %dma_start3A_77 = arith.constant 0 : i32
      %dma_start3A_78 = tpu.memref_slice %arg10[%add3A_39, %dma_start3A_77] : memref<10000x128xf32, #tpu.memory_space<vmem_shared>> -> memref<48x128xf32, #tpu.memory_space<vmem_shared>>
      %dma_start3A_79 = arith.constant 0 : i32
      %dma_start3A_80 = tpu.memref_slice %arg10[%add3A_39, %dma_start3A_79] : memref<10000x128xf32, #tpu.memory_space<vmem_shared>> -> memref<48x128xf32, #tpu.memory_space<vmem_shared>>
      %dma_start3A_81 = arith.constant 0 : i32
      %dma_start3A_82 = arith.constant 0 : i32
      %dma_start3A_83 = tpu.memref_slice %arg8[%dma_start3A_81, %dma_start3A_82] : memref<100x128xf32, #tpu.memory_space<vmem>> -> memref<48x128xf32, #tpu.memory_space<vmem>>
      tpu.enqueue_dma source(%dma_start3A_83 : memref<48x128xf32, #tpu.memory_space<vmem>>) target(%dma_start3A_80 : memref<48x128xf32, #tpu.memory_space<vmem_shared>>) target_semaphore(%run_scoped3A : memref<!tpu.dma_semaphore, #tpu.memory_space<semaphore_mem>>)
      %dma_wait3A = arith.constant 0 : i32
      %dma_wait3A_84 = arith.constant 0 : i32
      %dma_wait3A_85 = tpu.memref_slice %arg8[%dma_wait3A, %dma_wait3A_84] : memref<100x128xf32, #tpu.memory_space<vmem>> -> memref<48x128xf32, #tpu.memory_space<vmem>>
      %dma_wait3A_86 = arith.constant 0 : i32
      %dma_wait3A_87 = tpu.memref_slice %arg10[%add3A_39, %dma_wait3A_86] : memref<10000x128xf32, #tpu.memory_space<vmem_shared>> -> memref<48x128xf32, #tpu.memory_space<vmem_shared>>
      %dma_wait3A_88 = arith.constant 0 : i32
      %dma_wait3A_89 = tpu.memref_slice %arg10[%add3A_39, %dma_wait3A_88] : memref<10000x128xf32, #tpu.memory_space<vmem_shared>> -> memref<48x128xf32, #tpu.memory_space<vmem_shared>>
      %dma_wait3A_90 = arith.constant 0 : i32
      %dma_wait3A_91 = arith.constant 0 : i32
      %dma_wait3A_92 = tpu.memref_slice %arg8[%dma_wait3A_90, %dma_wait3A_91] : memref<100x128xf32, #tpu.memory_space<vmem>> -> memref<48x128xf32, #tpu.memory_space<vmem>>
      tpu.wait_dma2 semaphore(%run_scoped3A : memref<!tpu.dma_semaphore, #tpu.memory_space<semaphore_mem>>) src(%dma_wait3A_92 : memref<48x128xf32, #tpu.memory_space<vmem>>) dst(%dma_wait3A_89 : memref<48x128xf32, #tpu.memory_space<vmem_shared>>)
      tpu.yield
    }) : () -> ()
    %mul3A_40 = arith.constant 624 : i32
    %mul3A_41 = arith.muli %arg1, %mul3A_40 : i32
    %add3A_42 = arith.constant 432 : i32
    %add3A_43 = arith.addi %mul3A_41, %add3A_42 : i32
    "tpu.region"() ({
      %run_scoped3A = tpu.sem_alloc : memref<!tpu.dma_semaphore, #tpu.memory_space<semaphore_mem>>
      %dma_start3A = arith.constant 0 : i32
      %dma_start3A_75 = arith.constant 0 : i32
      %dma_start3A_76 = tpu.memref_slice %arg8[%dma_start3A, %dma_start3A_75] : memref<100x128xf32, #tpu.memory_space<vmem>> -> memref<48x128xf32, #tpu.memory_space<vmem>>
      %dma_start3A_77 = arith.constant 0 : i32
      %dma_start3A_78 = tpu.memref_slice %arg10[%add3A_43, %dma_start3A_77] : memref<10000x128xf32, #tpu.memory_space<vmem_shared>> -> memref<48x128xf32, #tpu.memory_space<vmem_shared>>
      %dma_start3A_79 = arith.constant 0 : i32
      %dma_start3A_80 = tpu.memref_slice %arg10[%add3A_43, %dma_start3A_79] : memref<10000x128xf32, #tpu.memory_space<vmem_shared>> -> memref<48x128xf32, #tpu.memory_space<vmem_shared>>
      %dma_start3A_81 = arith.constant 0 : i32
      %dma_start3A_82 = arith.constant 0 : i32
      %dma_start3A_83 = tpu.memref_slice %arg8[%dma_start3A_81, %dma_start3A_82] : memref<100x128xf32, #tpu.memory_space<vmem>> -> memref<48x128xf32, #tpu.memory_space<vmem>>
      tpu.enqueue_dma source(%dma_start3A_83 : memref<48x128xf32, #tpu.memory_space<vmem>>) target(%dma_start3A_80 : memref<48x128xf32, #tpu.memory_space<vmem_shared>>) target_semaphore(%run_scoped3A : memref<!tpu.dma_semaphore, #tpu.memory_space<semaphore_mem>>)
      %dma_wait3A = arith.constant 0 : i32
      %dma_wait3A_84 = arith.constant 0 : i32
      %dma_wait3A_85 = tpu.memref_slice %arg8[%dma_wait3A, %dma_wait3A_84] : memref<100x128xf32, #tpu.memory_space<vmem>> -> memref<48x128xf32, #tpu.memory_space<vmem>>
      %dma_wait3A_86 = arith.constant 0 : i32
      %dma_wait3A_87 = tpu.memref_slice %arg10[%add3A_43, %dma_wait3A_86] : memref<10000x128xf32, #tpu.memory_space<vmem_shared>> -> memref<48x128xf32, #tpu.memory_space<vmem_shared>>
      %dma_wait3A_88 = arith.constant 0 : i32
      %dma_wait3A_89 = tpu.memref_slice %arg10[%add3A_43, %dma_wait3A_88] : memref<10000x128xf32, #tpu.memory_space<vmem_shared>> -> memref<48x128xf32, #tpu.memory_space<vmem_shared>>
      %dma_wait3A_90 = arith.constant 0 : i32
      %dma_wait3A_91 = arith.constant 0 : i32
      %dma_wait3A_92 = tpu.memref_slice %arg8[%dma_wait3A_90, %dma_wait3A_91] : memref<100x128xf32, #tpu.memory_space<vmem>> -> memref<48x128xf32, #tpu.memory_space<vmem>>
      tpu.wait_dma2 semaphore(%run_scoped3A : memref<!tpu.dma_semaphore, #tpu.memory_space<semaphore_mem>>) src(%dma_wait3A_92 : memref<48x128xf32, #tpu.memory_space<vmem>>) dst(%dma_wait3A_89 : memref<48x128xf32, #tpu.memory_space<vmem_shared>>)
      tpu.yield
    }) : () -> ()
    %mul3A_44 = arith.constant 624 : i32
    %mul3A_45 = arith.muli %arg1, %mul3A_44 : i32
    %add3A_46 = arith.constant 480 : i32
    %add3A_47 = arith.addi %mul3A_45, %add3A_46 : i32
    "tpu.region"() ({
      %run_scoped3A = tpu.sem_alloc : memref<!tpu.dma_semaphore, #tpu.memory_space<semaphore_mem>>
      %dma_start3A = arith.constant 0 : i32
      %dma_start3A_75 = arith.constant 0 : i32
      %dma_start3A_76 = tpu.memref_slice %arg8[%dma_start3A, %dma_start3A_75] : memref<100x128xf32, #tpu.memory_space<vmem>> -> memref<48x128xf32, #tpu.memory_space<vmem>>
      %dma_start3A_77 = arith.constant 0 : i32
      %dma_start3A_78 = tpu.memref_slice %arg10[%add3A_47, %dma_start3A_77] : memref<10000x128xf32, #tpu.memory_space<vmem_shared>> -> memref<48x128xf32, #tpu.memory_space<vmem_shared>>
      %dma_start3A_79 = arith.constant 0 : i32
      %dma_start3A_80 = tpu.memref_slice %arg10[%add3A_47, %dma_start3A_79] : memref<10000x128xf32, #tpu.memory_space<vmem_shared>> -> memref<48x128xf32, #tpu.memory_space<vmem_shared>>
      %dma_start3A_81 = arith.constant 0 : i32
      %dma_start3A_82 = arith.constant 0 : i32
      %dma_start3A_83 = tpu.memref_slice %arg8[%dma_start3A_81, %dma_start3A_82] : memref<100x128xf32, #tpu.memory_space<vmem>> -> memref<48x128xf32, #tpu.memory_space<vmem>>
      tpu.enqueue_dma source(%dma_start3A_83 : memref<48x128xf32, #tpu.memory_space<vmem>>) target(%dma_start3A_80 : memref<48x128xf32, #tpu.memory_space<vmem_shared>>) target_semaphore(%run_scoped3A : memref<!tpu.dma_semaphore, #tpu.memory_space<semaphore_mem>>)
      %dma_wait3A = arith.constant 0 : i32
      %dma_wait3A_84 = arith.constant 0 : i32
      %dma_wait3A_85 = tpu.memref_slice %arg8[%dma_wait3A, %dma_wait3A_84] : memref<100x128xf32, #tpu.memory_space<vmem>> -> memref<48x128xf32, #tpu.memory_space<vmem>>
      %dma_wait3A_86 = arith.constant 0 : i32
      %dma_wait3A_87 = tpu.memref_slice %arg10[%add3A_47, %dma_wait3A_86] : memref<10000x128xf32, #tpu.memory_space<vmem_shared>> -> memref<48x128xf32, #tpu.memory_space<vmem_shared>>
      %dma_wait3A_88 = arith.constant 0 : i32
      %dma_wait3A_89 = tpu.memref_slice %arg10[%add3A_47, %dma_wait3A_88] : memref<10000x128xf32, #tpu.memory_space<vmem_shared>> -> memref<48x128xf32, #tpu.memory_space<vmem_shared>>
      %dma_wait3A_90 = arith.constant 0 : i32
      %dma_wait3A_91 = arith.constant 0 : i32
      %dma_wait3A_92 = tpu.memref_slice %arg8[%dma_wait3A_90, %dma_wait3A_91] : memref<100x128xf32, #tpu.memory_space<vmem>> -> memref<48x128xf32, #tpu.memory_space<vmem>>
      tpu.wait_dma2 semaphore(%run_scoped3A : memref<!tpu.dma_semaphore, #tpu.memory_space<semaphore_mem>>) src(%dma_wait3A_92 : memref<48x128xf32, #tpu.memory_space<vmem>>) dst(%dma_wait3A_89 : memref<48x128xf32, #tpu.memory_space<vmem_shared>>)
      tpu.yield
    }) : () -> ()
    %mul3A_48 = arith.constant 624 : i32
    %mul3A_49 = arith.muli %arg1, %mul3A_48 : i32
    %add3A_50 = arith.constant 528 : i32
    %add3A_51 = arith.addi %mul3A_49, %add3A_50 : i32
    "tpu.region"() ({
      %run_scoped3A = tpu.sem_alloc : memref<!tpu.dma_semaphore, #tpu.memory_space<semaphore_mem>>
      %dma_start3A = arith.constant 0 : i32
      %dma_start3A_75 = arith.constant 0 : i32
      %dma_start3A_76 = tpu.memref_slice %arg8[%dma_start3A, %dma_start3A_75] : memref<100x128xf32, #tpu.memory_space<vmem>> -> memref<48x128xf32, #tpu.memory_space<vmem>>
      %dma_start3A_77 = arith.constant 0 : i32
      %dma_start3A_78 = tpu.memref_slice %arg10[%add3A_51, %dma_start3A_77] : memref<10000x128xf32, #tpu.memory_space<vmem_shared>> -> memref<48x128xf32, #tpu.memory_space<vmem_shared>>
      %dma_start3A_79 = arith.constant 0 : i32
      %dma_start3A_80 = tpu.memref_slice %arg10[%add3A_51, %dma_start3A_79] : memref<10000x128xf32, #tpu.memory_space<vmem_shared>> -> memref<48x128xf32, #tpu.memory_space<vmem_shared>>
      %dma_start3A_81 = arith.constant 0 : i32
      %dma_start3A_82 = arith.constant 0 : i32
      %dma_start3A_83 = tpu.memref_slice %arg8[%dma_start3A_81, %dma_start3A_82] : memref<100x128xf32, #tpu.memory_space<vmem>> -> memref<48x128xf32, #tpu.memory_space<vmem>>
      tpu.enqueue_dma source(%dma_start3A_83 : memref<48x128xf32, #tpu.memory_space<vmem>>) target(%dma_start3A_80 : memref<48x128xf32, #tpu.memory_space<vmem_shared>>) target_semaphore(%run_scoped3A : memref<!tpu.dma_semaphore, #tpu.memory_space<semaphore_mem>>)
      %dma_wait3A = arith.constant 0 : i32
      %dma_wait3A_84 = arith.constant 0 : i32
      %dma_wait3A_85 = tpu.memref_slice %arg8[%dma_wait3A, %dma_wait3A_84] : memref<100x128xf32, #tpu.memory_space<vmem>> -> memref<48x128xf32, #tpu.memory_space<vmem>>
      %dma_wait3A_86 = arith.constant 0 : i32
      %dma_wait3A_87 = tpu.memref_slice %arg10[%add3A_51, %dma_wait3A_86] : memref<10000x128xf32, #tpu.memory_space<vmem_shared>> -> memref<48x128xf32, #tpu.memory_space<vmem_shared>>
      %dma_wait3A_88 = arith.constant 0 : i32
      %dma_wait3A_89 = tpu.memref_slice %arg10[%add3A_51, %dma_wait3A_88] : memref<10000x128xf32, #tpu.memory_space<vmem_shared>> -> memref<48x128xf32, #tpu.memory_space<vmem_shared>>
      %dma_wait3A_90 = arith.constant 0 : i32
      %dma_wait3A_91 = arith.constant 0 : i32
      %dma_wait3A_92 = tpu.memref_slice %arg8[%dma_wait3A_90, %dma_wait3A_91] : memref<100x128xf32, #tpu.memory_space<vmem>> -> memref<48x128xf32, #tpu.memory_space<vmem>>
      tpu.wait_dma2 semaphore(%run_scoped3A : memref<!tpu.dma_semaphore, #tpu.memory_space<semaphore_mem>>) src(%dma_wait3A_92 : memref<48x128xf32, #tpu.memory_space<vmem>>) dst(%dma_wait3A_89 : memref<48x128xf32, #tpu.memory_space<vmem_shared>>)
      tpu.yield
    }) : () -> ()
    %mul3A_52 = arith.constant 624 : i32
    %mul3A_53 = arith.muli %arg1, %mul3A_52 : i32
    %add3A_54 = arith.constant 576 : i32
    %add3A_55 = arith.addi %mul3A_53, %add3A_54 : i32
    "tpu.region"() ({
      %run_scoped3A = tpu.sem_alloc : memref<!tpu.dma_semaphore, #tpu.memory_space<semaphore_mem>>
      %dma_start3A = arith.constant 0 : i32
      %dma_start3A_75 = arith.constant 0 : i32
      %dma_start3A_76 = tpu.memref_slice %arg8[%dma_start3A, %dma_start3A_75] : memref<100x128xf32, #tpu.memory_space<vmem>> -> memref<48x128xf32, #tpu.memory_space<vmem>>
      %dma_start3A_77 = arith.constant 0 : i32
      %dma_start3A_78 = tpu.memref_slice %arg10[%add3A_55, %dma_start3A_77] : memref<10000x128xf32, #tpu.memory_space<vmem_shared>> -> memref<48x128xf32, #tpu.memory_space<vmem_shared>>
      %dma_start3A_79 = arith.constant 0 : i32
      %dma_start3A_80 = tpu.memref_slice %arg10[%add3A_55, %dma_start3A_79] : memref<10000x128xf32, #tpu.memory_space<vmem_shared>> -> memref<48x128xf32, #tpu.memory_space<vmem_shared>>
      %dma_start3A_81 = arith.constant 0 : i32
      %dma_start3A_82 = arith.constant 0 : i32
      %dma_start3A_83 = tpu.memref_slice %arg8[%dma_start3A_81, %dma_start3A_82] : memref<100x128xf32, #tpu.memory_space<vmem>> -> memref<48x128xf32, #tpu.memory_space<vmem>>
      tpu.enqueue_dma source(%dma_start3A_83 : memref<48x128xf32, #tpu.memory_space<vmem>>) target(%dma_start3A_80 : memref<48x128xf32, #tpu.memory_space<vmem_shared>>) target_semaphore(%run_scoped3A : memref<!tpu.dma_semaphore, #tpu.memory_space<semaphore_mem>>)
      %dma_wait3A = arith.constant 0 : i32
      %dma_wait3A_84 = arith.constant 0 : i32
      %dma_wait3A_85 = tpu.memref_slice %arg8[%dma_wait3A, %dma_wait3A_84] : memref<100x128xf32, #tpu.memory_space<vmem>> -> memref<48x128xf32, #tpu.memory_space<vmem>>
      %dma_wait3A_86 = arith.constant 0 : i32
      %dma_wait3A_87 = tpu.memref_slice %arg10[%add3A_55, %dma_wait3A_86] : memref<10000x128xf32, #tpu.memory_space<vmem_shared>> -> memref<48x128xf32, #tpu.memory_space<vmem_shared>>
      %dma_wait3A_88 = arith.constant 0 : i32
      %dma_wait3A_89 = tpu.memref_slice %arg10[%add3A_55, %dma_wait3A_88] : memref<10000x128xf32, #tpu.memory_space<vmem_shared>> -> memref<48x128xf32, #tpu.memory_space<vmem_shared>>
      %dma_wait3A_90 = arith.constant 0 : i32
      %dma_wait3A_91 = arith.constant 0 : i32
      %dma_wait3A_92 = tpu.memref_slice %arg8[%dma_wait3A_90, %dma_wait3A_91] : memref<100x128xf32, #tpu.memory_space<vmem>> -> memref<48x128xf32, #tpu.memory_space<vmem>>
      tpu.wait_dma2 semaphore(%run_scoped3A : memref<!tpu.dma_semaphore, #tpu.memory_space<semaphore_mem>>) src(%dma_wait3A_92 : memref<48x128xf32, #tpu.memory_space<vmem>>) dst(%dma_wait3A_89 : memref<48x128xf32, #tpu.memory_space<vmem_shared>>)
      tpu.yield
    }) : () -> ()
    %eq3A = arith.constant 15 : i32
    %eq3A_56 = arith.cmpi eq, %arg1, %eq3A : i32
    %convert_element_type3A = arith.extui %eq3A_56 : i1 to i32
    %cond3A = arith.constant 0 : i32
    %cond3A_57 = arith.cmpi ne, %convert_element_type3A, %cond3A : i32
    scf.if %cond3A_57 {
      "tpu.region"() ({
        %run_scoped3A = tpu.sem_alloc : memref<!tpu.dma_semaphore, #tpu.memory_space<semaphore_mem>>
        %dma_start3A = arith.constant 0 : i32
        %dma_start3A_75 = arith.constant 0 : i32
        %dma_start3A_76 = tpu.memref_slice %arg8[%dma_start3A, %dma_start3A_75] : memref<100x128xf32, #tpu.memory_space<vmem>> -> memref<16x128xf32, #tpu.memory_space<vmem>>
        %dma_start3A_77 = arith.constant 9984 : i32
        %dma_start3A_78 = arith.constant 0 : i32
        %dma_start3A_79 = tpu.memref_slice %arg10[%dma_start3A_77, %dma_start3A_78] : memref<10000x128xf32, #tpu.memory_space<vmem_shared>> -> memref<16x128xf32, #tpu.memory_space<vmem_shared>>
        %dma_start3A_80 = arith.constant 9984 : i32
        %dma_start3A_81 = arith.constant 0 : i32
        %dma_start3A_82 = tpu.memref_slice %arg10[%dma_start3A_80, %dma_start3A_81] : memref<10000x128xf32, #tpu.memory_space<vmem_shared>> -> memref<16x128xf32, #tpu.memory_space<vmem_shared>>
        %dma_start3A_83 = arith.constant 0 : i32
        %dma_start3A_84 = arith.constant 0 : i32
        %dma_start3A_85 = tpu.memref_slice %arg8[%dma_start3A_83, %dma_start3A_84] : memref<100x128xf32, #tpu.memory_space<vmem>> -> memref<16x128xf32, #tpu.memory_space<vmem>>
        tpu.enqueue_dma source(%dma_start3A_85 : memref<16x128xf32, #tpu.memory_space<vmem>>) target(%dma_start3A_82 : memref<16x128xf32, #tpu.memory_space<vmem_shared>>) target_semaphore(%run_scoped3A : memref<!tpu.dma_semaphore, #tpu.memory_space<semaphore_mem>>)
        %dma_wait3A = arith.constant 0 : i32
        %dma_wait3A_86 = arith.constant 0 : i32
        %dma_wait3A_87 = tpu.memref_slice %arg8[%dma_wait3A, %dma_wait3A_86] : memref<100x128xf32, #tpu.memory_space<vmem>> -> memref<16x128xf32, #tpu.memory_space<vmem>>
        %dma_wait3A_88 = arith.constant 9984 : i32
        %dma_wait3A_89 = arith.constant 0 : i32
        %dma_wait3A_90 = tpu.memref_slice %arg10[%dma_wait3A_88, %dma_wait3A_89] : memref<10000x128xf32, #tpu.memory_space<vmem_shared>> -> memref<16x128xf32, #tpu.memory_space<vmem_shared>>
        %dma_wait3A_91 = arith.constant 9984 : i32
        %dma_wait3A_92 = arith.constant 0 : i32
        %dma_wait3A_93 = tpu.memref_slice %arg10[%dma_wait3A_91, %dma_wait3A_92] : memref<10000x128xf32, #tpu.memory_space<vmem_shared>> -> memref<16x128xf32, #tpu.memory_space<vmem_shared>>
        %dma_wait3A_94 = arith.constant 0 : i32
        %dma_wait3A_95 = arith.constant 0 : i32
        %dma_wait3A_96 = tpu.memref_slice %arg8[%dma_wait3A_94, %dma_wait3A_95] : memref<100x128xf32, #tpu.memory_space<vmem>> -> memref<16x128xf32, #tpu.memory_space<vmem>>
        tpu.wait_dma2 semaphore(%run_scoped3A : memref<!tpu.dma_semaphore, #tpu.memory_space<semaphore_mem>>) src(%dma_wait3A_96 : memref<16x128xf32, #tpu.memory_space<vmem>>) dst(%dma_wait3A_93 : memref<16x128xf32, #tpu.memory_space<vmem_shared>>)
        tpu.yield
      }) : () -> ()
    } else {
    }
    %barrier3A = arith.constant 0 : index
    tpu.barrier barrier_id(%barrier3A)
    %scan3A_58 = arith.constant 0 : i32
    %scan3A_59 = arith.constant 0 : i32
    %scan3A_60 = arith.constant 20 : i32
    %scan3A_61 = arith.addi %scan3A_59, %scan3A_60 : i32
    %scan3A_62 = arith.constant 1 : i32
    %scan3A_63 = scf.for %scan3A_75 = %scan3A_59 to %scan3A_61 step %scan3A_62 iter_args(%scan3A_76 = %scan3A_58) -> (i32)  : i32 {
      "tpu.region"() ({
        %run_scoped3A_225 = tpu.sem_alloc : memref<!tpu.dma_semaphore, #tpu.memory_space<semaphore_mem>>
        %dma_start3A_226 = arith.constant 0 : i32
        %dma_start3A_227 = arith.constant 0 : i32
        %dma_start3A_228 = tpu.memref_slice %arg3[%arg1, %scan3A_75, %dma_start3A_226, %dma_start3A_227] : memref<16x20x10x100xi32, #tpu.memory_space<hbm>> -> memref<1x1x10x100xi32, #tpu.memory_space<hbm>>
        %dma_start3A_229 = tpu.memref_squeeze %dma_start3A_228 : memref<1x1x10x100xi32, #tpu.memory_space<hbm>> -> memref<10x100xi32, #tpu.memory_space<hbm>>
        %dma_start3A_230 = arith.constant 0 : i32
        %dma_start3A_231 = arith.constant 0 : i32
        %dma_start3A_232 = tpu.memref_slice %arg3[%arg1, %scan3A_75, %dma_start3A_230, %dma_start3A_231] : memref<16x20x10x100xi32, #tpu.memory_space<hbm>> -> memref<1x1x10x100xi32, #tpu.memory_space<hbm>>
        %dma_start3A_233 = tpu.memref_squeeze %dma_start3A_232 : memref<1x1x10x100xi32, #tpu.memory_space<hbm>> -> memref<10x100xi32, #tpu.memory_space<hbm>>
        tpu.enqueue_dma source(%dma_start3A_233 : memref<10x100xi32, #tpu.memory_space<hbm>>) target(%arg6 : memref<10x100xi32, #tpu.memory_space<vmem>>) target_semaphore(%run_scoped3A_225 : memref<!tpu.dma_semaphore, #tpu.memory_space<semaphore_mem>>)
        %dma_wait3A_234 = arith.constant 0 : i32
        %dma_wait3A_235 = arith.constant 0 : i32
        %dma_wait3A_236 = tpu.memref_slice %arg3[%arg1, %scan3A_75, %dma_wait3A_234, %dma_wait3A_235] : memref<16x20x10x100xi32, #tpu.memory_space<hbm>> -> memref<1x1x10x100xi32, #tpu.memory_space<hbm>>
        %dma_wait3A_237 = tpu.memref_squeeze %dma_wait3A_236 : memref<1x1x10x100xi32, #tpu.memory_space<hbm>> -> memref<10x100xi32, #tpu.memory_space<hbm>>
        %dma_wait3A_238 = arith.constant 0 : i32
        %dma_wait3A_239 = arith.constant 0 : i32
        %dma_wait3A_240 = tpu.memref_slice %arg3[%arg1, %scan3A_75, %dma_wait3A_238, %dma_wait3A_239] : memref<16x20x10x100xi32, #tpu.memory_space<hbm>> -> memref<1x1x10x100xi32, #tpu.memory_space<hbm>>
        %dma_wait3A_241 = tpu.memref_squeeze %dma_wait3A_240 : memref<1x1x10x100xi32, #tpu.memory_space<hbm>> -> memref<10x100xi32, #tpu.memory_space<hbm>>
        tpu.wait_dma2 semaphore(%run_scoped3A_225 : memref<!tpu.dma_semaphore, #tpu.memory_space<semaphore_mem>>) src(%dma_wait3A_241 : memref<10x100xi32, #tpu.memory_space<hbm>>) dst(%arg6 : memref<10x100xi32, #tpu.memory_space<vmem>>)
        tpu.yield
      }) : () -> ()
      "tpu.region"() ({
        %run_scoped3A_225 = tpu.sem_alloc : memref<!tpu.dma_semaphore, #tpu.memory_space<semaphore_mem>>
        %dma_start3A_226 = arith.constant 0 : i32
        %dma_start3A_227 = arith.constant 0 : i32
        %dma_start3A_228 = tpu.memref_slice %arg4[%arg1, %scan3A_75, %dma_start3A_226, %dma_start3A_227] : memref<16x20x10x100xi32, #tpu.memory_space<hbm>> -> memref<1x1x10x100xi32, #tpu.memory_space<hbm>>
        %dma_start3A_229 = tpu.memref_squeeze %dma_start3A_228 : memref<1x1x10x100xi32, #tpu.memory_space<hbm>> -> memref<10x100xi32, #tpu.memory_space<hbm>>
        %dma_start3A_230 = arith.constant 0 : i32
        %dma_start3A_231 = arith.constant 0 : i32
        %dma_start3A_232 = tpu.memref_slice %arg4[%arg1, %scan3A_75, %dma_start3A_230, %dma_start3A_231] : memref<16x20x10x100xi32, #tpu.memory_space<hbm>> -> memref<1x1x10x100xi32, #tpu.memory_space<hbm>>
        %dma_start3A_233 = tpu.memref_squeeze %dma_start3A_232 : memref<1x1x10x100xi32, #tpu.memory_space<hbm>> -> memref<10x100xi32, #tpu.memory_space<hbm>>
        tpu.enqueue_dma source(%dma_start3A_233 : memref<10x100xi32, #tpu.memory_space<hbm>>) target(%arg7 : memref<10x100xi32, #tpu.memory_space<vmem>>) target_semaphore(%run_scoped3A_225 : memref<!tpu.dma_semaphore, #tpu.memory_space<semaphore_mem>>)
        %dma_wait3A_234 = arith.constant 0 : i32
        %dma_wait3A_235 = arith.constant 0 : i32
        %dma_wait3A_236 = tpu.memref_slice %arg4[%arg1, %scan3A_75, %dma_wait3A_234, %dma_wait3A_235] : memref<16x20x10x100xi32, #tpu.memory_space<hbm>> -> memref<1x1x10x100xi32, #tpu.memory_space<hbm>>
        %dma_wait3A_237 = tpu.memref_squeeze %dma_wait3A_236 : memref<1x1x10x100xi32, #tpu.memory_space<hbm>> -> memref<10x100xi32, #tpu.memory_space<hbm>>
        %dma_wait3A_238 = arith.constant 0 : i32
        %dma_wait3A_239 = arith.constant 0 : i32
        %dma_wait3A_240 = tpu.memref_slice %arg4[%arg1, %scan3A_75, %dma_wait3A_238, %dma_wait3A_239] : memref<16x20x10x100xi32, #tpu.memory_space<hbm>> -> memref<1x1x10x100xi32, #tpu.memory_space<hbm>>
        %dma_wait3A_241 = tpu.memref_squeeze %dma_wait3A_240 : memref<1x1x10x100xi32, #tpu.memory_space<hbm>> -> memref<10x100xi32, #tpu.memory_space<hbm>>
        tpu.wait_dma2 semaphore(%run_scoped3A_225 : memref<!tpu.dma_semaphore, #tpu.memory_space<semaphore_mem>>) src(%dma_wait3A_241 : memref<10x100xi32, #tpu.memory_space<hbm>>) dst(%arg7 : memref<10x100xi32, #tpu.memory_space<vmem>>)
        tpu.yield
      }) : () -> ()
      %dma_start3A = arith.constant 0 : i32
      %dma_start3A_77 = arith.constant 0 : i32
      %dma_start3A_78 = tpu.memref_slice %arg6[%dma_start3A, %dma_start3A_77] : memref<10x100xi32, #tpu.memory_space<vmem>> -> memref<1x100xi32, #tpu.memory_space<vmem>>
      %dma_start3A_79 = tpu.memref_squeeze %dma_start3A_78 : memref<1x100xi32, #tpu.memory_space<vmem>> -> memref<100xi32, #tpu.memory_space<vmem>>
      %dma_start3A_80 = arith.constant 0 : i32
      %dma_start3A_81 = arith.constant 0 : i32
      %dma_start3A_82 = tpu.memref_slice %arg2[%dma_start3A_80, %dma_start3A_81] : memref<10000x128xf32, #tpu.memory_space<hbm>> -> memref<10000x128xf32, #tpu.memory_space<hbm>>
      tpu.enqueue_indirect_dma source(%dma_start3A_82 : memref<10000x128xf32, #tpu.memory_space<hbm>>) target(%arg8 : memref<100x128xf32, #tpu.memory_space<vmem>>) offsets(%dma_start3A_79 : memref<100xi32, #tpu.memory_space<vmem>>) semaphore(%arg11 : memref<!tpu.dma_semaphore, #tpu.memory_space<semaphore_mem>>)
      %dma_wait3A = arith.constant 0 : i32
      %dma_wait3A_83 = arith.constant 0 : i32
      %dma_wait3A_84 = tpu.memref_slice %arg6[%dma_wait3A, %dma_wait3A_83] : memref<10x100xi32, #tpu.memory_space<vmem>> -> memref<1x100xi32, #tpu.memory_space<vmem>>
      %dma_wait3A_85 = tpu.memref_squeeze %dma_wait3A_84 : memref<1x100xi32, #tpu.memory_space<vmem>> -> memref<100xi32, #tpu.memory_space<vmem>>
      %dma_wait3A_86 = arith.constant 0 : i32
      %dma_wait3A_87 = arith.constant 0 : i32
      %dma_wait3A_88 = tpu.memref_slice %arg2[%dma_wait3A_86, %dma_wait3A_87] : memref<10000x128xf32, #tpu.memory_space<hbm>> -> memref<10000x128xf32, #tpu.memory_space<hbm>>
      tpu.wait_indirect_dma semaphore(%arg11 : memref<!tpu.dma_semaphore, #tpu.memory_space<semaphore_mem>>) src(%dma_wait3A_88 : memref<10000x128xf32, #tpu.memory_space<hbm>>) dst(%arg8 : memref<100x128xf32, #tpu.memory_space<vmem>>)
      %dma_start3A_89 = arith.constant 1 : i32
      %dma_start3A_90 = arith.constant 0 : i32
      %dma_start3A_91 = tpu.memref_slice %arg6[%dma_start3A_89, %dma_start3A_90] : memref<10x100xi32, #tpu.memory_space<vmem>> -> memref<1x100xi32, #tpu.memory_space<vmem>>
      %dma_start3A_92 = tpu.memref_squeeze %dma_start3A_91 : memref<1x100xi32, #tpu.memory_space<vmem>> -> memref<100xi32, #tpu.memory_space<vmem>>
      %dma_start3A_93 = arith.constant 0 : i32
      %dma_start3A_94 = arith.constant 0 : i32
      %dma_start3A_95 = tpu.memref_slice %arg2[%dma_start3A_93, %dma_start3A_94] : memref<10000x128xf32, #tpu.memory_space<hbm>> -> memref<10000x128xf32, #tpu.memory_space<hbm>>
      tpu.enqueue_indirect_dma source(%dma_start3A_95 : memref<10000x128xf32, #tpu.memory_space<hbm>>) target(%arg9 : memref<100x128xf32, #tpu.memory_space<vmem>>) offsets(%dma_start3A_92 : memref<100xi32, #tpu.memory_space<vmem>>) semaphore(%arg12 : memref<!tpu.dma_semaphore, #tpu.memory_space<semaphore_mem>>)
      %run_scoped3A = arith.constant 0 : i32
      "tpu.region"() ({
        %run_scoped3A_225 = tpu.sem_alloc : memref<!tpu.dma_semaphore, #tpu.memory_space<semaphore_mem>>
        %dma_start3A_226 = arith.constant 0 : i32
        %dma_start3A_227 = tpu.memref_slice %arg7[%run_scoped3A, %dma_start3A_226] : memref<10x100xi32, #tpu.memory_space<vmem>> -> memref<1x100xi32, #tpu.memory_space<vmem>>
        %dma_start3A_228 = tpu.memref_squeeze %dma_start3A_227 : memref<1x100xi32, #tpu.memory_space<vmem>> -> memref<100xi32, #tpu.memory_space<vmem>>
        %dma_start3A_229 = arith.constant 0 : i32
        %dma_start3A_230 = arith.constant 0 : i32
        %dma_start3A_231 = tpu.memref_slice %arg10[%dma_start3A_229, %dma_start3A_230] : memref<10000x128xf32, #tpu.memory_space<vmem_shared>> -> memref<10000x128xf32, #tpu.memory_space<vmem_shared>>
        tpu.enqueue_indirect_dma source(%arg8 : memref<100x128xf32, #tpu.memory_space<vmem>>) target(%dma_start3A_231 : memref<10000x128xf32, #tpu.memory_space<vmem_shared>>) offsets(%dma_start3A_228 : memref<100xi32, #tpu.memory_space<vmem>>) semaphore(%run_scoped3A_225 : memref<!tpu.dma_semaphore, #tpu.memory_space<semaphore_mem>>) {add = true}
        %dma_wait3A_232 = arith.constant 0 : i32
        %dma_wait3A_233 = tpu.memref_slice %arg7[%run_scoped3A, %dma_wait3A_232] : memref<10x100xi32, #tpu.memory_space<vmem>> -> memref<1x100xi32, #tpu.memory_space<vmem>>
        %dma_wait3A_234 = tpu.memref_squeeze %dma_wait3A_233 : memref<1x100xi32, #tpu.memory_space<vmem>> -> memref<100xi32, #tpu.memory_space<vmem>>
        %dma_wait3A_235 = arith.constant 0 : i32
        %dma_wait3A_236 = arith.constant 0 : i32
        %dma_wait3A_237 = tpu.memref_slice %arg10[%dma_wait3A_235, %dma_wait3A_236] : memref<10000x128xf32, #tpu.memory_space<vmem_shared>> -> memref<10000x128xf32, #tpu.memory_space<vmem_shared>>
        tpu.wait_indirect_dma semaphore(%run_scoped3A_225 : memref<!tpu.dma_semaphore, #tpu.memory_space<semaphore_mem>>) src(%arg8 : memref<100x128xf32, #tpu.memory_space<vmem>>) dst(%dma_wait3A_237 : memref<10000x128xf32, #tpu.memory_space<vmem_shared>>)
        tpu.yield
      }) : () -> ()
      %dma_wait3A_96 = arith.constant 1 : i32
      %dma_wait3A_97 = arith.constant 0 : i32
      %dma_wait3A_98 = tpu.memref_slice %arg6[%dma_wait3A_96, %dma_wait3A_97] : memref<10x100xi32, #tpu.memory_space<vmem>> -> memref<1x100xi32, #tpu.memory_space<vmem>>
      %dma_wait3A_99 = tpu.memref_squeeze %dma_wait3A_98 : memref<1x100xi32, #tpu.memory_space<vmem>> -> memref<100xi32, #tpu.memory_space<vmem>>
      %dma_wait3A_100 = arith.constant 0 : i32
      %dma_wait3A_101 = arith.constant 0 : i32
      %dma_wait3A_102 = tpu.memref_slice %arg2[%dma_wait3A_100, %dma_wait3A_101] : memref<10000x128xf32, #tpu.memory_space<hbm>> -> memref<10000x128xf32, #tpu.memory_space<hbm>>
      tpu.wait_indirect_dma semaphore(%arg12 : memref<!tpu.dma_semaphore, #tpu.memory_space<semaphore_mem>>) src(%dma_wait3A_102 : memref<10000x128xf32, #tpu.memory_space<hbm>>) dst(%arg9 : memref<100x128xf32, #tpu.memory_space<vmem>>)
      %dma_start3A_103 = arith.constant 2 : i32
      %dma_start3A_104 = arith.constant 0 : i32
      %dma_start3A_105 = tpu.memref_slice %arg6[%dma_start3A_103, %dma_start3A_104] : memref<10x100xi32, #tpu.memory_space<vmem>> -> memref<1x100xi32, #tpu.memory_space<vmem>>
      %dma_start3A_106 = tpu.memref_squeeze %dma_start3A_105 : memref<1x100xi32, #tpu.memory_space<vmem>> -> memref<100xi32, #tpu.memory_space<vmem>>
      %dma_start3A_107 = arith.constant 0 : i32
      %dma_start3A_108 = arith.constant 0 : i32
      %dma_start3A_109 = tpu.memref_slice %arg2[%dma_start3A_107, %dma_start3A_108] : memref<10000x128xf32, #tpu.memory_space<hbm>> -> memref<10000x128xf32, #tpu.memory_space<hbm>>
      tpu.enqueue_indirect_dma source(%dma_start3A_109 : memref<10000x128xf32, #tpu.memory_space<hbm>>) target(%arg8 : memref<100x128xf32, #tpu.memory_space<vmem>>) offsets(%dma_start3A_106 : memref<100xi32, #tpu.memory_space<vmem>>) semaphore(%arg11 : memref<!tpu.dma_semaphore, #tpu.memory_space<semaphore_mem>>)
      %run_scoped3A_110 = arith.constant 1 : i32
      "tpu.region"() ({
        %run_scoped3A_225 = tpu.sem_alloc : memref<!tpu.dma_semaphore, #tpu.memory_space<semaphore_mem>>
        %dma_start3A_226 = arith.constant 0 : i32
        %dma_start3A_227 = tpu.memref_slice %arg7[%run_scoped3A_110, %dma_start3A_226] : memref<10x100xi32, #tpu.memory_space<vmem>> -> memref<1x100xi32, #tpu.memory_space<vmem>>
        %dma_start3A_228 = tpu.memref_squeeze %dma_start3A_227 : memref<1x100xi32, #tpu.memory_space<vmem>> -> memref<100xi32, #tpu.memory_space<vmem>>
        %dma_start3A_229 = arith.constant 0 : i32
        %dma_start3A_230 = arith.constant 0 : i32
        %dma_start3A_231 = tpu.memref_slice %arg10[%dma_start3A_229, %dma_start3A_230] : memref<10000x128xf32, #tpu.memory_space<vmem_shared>> -> memref<10000x128xf32, #tpu.memory_space<vmem_shared>>
        tpu.enqueue_indirect_dma source(%arg9 : memref<100x128xf32, #tpu.memory_space<vmem>>) target(%dma_start3A_231 : memref<10000x128xf32, #tpu.memory_space<vmem_shared>>) offsets(%dma_start3A_228 : memref<100xi32, #tpu.memory_space<vmem>>) semaphore(%run_scoped3A_225 : memref<!tpu.dma_semaphore, #tpu.memory_space<semaphore_mem>>) {add = true}
        %dma_wait3A_232 = arith.constant 0 : i32
        %dma_wait3A_233 = tpu.memref_slice %arg7[%run_scoped3A_110, %dma_wait3A_232] : memref<10x100xi32, #tpu.memory_space<vmem>> -> memref<1x100xi32, #tpu.memory_space<vmem>>
        %dma_wait3A_234 = tpu.memref_squeeze %dma_wait3A_233 : memref<1x100xi32, #tpu.memory_space<vmem>> -> memref<100xi32, #tpu.memory_space<vmem>>
        %dma_wait3A_235 = arith.constant 0 : i32
        %dma_wait3A_236 = arith.constant 0 : i32
        %dma_wait3A_237 = tpu.memref_slice %arg10[%dma_wait3A_235, %dma_wait3A_236] : memref<10000x128xf32, #tpu.memory_space<vmem_shared>> -> memref<10000x128xf32, #tpu.memory_space<vmem_shared>>
        tpu.wait_indirect_dma semaphore(%run_scoped3A_225 : memref<!tpu.dma_semaphore, #tpu.memory_space<semaphore_mem>>) src(%arg9 : memref<100x128xf32, #tpu.memory_space<vmem>>) dst(%dma_wait3A_237 : memref<10000x128xf32, #tpu.memory_space<vmem_shared>>)
        tpu.yield
      }) : () -> ()
      %dma_wait3A_111 = arith.constant 2 : i32
      %dma_wait3A_112 = arith.constant 0 : i32
      %dma_wait3A_113 = tpu.memref_slice %arg6[%dma_wait3A_111, %dma_wait3A_112] : memref<10x100xi32, #tpu.memory_space<vmem>> -> memref<1x100xi32, #tpu.memory_space<vmem>>
      %dma_wait3A_114 = tpu.memref_squeeze %dma_wait3A_113 : memref<1x100xi32, #tpu.memory_space<vmem>> -> memref<100xi32, #tpu.memory_space<vmem>>
      %dma_wait3A_115 = arith.constant 0 : i32
      %dma_wait3A_116 = arith.constant 0 : i32
      %dma_wait3A_117 = tpu.memref_slice %arg2[%dma_wait3A_115, %dma_wait3A_116] : memref<10000x128xf32, #tpu.memory_space<hbm>> -> memref<10000x128xf32, #tpu.memory_space<hbm>>
      tpu.wait_indirect_dma semaphore(%arg11 : memref<!tpu.dma_semaphore, #tpu.memory_space<semaphore_mem>>) src(%dma_wait3A_117 : memref<10000x128xf32, #tpu.memory_space<hbm>>) dst(%arg8 : memref<100x128xf32, #tpu.memory_space<vmem>>)
      %dma_start3A_118 = arith.constant 3 : i32
      %dma_start3A_119 = arith.constant 0 : i32
      %dma_start3A_120 = tpu.memref_slice %arg6[%dma_start3A_118, %dma_start3A_119] : memref<10x100xi32, #tpu.memory_space<vmem>> -> memref<1x100xi32, #tpu.memory_space<vmem>>
      %dma_start3A_121 = tpu.memref_squeeze %dma_start3A_120 : memref<1x100xi32, #tpu.memory_space<vmem>> -> memref<100xi32, #tpu.memory_space<vmem>>
      %dma_start3A_122 = arith.constant 0 : i32
      %dma_start3A_123 = arith.constant 0 : i32
      %dma_start3A_124 = tpu.memref_slice %arg2[%dma_start3A_122, %dma_start3A_123] : memref<10000x128xf32, #tpu.memory_space<hbm>> -> memref<10000x128xf32, #tpu.memory_space<hbm>>
      tpu.enqueue_indirect_dma source(%dma_start3A_124 : memref<10000x128xf32, #tpu.memory_space<hbm>>) target(%arg9 : memref<100x128xf32, #tpu.memory_space<vmem>>) offsets(%dma_start3A_121 : memref<100xi32, #tpu.memory_space<vmem>>) semaphore(%arg12 : memref<!tpu.dma_semaphore, #tpu.memory_space<semaphore_mem>>)
      %run_scoped3A_125 = arith.constant 2 : i32
      "tpu.region"() ({
        %run_scoped3A_225 = tpu.sem_alloc : memref<!tpu.dma_semaphore, #tpu.memory_space<semaphore_mem>>
        %dma_start3A_226 = arith.constant 0 : i32
        %dma_start3A_227 = tpu.memref_slice %arg7[%run_scoped3A_125, %dma_start3A_226] : memref<10x100xi32, #tpu.memory_space<vmem>> -> memref<1x100xi32, #tpu.memory_space<vmem>>
        %dma_start3A_228 = tpu.memref_squeeze %dma_start3A_227 : memref<1x100xi32, #tpu.memory_space<vmem>> -> memref<100xi32, #tpu.memory_space<vmem>>
        %dma_start3A_229 = arith.constant 0 : i32
        %dma_start3A_230 = arith.constant 0 : i32
        %dma_start3A_231 = tpu.memref_slice %arg10[%dma_start3A_229, %dma_start3A_230] : memref<10000x128xf32, #tpu.memory_space<vmem_shared>> -> memref<10000x128xf32, #tpu.memory_space<vmem_shared>>
        tpu.enqueue_indirect_dma source(%arg8 : memref<100x128xf32, #tpu.memory_space<vmem>>) target(%dma_start3A_231 : memref<10000x128xf32, #tpu.memory_space<vmem_shared>>) offsets(%dma_start3A_228 : memref<100xi32, #tpu.memory_space<vmem>>) semaphore(%run_scoped3A_225 : memref<!tpu.dma_semaphore, #tpu.memory_space<semaphore_mem>>) {add = true}
        %dma_wait3A_232 = arith.constant 0 : i32
        %dma_wait3A_233 = tpu.memref_slice %arg7[%run_scoped3A_125, %dma_wait3A_232] : memref<10x100xi32, #tpu.memory_space<vmem>> -> memref<1x100xi32, #tpu.memory_space<vmem>>
        %dma_wait3A_234 = tpu.memref_squeeze %dma_wait3A_233 : memref<1x100xi32, #tpu.memory_space<vmem>> -> memref<100xi32, #tpu.memory_space<vmem>>
        %dma_wait3A_235 = arith.constant 0 : i32
        %dma_wait3A_236 = arith.constant 0 : i32
        %dma_wait3A_237 = tpu.memref_slice %arg10[%dma_wait3A_235, %dma_wait3A_236] : memref<10000x128xf32, #tpu.memory_space<vmem_shared>> -> memref<10000x128xf32, #tpu.memory_space<vmem_shared>>
        tpu.wait_indirect_dma semaphore(%run_scoped3A_225 : memref<!tpu.dma_semaphore, #tpu.memory_space<semaphore_mem>>) src(%arg8 : memref<100x128xf32, #tpu.memory_space<vmem>>) dst(%dma_wait3A_237 : memref<10000x128xf32, #tpu.memory_space<vmem_shared>>)
        tpu.yield
      }) : () -> ()
      %dma_wait3A_126 = arith.constant 3 : i32
      %dma_wait3A_127 = arith.constant 0 : i32
      %dma_wait3A_128 = tpu.memref_slice %arg6[%dma_wait3A_126, %dma_wait3A_127] : memref<10x100xi32, #tpu.memory_space<vmem>> -> memref<1x100xi32, #tpu.memory_space<vmem>>
      %dma_wait3A_129 = tpu.memref_squeeze %dma_wait3A_128 : memref<1x100xi32, #tpu.memory_space<vmem>> -> memref<100xi32, #tpu.memory_space<vmem>>
      %dma_wait3A_130 = arith.constant 0 : i32
      %dma_wait3A_131 = arith.constant 0 : i32
      %dma_wait3A_132 = tpu.memref_slice %arg2[%dma_wait3A_130, %dma_wait3A_131] : memref<10000x128xf32, #tpu.memory_space<hbm>> -> memref<10000x128xf32, #tpu.memory_space<hbm>>
      tpu.wait_indirect_dma semaphore(%arg12 : memref<!tpu.dma_semaphore, #tpu.memory_space<semaphore_mem>>) src(%dma_wait3A_132 : memref<10000x128xf32, #tpu.memory_space<hbm>>) dst(%arg9 : memref<100x128xf32, #tpu.memory_space<vmem>>)
      %dma_start3A_133 = arith.constant 4 : i32
      %dma_start3A_134 = arith.constant 0 : i32
      %dma_start3A_135 = tpu.memref_slice %arg6[%dma_start3A_133, %dma_start3A_134] : memref<10x100xi32, #tpu.memory_space<vmem>> -> memref<1x100xi32, #tpu.memory_space<vmem>>
      %dma_start3A_136 = tpu.memref_squeeze %dma_start3A_135 : memref<1x100xi32, #tpu.memory_space<vmem>> -> memref<100xi32, #tpu.memory_space<vmem>>
      %dma_start3A_137 = arith.constant 0 : i32
      %dma_start3A_138 = arith.constant 0 : i32
      %dma_start3A_139 = tpu.memref_slice %arg2[%dma_start3A_137, %dma_start3A_138] : memref<10000x128xf32, #tpu.memory_space<hbm>> -> memref<10000x128xf32, #tpu.memory_space<hbm>>
      tpu.enqueue_indirect_dma source(%dma_start3A_139 : memref<10000x128xf32, #tpu.memory_space<hbm>>) target(%arg8 : memref<100x128xf32, #tpu.memory_space<vmem>>) offsets(%dma_start3A_136 : memref<100xi32, #tpu.memory_space<vmem>>) semaphore(%arg11 : memref<!tpu.dma_semaphore, #tpu.memory_space<semaphore_mem>>)
      %run_scoped3A_140 = arith.constant 3 : i32
      "tpu.region"() ({
        %run_scoped3A_225 = tpu.sem_alloc : memref<!tpu.dma_semaphore, #tpu.memory_space<semaphore_mem>>
        %dma_start3A_226 = arith.constant 0 : i32
        %dma_start3A_227 = tpu.memref_slice %arg7[%run_scoped3A_140, %dma_start3A_226] : memref<10x100xi32, #tpu.memory_space<vmem>> -> memref<1x100xi32, #tpu.memory_space<vmem>>
        %dma_start3A_228 = tpu.memref_squeeze %dma_start3A_227 : memref<1x100xi32, #tpu.memory_space<vmem>> -> memref<100xi32, #tpu.memory_space<vmem>>
        %dma_start3A_229 = arith.constant 0 : i32
        %dma_start3A_230 = arith.constant 0 : i32
        %dma_start3A_231 = tpu.memref_slice %arg10[%dma_start3A_229, %dma_start3A_230] : memref<10000x128xf32, #tpu.memory_space<vmem_shared>> -> memref<10000x128xf32, #tpu.memory_space<vmem_shared>>
        tpu.enqueue_indirect_dma source(%arg9 : memref<100x128xf32, #tpu.memory_space<vmem>>) target(%dma_start3A_231 : memref<10000x128xf32, #tpu.memory_space<vmem_shared>>) offsets(%dma_start3A_228 : memref<100xi32, #tpu.memory_space<vmem>>) semaphore(%run_scoped3A_225 : memref<!tpu.dma_semaphore, #tpu.memory_space<semaphore_mem>>) {add = true}
        %dma_wait3A_232 = arith.constant 0 : i32
        %dma_wait3A_233 = tpu.memref_slice %arg7[%run_scoped3A_140, %dma_wait3A_232] : memref<10x100xi32, #tpu.memory_space<vmem>> -> memref<1x100xi32, #tpu.memory_space<vmem>>
        %dma_wait3A_234 = tpu.memref_squeeze %dma_wait3A_233 : memref<1x100xi32, #tpu.memory_space<vmem>> -> memref<100xi32, #tpu.memory_space<vmem>>
        %dma_wait3A_235 = arith.constant 0 : i32
        %dma_wait3A_236 = arith.constant 0 : i32
        %dma_wait3A_237 = tpu.memref_slice %arg10[%dma_wait3A_235, %dma_wait3A_236] : memref<10000x128xf32, #tpu.memory_space<vmem_shared>> -> memref<10000x128xf32, #tpu.memory_space<vmem_shared>>
        tpu.wait_indirect_dma semaphore(%run_scoped3A_225 : memref<!tpu.dma_semaphore, #tpu.memory_space<semaphore_mem>>) src(%arg9 : memref<100x128xf32, #tpu.memory_space<vmem>>) dst(%dma_wait3A_237 : memref<10000x128xf32, #tpu.memory_space<vmem_shared>>)
        tpu.yield
      }) : () -> ()
      %dma_wait3A_141 = arith.constant 4 : i32
      %dma_wait3A_142 = arith.constant 0 : i32
      %dma_wait3A_143 = tpu.memref_slice %arg6[%dma_wait3A_141, %dma_wait3A_142] : memref<10x100xi32, #tpu.memory_space<vmem>> -> memref<1x100xi32, #tpu.memory_space<vmem>>
      %dma_wait3A_144 = tpu.memref_squeeze %dma_wait3A_143 : memref<1x100xi32, #tpu.memory_space<vmem>> -> memref<100xi32, #tpu.memory_space<vmem>>
      %dma_wait3A_145 = arith.constant 0 : i32
      %dma_wait3A_146 = arith.constant 0 : i32
      %dma_wait3A_147 = tpu.memref_slice %arg2[%dma_wait3A_145, %dma_wait3A_146] : memref<10000x128xf32, #tpu.memory_space<hbm>> -> memref<10000x128xf32, #tpu.memory_space<hbm>>
      tpu.wait_indirect_dma semaphore(%arg11 : memref<!tpu.dma_semaphore, #tpu.memory_space<semaphore_mem>>) src(%dma_wait3A_147 : memref<10000x128xf32, #tpu.memory_space<hbm>>) dst(%arg8 : memref<100x128xf32, #tpu.memory_space<vmem>>)
      %dma_start3A_148 = arith.constant 5 : i32
      %dma_start3A_149 = arith.constant 0 : i32
      %dma_start3A_150 = tpu.memref_slice %arg6[%dma_start3A_148, %dma_start3A_149] : memref<10x100xi32, #tpu.memory_space<vmem>> -> memref<1x100xi32, #tpu.memory_space<vmem>>
      %dma_start3A_151 = tpu.memref_squeeze %dma_start3A_150 : memref<1x100xi32, #tpu.memory_space<vmem>> -> memref<100xi32, #tpu.memory_space<vmem>>
      %dma_start3A_152 = arith.constant 0 : i32
      %dma_start3A_153 = arith.constant 0 : i32
      %dma_start3A_154 = tpu.memref_slice %arg2[%dma_start3A_152, %dma_start3A_153] : memref<10000x128xf32, #tpu.memory_space<hbm>> -> memref<10000x128xf32, #tpu.memory_space<hbm>>
      tpu.enqueue_indirect_dma source(%dma_start3A_154 : memref<10000x128xf32, #tpu.memory_space<hbm>>) target(%arg9 : memref<100x128xf32, #tpu.memory_space<vmem>>) offsets(%dma_start3A_151 : memref<100xi32, #tpu.memory_space<vmem>>) semaphore(%arg12 : memref<!tpu.dma_semaphore, #tpu.memory_space<semaphore_mem>>)
      %run_scoped3A_155 = arith.constant 4 : i32
      "tpu.region"() ({
        %run_scoped3A_225 = tpu.sem_alloc : memref<!tpu.dma_semaphore, #tpu.memory_space<semaphore_mem>>
        %dma_start3A_226 = arith.constant 0 : i32
        %dma_start3A_227 = tpu.memref_slice %arg7[%run_scoped3A_155, %dma_start3A_226] : memref<10x100xi32, #tpu.memory_space<vmem>> -> memref<1x100xi32, #tpu.memory_space<vmem>>
        %dma_start3A_228 = tpu.memref_squeeze %dma_start3A_227 : memref<1x100xi32, #tpu.memory_space<vmem>> -> memref<100xi32, #tpu.memory_space<vmem>>
        %dma_start3A_229 = arith.constant 0 : i32
        %dma_start3A_230 = arith.constant 0 : i32
        %dma_start3A_231 = tpu.memref_slice %arg10[%dma_start3A_229, %dma_start3A_230] : memref<10000x128xf32, #tpu.memory_space<vmem_shared>> -> memref<10000x128xf32, #tpu.memory_space<vmem_shared>>
        tpu.enqueue_indirect_dma source(%arg8 : memref<100x128xf32, #tpu.memory_space<vmem>>) target(%dma_start3A_231 : memref<10000x128xf32, #tpu.memory_space<vmem_shared>>) offsets(%dma_start3A_228 : memref<100xi32, #tpu.memory_space<vmem>>) semaphore(%run_scoped3A_225 : memref<!tpu.dma_semaphore, #tpu.memory_space<semaphore_mem>>) {add = true}
        %dma_wait3A_232 = arith.constant 0 : i32
        %dma_wait3A_233 = tpu.memref_slice %arg7[%run_scoped3A_155, %dma_wait3A_232] : memref<10x100xi32, #tpu.memory_space<vmem>> -> memref<1x100xi32, #tpu.memory_space<vmem>>
        %dma_wait3A_234 = tpu.memref_squeeze %dma_wait3A_233 : memref<1x100xi32, #tpu.memory_space<vmem>> -> memref<100xi32, #tpu.memory_space<vmem>>
        %dma_wait3A_235 = arith.constant 0 : i32
        %dma_wait3A_236 = arith.constant 0 : i32
        %dma_wait3A_237 = tpu.memref_slice %arg10[%dma_wait3A_235, %dma_wait3A_236] : memref<10000x128xf32, #tpu.memory_space<vmem_shared>> -> memref<10000x128xf32, #tpu.memory_space<vmem_shared>>
        tpu.wait_indirect_dma semaphore(%run_scoped3A_225 : memref<!tpu.dma_semaphore, #tpu.memory_space<semaphore_mem>>) src(%arg8 : memref<100x128xf32, #tpu.memory_space<vmem>>) dst(%dma_wait3A_237 : memref<10000x128xf32, #tpu.memory_space<vmem_shared>>)
        tpu.yield
      }) : () -> ()
      %dma_wait3A_156 = arith.constant 5 : i32
      %dma_wait3A_157 = arith.constant 0 : i32
      %dma_wait3A_158 = tpu.memref_slice %arg6[%dma_wait3A_156, %dma_wait3A_157] : memref<10x100xi32, #tpu.memory_space<vmem>> -> memref<1x100xi32, #tpu.memory_space<vmem>>
      %dma_wait3A_159 = tpu.memref_squeeze %dma_wait3A_158 : memref<1x100xi32, #tpu.memory_space<vmem>> -> memref<100xi32, #tpu.memory_space<vmem>>
      %dma_wait3A_160 = arith.constant 0 : i32
      %dma_wait3A_161 = arith.constant 0 : i32
      %dma_wait3A_162 = tpu.memref_slice %arg2[%dma_wait3A_160, %dma_wait3A_161] : memref<10000x128xf32, #tpu.memory_space<hbm>> -> memref<10000x128xf32, #tpu.memory_space<hbm>>
      tpu.wait_indirect_dma semaphore(%arg12 : memref<!tpu.dma_semaphore, #tpu.memory_space<semaphore_mem>>) src(%dma_wait3A_162 : memref<10000x128xf32, #tpu.memory_space<hbm>>) dst(%arg9 : memref<100x128xf32, #tpu.memory_space<vmem>>)
      %dma_start3A_163 = arith.constant 6 : i32
      %dma_start3A_164 = arith.constant 0 : i32
      %dma_start3A_165 = tpu.memref_slice %arg6[%dma_start3A_163, %dma_start3A_164] : memref<10x100xi32, #tpu.memory_space<vmem>> -> memref<1x100xi32, #tpu.memory_space<vmem>>
      %dma_start3A_166 = tpu.memref_squeeze %dma_start3A_165 : memref<1x100xi32, #tpu.memory_space<vmem>> -> memref<100xi32, #tpu.memory_space<vmem>>
      %dma_start3A_167 = arith.constant 0 : i32
      %dma_start3A_168 = arith.constant 0 : i32
      %dma_start3A_169 = tpu.memref_slice %arg2[%dma_start3A_167, %dma_start3A_168] : memref<10000x128xf32, #tpu.memory_space<hbm>> -> memref<10000x128xf32, #tpu.memory_space<hbm>>
      tpu.enqueue_indirect_dma source(%dma_start3A_169 : memref<10000x128xf32, #tpu.memory_space<hbm>>) target(%arg8 : memref<100x128xf32, #tpu.memory_space<vmem>>) offsets(%dma_start3A_166 : memref<100xi32, #tpu.memory_space<vmem>>) semaphore(%arg11 : memref<!tpu.dma_semaphore, #tpu.memory_space<semaphore_mem>>)
      %run_scoped3A_170 = arith.constant 5 : i32
      "tpu.region"() ({
        %run_scoped3A_225 = tpu.sem_alloc : memref<!tpu.dma_semaphore, #tpu.memory_space<semaphore_mem>>
        %dma_start3A_226 = arith.constant 0 : i32
        %dma_start3A_227 = tpu.memref_slice %arg7[%run_scoped3A_170, %dma_start3A_226] : memref<10x100xi32, #tpu.memory_space<vmem>> -> memref<1x100xi32, #tpu.memory_space<vmem>>
        %dma_start3A_228 = tpu.memref_squeeze %dma_start3A_227 : memref<1x100xi32, #tpu.memory_space<vmem>> -> memref<100xi32, #tpu.memory_space<vmem>>
        %dma_start3A_229 = arith.constant 0 : i32
        %dma_start3A_230 = arith.constant 0 : i32
        %dma_start3A_231 = tpu.memref_slice %arg10[%dma_start3A_229, %dma_start3A_230] : memref<10000x128xf32, #tpu.memory_space<vmem_shared>> -> memref<10000x128xf32, #tpu.memory_space<vmem_shared>>
        tpu.enqueue_indirect_dma source(%arg9 : memref<100x128xf32, #tpu.memory_space<vmem>>) target(%dma_start3A_231 : memref<10000x128xf32, #tpu.memory_space<vmem_shared>>) offsets(%dma_start3A_228 : memref<100xi32, #tpu.memory_space<vmem>>) semaphore(%run_scoped3A_225 : memref<!tpu.dma_semaphore, #tpu.memory_space<semaphore_mem>>) {add = true}
        %dma_wait3A_232 = arith.constant 0 : i32
        %dma_wait3A_233 = tpu.memref_slice %arg7[%run_scoped3A_170, %dma_wait3A_232] : memref<10x100xi32, #tpu.memory_space<vmem>> -> memref<1x100xi32, #tpu.memory_space<vmem>>
        %dma_wait3A_234 = tpu.memref_squeeze %dma_wait3A_233 : memref<1x100xi32, #tpu.memory_space<vmem>> -> memref<100xi32, #tpu.memory_space<vmem>>
        %dma_wait3A_235 = arith.constant 0 : i32
        %dma_wait3A_236 = arith.constant 0 : i32
        %dma_wait3A_237 = tpu.memref_slice %arg10[%dma_wait3A_235, %dma_wait3A_236] : memref<10000x128xf32, #tpu.memory_space<vmem_shared>> -> memref<10000x128xf32, #tpu.memory_space<vmem_shared>>
        tpu.wait_indirect_dma semaphore(%run_scoped3A_225 : memref<!tpu.dma_semaphore, #tpu.memory_space<semaphore_mem>>) src(%arg9 : memref<100x128xf32, #tpu.memory_space<vmem>>) dst(%dma_wait3A_237 : memref<10000x128xf32, #tpu.memory_space<vmem_shared>>)
        tpu.yield
      }) : () -> ()
      %dma_wait3A_171 = arith.constant 6 : i32
      %dma_wait3A_172 = arith.constant 0 : i32
      %dma_wait3A_173 = tpu.memref_slice %arg6[%dma_wait3A_171, %dma_wait3A_172] : memref<10x100xi32, #tpu.memory_space<vmem>> -> memref<1x100xi32, #tpu.memory_space<vmem>>
      %dma_wait3A_174 = tpu.memref_squeeze %dma_wait3A_173 : memref<1x100xi32, #tpu.memory_space<vmem>> -> memref<100xi32, #tpu.memory_space<vmem>>
      %dma_wait3A_175 = arith.constant 0 : i32
      %dma_wait3A_176 = arith.constant 0 : i32
      %dma_wait3A_177 = tpu.memref_slice %arg2[%dma_wait3A_175, %dma_wait3A_176] : memref<10000x128xf32, #tpu.memory_space<hbm>> -> memref<10000x128xf32, #tpu.memory_space<hbm>>
      tpu.wait_indirect_dma semaphore(%arg11 : memref<!tpu.dma_semaphore, #tpu.memory_space<semaphore_mem>>) src(%dma_wait3A_177 : memref<10000x128xf32, #tpu.memory_space<hbm>>) dst(%arg8 : memref<100x128xf32, #tpu.memory_space<vmem>>)
      %dma_start3A_178 = arith.constant 7 : i32
      %dma_start3A_179 = arith.constant 0 : i32
      %dma_start3A_180 = tpu.memref_slice %arg6[%dma_start3A_178, %dma_start3A_179] : memref<10x100xi32, #tpu.memory_space<vmem>> -> memref<1x100xi32, #tpu.memory_space<vmem>>
      %dma_start3A_181 = tpu.memref_squeeze %dma_start3A_180 : memref<1x100xi32, #tpu.memory_space<vmem>> -> memref<100xi32, #tpu.memory_space<vmem>>
      %dma_start3A_182 = arith.constant 0 : i32
      %dma_start3A_183 = arith.constant 0 : i32
      %dma_start3A_184 = tpu.memref_slice %arg2[%dma_start3A_182, %dma_start3A_183] : memref<10000x128xf32, #tpu.memory_space<hbm>> -> memref<10000x128xf32, #tpu.memory_space<hbm>>
      tpu.enqueue_indirect_dma source(%dma_start3A_184 : memref<10000x128xf32, #tpu.memory_space<hbm>>) target(%arg9 : memref<100x128xf32, #tpu.memory_space<vmem>>) offsets(%dma_start3A_181 : memref<100xi32, #tpu.memory_space<vmem>>) semaphore(%arg12 : memref<!tpu.dma_semaphore, #tpu.memory_space<semaphore_mem>>)
      %run_scoped3A_185 = arith.constant 6 : i32
      "tpu.region"() ({
        %run_scoped3A_225 = tpu.sem_alloc : memref<!tpu.dma_semaphore, #tpu.memory_space<semaphore_mem>>
        %dma_start3A_226 = arith.constant 0 : i32
        %dma_start3A_227 = tpu.memref_slice %arg7[%run_scoped3A_185, %dma_start3A_226] : memref<10x100xi32, #tpu.memory_space<vmem>> -> memref<1x100xi32, #tpu.memory_space<vmem>>
        %dma_start3A_228 = tpu.memref_squeeze %dma_start3A_227 : memref<1x100xi32, #tpu.memory_space<vmem>> -> memref<100xi32, #tpu.memory_space<vmem>>
        %dma_start3A_229 = arith.constant 0 : i32
        %dma_start3A_230 = arith.constant 0 : i32
        %dma_start3A_231 = tpu.memref_slice %arg10[%dma_start3A_229, %dma_start3A_230] : memref<10000x128xf32, #tpu.memory_space<vmem_shared>> -> memref<10000x128xf32, #tpu.memory_space<vmem_shared>>
        tpu.enqueue_indirect_dma source(%arg8 : memref<100x128xf32, #tpu.memory_space<vmem>>) target(%dma_start3A_231 : memref<10000x128xf32, #tpu.memory_space<vmem_shared>>) offsets(%dma_start3A_228 : memref<100xi32, #tpu.memory_space<vmem>>) semaphore(%run_scoped3A_225 : memref<!tpu.dma_semaphore, #tpu.memory_space<semaphore_mem>>) {add = true}
        %dma_wait3A_232 = arith.constant 0 : i32
        %dma_wait3A_233 = tpu.memref_slice %arg7[%run_scoped3A_185, %dma_wait3A_232] : memref<10x100xi32, #tpu.memory_space<vmem>> -> memref<1x100xi32, #tpu.memory_space<vmem>>
        %dma_wait3A_234 = tpu.memref_squeeze %dma_wait3A_233 : memref<1x100xi32, #tpu.memory_space<vmem>> -> memref<100xi32, #tpu.memory_space<vmem>>
        %dma_wait3A_235 = arith.constant 0 : i32
        %dma_wait3A_236 = arith.constant 0 : i32
        %dma_wait3A_237 = tpu.memref_slice %arg10[%dma_wait3A_235, %dma_wait3A_236] : memref<10000x128xf32, #tpu.memory_space<vmem_shared>> -> memref<10000x128xf32, #tpu.memory_space<vmem_shared>>
        tpu.wait_indirect_dma semaphore(%run_scoped3A_225 : memref<!tpu.dma_semaphore, #tpu.memory_space<semaphore_mem>>) src(%arg8 : memref<100x128xf32, #tpu.memory_space<vmem>>) dst(%dma_wait3A_237 : memref<10000x128xf32, #tpu.memory_space<vmem_shared>>)
        tpu.yield
      }) : () -> ()
      %dma_wait3A_186 = arith.constant 7 : i32
      %dma_wait3A_187 = arith.constant 0 : i32
      %dma_wait3A_188 = tpu.memref_slice %arg6[%dma_wait3A_186, %dma_wait3A_187] : memref<10x100xi32, #tpu.memory_space<vmem>> -> memref<1x100xi32, #tpu.memory_space<vmem>>
      %dma_wait3A_189 = tpu.memref_squeeze %dma_wait3A_188 : memref<1x100xi32, #tpu.memory_space<vmem>> -> memref<100xi32, #tpu.memory_space<vmem>>
      %dma_wait3A_190 = arith.constant 0 : i32
      %dma_wait3A_191 = arith.constant 0 : i32
      %dma_wait3A_192 = tpu.memref_slice %arg2[%dma_wait3A_190, %dma_wait3A_191] : memref<10000x128xf32, #tpu.memory_space<hbm>> -> memref<10000x128xf32, #tpu.memory_space<hbm>>
      tpu.wait_indirect_dma semaphore(%arg12 : memref<!tpu.dma_semaphore, #tpu.memory_space<semaphore_mem>>) src(%dma_wait3A_192 : memref<10000x128xf32, #tpu.memory_space<hbm>>) dst(%arg9 : memref<100x128xf32, #tpu.memory_space<vmem>>)
      %dma_start3A_193 = arith.constant 8 : i32
      %dma_start3A_194 = arith.constant 0 : i32
      %dma_start3A_195 = tpu.memref_slice %arg6[%dma_start3A_193, %dma_start3A_194] : memref<10x100xi32, #tpu.memory_space<vmem>> -> memref<1x100xi32, #tpu.memory_space<vmem>>
      %dma_start3A_196 = tpu.memref_squeeze %dma_start3A_195 : memref<1x100xi32, #tpu.memory_space<vmem>> -> memref<100xi32, #tpu.memory_space<vmem>>
      %dma_start3A_197 = arith.constant 0 : i32
      %dma_start3A_198 = arith.constant 0 : i32
      %dma_start3A_199 = tpu.memref_slice %arg2[%dma_start3A_197, %dma_start3A_198] : memref<10000x128xf32, #tpu.memory_space<hbm>> -> memref<10000x128xf32, #tpu.memory_space<hbm>>
      tpu.enqueue_indirect_dma source(%dma_start3A_199 : memref<10000x128xf32, #tpu.memory_space<hbm>>) target(%arg8 : memref<100x128xf32, #tpu.memory_space<vmem>>) offsets(%dma_start3A_196 : memref<100xi32, #tpu.memory_space<vmem>>) semaphore(%arg11 : memref<!tpu.dma_semaphore, #tpu.memory_space<semaphore_mem>>)
      %run_scoped3A_200 = arith.constant 7 : i32
      "tpu.region"() ({
        %run_scoped3A_225 = tpu.sem_alloc : memref<!tpu.dma_semaphore, #tpu.memory_space<semaphore_mem>>
        %dma_start3A_226 = arith.constant 0 : i32
        %dma_start3A_227 = tpu.memref_slice %arg7[%run_scoped3A_200, %dma_start3A_226] : memref<10x100xi32, #tpu.memory_space<vmem>> -> memref<1x100xi32, #tpu.memory_space<vmem>>
        %dma_start3A_228 = tpu.memref_squeeze %dma_start3A_227 : memref<1x100xi32, #tpu.memory_space<vmem>> -> memref<100xi32, #tpu.memory_space<vmem>>
        %dma_start3A_229 = arith.constant 0 : i32
        %dma_start3A_230 = arith.constant 0 : i32
        %dma_start3A_231 = tpu.memref_slice %arg10[%dma_start3A_229, %dma_start3A_230] : memref<10000x128xf32, #tpu.memory_space<vmem_shared>> -> memref<10000x128xf32, #tpu.memory_space<vmem_shared>>
        tpu.enqueue_indirect_dma source(%arg9 : memref<100x128xf32, #tpu.memory_space<vmem>>) target(%dma_start3A_231 : memref<10000x128xf32, #tpu.memory_space<vmem_shared>>) offsets(%dma_start3A_228 : memref<100xi32, #tpu.memory_space<vmem>>) semaphore(%run_scoped3A_225 : memref<!tpu.dma_semaphore, #tpu.memory_space<semaphore_mem>>) {add = true}
        %dma_wait3A_232 = arith.constant 0 : i32
        %dma_wait3A_233 = tpu.memref_slice %arg7[%run_scoped3A_200, %dma_wait3A_232] : memref<10x100xi32, #tpu.memory_space<vmem>> -> memref<1x100xi32, #tpu.memory_space<vmem>>
        %dma_wait3A_234 = tpu.memref_squeeze %dma_wait3A_233 : memref<1x100xi32, #tpu.memory_space<vmem>> -> memref<100xi32, #tpu.memory_space<vmem>>
        %dma_wait3A_235 = arith.constant 0 : i32
        %dma_wait3A_236 = arith.constant 0 : i32
        %dma_wait3A_237 = tpu.memref_slice %arg10[%dma_wait3A_235, %dma_wait3A_236] : memref<10000x128xf32, #tpu.memory_space<vmem_shared>> -> memref<10000x128xf32, #tpu.memory_space<vmem_shared>>
        tpu.wait_indirect_dma semaphore(%run_scoped3A_225 : memref<!tpu.dma_semaphore, #tpu.memory_space<semaphore_mem>>) src(%arg9 : memref<100x128xf32, #tpu.memory_space<vmem>>) dst(%dma_wait3A_237 : memref<10000x128xf32, #tpu.memory_space<vmem_shared>>)
        tpu.yield
      }) : () -> ()
      %dma_wait3A_201 = arith.constant 8 : i32
      %dma_wait3A_202 = arith.constant 0 : i32
      %dma_wait3A_203 = tpu.memref_slice %arg6[%dma_wait3A_201, %dma_wait3A_202] : memref<10x100xi32, #tpu.memory_space<vmem>> -> memref<1x100xi32, #tpu.memory_space<vmem>>
      %dma_wait3A_204 = tpu.memref_squeeze %dma_wait3A_203 : memref<1x100xi32, #tpu.memory_space<vmem>> -> memref<100xi32, #tpu.memory_space<vmem>>
      %dma_wait3A_205 = arith.constant 0 : i32
      %dma_wait3A_206 = arith.constant 0 : i32
      %dma_wait3A_207 = tpu.memref_slice %arg2[%dma_wait3A_205, %dma_wait3A_206] : memref<10000x128xf32, #tpu.memory_space<hbm>> -> memref<10000x128xf32, #tpu.memory_space<hbm>>
      tpu.wait_indirect_dma semaphore(%arg11 : memref<!tpu.dma_semaphore, #tpu.memory_space<semaphore_mem>>) src(%dma_wait3A_207 : memref<10000x128xf32, #tpu.memory_space<hbm>>) dst(%arg8 : memref<100x128xf32, #tpu.memory_space<vmem>>)
      %dma_start3A_208 = arith.constant 9 : i32
      %dma_start3A_209 = arith.constant 0 : i32
      %dma_start3A_210 = tpu.memref_slice %arg6[%dma_start3A_208, %dma_start3A_209] : memref<10x100xi32, #tpu.memory_space<vmem>> -> memref<1x100xi32, #tpu.memory_space<vmem>>
      %dma_start3A_211 = tpu.memref_squeeze %dma_start3A_210 : memref<1x100xi32, #tpu.memory_space<vmem>> -> memref<100xi32, #tpu.memory_space<vmem>>
      %dma_start3A_212 = arith.constant 0 : i32
      %dma_start3A_213 = arith.constant 0 : i32
      %dma_start3A_214 = tpu.memref_slice %arg2[%dma_start3A_212, %dma_start3A_213] : memref<10000x128xf32, #tpu.memory_space<hbm>> -> memref<10000x128xf32, #tpu.memory_space<hbm>>
      tpu.enqueue_indirect_dma source(%dma_start3A_214 : memref<10000x128xf32, #tpu.memory_space<hbm>>) target(%arg9 : memref<100x128xf32, #tpu.memory_space<vmem>>) offsets(%dma_start3A_211 : memref<100xi32, #tpu.memory_space<vmem>>) semaphore(%arg12 : memref<!tpu.dma_semaphore, #tpu.memory_space<semaphore_mem>>)
      %run_scoped3A_215 = arith.constant 8 : i32
      "tpu.region"() ({
        %run_scoped3A_225 = tpu.sem_alloc : memref<!tpu.dma_semaphore, #tpu.memory_space<semaphore_mem>>
        %dma_start3A_226 = arith.constant 0 : i32
        %dma_start3A_227 = tpu.memref_slice %arg7[%run_scoped3A_215, %dma_start3A_226] : memref<10x100xi32, #tpu.memory_space<vmem>> -> memref<1x100xi32, #tpu.memory_space<vmem>>
        %dma_start3A_228 = tpu.memref_squeeze %dma_start3A_227 : memref<1x100xi32, #tpu.memory_space<vmem>> -> memref<100xi32, #tpu.memory_space<vmem>>
        %dma_start3A_229 = arith.constant 0 : i32
        %dma_start3A_230 = arith.constant 0 : i32
        %dma_start3A_231 = tpu.memref_slice %arg10[%dma_start3A_229, %dma_start3A_230] : memref<10000x128xf32, #tpu.memory_space<vmem_shared>> -> memref<10000x128xf32, #tpu.memory_space<vmem_shared>>
        tpu.enqueue_indirect_dma source(%arg8 : memref<100x128xf32, #tpu.memory_space<vmem>>) target(%dma_start3A_231 : memref<10000x128xf32, #tpu.memory_space<vmem_shared>>) offsets(%dma_start3A_228 : memref<100xi32, #tpu.memory_space<vmem>>) semaphore(%run_scoped3A_225 : memref<!tpu.dma_semaphore, #tpu.memory_space<semaphore_mem>>) {add = true}
        %dma_wait3A_232 = arith.constant 0 : i32
        %dma_wait3A_233 = tpu.memref_slice %arg7[%run_scoped3A_215, %dma_wait3A_232] : memref<10x100xi32, #tpu.memory_space<vmem>> -> memref<1x100xi32, #tpu.memory_space<vmem>>
        %dma_wait3A_234 = tpu.memref_squeeze %dma_wait3A_233 : memref<1x100xi32, #tpu.memory_space<vmem>> -> memref<100xi32, #tpu.memory_space<vmem>>
        %dma_wait3A_235 = arith.constant 0 : i32
        %dma_wait3A_236 = arith.constant 0 : i32
        %dma_wait3A_237 = tpu.memref_slice %arg10[%dma_wait3A_235, %dma_wait3A_236] : memref<10000x128xf32, #tpu.memory_space<vmem_shared>> -> memref<10000x128xf32, #tpu.memory_space<vmem_shared>>
        tpu.wait_indirect_dma semaphore(%run_scoped3A_225 : memref<!tpu.dma_semaphore, #tpu.memory_space<semaphore_mem>>) src(%arg8 : memref<100x128xf32, #tpu.memory_space<vmem>>) dst(%dma_wait3A_237 : memref<10000x128xf32, #tpu.memory_space<vmem_shared>>)
        tpu.yield
      }) : () -> ()
      %dma_wait3A_216 = arith.constant 9 : i32
      %dma_wait3A_217 = arith.constant 0 : i32
      %dma_wait3A_218 = tpu.memref_slice %arg6[%dma_wait3A_216, %dma_wait3A_217] : memref<10x100xi32, #tpu.memory_space<vmem>> -> memref<1x100xi32, #tpu.memory_space<vmem>>
      %dma_wait3A_219 = tpu.memref_squeeze %dma_wait3A_218 : memref<1x100xi32, #tpu.memory_space<vmem>> -> memref<100xi32, #tpu.memory_space<vmem>>
      %dma_wait3A_220 = arith.constant 0 : i32
      %dma_wait3A_221 = arith.constant 0 : i32
      %dma_wait3A_222 = tpu.memref_slice %arg2[%dma_wait3A_220, %dma_wait3A_221] : memref<10000x128xf32, #tpu.memory_space<hbm>> -> memref<10000x128xf32, #tpu.memory_space<hbm>>
      tpu.wait_indirect_dma semaphore(%arg12 : memref<!tpu.dma_semaphore, #tpu.memory_space<semaphore_mem>>) src(%dma_wait3A_222 : memref<10000x128xf32, #tpu.memory_space<hbm>>) dst(%arg9 : memref<100x128xf32, #tpu.memory_space<vmem>>)
      %run_scoped3A_223 = arith.constant 9 : i32
      "tpu.region"() ({
        %run_scoped3A_225 = tpu.sem_alloc : memref<!tpu.dma_semaphore, #tpu.memory_space<semaphore_mem>>
        %dma_start3A_226 = arith.constant 0 : i32
        %dma_start3A_227 = tpu.memref_slice %arg7[%run_scoped3A_223, %dma_start3A_226] : memref<10x100xi32, #tpu.memory_space<vmem>> -> memref<1x100xi32, #tpu.memory_space<vmem>>
        %dma_start3A_228 = tpu.memref_squeeze %dma_start3A_227 : memref<1x100xi32, #tpu.memory_space<vmem>> -> memref<100xi32, #tpu.memory_space<vmem>>
        %dma_start3A_229 = arith.constant 0 : i32
        %dma_start3A_230 = arith.constant 0 : i32
        %dma_start3A_231 = tpu.memref_slice %arg10[%dma_start3A_229, %dma_start3A_230] : memref<10000x128xf32, #tpu.memory_space<vmem_shared>> -> memref<10000x128xf32, #tpu.memory_space<vmem_shared>>
        tpu.enqueue_indirect_dma source(%arg9 : memref<100x128xf32, #tpu.memory_space<vmem>>) target(%dma_start3A_231 : memref<10000x128xf32, #tpu.memory_space<vmem_shared>>) offsets(%dma_start3A_228 : memref<100xi32, #tpu.memory_space<vmem>>) semaphore(%run_scoped3A_225 : memref<!tpu.dma_semaphore, #tpu.memory_space<semaphore_mem>>) {add = true}
        %dma_wait3A_232 = arith.constant 0 : i32
        %dma_wait3A_233 = tpu.memref_slice %arg7[%run_scoped3A_223, %dma_wait3A_232] : memref<10x100xi32, #tpu.memory_space<vmem>> -> memref<1x100xi32, #tpu.memory_space<vmem>>
        %dma_wait3A_234 = tpu.memref_squeeze %dma_wait3A_233 : memref<1x100xi32, #tpu.memory_space<vmem>> -> memref<100xi32, #tpu.memory_space<vmem>>
        %dma_wait3A_235 = arith.constant 0 : i32
        %dma_wait3A_236 = arith.constant 0 : i32
        %dma_wait3A_237 = tpu.memref_slice %arg10[%dma_wait3A_235, %dma_wait3A_236] : memref<10000x128xf32, #tpu.memory_space<vmem_shared>> -> memref<10000x128xf32, #tpu.memory_space<vmem_shared>>
        tpu.wait_indirect_dma semaphore(%run_scoped3A_225 : memref<!tpu.dma_semaphore, #tpu.memory_space<semaphore_mem>>) src(%arg9 : memref<100x128xf32, #tpu.memory_space<vmem>>) dst(%dma_wait3A_237 : memref<10000x128xf32, #tpu.memory_space<vmem_shared>>)
        tpu.yield
      }) : () -> ()
      %scan3A_224 = arith.constant 0 : i32
      scf.yield %scan3A_224 : i32
    }
    %scan3A_64 = arith.constant 20 : i32
    %barrier3A_65 = arith.constant 0 : index
    tpu.barrier barrier_id(%barrier3A_65)
    %mul3A_66 = arith.constant 624 : i32
    %mul3A_67 = arith.muli %arg1, %mul3A_66 : i32
    %mul3A_68 = arith.constant 624 : i32
    %mul3A_69 = arith.muli %arg1, %mul3A_68 : i32
    "tpu.region"() ({
      %run_scoped3A = tpu.sem_alloc : memref<!tpu.dma_semaphore, #tpu.memory_space<semaphore_mem>>
      %dma_start3A = arith.constant 0 : i32
      %dma_start3A_75 = tpu.memref_slice %arg5[%mul3A_69, %dma_start3A] : memref<10000x128xf32, #tpu.memory_space<hbm>> -> memref<624x128xf32, #tpu.memory_space<hbm>>
      %dma_start3A_76 = arith.constant 0 : i32
      %dma_start3A_77 = tpu.memref_slice %arg10[%mul3A_67, %dma_start3A_76] : memref<10000x128xf32, #tpu.memory_space<vmem_shared>> -> memref<624x128xf32, #tpu.memory_space<vmem_shared>>
      tpu.enqueue_dma source(%dma_start3A_77 : memref<624x128xf32, #tpu.memory_space<vmem_shared>>) target(%dma_start3A_75 : memref<624x128xf32, #tpu.memory_space<hbm>>) target_semaphore(%run_scoped3A : memref<!tpu.dma_semaphore, #tpu.memory_space<semaphore_mem>>)
      %dma_wait3A = arith.constant 0 : i32
      %dma_wait3A_78 = tpu.memref_slice %arg5[%mul3A_69, %dma_wait3A] : memref<10000x128xf32, #tpu.memory_space<hbm>> -> memref<624x128xf32, #tpu.memory_space<hbm>>
      %dma_wait3A_79 = arith.constant 0 : i32
      %dma_wait3A_80 = tpu.memref_slice %arg10[%mul3A_67, %dma_wait3A_79] : memref<10000x128xf32, #tpu.memory_space<vmem_shared>> -> memref<624x128xf32, #tpu.memory_space<vmem_shared>>
      tpu.wait_dma2 semaphore(%run_scoped3A : memref<!tpu.dma_semaphore, #tpu.memory_space<semaphore_mem>>) src(%dma_wait3A_80 : memref<624x128xf32, #tpu.memory_space<vmem_shared>>) dst(%dma_wait3A_78 : memref<624x128xf32, #tpu.memory_space<hbm>>)
      tpu.yield
    }) : () -> ()
    %eq3A_70 = arith.constant 15 : i32
    %eq3A_71 = arith.cmpi eq, %arg1, %eq3A_70 : i32
    %convert_element_type3A_72 = arith.extui %eq3A_71 : i1 to i32
    %cond3A_73 = arith.constant 0 : i32
    %cond3A_74 = arith.cmpi ne, %convert_element_type3A_72, %cond3A_73 : i32
    scf.if %cond3A_74 {
      "tpu.region"() ({
        %run_scoped3A = tpu.sem_alloc : memref<!tpu.dma_semaphore, #tpu.memory_space<semaphore_mem>>
        %dma_start3A = arith.constant 9984 : i32
        %dma_start3A_75 = arith.constant 0 : i32
        %dma_start3A_76 = tpu.memref_slice %arg5[%dma_start3A, %dma_start3A_75] : memref<10000x128xf32, #tpu.memory_space<hbm>> -> memref<16x128xf32, #tpu.memory_space<hbm>>
        %dma_start3A_77 = arith.constant 9984 : i32
        %dma_start3A_78 = arith.constant 0 : i32
        %dma_start3A_79 = tpu.memref_slice %arg10[%dma_start3A_77, %dma_start3A_78] : memref<10000x128xf32, #tpu.memory_space<vmem_shared>> -> memref<16x128xf32, #tpu.memory_space<vmem_shared>>
        tpu.enqueue_dma source(%dma_start3A_79 : memref<16x128xf32, #tpu.memory_space<vmem_shared>>) target(%dma_start3A_76 : memref<16x128xf32, #tpu.memory_space<hbm>>) target_semaphore(%run_scoped3A : memref<!tpu.dma_semaphore, #tpu.memory_space<semaphore_mem>>)
        %dma_wait3A = arith.constant 9984 : i32
        %dma_wait3A_80 = arith.constant 0 : i32
        %dma_wait3A_81 = tpu.memref_slice %arg5[%dma_wait3A, %dma_wait3A_80] : memref<10000x128xf32, #tpu.memory_space<hbm>> -> memref<16x128xf32, #tpu.memory_space<hbm>>
        %dma_wait3A_82 = arith.constant 9984 : i32
        %dma_wait3A_83 = arith.constant 0 : i32
        %dma_wait3A_84 = tpu.memref_slice %arg10[%dma_wait3A_82, %dma_wait3A_83] : memref<10000x128xf32, #tpu.memory_space<vmem_shared>> -> memref<16x128xf32, #tpu.memory_space<vmem_shared>>
        tpu.wait_dma2 semaphore(%run_scoped3A : memref<!tpu.dma_semaphore, #tpu.memory_space<semaphore_mem>>) src(%dma_wait3A_84 : memref<16x128xf32, #tpu.memory_space<vmem_shared>>) dst(%dma_wait3A_81 : memref<16x128xf32, #tpu.memory_space<hbm>>)
        tpu.yield
      }) : () -> ()
    } else {
    }
    return
  }
}

module attributes {stable_mosaic.version = 14 : i64} {
  func.func @_tc1_body(%arg0: memref<32x10000xf32, #tpu.memory_space<vmem>>, %arg1: memref<10000x128xf32, #tpu.memory_space<vmem>>, %arg2: memref<10000x1xf32, #tpu.memory_space<vmem>>, %arg3: memref<10000x128xf32, #tpu.memory_space<vmem>>) attributes {dimension_semantics = [], scalar_prefetch = 0 : i64, scratch_operands = 0 : i64, tpu.core_type = #tpu.core_type<tc>} {
    %broadcast_in_dim3A = arith.constant 1.000000e+00 : f32
    %broadcast_in_dim3A_0 = vector.broadcast %broadcast_in_dim3A : f32 to vector<32x1xf32>
    %get3A = arith.constant 0 : index
    %get3A_1 = arith.constant 0 : index
    %get3A_2 = vector.load %arg0[%get3A, %get3A_1] : memref<32x10000xf32, #tpu.memory_space<vmem>>, vector<32x10000xf32>
    %dot_general3A = arith.constant dense<0.000000e+00> : vector<10000x1xf32>
    %dot_general3A_3 = tpu.matmul %get3A_2, %broadcast_in_dim3A_0, %dot_general3A {dimension_numbers = #tpu.dot_dimension_numbers<[0], [0], [1], [1], [0, 1, 1, 1], [], []>, transpose_lhs_hint = false} : vector<32x10000xf32>, vector<32x1xf32>, vector<10000x1xf32> -> vector<10000x1xf32>
    %add3A = arith.constant 1.000000e+00 : f32
    %add3A_4 = vector.broadcast %add3A : f32 to vector<10000x1xf32>
    %add3A_5 = arith.addf %dot_general3A_3, %add3A_4 : vector<10000x1xf32>
    %rsqrt3A = math.rsqrt %add3A_5 : vector<10000x1xf32>
    %swap3A = arith.constant 0 : index
    %swap3A_6 = arith.constant 0 : index
    %swap3A_7 = vector.load %arg2[%swap3A, %swap3A_6] : memref<10000x1xf32, #tpu.memory_space<vmem>>, vector<10000x1xf32>
    tpu.vector_store %arg2[%swap3A, %swap3A_6], %rsqrt3A {strides = array<i32>} : memref<10000x1xf32, #tpu.memory_space<vmem>>, vector<10000x1xf32>,
    %get3A_8 = arith.constant 0 : index
    %get3A_9 = arith.constant 0 : index
    %get3A_10 = vector.load %arg1[%get3A_8, %get3A_9] : memref<10000x128xf32, #tpu.memory_space<vmem>>, vector<10000x128xf32>
    %mul3A = vector.broadcast %rsqrt3A : vector<10000x1xf32> to vector<10000x128xf32>
    %mul3A_11 = arith.mulf %mul3A, %get3A_10 : vector<10000x128xf32>
    %swap3A_12 = arith.constant 0 : index
    %swap3A_13 = arith.constant 0 : index
    %swap3A_14 = vector.load %arg3[%swap3A_12, %swap3A_13] : memref<10000x128xf32, #tpu.memory_space<vmem>>, vector<10000x128xf32>
    tpu.vector_store %arg3[%swap3A_12, %swap3A_13], %mul3A_11 {strides = array<i32>} : memref<10000x128xf32, #tpu.memory_space<vmem>>, vector<10000x128xf32>,
    return
  }
}

module attributes {stable_mosaic.version = 14 : i64} {
  func.func @_tc2_body(%arg0: memref<10000x128xf32, #tpu.memory_space<vmem>>, %arg1: memref<10000x128xf32, #tpu.memory_space<vmem>>, %arg2: memref<10000x1xf32, #tpu.memory_space<vmem>>, %arg3: memref<128x256xf32, #tpu.memory_space<vmem>>, %arg4: memref<1x256xf32, #tpu.memory_space<vmem>>, %arg5: memref<10000x128xf32, #tpu.memory_space<vmem>>, %arg6: memref<10000x128xf32, #tpu.memory_space<vmem>>) attributes {dimension_semantics = [], scalar_prefetch = 0 : i64, scratch_operands = 0 : i64, tpu.core_type = #tpu.core_type<tc>} {
    %get3A = arith.constant 0 : index
    %get3A_0 = arith.constant 0 : index
    %get3A_1 = vector.load %arg0[%get3A, %get3A_0] : memref<10000x128xf32, #tpu.memory_space<vmem>>, vector<10000x128xf32>
    %get3A_2 = arith.constant 0 : index
    %get3A_3 = arith.constant 0 : index
    %get3A_4 = vector.load %arg1[%get3A_2, %get3A_3] : memref<10000x128xf32, #tpu.memory_space<vmem>>, vector<10000x128xf32>
    %add3A = arith.addf %get3A_1, %get3A_4 : vector<10000x128xf32>
    %get3A_5 = arith.constant 0 : index
    %get3A_6 = arith.constant 0 : index
    %get3A_7 = vector.load %arg2[%get3A_5, %get3A_6] : memref<10000x1xf32, #tpu.memory_space<vmem>>, vector<10000x1xf32>
    %mul3A = vector.broadcast %get3A_7 : vector<10000x1xf32> to vector<10000x128xf32>
    %mul3A_8 = arith.mulf %add3A, %mul3A : vector<10000x128xf32>
    %get3A_9 = arith.constant 0 : index
    %get3A_10 = arith.constant 0 : index
    %get3A_11 = vector.load %arg3[%get3A_9, %get3A_10] : memref<128x256xf32, #tpu.memory_space<vmem>>, vector<128x256xf32>
    %dot_general3A = arith.constant dense<0.000000e+00> : vector<10000x256xf32>
    %dot_general3A_12 = tpu.matmul %mul3A_8, %get3A_11, %dot_general3A {dimension_numbers = #tpu.dot_dimension_numbers<[1], [0], [0], [1], [0, 0, 1, 1], [], []>, transpose_lhs_hint = false} : vector<10000x128xf32>, vector<128x256xf32>, vector<10000x256xf32> -> vector<10000x256xf32>
    %get3A_13 = arith.constant 0 : index
    %get3A_14 = arith.constant 0 : index
    %get3A_15 = vector.load %arg4[%get3A_13, %get3A_14] : memref<1x256xf32, #tpu.memory_space<vmem>>, vector<1x256xf32>
    %add3A_16 = vector.broadcast %get3A_15 : vector<1x256xf32> to vector<10000x256xf32>
    %add3A_17 = arith.addf %dot_general3A_12, %add3A_16 : vector<10000x256xf32>
    %max3A = arith.constant 0.000000e+00 : f32
    %max3A_18 = vector.broadcast %max3A : f32 to vector<10000x256xf32>
    %max3A_19 = arith.maximumf %add3A_17, %max3A_18 : vector<10000x256xf32>
    %get3A_20 = arith.constant 0 : index
    %get3A_21 = arith.constant 0 : index
    %get3A_22 = vector.load %arg2[%get3A_20, %get3A_21] : memref<10000x1xf32, #tpu.memory_space<vmem>>, vector<10000x1xf32>
    %mul3A_23 = vector.broadcast %get3A_22 : vector<10000x1xf32> to vector<10000x256xf32>
    %mul3A_24 = arith.mulf %max3A_19, %mul3A_23 : vector<10000x256xf32>
    %slice3A = vector.extract_strided_slice %mul3A_24 {offsets = [0, 0], sizes = [10000, 128], strides = [1, 1]} : vector<10000x256xf32> to vector<10000x128xf32>
    %swap3A = arith.constant 0 : index
    %swap3A_25 = arith.constant 0 : index
    %swap3A_26 = vector.load %arg5[%swap3A, %swap3A_25] : memref<10000x128xf32, #tpu.memory_space<vmem>>, vector<10000x128xf32>
    tpu.vector_store %arg5[%swap3A, %swap3A_25], %slice3A {strides = array<i32>} : memref<10000x128xf32, #tpu.memory_space<vmem>>, vector<10000x128xf32>,
    %slice3A_27 = vector.extract_strided_slice %mul3A_24 {offsets = [0, 128], sizes = [10000, 128], strides = [1, 1]} : vector<10000x256xf32> to vector<10000x128xf32>
    %swap3A_28 = arith.constant 0 : index
    %swap3A_29 = arith.constant 0 : index
    %swap3A_30 = vector.load %arg6[%swap3A_28, %swap3A_29] : memref<10000x128xf32, #tpu.memory_space<vmem>>, vector<10000x128xf32>
    tpu.vector_store %arg6[%swap3A_28, %swap3A_29], %slice3A_27 {strides = array<i32>} : memref<10000x128xf32, #tpu.memory_space<vmem>>, vector<10000x128xf32>,
    return
  }
}

module attributes {stable_mosaic.version = 14 : i64} {
  func.func @_tc3_body(%arg0: memref<10000x128xf32, #tpu.memory_space<vmem>>, %arg1: memref<10000x128xf32, #tpu.memory_space<vmem>>, %arg2: memref<10000x128xf32, #tpu.memory_space<vmem>>, %arg3: memref<10000x128xf32, #tpu.memory_space<vmem>>, %arg4: memref<10000x1xf32, #tpu.memory_space<vmem>>, %arg5: memref<10000x1xi32, #tpu.memory_space<vmem>>, %arg6: memref<256x256xf32, #tpu.memory_space<vmem>>, %arg7: memref<1x256xf32, #tpu.memory_space<vmem>>, %arg8: memref<256x1xf32, #tpu.memory_space<vmem>>, %arg9: memref<1x1xf32, #tpu.memory_space<vmem>>, %arg10: memref<64x1xf32, #tpu.memory_space<vmem>>) attributes {dimension_semantics = [], scalar_prefetch = 0 : i64, scratch_operands = 0 : i64, tpu.core_type = #tpu.core_type<tc>} {
    %get3A = arith.constant 0 : index
    %get3A_0 = arith.constant 0 : index
    %get3A_1 = vector.load %arg0[%get3A, %get3A_0] : memref<10000x128xf32, #tpu.memory_space<vmem>>, vector<10000x128xf32>
    %get3A_2 = arith.constant 0 : index
    %get3A_3 = arith.constant 0 : index
    %get3A_4 = vector.load %arg2[%get3A_2, %get3A_3] : memref<10000x128xf32, #tpu.memory_space<vmem>>, vector<10000x128xf32>
    %add3A = arith.addf %get3A_1, %get3A_4 : vector<10000x128xf32>
    %get3A_5 = arith.constant 0 : index
    %get3A_6 = arith.constant 0 : index
    %get3A_7 = vector.load %arg1[%get3A_5, %get3A_6] : memref<10000x128xf32, #tpu.memory_space<vmem>>, vector<10000x128xf32>
    %get3A_8 = arith.constant 0 : index
    %get3A_9 = arith.constant 0 : index
    %get3A_10 = vector.load %arg3[%get3A_8, %get3A_9] : memref<10000x128xf32, #tpu.memory_space<vmem>>, vector<10000x128xf32>
    %add3A_11 = arith.addf %get3A_7, %get3A_10 : vector<10000x128xf32>
    %concatenate3A = tpu.concatenate %add3A, %add3A_11 in 1 : vector<10000x128xf32>, vector<10000x128xf32> -> vector<10000x256xf32>
    %get3A_12 = arith.constant 0 : index
    %get3A_13 = arith.constant 0 : index
    %get3A_14 = vector.load %arg4[%get3A_12, %get3A_13] : memref<10000x1xf32, #tpu.memory_space<vmem>>, vector<10000x1xf32>
    %mul3A = vector.broadcast %get3A_14 : vector<10000x1xf32> to vector<10000x256xf32>
    %mul3A_15 = arith.mulf %concatenate3A, %mul3A : vector<10000x256xf32>
    %get3A_16 = arith.constant 0 : index
    %get3A_17 = arith.constant 0 : index
    %get3A_18 = vector.load %arg6[%get3A_16, %get3A_17] : memref<256x256xf32, #tpu.memory_space<vmem>>, vector<256x256xf32>
    %dot_general3A = arith.constant dense<0.000000e+00> : vector<10000x256xf32>
    %dot_general3A_19 = tpu.matmul %mul3A_15, %get3A_18, %dot_general3A {dimension_numbers = #tpu.dot_dimension_numbers<[1], [0], [0], [1], [0, 0, 1, 1], [], []>, transpose_lhs_hint = false} : vector<10000x256xf32>, vector<256x256xf32>, vector<10000x256xf32> -> vector<10000x256xf32>
    %get3A_20 = arith.constant 0 : index
    %get3A_21 = arith.constant 0 : index
    %get3A_22 = vector.load %arg7[%get3A_20, %get3A_21] : memref<1x256xf32, #tpu.memory_space<vmem>>, vector<1x256xf32>
    %add3A_23 = vector.broadcast %get3A_22 : vector<1x256xf32> to vector<10000x256xf32>
    %add3A_24 = arith.addf %dot_general3A_19, %add3A_23 : vector<10000x256xf32>
    %max3A = arith.constant 0.000000e+00 : f32
    %max3A_25 = vector.broadcast %max3A : f32 to vector<10000x256xf32>
    %max3A_26 = arith.maximumf %add3A_24, %max3A_25 : vector<10000x256xf32>
    %get3A_27 = arith.constant 0 : index
    %get3A_28 = arith.constant 0 : index
    %get3A_29 = vector.load %arg5[%get3A_27, %get3A_28] : memref<10000x1xi32, #tpu.memory_space<vmem>>, vector<10000x1xi32>
    %iota3A = tpu.iota {dimensions = array<i32: 1>} : vector<1x64xi32>
    %eq3A = vector.broadcast %get3A_29 : vector<10000x1xi32> to vector<10000x64xi32>
    %eq3A_30 = vector.broadcast %iota3A : vector<1x64xi32> to vector<10000x64xi32>
    %eq3A_31 = arith.cmpi eq, %eq3A, %eq3A_30 : vector<10000x64xi32>
    %convert_element_type3A = arith.extui %eq3A_31 : vector<10000x64xi1> to vector<10000x64xi32>
    %convert_element_type3A_32 = arith.sitofp %convert_element_type3A : vector<10000x64xi32> to vector<10000x64xf32>
    %dot_general3A_33 = arith.constant dense<0.000000e+00> : vector<64x256xf32>
    %dot_general3A_34 = tpu.matmul %convert_element_type3A_32, %max3A_26, %dot_general3A_33 {dimension_numbers = #tpu.dot_dimension_numbers<[0], [0], [1], [1], [0, 1, 1, 1], [], []>, transpose_lhs_hint = false} : vector<10000x64xf32>, vector<10000x256xf32>, vector<64x256xf32> -> vector<64x256xf32>
    %reduce_sum3A = arith.constant dense<0.000000e+00> : vector<64xf32>
    %reduce_sum3A_35 = vector.multi_reduction <add>, %convert_element_type3A_32, %reduce_sum3A [0] : vector<10000x64xf32> to vector<64xf32>
    %broadcast_in_dim3A = vector.shape_cast %reduce_sum3A_35 : vector<64xf32> to vector<64x1xf32>
    %max3A_36 = arith.constant 1.000000e+00 : f32
    %max3A_37 = vector.broadcast %max3A_36 : f32 to vector<64x1xf32>
    %max3A_38 = arith.maximumf %broadcast_in_dim3A, %max3A_37 : vector<64x1xf32>
    %div3A = vector.broadcast %max3A_38 : vector<64x1xf32> to vector<64x256xf32>
    %div3A_39 = arith.divf %dot_general3A_34, %div3A : vector<64x256xf32>
    %get3A_40 = arith.constant 0 : index
    %get3A_41 = arith.constant 0 : index
    %get3A_42 = vector.load %arg8[%get3A_40, %get3A_41] : memref<256x1xf32, #tpu.memory_space<vmem>>, vector<256x1xf32>
    %dot_general3A_43 = arith.constant dense<0.000000e+00> : vector<64x1xf32>
    %dot_general3A_44 = tpu.matmul %div3A_39, %get3A_42, %dot_general3A_43 {dimension_numbers = #tpu.dot_dimension_numbers<[1], [0], [0], [1], [0, 0, 1, 1], [], []>, transpose_lhs_hint = false} : vector<64x256xf32>, vector<256x1xf32>, vector<64x1xf32> -> vector<64x1xf32>
    %get3A_45 = arith.constant 0 : index
    %get3A_46 = arith.constant 0 : index
    %get3A_47 = vector.load %arg9[%get3A_45, %get3A_46] : memref<1x1xf32, #tpu.memory_space<vmem>>, vector<1x1xf32>
    %add3A_48 = vector.broadcast %get3A_47 : vector<1x1xf32> to vector<64x1xf32>
    %add3A_49 = arith.addf %dot_general3A_44, %add3A_48 : vector<64x1xf32>
    %swap3A = arith.constant 0 : index
    %swap3A_50 = arith.constant 0 : index
    %swap3A_51 = vector.load %arg10[%swap3A, %swap3A_50] : memref<64x1xf32, #tpu.memory_space<vmem>>, vector<64x1xf32>
    tpu.vector_store %arg10[%swap3A, %swap3A_50], %add3A_49 {strides = array<i32>} : memref<64x1xf32, #tpu.memory_space<vmem>>, vector<64x1xf32>,
    return
  }
}

</mosaic_0001>

<sc_bundles>
// kernel: kernel.12.cloned.1.call-start
scs
__scs_entry_jumppad:
0x0: {  	(pc) =	sbr.rel $0x88, $3  }
0x1: {  	(tag) =	ssettag $0x0;
	lr =	simm.s32 $0x1  }
0x2: {  	[smem:$0x3F98] =	sst lr;
	_ =	strace $0xD0000000  }
0x3: {  	_ = 	snop  }
0x4: {  	_ = 	snop  }
0x5: {  	_ = 	snop  }
0x6: {  	_ = 	snop  }
0x7: {  	_ = 	snop  }
__scs_overlays_trampoline_lowered:
0x8: {  	[smem:$0x3FA7] =	sst s0  }
0x9: {  	[smem:$0x3FA8] =	sst s1  }
0xa: {  	[smem:$0x3FA9] =	sst s2  }
0xb: {  	[smem:$0x3FAA] =	sst s3  }
0xc: {  	[smem:$0x3FAB] =	sst s4  }
0xd: {  	[smem:$0x3FAC] =	sst s5  }
0xe: {  	[smem:$0x3FAD] =	sst s6  }
0xf: {  	[smem:$0x3FAE] =	sst s7  }
0x10: {  	[smem:$0x3FAF] =	sst s8  }
0x11: {  	[smem:$0x3FB0] =	sst s9;
	s0 =	simm.s32 @!p0 $0x0  }
0x12: {  	s1 =	sld [smem:$0x3F96];
	s0 =	simm.s32 @p0 $0x1  }
0x13: {  	[smem:$0x3FB1] =	sst s0;
	s0 =	simm.s32 @!p1 $0x0  }
0x14: {  	s2 =	sld [smem:$0x3F95];
	s0 =	simm.s32 @p1 $0x1  }
0x15: {  	[smem:$0x3FB2] =	sst s0;
	s0 =	simm.s32 @!p2 $0x0  }
0x16: {  	s3 =	sld [smem:$0x3FDB];
	s0 =	simm.s32 @p2 $0x1  }
0x17: {  	s4 =	simm.s32 $0x1BF5;
	[smem:$0x3FB4] =	sst s0  }
0x18: {  	s0 =	sld [smem:$0x3F97];
	_ =	swait.ge [sflag:s4], $0x0  }
0x19: {  	s7 =	sld [smem:$0x3F98]  }
0x1a: {  	s8 =	sadd.s32 $0xFFFFE003, lr  }
0x1b: {  	s9 =	sadd.s32 $0xFFFFFEF7, lr;
	s5 =	simm.s32 $0xFFFFFFFF;
	p2 =	slt.u32 s8, $0xFFFFF086  }
0x1c: {  	p1 =	slt.u32 s9, $0xF7A;
	s5 =	simm.s32 @!p2 $0x0  }
0x1d: {  	s5 =	simm.s32 @p1 $0x1;
	p0 =	seq.s32 s7, s2  }
0x1e: {  	s7 =	smul.u32 @!p0 $0xF7A, s2;
	p2 =	seq.s32 @!p0 s5, $0x0  }
0x1f: {  	s9 =	smul.u32 $0xF7A, s1;
	s8 =	simm.s32 @!p0 $0x1BF5;
	p2 =	por !p2, p0  }
0x20: {  	[sflag:s8] =	ssyncset.s32 @!p0 $0xFFFFF086;
	s6 =	sadd.s32 @!p0 s3, s7;
	s7 =	simm.s32 @!p0 $0x108  }
0x21: {  	s3 =	sadd.s32 s3, s9;
	s6 =	sadd.s32 @!p0 $0x88, s6;
	s7 =	simm.s32 @p2 $0x1082  }
0x22: {  	[simem:s7], [sflag:s8] =	dma.local @!p0 [hbm:s6], $0xF7A  }
0x23: {  	s9 =	sor.u32 $0xD0000000, s2;
	s6 =	simm.s32 $0x108;
	_ =	swait.ge @!p0 [sflag:s8], $0x0  }
0x24: {  	s3 =	sadd.s32 $0x88, s3;
	s6 =	simm.s32 @!p1 $0x1082;
	[sflag:s4] =	ssyncset.s32 $0xFFFFF086  }
0x25: {  	[simem:s6], [sflag:s4] =	dma.local [hbm:s3], $0xF7A  }
0x26: {  	[smem:$0x3F98] =	sst s1;
	(tag) =	ssettag s2;
	_ =	strace s9  }
0x27: {  	s1 =	sld [smem:$0x3FA8]  }
0x28: {  	s2 =	sld [smem:$0x3FA9]  }
0x29: {  	s4 =	sld [smem:$0x3FAB]  }
0x2a: {  	p0 =	seq.s32 s5, $0x0;
	s5 =	sld [smem:$0x3FAC]  }
0x2b: {  	s6 =	sld [smem:$0x3FAD]  }
0x2c: {  	s7 =	sld [smem:$0x3FAE]  }
0x2d: {  	s3 =	simm.s32 $0x108;
	s8 =	sld [smem:$0x3FAF]  }
0x2e: {  	s3 =	simm.s32 @!p0 $0x1082;
	s9 =	sld [smem:$0x3FB0]  }
0x2f: {  	lr =	sadd.s32 s0, s3;
	s0 =	sld [smem:$0x3FA7]  }
0x30: {  	s3 =	sld [smem:$0x3FAA]  }
0x31: {  	[smem:$0x3FB3] =	sst s10  }
0x32: {  	s10 =	sld [smem:$0x3FB1];
	_ =	sdelay $0x3  }
0x33: {  	p0 =	seq.s32 s10, $0x1;
	s10 =	sld [smem:$0x3FB3];
	_ =	sdelay $0x3  }
0x34: {  	[smem:$0x3FB3] =	sst s10  }
0x35: {  	s10 =	sld [smem:$0x3FB2];
	_ =	sdelay $0x3  }
0x36: {  	p1 =	seq.s32 s10, $0x1;
	s10 =	sld [smem:$0x3FB3];
	_ =	sdelay $0x3  }
0x37: {  	[smem:$0x3FB3] =	sst s10  }
0x38: {  	s10 =	sld [smem:$0x3FB4]  }
0x39: {  	_ = 	snop;
	(pc) =	sbr.ind lr, $3  }
0x3a: {  	_ = 	snop  }
0x3b: {  	_ = 	snop  }
0x3c: {  	p2 =	seq.s32 s10, $0x1;
	s10 =	sld [smem:$0x3FB3]  }
0x3d: {  	_ =	shalt  }
0x3e: {  	_ =	shalt  }
0x3f: {  	_ =	shalt  }
0x40: {  	_ =	shalt  }
0x41: {  	_ =	shalt  }
0x42: {  	_ =	shalt  }
0x43: {  	_ =	shalt  }
0x44: {  	_ =	shalt  }
0x45: {  	_ =	shalt  }
0x46: {  	_ =	shalt  }
0x47: {  	_ =	shalt  }
0x48: {  	_ =	shalt  }
0x49: {  	_ =	shalt  }
0x4a: {  	_ =	shalt  }
0x4b: {  	_ =	shalt  }
0x4c: {  	_ =	shalt  }
0x4d: {  	_ =	shalt  }
0x4e: {  	_ =	shalt  }
0x4f: {  	_ =	shalt  }
0x50: {  	_ =	shalt  }
0x51: {  	_ =	shalt  }
0x52: {  	_ =	shalt  }
0x53: {  	_ =	shalt  }
0x54: {  	_ =	shalt  }
0x55: {  	_ =	shalt  }
0x56: {  	_ =	shalt  }
0x57: {  	_ =	shalt  }
0x58: {  	_ =	shalt  }
0x59: {  	_ =	shalt  }
0x5a: {  	_ =	shalt  }
0x5b: {  	_ =	shalt  }
0x5c: {  	_ =	shalt  }
0x5d: {  	_ =	shalt  }
0x5e: {  	_ =	shalt  }
0x5f: {  	_ =	shalt  }
0x60: {  	_ =	shalt  }
0x61: {  	_ =	shalt  }
0x62: {  	_ =	shalt  }
0x63: {  	_ =	shalt  }
0x64: {  	_ =	shalt  }
0x65: {  	_ =	shalt  }
0x66: {  	_ =	shalt  }
0x67: {  	_ =	shalt  }
0x68: {  	_ =	shalt  }
0x69: {  	_ =	shalt  }
0x6a: {  	_ =	shalt  }
0x6b: {  	_ =	shalt  }
0x6c: {  	_ =	shalt  }
0x6d: {  	_ =	shalt  }
0x6e: {  	_ =	shalt  }
0x6f: {  	_ =	shalt  }
0x70: {  	_ =	shalt  }
0x71: {  	_ =	shalt  }
0x72: {  	_ =	shalt  }
0x73: {  	_ =	shalt  }
0x74: {  	_ =	shalt  }
0x75: {  	_ =	shalt  }
0x76: {  	_ =	shalt  }
0x77: {  	_ =	shalt  }
0x78: {  	_ =	shalt  }
0x79: {  	_ =	shalt  }
0x7a: {  	_ =	shalt  }
0x7b: {  	_ =	shalt  }
0x7c: {  	_ =	shalt  }
0x7d: {  	_ =	shalt  }
0x7e: {  	_ =	shalt  }
0x7f: {  	_ =	shalt  }
0x80: {  	_ =	shalt  }
0x81: {  	_ =	shalt  }
0x82: {  	_ =	shalt  }
0x83: {  	_ =	shalt  }
0x84: {  	_ =	shalt  }
0x85: {  	_ =	shalt  }
0x86: {  	_ =	shalt  }
0x87: {  	_ =	shalt  }
.Lfunc_end0:
.L_simem_size_0:
called_computation.1_lowered:
.L_overlay_start_0:
0x88: {  	s0 =	sld [smem:$0x3FD9]  }
0x89: {  	s1 =	sld [smem:$0x3FFE];
	_ =	sdelay $0x3  }
0x8a: {  	s0 =	sadd.s32 s1, s0  }
0x8b: {  	[smem:$0x3FBF] =	sst s0  }
0x8c: {  	_ = 	snop  }
0x8d: {  	(tm) =	ssettm $0x1  }
0x8e: {  	s15 =	sld [smem:$0x3FFB];
	_ =	sdelay $0x3  }
0x8f: {  	_ =	strace s15  }
0x90: {  	s0 =	sld [smem:$0x3FFC];
	_ =	sdelay $0x3  }
0x91: {  	_ =	strace s0  }
0x92: {  	s0 =	sld [smem:$0x3FFD];
	_ =	sdelay $0x3  }
0x93: {  	_ =	strace s0  }
0x94: {  	_ =	strace $0x8FFFFFFF  }
0x95: {  	s16 =	sld [smem:$0x3FDB];
	_ =	sdelay $0x1  }
0x96: {  	s17 =	simm.s32 $_scs_section_size  }
0x97: {  	s2 =	simm.s32 $_size__tile_overlayer_lowered;
	s3 =	simm.s32 $_tile_overlayer_lowered  }
0x98: {  	s20 =	simm.s32 $0x1BFF;
	s19 =	sshll.u32 s3, $0x1;
	s0 =	sadd.s32 s17, s16  }
0x99: {  	s4 =	simm.s32 $0x0;
	s18 =	sshll.u32 s2, $0x1;
	s2 =	sadd.s32 s19, s0  }
0x9a: {  	[timem:s4], [sflag:s20] =	dma.local [hbm:s2], s18  }
0x9b: {  	_ =	swait.ge [sflag:s20], s18  }
0x9c: {  	s1 =	ssub.s32 $0x0, s18;
	[sflag:s20] =	ssyncset.done $0x0  }
0x9d: {  	[sflag:s20] =	ssyncadd.s32 s1;
	_ =	sdelay $0x1  }
0x9e: {  	s21 =	simm.s32 $0x1B8B  }
0x9f: {  	_ =	swait.ge [sflag:s21], $0x1  }
0xa0: {  	[sflag:s21] =	ssyncset.done $0x0  }
0xa1: {  	s23 =	simm.s32 $0x1B8E;
	s22 =	sld [smem:$0x3FFE];
	[sflag:s21] =	ssyncadd.s32 $0xFFFFFFFF  }
0xa2: {  	s24 =	simm.s32 $execute0_lowered;
	[smem:$0x3FD2] =	sst s23  }
0xa3: {  	s2 =	sshll.u32 s24, $0x1;
	_ =	strace $0x80000049;
	[dreg:$0x1] =	wrdreg $0xFFFFFFFF  }
0xa4: {  	s25 =	simm.s32 $_size_execute0_lowered;
	s0 =	sadd.s32 s0, s2;
	[dreg:$0x0] =	wrdreg $0x0  }
0xa5: {  	s2 =	sshll.u32 s25, $0x1;
	[dreg:$0x2] =	wrdreg s0  }
0xa6: {  	[dreg:$0x3] =	wrdreg s2  }
0xa7: {  	[dreg:$0x4] =	wrdreg $0xC0  }
0xa8: {  	_ =	task [dreg:s4], $0x5FFFF  }
0xa9: {  	[dreg:$0x1] =	wrdreg $0xFFFFFFFF  }
0xaa: {  	[dreg:$0x0] =	wrdreg $0x60  }
0xab: {  	[dreg:$0x2] =	wrdreg s22  }
0xac: {  	[dreg:$0x3] =	wrdreg $0x78000  }
0xad: {  	[dreg:$0x4] =	wrdreg $0x9  }
0xae: {  	_ =	task.clear_ibuf [dreg:s4], $0x5FFFF;
	_ =	strace $0x90000049  }
0xaf: {  	s26 =	simm.s32 $0x9;
	_ =	strace $0x8000004B  }
0xb0: {  	_ =	swait.ge [sflag:s26], $0x1  }
0xb1: {  	[sflag:s26] =	ssyncadd.s32 $0xFFFFFFFF  }
0xb2: {  	_ =	strace $0x9000004B  }
0xb3: {  	_ =	sfence  }
0xb4: {  	s28 =	sld [smem:$0x0];
	_ =	sdelay $0x1  }
0xb5: {  	s29 =	srdreg.scid  }
0xb6: {  	s30 =	sshll.u32 s29, $0xD;
	s31 =	sshrl.u32 s29, $0x2  }
0xb7: {  	s1 =	sand.u32 $0x1, s29;
	s2 =	sand.u32 $0x4000, s30;
	s0 =	sadd.s32 s31, s28  }
0xb8: {  	s1 =	sor.u32 s2, s1;
	s0 =	sshll.u32 s0, $0x11  }
0xb9: {  	s0 =	sor.u32 s0, s1  }
0xba: {  	s0 =	sadd.s32 $0x8F2B, s0  }
0xbb: {  	[sflag:s0] =	ssyncadd.remote.s32 $0x1  }
0xbc: {  	_ =	sfence.sel $0xFFFF  }
0xbd: {  	[dreg:$0x0] =	wrdreg $0xFFFFFFFF;
	(pc) =	sbr.abs _section_cstart, $3  }
0xbe: {  	[dreg:$0x1] =	wrdreg $0xFFFFFFFF  }
0xbf: {  	_ =	task.clear_ibuf [dreg:s4], $0x2FFFF;
	_ =	strace $0x9FFFFFFF  }
0xc0: {  	(tm) =	ssettm $0x7FFFFFFF  }
0xc1: {  	_ =	shalt  }
tec
execute0_lowered:
.L_overlay_start_1:
0x0: {  	(tag) =	ssettag $0x1  }
0x1: {  	s4 =	rddreg [dreg:$0x0]  }
0x2: {  	s2 =	rddreg [dreg:$0x1];
	s0 =	simm.s32 $0x0  }
0x3: {  	s5 =	simm.s32 $0x200;
	[smem:$0x7FF] =	sst s0  }
0x4: {  	s3 =	sadd.s32 $0x4F600, s4;
	s1 =	sadd.s32 $0x3B600, s4;
	s0 =	sadd.s32 $0x27600, s4  }
0x5: {  	v0 =	vimm.f32 $0.0e+00;
	s29 =	sadd.s32 $0x9DA00, s4;
	s4 =	simm.s32 $0x0;
	_ =	strace $0x8000004A  }
.LBB2_1:
0x6: {  	p0 =	sne.s32 s5, $0xC600;
	[tilespmem:s4+$0x1070] =	vst v0  }
0x7: {  	[tilespmem:s4+$0x1000] =	vst v0  }
0x8: {  	[tilespmem:s4+$0x1010] =	vst v0  }
.Ltmp0:
0x9: {  	[tilespmem:s4+$0x1020] =	vst v0;
	(pc) =	sbr.rel @p0 .LBB2_1-.Ltmp0, $4  }
0xa: {  	[tilespmem:s4+$0x1030] =	vst v0  }
0xb: {  	[tilespmem:s4+$0x1040] =	vst v0  }
0xc: {  	[tilespmem:s4+$0x1050] =	vst v0  }
0xd: {  	[tilespmem:s4+$0x1060] =	vst v0;
	s4 =	sshra.s32 s5, $0x2;
	s5 =	sadd.s32 $0x200, s5  }
0xe: {  	[tilespmem:s4+$0x1070] =	vst v0  }
0xf: {  	[tilespmem:s4+$0x1000] =	vst v0  }
0x10: {  	[tilespmem:s4+$0x1010] =	vst v0  }
0x11: {  	[tilespmem:s4+$0x1020] =	vst v0;
	s5 =	stileid.u32  }
0x12: {  	[tilespmem:s4+$0x1030] =	vst v0;
	s5 =	smul.u32 $0x4E000, s5  }
0x13: {  	[tilespmem:s4+$0x1040] =	vst v0  }
0x14: {  	[tilespmem:s4+$0x1050] =	vst v0;
	s5 =	sshrl.u32 s5, $0x2  }
0x15: {  	[tilespmem:s4+$0x1060] =	vst v0;
	s6 =	simm.s32 $0x1000;
	s12 =	sadd.s32 s5, s2;
	s5 =	simm.s32 $0x3  }
0x16: {  	[spmem:s12] =	stream.linear.scatter [tilespmem:s6], [sflag:$0x3], $0x1800, $0x38;
	[tilespmem:$0x1B080] =	vst v63  }
0x17: {  	_ =	swait.ge [sflag:s5], $0x1800  }
0x18: {  	[sflag:s5] =	ssyncset.done $0x0  }
0x19: {  	s7 =	sadd.s32 $0x1800, s12;
	[sflag:s5] =	ssyncadd.s32 $0xFFFFE800  }
0x1a: {  	[spmem:s7] =	stream.linear.scatter [tilespmem:s6], [sflag:$0x3], $0x1800, $0x38;
	[tilespmem:$0x1B080] =	vst v63  }
0x1b: {  	_ =	swait.ge [sflag:s5], $0x1800  }
0x1c: {  	[sflag:s5] =	ssyncset.done $0x0  }
0x1d: {  	s13 =	sadd.s32 $0x3000, s12;
	[sflag:s5] =	ssyncadd.s32 $0xFFFFE800  }
0x1e: {  	[spmem:s13] =	stream.linear.scatter [tilespmem:s6], [sflag:$0x3], $0x1800, $0x38;
	[tilespmem:$0x1B080] =	vst v63  }
0x1f: {  	_ =	swait.ge [sflag:s5], $0x1800  }
0x20: {  	[sflag:s5] =	ssyncset.done $0x0  }
0x21: {  	s14 =	sadd.s32 $0x4800, s12;
	[sflag:s5] =	ssyncadd.s32 $0xFFFFE800  }
0x22: {  	[spmem:s14] =	stream.linear.scatter [tilespmem:s6], [sflag:$0x3], $0x1800, $0x38;
	[tilespmem:$0x1B080] =	vst v63  }
0x23: {  	_ =	swait.ge [sflag:s5], $0x1800  }
0x24: {  	[sflag:s5] =	ssyncset.done $0x0  }
0x25: {  	s15 =	sadd.s32 $0x6000, s12;
	[sflag:s5] =	ssyncadd.s32 $0xFFFFE800  }
0x26: {  	[spmem:s15] =	stream.linear.scatter [tilespmem:s6], [sflag:$0x3], $0x1800, $0x38;
	[tilespmem:$0x1B080] =	vst v63  }
0x27: {  	_ =	swait.ge [sflag:s5], $0x1800  }
0x28: {  	[sflag:s5] =	ssyncset.done $0x0  }
0x29: {  	s16 =	sadd.s32 $0x7800, s12;
	[sflag:s5] =	ssyncadd.s32 $0xFFFFE800  }
0x2a: {  	[spmem:s16] =	stream.linear.scatter [tilespmem:s6], [sflag:$0x3], $0x1800, $0x38;
	[tilespmem:$0x1B080] =	vst v63  }
0x2b: {  	_ =	swait.ge [sflag:s5], $0x1800  }
0x2c: {  	[sflag:s5] =	ssyncset.done $0x0  }
0x2d: {  	s17 =	sadd.s32 $0x9000, s12;
	[sflag:s5] =	ssyncadd.s32 $0xFFFFE800  }
0x2e: {  	[spmem:s17] =	stream.linear.scatter [tilespmem:s6], [sflag:$0x3], $0x1800, $0x38;
	[tilespmem:$0x1B080] =	vst v63  }
0x2f: {  	_ =	swait.ge [sflag:s5], $0x1800  }
0x30: {  	[sflag:s5] =	ssyncset.done $0x0  }
0x31: {  	s18 =	sadd.s32 $0xA800, s12;
	[sflag:s5] =	ssyncadd.s32 $0xFFFFE800  }
0x32: {  	[spmem:s18] =	stream.linear.scatter [tilespmem:s6], [sflag:$0x3], $0x1800, $0x38;
	[tilespmem:$0x1B080] =	vst v63  }
0x33: {  	_ =	swait.ge [sflag:s5], $0x1800  }
0x34: {  	[sflag:s5] =	ssyncset.done $0x0  }
0x35: {  	s19 =	sadd.s32 $0xC000, s12;
	[sflag:s5] =	ssyncadd.s32 $0xFFFFE800  }
0x36: {  	[spmem:s19] =	stream.linear.scatter [tilespmem:s6], [sflag:$0x3], $0x1800, $0x38;
	[tilespmem:$0x1B080] =	vst v63  }
0x37: {  	_ =	swait.ge [sflag:s5], $0x1800  }
0x38: {  	[sflag:s5] =	ssyncset.done $0x0  }
0x39: {  	s20 =	sadd.s32 $0xD800, s12;
	[sflag:s5] =	ssyncadd.s32 $0xFFFFE800  }
0x3a: {  	[spmem:s20] =	stream.linear.scatter [tilespmem:s6], [sflag:$0x3], $0x1800, $0x38;
	[tilespmem:$0x1B080] =	vst v63  }
0x3b: {  	_ =	swait.ge [sflag:s5], $0x1800  }
0x3c: {  	[sflag:s5] =	ssyncset.done $0x0  }
0x3d: {  	s21 =	sadd.s32 $0xF000, s12;
	[sflag:s5] =	ssyncadd.s32 $0xFFFFE800  }
0x3e: {  	[spmem:s21] =	stream.linear.scatter [tilespmem:s6], [sflag:$0x3], $0x1800, $0x38;
	[tilespmem:$0x1B080] =	vst v63  }
0x3f: {  	_ =	swait.ge [sflag:s5], $0x1800  }
0x40: {  	[sflag:s5] =	ssyncset.done $0x0  }
0x41: {  	s22 =	sadd.s32 $0x10800, s12;
	[sflag:s5] =	ssyncadd.s32 $0xFFFFE800  }
0x42: {  	[spmem:s22] =	stream.linear.scatter [tilespmem:s6], [sflag:$0x3], $0x1800, $0x38;
	[tilespmem:$0x1B080] =	vst v63  }
0x43: {  	_ =	swait.ge [sflag:s5], $0x1800  }
0x44: {  	[sflag:s5] =	ssyncset.done $0x0  }
0x45: {  	s23 =	sadd.s32 $0x12000, s12;
	[dreg:$0x6] =	wrdreg s12;
	[sflag:s5] =	ssyncadd.s32 $0xFFFFE800  }
0x46: {  	[spmem:s23] =	stream.linear.scatter [tilespmem:s6], [sflag:$0x3], $0x1800, $0x38;
	[tilespmem:$0x1B080] =	vst v63  }
0x47: {  	s8 =	stileid.u32;
	_ =	swait.ge [sflag:s5], $0x1800  }
0x48: {  	p0 =	sne.s32 s8, $0xF;
	[sflag:s5] =	ssyncset.done $0x0  }
0x49: {  	s4 =	sadd.s32 $0x138000, s2;
	s7 =	simm.s32 @!p0 $0x1000;
	[sflag:s5] =	ssyncadd.s32 $0xFFFFE800  }
0x4a: {  	[spmem:s4] =	stream.linear.scatter @!p0 [tilespmem:s7], [sflag:$0x3], $0x800, $0x38;
	[tilespmem:$0x1B080] =	vst v63  }
0x4b: {  	[dreg:$0x7] =	wrdreg s4;
	s7 =	simm.s32 @!p0 $0x3  }
0x4c: {  	_ =	swait.ge @!p0 [sflag:s7], $0x800  }
0x4d: {  	s8 =	smul.u32 $0x1400, s8;
	[sflag:s7] =	ssyncset.done @!p0 $0x0  }
0x4e: {  	[sflag:s7] =	ssyncadd.s32 @!p0 $0xFFFFF800  }
0x4f: {  	s1 =	sadd.s32 s8, s1;
	[bflag:$0x0] =	sbarrier.arrive $0xFFFF  }
0x50: {  	s0 =	sadd.s32 s8, s0;
	[dreg:$0x4] =	wrdreg s1  }
0x51: {  	[dreg:$0x3] =	wrdreg s0  }
0x52: {  	s24 =	simm.s32 $0x80;
	s1 =	rddreg [dreg:$0x4]  }
0x53: {  	s12 =	simm.s32 $0x0;
	[dreg:$0x5] =	wrdreg s24;
	s25 =	sadd.s32 $0x0, s1  }
0x54: {  	[tilespmem:s12], [sflag:$0x3] =	stream.linear.gather [hbm4b:s25+s12], $0x500, $0x38;
	[tilespmem:$0x1B080] =	vst v63  }
0x55: {  	_ =	swait.ge [sflag:s5], $0x500  }
0x56: {  	s26 =	rddreg [dreg:$0x3];
	[sflag:s5] =	ssyncset.done $0x0  }
0x57: {  	s13 =	simm.s32 $0x800;
	[sflag:s5] =	ssyncadd.s32 $0xFFFFFB00;
	s0 =	sadd.s32 $0x0, s26  }
0x58: {  	[tilespmem:s13], [sflag:$0x3] =	stream.linear.gather [hbm4b:s0+s12], $0x500, $0x38;
	[tilespmem:$0x1B080] =	vst v63  }
0x59: {  	_ =	swait.ge [sflag:s5], $0x500  }
0x5a: {  	[sflag:s5] =	ssyncset.done $0x0  }
0x5b: {  	s10 =	simm.s32 $0x1;
	s8 =	simm.s32 $0x64;
	[sflag:s5] =	ssyncadd.s32 $0xFFFFFB00  }
0x5c: {  	[tilespmem:s6], [sflag:$0x1] =	stream.indirect.gather [hbm4b:s3+s8], $0x80, s12, s8, $0xb8;
	[tilespmem:$0x1B080] =	vst v63  }
0x5d: {  	_ =	swait.ge [sflag:s10], $0x3200  }
0x5e: {  	[sflag:s10] =	ssyncset.done $0x0  }
0x5f: {  	s9 =	simm.s32 $0x4400;
	s1 =	rddreg [dreg:$0x5];
	[sflag:s10] =	ssyncadd.s32 $0xFFFFCE00  }
0x60: {  	[tilespmem:s9], [sflag:$0x2] =	stream.indirect.gather [hbm4b:s3+s8], $0x80, s1, s8, $0xb8;
	[tilespmem:$0x1B080] =	vst v63  }
0x61: {  	_ = 	snop  }
0x62: {  	[spmem:s2] =	stream.indirect.scatter.add.f32 [tilespmem:s6], [sflag:$0x3], $0x80, s13, s8, $0xb8;
	[tilespmem:$0x1B080] =	vst v63  }
0x63: {  	_ =	swait.ge [sflag:s5], $0x3200  }
0x64: {  	[sflag:s5] =	ssyncset.done $0x0  }
0x65: {  	s11 =	simm.s32 $0x2;
	[sflag:s5] =	ssyncadd.s32 $0xFFFFCE00  }
0x66: {  	_ =	swait.ge [sflag:s11], $0x3200  }
0x67: {  	[sflag:s11] =	ssyncset.done $0x0  }
0x68: {  	s14 =	simm.s32 $0x100;
	[sflag:s11] =	ssyncadd.s32 $0xFFFFCE00  }
0x69: {  	[tilespmem:s6], [sflag:$0x1] =	stream.indirect.gather [hbm4b:s3+s8], $0x80, s14, s8, $0xb8;
	[tilespmem:$0x1B080] =	vst v63  }
0x6a: {  	s15 =	simm.s32 $0x880  }
0x6b: {  	[spmem:s2] =	stream.indirect.scatter.add.f32 [tilespmem:s9], [sflag:$0x3], $0x80, s15, s8, $0xb8;
	[tilespmem:$0x1B080] =	vst v63  }
0x6c: {  	_ =	swait.ge [sflag:s5], $0x3200  }
0x6d: {  	[sflag:s5] =	ssyncset.done $0x0  }
0x6e: {  	[sflag:s5] =	ssyncadd.s32 $0xFFFFCE00  }
0x6f: {  	_ =	swait.ge [sflag:s10], $0x3200  }
0x70: {  	[sflag:s10] =	ssyncset.done $0x0  }
0x71: {  	s16 =	simm.s32 $0x180;
	[sflag:s10] =	ssyncadd.s32 $0xFFFFCE00  }
0x72: {  	[tilespmem:s9], [sflag:$0x2] =	stream.indirect.gather [hbm4b:s3+s8], $0x80, s16, s8, $0xb8;
	[tilespmem:$0x1B080] =	vst v63  }
0x73: {  	s17 =	simm.s32 $0x900  }
0x74: {  	[spmem:s2] =	stream.indirect.scatter.add.f32 [tilespmem:s6], [sflag:$0x3], $0x80, s17, s8, $0xb8;
	[tilespmem:$0x1B080] =	vst v63  }
0x75: {  	_ =	swait.ge [sflag:s5], $0x3200  }
0x76: {  	[sflag:s5] =	ssyncset.done $0x0  }
0x77: {  	[sflag:s5] =	ssyncadd.s32 $0xFFFFCE00  }
0x78: {  	_ =	swait.ge [sflag:s11], $0x3200  }
0x79: {  	[sflag:s11] =	ssyncset.done $0x0  }
0x7a: {  	s18 =	simm.s32 $0x200;
	[sflag:s11] =	ssyncadd.s32 $0xFFFFCE00  }
0x7b: {  	[tilespmem:s6], [sflag:$0x1] =	stream.indirect.gather [hbm4b:s3+s8], $0x80, s18, s8, $0xb8;
	[tilespmem:$0x1B080] =	vst v63  }
0x7c: {  	s19 =	simm.s32 $0x980  }
0x7d: {  	[spmem:s2] =	stream.indirect.scatter.add.f32 [tilespmem:s9], [sflag:$0x3], $0x80, s19, s8, $0xb8;
	[tilespmem:$0x1B080] =	vst v63  }
0x7e: {  	_ =	swait.ge [sflag:s5], $0x3200  }
0x7f: {  	[sflag:s5] =	ssyncset.done $0x0  }
0x80: {  	[sflag:s5] =	ssyncadd.s32 $0xFFFFCE00  }
0x81: {  	_ =	swait.ge [sflag:s10], $0x3200  }
0x82: {  	[sflag:s10] =	ssyncset.done $0x0  }
0x83: {  	s20 =	simm.s32 $0x280;
	[sflag:s10] =	ssyncadd.s32 $0xFFFFCE00  }
0x84: {  	[tilespmem:s9], [sflag:$0x2] =	stream.indirect.gather [hbm4b:s3+s8], $0x80, s20, s8, $0xb8;
	[tilespmem:$0x1B080] =	vst v63  }
0x85: {  	s22 =	simm.s32 $0xA00  }
0x86: {  	[spmem:s2] =	stream.indirect.scatter.add.f32 [tilespmem:s6], [sflag:$0x3], $0x80, s22, s8, $0xb8;
	[tilespmem:$0x1B080] =	vst v63  }
0x87: {  	_ =	swait.ge [sflag:s5], $0x3200  }
0x88: {  	[sflag:s5] =	ssyncset.done $0x0  }
0x89: {  	[sflag:s5] =	ssyncadd.s32 $0xFFFFCE00  }
0x8a: {  	_ =	swait.ge [sflag:s11], $0x3200  }
0x8b: {  	[sflag:s11] =	ssyncset.done $0x0  }
0x8c: {  	s23 =	simm.s32 $0x300;
	[sflag:s11] =	ssyncadd.s32 $0xFFFFCE00  }
0x8d: {  	[tilespmem:s6], [sflag:$0x1] =	stream.indirect.gather [hbm4b:s3+s8], $0x80, s23, s8, $0xb8;
	[tilespmem:$0x1B080] =	vst v63  }
0x8e: {  	s24 =	simm.s32 $0xA80  }
0x8f: {  	[spmem:s2] =	stream.indirect.scatter.add.f32 [tilespmem:s9], [sflag:$0x3], $0x80, s24, s8, $0xb8;
	[tilespmem:$0x1B080] =	vst v63  }
0x90: {  	_ =	swait.ge [sflag:s5], $0x3200  }
0x91: {  	[sflag:s5] =	ssyncset.done $0x0  }
0x92: {  	[sflag:s5] =	ssyncadd.s32 $0xFFFFCE00  }
0x93: {  	_ =	swait.ge [sflag:s10], $0x3200  }
0x94: {  	[sflag:s10] =	ssyncset.done $0x0  }
0x95: {  	s25 =	simm.s32 $0x380;
	[sflag:s10] =	ssyncadd.s32 $0xFFFFCE00  }
0x96: {  	[tilespmem:s9], [sflag:$0x2] =	stream.indirect.gather [hbm4b:s3+s8], $0x80, s25, s8, $0xb8;
	[tilespmem:$0x1B080] =	vst v63  }
0x97: {  	s26 =	simm.s32 $0xB00  }
0x98: {  	[spmem:s2] =	stream.indirect.scatter.add.f32 [tilespmem:s6], [sflag:$0x3], $0x80, s26, s8, $0xb8;
	[tilespmem:$0x1B080] =	vst v63  }
0x99: {  	_ =	swait.ge [sflag:s5], $0x3200  }
0x9a: {  	[sflag:s5] =	ssyncset.done $0x0  }
0x9b: {  	[sflag:s5] =	ssyncadd.s32 $0xFFFFCE00  }
0x9c: {  	_ =	swait.ge [sflag:s11], $0x3200  }
0x9d: {  	[sflag:s11] =	ssyncset.done $0x0  }
0x9e: {  	s28 =	simm.s32 $0x400;
	[sflag:s11] =	ssyncadd.s32 $0xFFFFCE00  }
0x9f: {  	[tilespmem:s6], [sflag:$0x1] =	stream.indirect.gather [hbm4b:s3+s8], $0x80, s28, s8, $0xb8;
	[tilespmem:$0x1B080] =	vst v63  }
0xa0: {  	s30 =	simm.s32 $0xB80  }
0xa1: {  	[spmem:s2] =	stream.indirect.scatter.add.f32 [tilespmem:s9], [sflag:$0x3], $0x80, s30, s8, $0xb8;
	[tilespmem:$0x1B080] =	vst v63  }
0xa2: {  	_ =	swait.ge [sflag:s5], $0x3200  }
0xa3: {  	[sflag:s5] =	ssyncset.done $0x0  }
0xa4: {  	[sflag:s5] =	ssyncadd.s32 $0xFFFFCE00  }
0xa5: {  	_ =	swait.ge [sflag:s10], $0x3200  }
0xa6: {  	[sflag:s10] =	ssyncset.done $0x0  }
0xa7: {  	s31 =	simm.s32 $0x480;
	[sflag:s10] =	ssyncadd.s32 $0xFFFFCE00  }
0xa8: {  	[tilespmem:s9], [sflag:$0x2] =	stream.indirect.gather [hbm4b:s3+s8], $0x80, s31, s8, $0xb8;
	[tilespmem:$0x1B080] =	vst v63  }
0xa9: {  	s0 =	simm.s32 $0xC00  }
0xaa: {  	[spmem:s2] =	stream.indirect.scatter.add.f32 [tilespmem:s6], [sflag:$0x3], $0x80, s0, s8, $0xb8;
	[tilespmem:$0x1B080] =	vst v63  }
0xab: {  	_ =	swait.ge [sflag:s5], $0x3200  }
0xac: {  	[sflag:s5] =	ssyncset.done $0x0  }
0xad: {  	s4 =	stileid.u32;
	[sflag:s5] =	ssyncadd.s32 $0xFFFFCE00  }
0xae: {  	s4 =	smul.u32 $0x2700, s4;
	_ =	swait.ge [sflag:s11], $0x3200  }
0xaf: {  	[sflag:s11] =	ssyncset.done $0x0  }
0xb0: {  	s21 =	simm.s32 $0xC80;
	s1 =	sadd.s32 s29, s4;
	[sflag:s11] =	ssyncadd.s32 $0xFFFFCE00  }
0xb1: {  	[spmem:s2] =	stream.indirect.scatter.add.f32 [tilespmem:s9], [sflag:$0x3], $0x80, s21, s8, $0xb8;
	[tilespmem:$0x1B080] =	vst v63  }
0xb2: {  	s7 =	sadd.s32 $0x27000, s29;
	_ =	swait.ge [sflag:s5], $0x3200;
	[dreg:$0x9] =	wrdreg s1  }
0xb3: {  	s29 =	simm.s32 $0x100;
	[dreg:$0x8] =	wrdreg s7  }
0xb4: {  	s1 =	simm.s32 $0x200;
	[sflag:s5] =	ssyncset.done $0x0;
	s7 =	rddreg [dreg:$0x4]  }
.LBB2_3:
0xb5: {  	[sflag:s5] =	ssyncadd.s32 $0xFFFFCE00;
	s7 =	sadd.s32 s29, s7  }
0xb6: {  	[tilespmem:s12], [sflag:$0x3] =	stream.linear.gather [hbm4b:s7+s12], $0x500, $0x38;
	[tilespmem:$0x1B080] =	vst v63  }
0xb7: {  	_ =	swait.ge [sflag:s5], $0x500  }
0xb8: {  	s7 =	rddreg [dreg:$0x3];
	[sflag:s5] =	ssyncset.done $0x0  }
0xb9: {  	[sflag:s5] =	ssyncadd.s32 $0xFFFFFB00;
	s7 =	sadd.s32 s29, s7  }
0xba: {  	[tilespmem:s13], [sflag:$0x3] =	stream.linear.gather [hbm4b:s7+s12], $0x500, $0x38;
	[tilespmem:$0x1B080] =	vst v63  }
0xbb: {  	_ =	swait.ge [sflag:s5], $0x500  }
0xbc: {  	[sflag:s5] =	ssyncset.done $0x0  }
0xbd: {  	[sflag:s5] =	ssyncadd.s32 $0xFFFFFB00  }
0xbe: {  	[tilespmem:s6], [sflag:$0x1] =	stream.indirect.gather [hbm4b:s3+s8], $0x80, s12, s8, $0xb8;
	[tilespmem:$0x1B080] =	vst v63  }
0xbf: {  	_ =	swait.ge [sflag:s10], $0x3200  }
0xc0: {  	[sflag:s10] =	ssyncset.done $0x0  }
0xc1: {  	s7 =	rddreg [dreg:$0x5];
	[sflag:s10] =	ssyncadd.s32 $0xFFFFCE00  }
0xc2: {  	[tilespmem:s9], [sflag:$0x2] =	stream.indirect.gather [hbm4b:s3+s8], $0x80, s7, s8, $0xb8;
	[tilespmem:$0x1B080] =	vst v63  }
0xc3: {  	_ = 	snop  }
0xc4: {  	[spmem:s2] =	stream.indirect.scatter.add.f32 [tilespmem:s6], [sflag:$0x3], $0x80, s13, s8, $0xb8;
	[tilespmem:$0x1B080] =	vst v63  }
0xc5: {  	_ =	swait.ge [sflag:s5], $0x3200  }
0xc6: {  	[sflag:s5] =	ssyncset.done $0x0  }
0xc7: {  	[sflag:s5] =	ssyncadd.s32 $0xFFFFCE00  }
0xc8: {  	_ =	swait.ge [sflag:s11], $0x3200  }
0xc9: {  	[sflag:s11] =	ssyncset.done $0x0  }
0xca: {  	[sflag:s11] =	ssyncadd.s32 $0xFFFFCE00  }
0xcb: {  	[tilespmem:s6], [sflag:$0x1] =	stream.indirect.gather [hbm4b:s3+s8], $0x80, s14, s8, $0xb8;
	[tilespmem:$0x1B080] =	vst v63  }
0xcc: {  	_ = 	snop  }
0xcd: {  	[spmem:s2] =	stream.indirect.scatter.add.f32 [tilespmem:s9], [sflag:$0x3], $0x80, s15, s8, $0xb8;
	[tilespmem:$0x1B080] =	vst v63  }
0xce: {  	_ =	swait.ge [sflag:s5], $0x3200  }
0xcf: {  	[sflag:s5] =	ssyncset.done $0x0  }
0xd0: {  	[sflag:s5] =	ssyncadd.s32 $0xFFFFCE00  }
0xd1: {  	_ =	swait.ge [sflag:s10], $0x3200  }
0xd2: {  	[sflag:s10] =	ssyncset.done $0x0  }
0xd3: {  	[sflag:s10] =	ssyncadd.s32 $0xFFFFCE00  }
0xd4: {  	[tilespmem:s9], [sflag:$0x2] =	stream.indirect.gather [hbm4b:s3+s8], $0x80, s16, s8, $0xb8;
	[tilespmem:$0x1B080] =	vst v63  }
0xd5: {  	_ = 	snop  }
0xd6: {  	[spmem:s2] =	stream.indirect.scatter.add.f32 [tilespmem:s6], [sflag:$0x3], $0x80, s17, s8, $0xb8;
	[tilespmem:$0x1B080] =	vst v63  }
0xd7: {  	_ =	swait.ge [sflag:s5], $0x3200  }
0xd8: {  	[sflag:s5] =	ssyncset.done $0x0  }
0xd9: {  	[sflag:s5] =	ssyncadd.s32 $0xFFFFCE00  }
0xda: {  	_ =	swait.ge [sflag:s11], $0x3200  }
0xdb: {  	[sflag:s11] =	ssyncset.done $0x0  }
0xdc: {  	[sflag:s11] =	ssyncadd.s32 $0xFFFFCE00  }
0xdd: {  	[tilespmem:s6], [sflag:$0x1] =	stream.indirect.gather [hbm4b:s3+s8], $0x80, s18, s8, $0xb8;
	[tilespmem:$0x1B080] =	vst v63  }
0xde: {  	_ = 	snop  }
0xdf: {  	[spmem:s2] =	stream.indirect.scatter.add.f32 [tilespmem:s9], [sflag:$0x3], $0x80, s19, s8, $0xb8;
	[tilespmem:$0x1B080] =	vst v63  }
0xe0: {  	_ =	swait.ge [sflag:s5], $0x3200  }
0xe1: {  	[sflag:s5] =	ssyncset.done $0x0  }
0xe2: {  	[sflag:s5] =	ssyncadd.s32 $0xFFFFCE00  }
0xe3: {  	_ =	swait.ge [sflag:s10], $0x3200  }
0xe4: {  	[sflag:s10] =	ssyncset.done $0x0  }
0xe5: {  	[sflag:s10] =	ssyncadd.s32 $0xFFFFCE00  }
0xe6: {  	[tilespmem:s9], [sflag:$0x2] =	stream.indirect.gather [hbm4b:s3+s8], $0x80, s20, s8, $0xb8;
	[tilespmem:$0x1B080] =	vst v63  }
0xe7: {  	_ = 	snop  }
0xe8: {  	[spmem:s2] =	stream.indirect.scatter.add.f32 [tilespmem:s6], [sflag:$0x3], $0x80, s22, s8, $0xb8;
	[tilespmem:$0x1B080] =	vst v63  }
0xe9: {  	_ =	swait.ge [sflag:s5], $0x3200  }
0xea: {  	[sflag:s5] =	ssyncset.done $0x0  }
0xeb: {  	[sflag:s5] =	ssyncadd.s32 $0xFFFFCE00  }
0xec: {  	_ =	swait.ge [sflag:s11], $0x3200  }
0xed: {  	[sflag:s11] =	ssyncset.done $0x0  }
0xee: {  	[sflag:s11] =	ssyncadd.s32 $0xFFFFCE00  }
0xef: {  	[tilespmem:s6], [sflag:$0x1] =	stream.indirect.gather [hbm4b:s3+s8], $0x80, s23, s8, $0xb8;
	[tilespmem:$0x1B080] =	vst v63  }
0xf0: {  	_ = 	snop  }
0xf1: {  	[spmem:s2] =	stream.indirect.scatter.add.f32 [tilespmem:s9], [sflag:$0x3], $0x80, s24, s8, $0xb8;
	[tilespmem:$0x1B080] =	vst v63  }
0xf2: {  	_ =	swait.ge [sflag:s5], $0x3200  }
0xf3: {  	[sflag:s5] =	ssyncset.done $0x0  }
0xf4: {  	[sflag:s5] =	ssyncadd.s32 $0xFFFFCE00  }
0xf5: {  	_ =	swait.ge [sflag:s10], $0x3200  }
0xf6: {  	[sflag:s10] =	ssyncset.done $0x0  }
0xf7: {  	[sflag:s10] =	ssyncadd.s32 $0xFFFFCE00  }
0xf8: {  	[tilespmem:s9], [sflag:$0x2] =	stream.indirect.gather [hbm4b:s3+s8], $0x80, s25, s8, $0xb8;
	[tilespmem:$0x1B080] =	vst v63  }
0xf9: {  	_ = 	snop  }
0xfa: {  	[spmem:s2] =	stream.indirect.scatter.add.f32 [tilespmem:s6], [sflag:$0x3], $0x80, s26, s8, $0xb8;
	[tilespmem:$0x1B080] =	vst v63  }
0xfb: {  	_ =	swait.ge [sflag:s5], $0x3200  }
0xfc: {  	[sflag:s5] =	ssyncset.done $0x0  }
0xfd: {  	[sflag:s5] =	ssyncadd.s32 $0xFFFFCE00  }
0xfe: {  	_ =	swait.ge [sflag:s11], $0x3200  }
0xff: {  	[sflag:s11] =	ssyncset.done $0x0  }
0x100: {  	[sflag:s11] =	ssyncadd.s32 $0xFFFFCE00  }
0x101: {  	[tilespmem:s6], [sflag:$0x1] =	stream.indirect.gather [hbm4b:s3+s8], $0x80, s28, s8, $0xb8;
	[tilespmem:$0x1B080] =	vst v63  }
0x102: {  	_ = 	snop  }
0x103: {  	[spmem:s2] =	stream.indirect.scatter.add.f32 [tilespmem:s9], [sflag:$0x3], $0x80, s30, s8, $0xb8;
	[tilespmem:$0x1B080] =	vst v63  }
0x104: {  	_ =	swait.ge [sflag:s5], $0x3200  }
0x105: {  	[sflag:s5] =	ssyncset.done $0x0  }
0x106: {  	[sflag:s5] =	ssyncadd.s32 $0xFFFFCE00  }
0x107: {  	_ =	swait.ge [sflag:s10], $0x3200  }
0x108: {  	[sflag:s10] =	ssyncset.done $0x0  }
0x109: {  	[sflag:s10] =	ssyncadd.s32 $0xFFFFCE00  }
0x10a: {  	[tilespmem:s9], [sflag:$0x2] =	stream.indirect.gather [hbm4b:s3+s8], $0x80, s31, s8, $0xb8;
	[tilespmem:$0x1B080] =	vst v63  }
0x10b: {  	_ = 	snop  }
0x10c: {  	[spmem:s2] =	stream.indirect.scatter.add.f32 [tilespmem:s6], [sflag:$0x3], $0x80, s0, s8, $0xb8;
	[tilespmem:$0x1B080] =	vst v63  }
0x10d: {  	_ =	swait.ge [sflag:s5], $0x3200  }
0x10e: {  	[sflag:s5] =	ssyncset.done $0x0  }
0x10f: {  	[sflag:s5] =	ssyncadd.s32 $0xFFFFCE00  }
0x110: {  	p1 =	sne.s32 s1, $0x1300;
	_ =	swait.ge [sflag:s11], $0x3200  }
.Ltmp1:
0x111: {  	[sflag:s11] =	ssyncset.done $0x0;
	(pc) =	sbr.rel @p1 .LBB2_3-.Ltmp1, $4  }
0x112: {  	[sflag:s11] =	ssyncadd.s32 $0xFFFFCE00  }
0x113: {  	[spmem:s2] =	stream.indirect.scatter.add.f32 [tilespmem:s9], [sflag:$0x3], $0x80, s21, s8, $0xb8;
	[tilespmem:$0x1B080] =	vst v63  }
0x114: {  	s4 =	smov.u32 s1;
	s1 =	sadd.s32 $0x100, s1;
	_ =	swait.ge [sflag:s5], $0x3200  }
0x115: {  	s29 =	smov.u32 s4;
	s7 =	rddreg [dreg:$0x4];
	[sflag:s5] =	ssyncset.done $0x0  }
0x116: {  	[sflag:s5] =	ssyncadd.s32 $0xFFFFCE00;
	s1 =	sadd.s32 s29, s7  }
0x117: {  	[tilespmem:s12], [sflag:$0x3] =	stream.linear.gather [hbm4b:s1+s12], $0x500, $0x38;
	[tilespmem:$0x1B080] =	vst v63  }
0x118: {  	_ =	swait.ge [sflag:s5], $0x500  }
0x119: {  	s7 =	rddreg [dreg:$0x3];
	[sflag:s5] =	ssyncset.done $0x0  }
0x11a: {  	s1 =	sadd.s32 s29, s7;
	[sflag:s5] =	ssyncadd.s32 $0xFFFFFB00  }
0x11b: {  	[tilespmem:s13], [sflag:$0x3] =	stream.linear.gather [hbm4b:s1+s12], $0x500, $0x38;
	[tilespmem:$0x1B080] =	vst v63  }
0x11c: {  	_ =	swait.ge [sflag:s5], $0x500  }
0x11d: {  	[sflag:s5] =	ssyncset.done $0x0  }
0x11e: {  	[sflag:s5] =	ssyncadd.s32 $0xFFFFFB00  }
0x11f: {  	[tilespmem:s6], [sflag:$0x1] =	stream.indirect.gather [hbm4b:s3+s8], $0x80, s12, s8, $0xb8;
	[tilespmem:$0x1B080] =	vst v63  }
0x120: {  	_ =	swait.ge [sflag:s10], $0x3200  }
0x121: {  	[sflag:s10] =	ssyncset.done $0x0  }
0x122: {  	s12 =	rddreg [dreg:$0x5];
	[sflag:s10] =	ssyncadd.s32 $0xFFFFCE00  }
0x123: {  	[tilespmem:s9], [sflag:$0x2] =	stream.indirect.gather [hbm4b:s3+s8], $0x80, s12, s8, $0xb8;
	[tilespmem:$0x1B080] =	vst v63  }
0x124: {  	_ = 	snop  }
0x125: {  	[spmem:s2] =	stream.indirect.scatter.add.f32 [tilespmem:s6], [sflag:$0x3], $0x80, s13, s8, $0xb8;
	[tilespmem:$0x1B080] =	vst v63  }
0x126: {  	_ =	swait.ge [sflag:s5], $0x3200  }
0x127: {  	[sflag:s5] =	ssyncset.done $0x0  }
0x128: {  	[sflag:s5] =	ssyncadd.s32 $0xFFFFCE00  }
0x129: {  	_ =	swait.ge [sflag:s11], $0x3200  }
0x12a: {  	[sflag:s11] =	ssyncset.done $0x0  }
0x12b: {  	[sflag:s11] =	ssyncadd.s32 $0xFFFFCE00  }
0x12c: {  	[tilespmem:s6], [sflag:$0x1] =	stream.indirect.gather [hbm4b:s3+s8], $0x80, s14, s8, $0xb8;
	[tilespmem:$0x1B080] =	vst v63  }
0x12d: {  	_ = 	snop  }
0x12e: {  	[spmem:s2] =	stream.indirect.scatter.add.f32 [tilespmem:s9], [sflag:$0x3], $0x80, s15, s8, $0xb8;
	[tilespmem:$0x1B080] =	vst v63  }
0x12f: {  	_ =	swait.ge [sflag:s5], $0x3200  }
0x130: {  	[sflag:s5] =	ssyncset.done $0x0  }
0x131: {  	[sflag:s5] =	ssyncadd.s32 $0xFFFFCE00  }
0x132: {  	_ =	swait.ge [sflag:s10], $0x3200  }
0x133: {  	[sflag:s10] =	ssyncset.done $0x0  }
0x134: {  	[sflag:s10] =	ssyncadd.s32 $0xFFFFCE00  }
0x135: {  	[tilespmem:s9], [sflag:$0x2] =	stream.indirect.gather [hbm4b:s3+s8], $0x80, s16, s8, $0xb8;
	[tilespmem:$0x1B080] =	vst v63  }
0x136: {  	_ = 	snop  }
0x137: {  	[spmem:s2] =	stream.indirect.scatter.add.f32 [tilespmem:s6], [sflag:$0x3], $0x80, s17, s8, $0xb8;
	[tilespmem:$0x1B080] =	vst v63  }
0x138: {  	_ =	swait.ge [sflag:s5], $0x3200  }
0x139: {  	[sflag:s5] =	ssyncset.done $0x0  }
0x13a: {  	[sflag:s5] =	ssyncadd.s32 $0xFFFFCE00  }
0x13b: {  	_ =	swait.ge [sflag:s11], $0x3200  }
0x13c: {  	[sflag:s11] =	ssyncset.done $0x0  }
0x13d: {  	[sflag:s11] =	ssyncadd.s32 $0xFFFFCE00  }
0x13e: {  	[tilespmem:s6], [sflag:$0x1] =	stream.indirect.gather [hbm4b:s3+s8], $0x80, s18, s8, $0xb8;
	[tilespmem:$0x1B080] =	vst v63  }
0x13f: {  	_ = 	snop  }
0x140: {  	[spmem:s2] =	stream.indirect.scatter.add.f32 [tilespmem:s9], [sflag:$0x3], $0x80, s19, s8, $0xb8;
	[tilespmem:$0x1B080] =	vst v63  }
0x141: {  	_ =	swait.ge [sflag:s5], $0x3200  }
0x142: {  	[sflag:s5] =	ssyncset.done $0x0  }
0x143: {  	[sflag:s5] =	ssyncadd.s32 $0xFFFFCE00  }
0x144: {  	_ =	swait.ge [sflag:s10], $0x3200  }
0x145: {  	[sflag:s10] =	ssyncset.done $0x0  }
0x146: {  	[sflag:s10] =	ssyncadd.s32 $0xFFFFCE00  }
0x147: {  	[tilespmem:s9], [sflag:$0x2] =	stream.indirect.gather [hbm4b:s3+s8], $0x80, s20, s8, $0xb8;
	[tilespmem:$0x1B080] =	vst v63  }
0x148: {  	_ = 	snop  }
0x149: {  	[spmem:s2] =	stream.indirect.scatter.add.f32 [tilespmem:s6], [sflag:$0x3], $0x80, s22, s8, $0xb8;
	[tilespmem:$0x1B080] =	vst v63  }
0x14a: {  	_ =	swait.ge [sflag:s5], $0x3200  }
0x14b: {  	[sflag:s5] =	ssyncset.done $0x0  }
0x14c: {  	[sflag:s5] =	ssyncadd.s32 $0xFFFFCE00  }
0x14d: {  	_ =	swait.ge [sflag:s11], $0x3200  }
0x14e: {  	[sflag:s11] =	ssyncset.done $0x0  }
0x14f: {  	[sflag:s11] =	ssyncadd.s32 $0xFFFFCE00  }
0x150: {  	[tilespmem:s6], [sflag:$0x1] =	stream.indirect.gather [hbm4b:s3+s8], $0x80, s23, s8, $0xb8;
	[tilespmem:$0x1B080] =	vst v63  }
0x151: {  	_ = 	snop  }
0x152: {  	[spmem:s2] =	stream.indirect.scatter.add.f32 [tilespmem:s9], [sflag:$0x3], $0x80, s24, s8, $0xb8;
	[tilespmem:$0x1B080] =	vst v63  }
0x153: {  	_ =	swait.ge [sflag:s5], $0x3200  }
0x154: {  	[sflag:s5] =	ssyncset.done $0x0  }
0x155: {  	[sflag:s5] =	ssyncadd.s32 $0xFFFFCE00  }
0x156: {  	_ =	swait.ge [sflag:s10], $0x3200  }
0x157: {  	[sflag:s10] =	ssyncset.done $0x0  }
0x158: {  	[sflag:s10] =	ssyncadd.s32 $0xFFFFCE00  }
0x159: {  	[tilespmem:s9], [sflag:$0x2] =	stream.indirect.gather [hbm4b:s3+s8], $0x80, s25, s8, $0xb8;
	[tilespmem:$0x1B080] =	vst v63  }
0x15a: {  	_ = 	snop  }
0x15b: {  	[spmem:s2] =	stream.indirect.scatter.add.f32 [tilespmem:s6], [sflag:$0x3], $0x80, s26, s8, $0xb8;
	[tilespmem:$0x1B080] =	vst v63  }
0x15c: {  	_ =	swait.ge [sflag:s5], $0x3200  }
0x15d: {  	[sflag:s5] =	ssyncset.done $0x0  }
0x15e: {  	[sflag:s5] =	ssyncadd.s32 $0xFFFFCE00  }
0x15f: {  	_ =	swait.ge [sflag:s11], $0x3200  }
0x160: {  	[sflag:s11] =	ssyncset.done $0x0  }
0x161: {  	[sflag:s11] =	ssyncadd.s32 $0xFFFFCE00  }
0x162: {  	[tilespmem:s6], [sflag:$0x1] =	stream.indirect.gather [hbm4b:s3+s8], $0x80, s28, s8, $0xb8;
	[tilespmem:$0x1B080] =	vst v63  }
0x163: {  	_ = 	snop  }
0x164: {  	[spmem:s2] =	stream.indirect.scatter.add.f32 [tilespmem:s9], [sflag:$0x3], $0x80, s30, s8, $0xb8;
	[tilespmem:$0x1B080] =	vst v63  }
0x165: {  	_ =	swait.ge [sflag:s5], $0x3200  }
0x166: {  	[sflag:s5] =	ssyncset.done $0x0  }
0x167: {  	[sflag:s5] =	ssyncadd.s32 $0xFFFFCE00  }
0x168: {  	_ =	swait.ge [sflag:s10], $0x3200  }
0x169: {  	[sflag:s10] =	ssyncset.done $0x0  }
0x16a: {  	[sflag:s10] =	ssyncadd.s32 $0xFFFFCE00  }
0x16b: {  	[tilespmem:s9], [sflag:$0x2] =	stream.indirect.gather [hbm4b:s3+s8], $0x80, s31, s8, $0xb8;
	[tilespmem:$0x1B080] =	vst v63  }
0x16c: {  	_ = 	snop  }
0x16d: {  	[spmem:s2] =	stream.indirect.scatter.add.f32 [tilespmem:s6], [sflag:$0x3], $0x80, s0, s8, $0xb8;
	[tilespmem:$0x1B080] =	vst v63  }
0x16e: {  	_ =	swait.ge [sflag:s5], $0x3200  }
0x16f: {  	[sflag:s5] =	ssyncset.done $0x0  }
0x170: {  	[sflag:s5] =	ssyncadd.s32 $0xFFFFCE00  }
0x171: {  	_ =	swait.ge [sflag:s11], $0x3200  }
0x172: {  	[sflag:s11] =	ssyncset.done $0x0  }
0x173: {  	[sflag:s11] =	ssyncadd.s32 $0xFFFFCE00  }
0x174: {  	[spmem:s2] =	stream.indirect.scatter.add.f32 [tilespmem:s9], [sflag:$0x3], $0x80, s21, s8, $0xb8;
	[tilespmem:$0x1B080] =	vst v63  }
0x175: {  	_ =	swait.ge [sflag:s5], $0x3200  }
0x176: {  	[sflag:s5] =	ssyncset.done $0x0  }
0x177: {  	[sflag:s5] =	ssyncadd.s32 $0xFFFFCE00  }
0x178: {  	s26 =	stileid.u32;
	[bflag:$0x0] =	sbarrier.arrive $0xFFFF  }
0x179: {  	s28 =	sshll.u32 s26, $0x6;
	s31 =	simm.s32 $0x3;
	s29 =	rddreg [dreg:$0x6]  }
0x17a: {  	s0 =	sor.u32 $0x1C03, s28;
	s30 =	rddreg [dreg:$0x9];
	s1 =	sshrl.u32 s29, $0x3  }
0x17b: {  	[hbm:s30], [sflag:s0] =	dma.local [spmem:s1], $0x2700  }
0x17c: {  	_ =	swait.ge [sflag:s31], $0x2700  }
0x17d: {  	[sflag:s31] =	ssyncset.done $0x0;
	s1 =	rddreg [dreg:$0x7]  }
0x17e: {  	s3 =	rddreg [dreg:$0x8];
	[sflag:s31] =	ssyncadd.s32 $0xFFFFD900;
	s1 =	sshrl.u32 @!p0 s1, $0x3  }
0x17f: {  	[hbm:s3], [sflag:s0] =	dma.local @!p0 [spmem:s1], $0x100  }
0x180: {  	s0 =	simm.s32 @!p0 $0x3  }
0x181: {  	_ =	swait.ge @!p0 [sflag:s0], $0x100  }
0x182: {  	[sflag:s0] =	ssyncset.done @!p0 $0x0  }
0x183: {  	[sflag:s0] =	ssyncadd.s32 @!p0 $0xFFFFFF00  }
0x184: {  	_ =	sfence.sel $0x180000  }
0x185: {  	[bflag:$0x0] =	sbarrier.arrive $0xFFFF  }
0x186: {  	_ =	strace $0x9000004A  }
0x187: {  	[bflag:$0x2] =	sbarrier.arrive $0xFFFF  }
0x188: {  	p0 =	sne.s32 s26, $0x0;
	s0 =	rddreg [dreg:$0x2]  }
0x189: {  	s0 =	sadd.s32 @!p0 $0x100000, s0  }
0x18a: {  	[sflag:s0] =	ssyncadd.tile.s32 @!p0 $0x1;
	_ =	shalt  }
.Lfunc_end2:
_tile_overlayer_lowered:
.L_overlay_start_2:
0x18b: {  	(tag) =	ssettag $0x2  }
0x18c: {  	s0 =	rddreg [dreg:$0x0];
	s2 =	stileid.u32  }
0x18d: {  	s1 =	rddreg [dreg:$0x1];
	p0 =	sne.s32 s2, $0x0  }
0x18e: {  	s3 =	rddreg [dreg:$0x2];
	[bflag:$0x3] =	sbarrier.arrive $0xFFFF;
	s2 =	simm.s32 @!p0 $0x1C03  }
0x18f: {  	[timem:s3], [sflag:s2] =	dma.local @!p0 [hbm:s0], s1  }
0x190: {  	s0 =	simm.s32 @!p0 $0x3  }
0x191: {  	_ =	swait.ge @!p0 [sflag:s0], s1  }
0x192: {  	s1 =	ssub.s32 @!p0 $0x0, s1;
	[sflag:s0] =	ssyncset.done @!p0 $0x0  }
0x193: {  	[sflag:s0] =	ssyncadd.s32 @!p0 s1  }
0x194: {  	[bflag:$0x3] =	sbarrier.arrive $0xFFFF  }
0x195: {  	_ =	shalt  }

// kernel: kernel.15.cloned.1.call-start
scs
__scs_entry_jumppad:
0x0: {  	(pc) =	sbr.rel $0x88, $3  }
0x1: {  	(tag) =	ssettag $0x0;
	lr =	simm.s32 $0x1  }
0x2: {  	[smem:$0x3F98] =	sst lr;
	_ =	strace $0xD0000000  }
0x3: {  	_ = 	snop  }
0x4: {  	_ = 	snop  }
0x5: {  	_ = 	snop  }
0x6: {  	_ = 	snop  }
0x7: {  	_ = 	snop  }
__scs_overlays_trampoline_lowered:
0x8: {  	[smem:$0x3FA7] =	sst s0  }
0x9: {  	[smem:$0x3FA8] =	sst s1  }
0xa: {  	[smem:$0x3FA9] =	sst s2  }
0xb: {  	[smem:$0x3FAA] =	sst s3  }
0xc: {  	[smem:$0x3FAB] =	sst s4  }
0xd: {  	[smem:$0x3FAC] =	sst s5  }
0xe: {  	[smem:$0x3FAD] =	sst s6  }
0xf: {  	[smem:$0x3FAE] =	sst s7  }
0x10: {  	[smem:$0x3FAF] =	sst s8  }
0x11: {  	[smem:$0x3FB0] =	sst s9;
	s0 =	simm.s32 @!p0 $0x0  }
0x12: {  	s1 =	sld [smem:$0x3F96];
	s0 =	simm.s32 @p0 $0x1  }
0x13: {  	[smem:$0x3FB1] =	sst s0;
	s0 =	simm.s32 @!p1 $0x0  }
0x14: {  	s2 =	sld [smem:$0x3F95];
	s0 =	simm.s32 @p1 $0x1  }
0x15: {  	[smem:$0x3FB2] =	sst s0;
	s0 =	simm.s32 @!p2 $0x0  }
0x16: {  	s3 =	sld [smem:$0x3FDB];
	s0 =	simm.s32 @p2 $0x1  }
0x17: {  	s4 =	simm.s32 $0x1BF5;
	[smem:$0x3FB4] =	sst s0  }
0x18: {  	s0 =	sld [smem:$0x3F97];
	_ =	swait.ge [sflag:s4], $0x0  }
0x19: {  	s7 =	sld [smem:$0x3F98]  }
0x1a: {  	s8 =	sadd.s32 $0xFFFFE003, lr  }
0x1b: {  	s9 =	sadd.s32 $0xFFFFFEF7, lr;
	s5 =	simm.s32 $0xFFFFFFFF;
	p2 =	slt.u32 s8, $0xFFFFF086  }
0x1c: {  	p1 =	slt.u32 s9, $0xF7A;
	s5 =	simm.s32 @!p2 $0x0  }
0x1d: {  	s5 =	simm.s32 @p1 $0x1;
	p0 =	seq.s32 s7, s2  }
0x1e: {  	s7 =	smul.u32 @!p0 $0xF7A, s2;
	p2 =	seq.s32 @!p0 s5, $0x0  }
0x1f: {  	s9 =	smul.u32 $0xF7A, s1;
	s8 =	simm.s32 @!p0 $0x1BF5;
	p2 =	por !p2, p0  }
0x20: {  	[sflag:s8] =	ssyncset.s32 @!p0 $0xFFFFF086;
	s6 =	sadd.s32 @!p0 s3, s7;
	s7 =	simm.s32 @!p0 $0x108  }
0x21: {  	s3 =	sadd.s32 s3, s9;
	s6 =	sadd.s32 @!p0 $0x88, s6;
	s7 =	simm.s32 @p2 $0x1082  }
0x22: {  	[simem:s7], [sflag:s8] =	dma.local @!p0 [hbm:s6], $0xF7A  }
0x23: {  	s9 =	sor.u32 $0xD0000000, s2;
	s6 =	simm.s32 $0x108;
	_ =	swait.ge @!p0 [sflag:s8], $0x0  }
0x24: {  	s3 =	sadd.s32 $0x88, s3;
	s6 =	simm.s32 @!p1 $0x1082;
	[sflag:s4] =	ssyncset.s32 $0xFFFFF086  }
0x25: {  	[simem:s6], [sflag:s4] =	dma.local [hbm:s3], $0xF7A  }
0x26: {  	[smem:$0x3F98] =	sst s1;
	(tag) =	ssettag s2;
	_ =	strace s9  }
0x27: {  	s1 =	sld [smem:$0x3FA8]  }
0x28: {  	s2 =	sld [smem:$0x3FA9]  }
0x29: {  	s4 =	sld [smem:$0x3FAB]  }
0x2a: {  	p0 =	seq.s32 s5, $0x0;
	s5 =	sld [smem:$0x3FAC]  }
0x2b: {  	s6 =	sld [smem:$0x3FAD]  }
0x2c: {  	s7 =	sld [smem:$0x3FAE]  }
0x2d: {  	s3 =	simm.s32 $0x108;
	s8 =	sld [smem:$0x3FAF]  }
0x2e: {  	s3 =	simm.s32 @!p0 $0x1082;
	s9 =	sld [smem:$0x3FB0]  }
0x2f: {  	lr =	sadd.s32 s0, s3;
	s0 =	sld [smem:$0x3FA7]  }
0x30: {  	s3 =	sld [smem:$0x3FAA]  }
0x31: {  	[smem:$0x3FB3] =	sst s10  }
0x32: {  	s10 =	sld [smem:$0x3FB1];
	_ =	sdelay $0x3  }
0x33: {  	p0 =	seq.s32 s10, $0x1;
	s10 =	sld [smem:$0x3FB3];
	_ =	sdelay $0x3  }
0x34: {  	[smem:$0x3FB3] =	sst s10  }
0x35: {  	s10 =	sld [smem:$0x3FB2];
	_ =	sdelay $0x3  }
0x36: {  	p1 =	seq.s32 s10, $0x1;
	s10 =	sld [smem:$0x3FB3];
	_ =	sdelay $0x3  }
0x37: {  	[smem:$0x3FB3] =	sst s10  }
0x38: {  	s10 =	sld [smem:$0x3FB4]  }
0x39: {  	_ = 	snop;
	(pc) =	sbr.ind lr, $3  }
0x3a: {  	_ = 	snop  }
0x3b: {  	_ = 	snop  }
0x3c: {  	p2 =	seq.s32 s10, $0x1;
	s10 =	sld [smem:$0x3FB3]  }
0x3d: {  	_ =	shalt  }
0x3e: {  	_ =	shalt  }
0x3f: {  	_ =	shalt  }
0x40: {  	_ =	shalt  }
0x41: {  	_ =	shalt  }
0x42: {  	_ =	shalt  }
0x43: {  	_ =	shalt  }
0x44: {  	_ =	shalt  }
0x45: {  	_ =	shalt  }
0x46: {  	_ =	shalt  }
0x47: {  	_ =	shalt  }
0x48: {  	_ =	shalt  }
0x49: {  	_ =	shalt  }
0x4a: {  	_ =	shalt  }
0x4b: {  	_ =	shalt  }
0x4c: {  	_ =	shalt  }
0x4d: {  	_ =	shalt  }
0x4e: {  	_ =	shalt  }
0x4f: {  	_ =	shalt  }
0x50: {  	_ =	shalt  }
0x51: {  	_ =	shalt  }
0x52: {  	_ =	shalt  }
0x53: {  	_ =	shalt  }
0x54: {  	_ =	shalt  }
0x55: {  	_ =	shalt  }
0x56: {  	_ =	shalt  }
0x57: {  	_ =	shalt  }
0x58: {  	_ =	shalt  }
0x59: {  	_ =	shalt  }
0x5a: {  	_ =	shalt  }
0x5b: {  	_ =	shalt  }
0x5c: {  	_ =	shalt  }
0x5d: {  	_ =	shalt  }
0x5e: {  	_ =	shalt  }
0x5f: {  	_ =	shalt  }
0x60: {  	_ =	shalt  }
0x61: {  	_ =	shalt  }
0x62: {  	_ =	shalt  }
0x63: {  	_ =	shalt  }
0x64: {  	_ =	shalt  }
0x65: {  	_ =	shalt  }
0x66: {  	_ =	shalt  }
0x67: {  	_ =	shalt  }
0x68: {  	_ =	shalt  }
0x69: {  	_ =	shalt  }
0x6a: {  	_ =	shalt  }
0x6b: {  	_ =	shalt  }
0x6c: {  	_ =	shalt  }
0x6d: {  	_ =	shalt  }
0x6e: {  	_ =	shalt  }
0x6f: {  	_ =	shalt  }
0x70: {  	_ =	shalt  }
0x71: {  	_ =	shalt  }
0x72: {  	_ =	shalt  }
0x73: {  	_ =	shalt  }
0x74: {  	_ =	shalt  }
0x75: {  	_ =	shalt  }
0x76: {  	_ =	shalt  }
0x77: {  	_ =	shalt  }
0x78: {  	_ =	shalt  }
0x79: {  	_ =	shalt  }
0x7a: {  	_ =	shalt  }
0x7b: {  	_ =	shalt  }
0x7c: {  	_ =	shalt  }
0x7d: {  	_ =	shalt  }
0x7e: {  	_ =	shalt  }
0x7f: {  	_ =	shalt  }
0x80: {  	_ =	shalt  }
0x81: {  	_ =	shalt  }
0x82: {  	_ =	shalt  }
0x83: {  	_ =	shalt  }
0x84: {  	_ =	shalt  }
0x85: {  	_ =	shalt  }
0x86: {  	_ =	shalt  }
0x87: {  	_ =	shalt  }
.Lfunc_end0:
.L_simem_size_0:
called_computation.2_lowered:
.L_overlay_start_0:
0x88: {  	s0 =	sld [smem:$0x3FD9]  }
0x89: {  	s1 =	sld [smem:$0x3FFE];
	_ =	sdelay $0x3  }
0x8a: {  	s0 =	sadd.s32 s1, s0  }
0x8b: {  	[smem:$0x3FBF] =	sst s0  }
0x8c: {  	_ = 	snop  }
0x8d: {  	(tm) =	ssettm $0x1  }
0x8e: {  	s15 =	sld [smem:$0x3FFB];
	_ =	sdelay $0x3  }
0x8f: {  	_ =	strace s15  }
0x90: {  	s0 =	sld [smem:$0x3FFC];
	_ =	sdelay $0x3  }
0x91: {  	_ =	strace s0  }
0x92: {  	s0 =	sld [smem:$0x3FFD];
	_ =	sdelay $0x3  }
0x93: {  	_ =	strace s0  }
0x94: {  	_ =	strace $0x8FFFFFFF  }
0x95: {  	s16 =	sld [smem:$0x3FDB];
	_ =	sdelay $0x1  }
0x96: {  	s17 =	simm.s32 $_scs_section_size  }
0x97: {  	s2 =	simm.s32 $_size__tile_overlayer_lowered;
	s3 =	simm.s32 $_tile_overlayer_lowered  }
0x98: {  	s20 =	simm.s32 $0x1BFF;
	s19 =	sshll.u32 s3, $0x1;
	s0 =	sadd.s32 s17, s16  }
0x99: {  	s4 =	simm.s32 $0x0;
	s18 =	sshll.u32 s2, $0x1;
	s2 =	sadd.s32 s19, s0  }
0x9a: {  	[timem:s4], [sflag:s20] =	dma.local [hbm:s2], s18  }
0x9b: {  	_ =	swait.ge [sflag:s20], s18  }
0x9c: {  	s1 =	ssub.s32 $0x0, s18;
	[sflag:s20] =	ssyncset.done $0x0  }
0x9d: {  	[sflag:s20] =	ssyncadd.s32 s1;
	_ =	sdelay $0x1  }
0x9e: {  	s21 =	simm.s32 $0x1B8B  }
0x9f: {  	_ =	swait.ge [sflag:s21], $0x1  }
0xa0: {  	[sflag:s21] =	ssyncset.done $0x0  }
0xa1: {  	s23 =	simm.s32 $0x1B8E;
	s22 =	sld [smem:$0x3FFE];
	[sflag:s21] =	ssyncadd.s32 $0xFFFFFFFF  }
0xa2: {  	s24 =	simm.s32 $execute0_lowered;
	[smem:$0x3FD2] =	sst s23  }
0xa3: {  	s2 =	sshll.u32 s24, $0x1;
	_ =	strace $0x8000004F;
	[dreg:$0x1] =	wrdreg $0xFFFFFFFF  }
0xa4: {  	s25 =	simm.s32 $_size_execute0_lowered;
	s0 =	sadd.s32 s0, s2;
	[dreg:$0x0] =	wrdreg $0x0  }
0xa5: {  	s2 =	sshll.u32 s25, $0x1;
	[dreg:$0x2] =	wrdreg s0  }
0xa6: {  	[dreg:$0x3] =	wrdreg s2  }
0xa7: {  	[dreg:$0x4] =	wrdreg $0xC0  }
0xa8: {  	_ =	task [dreg:s4], $0x5FFFF  }
0xa9: {  	[dreg:$0x1] =	wrdreg $0xFFFFFFFF  }
0xaa: {  	[dreg:$0x0] =	wrdreg $0x60  }
0xab: {  	[dreg:$0x2] =	wrdreg s22  }
0xac: {  	[dreg:$0x3] =	wrdreg $0x78000  }
0xad: {  	[dreg:$0x4] =	wrdreg $0x9  }
0xae: {  	_ =	task.clear_ibuf [dreg:s4], $0x5FFFF;
	_ =	strace $0x9000004F  }
0xaf: {  	s26 =	simm.s32 $0x9;
	_ =	strace $0x80000051  }
0xb0: {  	_ =	swait.ge [sflag:s26], $0x1  }
0xb1: {  	[sflag:s26] =	ssyncadd.s32 $0xFFFFFFFF  }
0xb2: {  	_ =	strace $0x90000051  }
0xb3: {  	_ =	sfence  }
0xb4: {  	s28 =	sld [smem:$0x0];
	_ =	sdelay $0x1  }
0xb5: {  	s29 =	srdreg.scid  }
0xb6: {  	s30 =	sshll.u32 s29, $0xD;
	s31 =	sshrl.u32 s29, $0x2  }
0xb7: {  	s1 =	sand.u32 $0x1, s29;
	s2 =	sand.u32 $0x4000, s30;
	s0 =	sadd.s32 s31, s28  }
0xb8: {  	s1 =	sor.u32 s2, s1;
	s0 =	sshll.u32 s0, $0x11  }
0xb9: {  	s0 =	sor.u32 s0, s1  }
0xba: {  	s0 =	sadd.s32 $0x8F2B, s0  }
0xbb: {  	[sflag:s0] =	ssyncadd.remote.s32 $0x1  }
0xbc: {  	_ =	sfence.sel $0xFFFF  }
0xbd: {  	[dreg:$0x0] =	wrdreg $0xFFFFFFFF;
	(pc) =	sbr.abs _section_cstart, $3  }
0xbe: {  	[dreg:$0x1] =	wrdreg $0xFFFFFFFF  }
0xbf: {  	_ =	task.clear_ibuf [dreg:s4], $0x2FFFF;
	_ =	strace $0x9FFFFFFF  }
0xc0: {  	(tm) =	ssettm $0x7FFFFFFF  }
0xc1: {  	_ =	shalt  }
tec
execute0_lowered:
.L_overlay_start_1:
0x0: {  	(tag) =	ssettag $0x1  }
0x1: {  	s4 =	rddreg [dreg:$0x0]  }
0x2: {  	s2 =	rddreg [dreg:$0x1];
	s0 =	simm.s32 $0x0  }
0x3: {  	s5 =	simm.s32 $0x200;
	[smem:$0x7FF] =	sst s0  }
0x4: {  	s3 =	sadd.s32 $0x9DA00, s4;
	s1 =	sadd.s32 $0x3B600, s4;
	s0 =	sadd.s32 $0x27600, s4  }
0x5: {  	v0 =	vimm.f32 $0.0e+00;
	s29 =	sadd.s32 $0xEBE00, s4;
	s4 =	simm.s32 $0x0;
	_ =	strace $0x80000050  }
.LBB2_1:
0x6: {  	p0 =	sne.s32 s5, $0xC600;
	[tilespmem:s4+$0x1070] =	vst v0  }
0x7: {  	[tilespmem:s4+$0x1000] =	vst v0  }
0x8: {  	[tilespmem:s4+$0x1010] =	vst v0  }
.Ltmp0:
0x9: {  	[tilespmem:s4+$0x1020] =	vst v0;
	(pc) =	sbr.rel @p0 .LBB2_1-.Ltmp0, $4  }
0xa: {  	[tilespmem:s4+$0x1030] =	vst v0  }
0xb: {  	[tilespmem:s4+$0x1040] =	vst v0  }
0xc: {  	[tilespmem:s4+$0x1050] =	vst v0  }
0xd: {  	[tilespmem:s4+$0x1060] =	vst v0;
	s4 =	sshra.s32 s5, $0x2;
	s5 =	sadd.s32 $0x200, s5  }
0xe: {  	[tilespmem:s4+$0x1070] =	vst v0  }
0xf: {  	[tilespmem:s4+$0x1000] =	vst v0  }
0x10: {  	[tilespmem:s4+$0x1010] =	vst v0  }
0x11: {  	[tilespmem:s4+$0x1020] =	vst v0;
	s5 =	stileid.u32  }
0x12: {  	[tilespmem:s4+$0x1030] =	vst v0;
	s5 =	smul.u32 $0x4E000, s5  }
0x13: {  	[tilespmem:s4+$0x1040] =	vst v0  }
0x14: {  	[tilespmem:s4+$0x1050] =	vst v0;
	s5 =	sshrl.u32 s5, $0x2  }
0x15: {  	[tilespmem:s4+$0x1060] =	vst v0;
	s6 =	simm.s32 $0x1000;
	s12 =	sadd.s32 s5, s2;
	s5 =	simm.s32 $0x3  }
0x16: {  	[spmem:s12] =	stream.linear.scatter [tilespmem:s6], [sflag:$0x3], $0x1800, $0x38;
	[tilespmem:$0x1B080] =	vst v63  }
0x17: {  	_ =	swait.ge [sflag:s5], $0x1800  }
0x18: {  	[sflag:s5] =	ssyncset.done $0x0  }
0x19: {  	s7 =	sadd.s32 $0x1800, s12;
	[sflag:s5] =	ssyncadd.s32 $0xFFFFE800  }
0x1a: {  	[spmem:s7] =	stream.linear.scatter [tilespmem:s6], [sflag:$0x3], $0x1800, $0x38;
	[tilespmem:$0x1B080] =	vst v63  }
0x1b: {  	_ =	swait.ge [sflag:s5], $0x1800  }
0x1c: {  	[sflag:s5] =	ssyncset.done $0x0  }
0x1d: {  	s13 =	sadd.s32 $0x3000, s12;
	[sflag:s5] =	ssyncadd.s32 $0xFFFFE800  }
0x1e: {  	[spmem:s13] =	stream.linear.scatter [tilespmem:s6], [sflag:$0x3], $0x1800, $0x38;
	[tilespmem:$0x1B080] =	vst v63  }
0x1f: {  	_ =	swait.ge [sflag:s5], $0x1800  }
0x20: {  	[sflag:s5] =	ssyncset.done $0x0  }
0x21: {  	s14 =	sadd.s32 $0x4800, s12;
	[sflag:s5] =	ssyncadd.s32 $0xFFFFE800  }
0x22: {  	[spmem:s14] =	stream.linear.scatter [tilespmem:s6], [sflag:$0x3], $0x1800, $0x38;
	[tilespmem:$0x1B080] =	vst v63  }
0x23: {  	_ =	swait.ge [sflag:s5], $0x1800  }
0x24: {  	[sflag:s5] =	ssyncset.done $0x0  }
0x25: {  	s15 =	sadd.s32 $0x6000, s12;
	[sflag:s5] =	ssyncadd.s32 $0xFFFFE800  }
0x26: {  	[spmem:s15] =	stream.linear.scatter [tilespmem:s6], [sflag:$0x3], $0x1800, $0x38;
	[tilespmem:$0x1B080] =	vst v63  }
0x27: {  	_ =	swait.ge [sflag:s5], $0x1800  }
0x28: {  	[sflag:s5] =	ssyncset.done $0x0  }
0x29: {  	s16 =	sadd.s32 $0x7800, s12;
	[sflag:s5] =	ssyncadd.s32 $0xFFFFE800  }
0x2a: {  	[spmem:s16] =	stream.linear.scatter [tilespmem:s6], [sflag:$0x3], $0x1800, $0x38;
	[tilespmem:$0x1B080] =	vst v63  }
0x2b: {  	_ =	swait.ge [sflag:s5], $0x1800  }
0x2c: {  	[sflag:s5] =	ssyncset.done $0x0  }
0x2d: {  	s17 =	sadd.s32 $0x9000, s12;
	[sflag:s5] =	ssyncadd.s32 $0xFFFFE800  }
0x2e: {  	[spmem:s17] =	stream.linear.scatter [tilespmem:s6], [sflag:$0x3], $0x1800, $0x38;
	[tilespmem:$0x1B080] =	vst v63  }
0x2f: {  	_ =	swait.ge [sflag:s5], $0x1800  }
0x30: {  	[sflag:s5] =	ssyncset.done $0x0  }
0x31: {  	s18 =	sadd.s32 $0xA800, s12;
	[sflag:s5] =	ssyncadd.s32 $0xFFFFE800  }
0x32: {  	[spmem:s18] =	stream.linear.scatter [tilespmem:s6], [sflag:$0x3], $0x1800, $0x38;
	[tilespmem:$0x1B080] =	vst v63  }
0x33: {  	_ =	swait.ge [sflag:s5], $0x1800  }
0x34: {  	[sflag:s5] =	ssyncset.done $0x0  }
0x35: {  	s19 =	sadd.s32 $0xC000, s12;
	[sflag:s5] =	ssyncadd.s32 $0xFFFFE800  }
0x36: {  	[spmem:s19] =	stream.linear.scatter [tilespmem:s6], [sflag:$0x3], $0x1800, $0x38;
	[tilespmem:$0x1B080] =	vst v63  }
0x37: {  	_ =	swait.ge [sflag:s5], $0x1800  }
0x38: {  	[sflag:s5] =	ssyncset.done $0x0  }
0x39: {  	s20 =	sadd.s32 $0xD800, s12;
	[sflag:s5] =	ssyncadd.s32 $0xFFFFE800  }
0x3a: {  	[spmem:s20] =	stream.linear.scatter [tilespmem:s6], [sflag:$0x3], $0x1800, $0x38;
	[tilespmem:$0x1B080] =	vst v63  }
0x3b: {  	_ =	swait.ge [sflag:s5], $0x1800  }
0x3c: {  	[sflag:s5] =	ssyncset.done $0x0  }
0x3d: {  	s21 =	sadd.s32 $0xF000, s12;
	[sflag:s5] =	ssyncadd.s32 $0xFFFFE800  }
0x3e: {  	[spmem:s21] =	stream.linear.scatter [tilespmem:s6], [sflag:$0x3], $0x1800, $0x38;
	[tilespmem:$0x1B080] =	vst v63  }
0x3f: {  	_ =	swait.ge [sflag:s5], $0x1800  }
0x40: {  	[sflag:s5] =	ssyncset.done $0x0  }
0x41: {  	s22 =	sadd.s32 $0x10800, s12;
	[sflag:s5] =	ssyncadd.s32 $0xFFFFE800  }
0x42: {  	[spmem:s22] =	stream.linear.scatter [tilespmem:s6], [sflag:$0x3], $0x1800, $0x38;
	[tilespmem:$0x1B080] =	vst v63  }
0x43: {  	_ =	swait.ge [sflag:s5], $0x1800  }
0x44: {  	[sflag:s5] =	ssyncset.done $0x0  }
0x45: {  	s23 =	sadd.s32 $0x12000, s12;
	[dreg:$0x6] =	wrdreg s12;
	[sflag:s5] =	ssyncadd.s32 $0xFFFFE800  }
0x46: {  	[spmem:s23] =	stream.linear.scatter [tilespmem:s6], [sflag:$0x3], $0x1800, $0x38;
	[tilespmem:$0x1B080] =	vst v63  }
0x47: {  	s8 =	stileid.u32;
	_ =	swait.ge [sflag:s5], $0x1800  }
0x48: {  	p0 =	sne.s32 s8, $0xF;
	[sflag:s5] =	ssyncset.done $0x0  }
0x49: {  	s4 =	sadd.s32 $0x138000, s2;
	s7 =	simm.s32 @!p0 $0x1000;
	[sflag:s5] =	ssyncadd.s32 $0xFFFFE800  }
0x4a: {  	[spmem:s4] =	stream.linear.scatter @!p0 [tilespmem:s7], [sflag:$0x3], $0x800, $0x38;
	[tilespmem:$0x1B080] =	vst v63  }
0x4b: {  	[dreg:$0x7] =	wrdreg s4;
	s7 =	simm.s32 @!p0 $0x3  }
0x4c: {  	_ =	swait.ge @!p0 [sflag:s7], $0x800  }
0x4d: {  	s8 =	smul.u32 $0x1400, s8;
	[sflag:s7] =	ssyncset.done @!p0 $0x0  }
0x4e: {  	[sflag:s7] =	ssyncadd.s32 @!p0 $0xFFFFF800  }
0x4f: {  	s1 =	sadd.s32 s8, s1;
	[bflag:$0x0] =	sbarrier.arrive $0xFFFF  }
0x50: {  	s0 =	sadd.s32 s8, s0;
	[dreg:$0x4] =	wrdreg s1  }
0x51: {  	[dreg:$0x3] =	wrdreg s0  }
0x52: {  	s24 =	simm.s32 $0x80;
	s1 =	rddreg [dreg:$0x4]  }
0x53: {  	s12 =	simm.s32 $0x0;
	[dreg:$0x5] =	wrdreg s24;
	s25 =	sadd.s32 $0x0, s1  }
0x54: {  	[tilespmem:s12], [sflag:$0x3] =	stream.linear.gather [hbm4b:s25+s12], $0x500, $0x38;
	[tilespmem:$0x1B080] =	vst v63  }
0x55: {  	_ =	swait.ge [sflag:s5], $0x500  }
0x56: {  	s26 =	rddreg [dreg:$0x3];
	[sflag:s5] =	ssyncset.done $0x0  }
0x57: {  	s13 =	simm.s32 $0x800;
	[sflag:s5] =	ssyncadd.s32 $0xFFFFFB00;
	s0 =	sadd.s32 $0x0, s26  }
0x58: {  	[tilespmem:s13], [sflag:$0x3] =	stream.linear.gather [hbm4b:s0+s12], $0x500, $0x38;
	[tilespmem:$0x1B080] =	vst v63  }
0x59: {  	_ =	swait.ge [sflag:s5], $0x500  }
0x5a: {  	[sflag:s5] =	ssyncset.done $0x0  }
0x5b: {  	s10 =	simm.s32 $0x1;
	s8 =	simm.s32 $0x64;
	[sflag:s5] =	ssyncadd.s32 $0xFFFFFB00  }
0x5c: {  	[tilespmem:s6], [sflag:$0x1] =	stream.indirect.gather [hbm4b:s3+s8], $0x80, s12, s8, $0xb8;
	[tilespmem:$0x1B080] =	vst v63  }
0x5d: {  	_ =	swait.ge [sflag:s10], $0x3200  }
0x5e: {  	[sflag:s10] =	ssyncset.done $0x0  }
0x5f: {  	s9 =	simm.s32 $0x4400;
	s1 =	rddreg [dreg:$0x5];
	[sflag:s10] =	ssyncadd.s32 $0xFFFFCE00  }
0x60: {  	[tilespmem:s9], [sflag:$0x2] =	stream.indirect.gather [hbm4b:s3+s8], $0x80, s1, s8, $0xb8;
	[tilespmem:$0x1B080] =	vst v63  }
0x61: {  	_ = 	snop  }
0x62: {  	[spmem:s2] =	stream.indirect.scatter.add.f32 [tilespmem:s6], [sflag:$0x3], $0x80, s13, s8, $0xb8;
	[tilespmem:$0x1B080] =	vst v63  }
0x63: {  	_ =	swait.ge [sflag:s5], $0x3200  }
0x64: {  	[sflag:s5] =	ssyncset.done $0x0  }
0x65: {  	s11 =	simm.s32 $0x2;
	[sflag:s5] =	ssyncadd.s32 $0xFFFFCE00  }
0x66: {  	_ =	swait.ge [sflag:s11], $0x3200  }
0x67: {  	[sflag:s11] =	ssyncset.done $0x0  }
0x68: {  	s14 =	simm.s32 $0x100;
	[sflag:s11] =	ssyncadd.s32 $0xFFFFCE00  }
0x69: {  	[tilespmem:s6], [sflag:$0x1] =	stream.indirect.gather [hbm4b:s3+s8], $0x80, s14, s8, $0xb8;
	[tilespmem:$0x1B080] =	vst v63  }
0x6a: {  	s15 =	simm.s32 $0x880  }
0x6b: {  	[spmem:s2] =	stream.indirect.scatter.add.f32 [tilespmem:s9], [sflag:$0x3], $0x80, s15, s8, $0xb8;
	[tilespmem:$0x1B080] =	vst v63  }
0x6c: {  	_ =	swait.ge [sflag:s5], $0x3200  }
0x6d: {  	[sflag:s5] =	ssyncset.done $0x0  }
0x6e: {  	[sflag:s5] =	ssyncadd.s32 $0xFFFFCE00  }
0x6f: {  	_ =	swait.ge [sflag:s10], $0x3200  }
0x70: {  	[sflag:s10] =	ssyncset.done $0x0  }
0x71: {  	s16 =	simm.s32 $0x180;
	[sflag:s10] =	ssyncadd.s32 $0xFFFFCE00  }
0x72: {  	[tilespmem:s9], [sflag:$0x2] =	stream.indirect.gather [hbm4b:s3+s8], $0x80, s16, s8, $0xb8;
	[tilespmem:$0x1B080] =	vst v63  }
0x73: {  	s17 =	simm.s32 $0x900  }
0x74: {  	[spmem:s2] =	stream.indirect.scatter.add.f32 [tilespmem:s6], [sflag:$0x3], $0x80, s17, s8, $0xb8;
	[tilespmem:$0x1B080] =	vst v63  }
0x75: {  	_ =	swait.ge [sflag:s5], $0x3200  }
0x76: {  	[sflag:s5] =	ssyncset.done $0x0  }
0x77: {  	[sflag:s5] =	ssyncadd.s32 $0xFFFFCE00  }
0x78: {  	_ =	swait.ge [sflag:s11], $0x3200  }
0x79: {  	[sflag:s11] =	ssyncset.done $0x0  }
0x7a: {  	s18 =	simm.s32 $0x200;
	[sflag:s11] =	ssyncadd.s32 $0xFFFFCE00  }
0x7b: {  	[tilespmem:s6], [sflag:$0x1] =	stream.indirect.gather [hbm4b:s3+s8], $0x80, s18, s8, $0xb8;
	[tilespmem:$0x1B080] =	vst v63  }
0x7c: {  	s19 =	simm.s32 $0x980  }
0x7d: {  	[spmem:s2] =	stream.indirect.scatter.add.f32 [tilespmem:s9], [sflag:$0x3], $0x80, s19, s8, $0xb8;
	[tilespmem:$0x1B080] =	vst v63  }
0x7e: {  	_ =	swait.ge [sflag:s5], $0x3200  }
0x7f: {  	[sflag:s5] =	ssyncset.done $0x0  }
0x80: {  	[sflag:s5] =	ssyncadd.s32 $0xFFFFCE00  }
0x81: {  	_ =	swait.ge [sflag:s10], $0x3200  }
0x82: {  	[sflag:s10] =	ssyncset.done $0x0  }
0x83: {  	s20 =	simm.s32 $0x280;
	[sflag:s10] =	ssyncadd.s32 $0xFFFFCE00  }
0x84: {  	[tilespmem:s9], [sflag:$0x2] =	stream.indirect.gather [hbm4b:s3+s8], $0x80, s20, s8, $0xb8;
	[tilespmem:$0x1B080] =	vst v63  }
0x85: {  	s22 =	simm.s32 $0xA00  }
0x86: {  	[spmem:s2] =	stream.indirect.scatter.add.f32 [tilespmem:s6], [sflag:$0x3], $0x80, s22, s8, $0xb8;
	[tilespmem:$0x1B080] =	vst v63  }
0x87: {  	_ =	swait.ge [sflag:s5], $0x3200  }
0x88: {  	[sflag:s5] =	ssyncset.done $0x0  }
0x89: {  	[sflag:s5] =	ssyncadd.s32 $0xFFFFCE00  }
0x8a: {  	_ =	swait.ge [sflag:s11], $0x3200  }
0x8b: {  	[sflag:s11] =	ssyncset.done $0x0  }
0x8c: {  	s23 =	simm.s32 $0x300;
	[sflag:s11] =	ssyncadd.s32 $0xFFFFCE00  }
0x8d: {  	[tilespmem:s6], [sflag:$0x1] =	stream.indirect.gather [hbm4b:s3+s8], $0x80, s23, s8, $0xb8;
	[tilespmem:$0x1B080] =	vst v63  }
0x8e: {  	s24 =	simm.s32 $0xA80  }
0x8f: {  	[spmem:s2] =	stream.indirect.scatter.add.f32 [tilespmem:s9], [sflag:$0x3], $0x80, s24, s8, $0xb8;
	[tilespmem:$0x1B080] =	vst v63  }
0x90: {  	_ =	swait.ge [sflag:s5], $0x3200  }
0x91: {  	[sflag:s5] =	ssyncset.done $0x0  }
0x92: {  	[sflag:s5] =	ssyncadd.s32 $0xFFFFCE00  }
0x93: {  	_ =	swait.ge [sflag:s10], $0x3200  }
0x94: {  	[sflag:s10] =	ssyncset.done $0x0  }
0x95: {  	s25 =	simm.s32 $0x380;
	[sflag:s10] =	ssyncadd.s32 $0xFFFFCE00  }
0x96: {  	[tilespmem:s9], [sflag:$0x2] =	stream.indirect.gather [hbm4b:s3+s8], $0x80, s25, s8, $0xb8;
	[tilespmem:$0x1B080] =	vst v63  }
0x97: {  	s26 =	simm.s32 $0xB00  }
0x98: {  	[spmem:s2] =	stream.indirect.scatter.add.f32 [tilespmem:s6], [sflag:$0x3], $0x80, s26, s8, $0xb8;
	[tilespmem:$0x1B080] =	vst v63  }
0x99: {  	_ =	swait.ge [sflag:s5], $0x3200  }
0x9a: {  	[sflag:s5] =	ssyncset.done $0x0  }
0x9b: {  	[sflag:s5] =	ssyncadd.s32 $0xFFFFCE00  }
0x9c: {  	_ =	swait.ge [sflag:s11], $0x3200  }
0x9d: {  	[sflag:s11] =	ssyncset.done $0x0  }
0x9e: {  	s28 =	simm.s32 $0x400;
	[sflag:s11] =	ssyncadd.s32 $0xFFFFCE00  }
0x9f: {  	[tilespmem:s6], [sflag:$0x1] =	stream.indirect.gather [hbm4b:s3+s8], $0x80, s28, s8, $0xb8;
	[tilespmem:$0x1B080] =	vst v63  }
0xa0: {  	s30 =	simm.s32 $0xB80  }
0xa1: {  	[spmem:s2] =	stream.indirect.scatter.add.f32 [tilespmem:s9], [sflag:$0x3], $0x80, s30, s8, $0xb8;
	[tilespmem:$0x1B080] =	vst v63  }
0xa2: {  	_ =	swait.ge [sflag:s5], $0x3200  }
0xa3: {  	[sflag:s5] =	ssyncset.done $0x0  }
0xa4: {  	[sflag:s5] =	ssyncadd.s32 $0xFFFFCE00  }
0xa5: {  	_ =	swait.ge [sflag:s10], $0x3200  }
0xa6: {  	[sflag:s10] =	ssyncset.done $0x0  }
0xa7: {  	s31 =	simm.s32 $0x480;
	[sflag:s10] =	ssyncadd.s32 $0xFFFFCE00  }
0xa8: {  	[tilespmem:s9], [sflag:$0x2] =	stream.indirect.gather [hbm4b:s3+s8], $0x80, s31, s8, $0xb8;
	[tilespmem:$0x1B080] =	vst v63  }
0xa9: {  	s0 =	simm.s32 $0xC00  }
0xaa: {  	[spmem:s2] =	stream.indirect.scatter.add.f32 [tilespmem:s6], [sflag:$0x3], $0x80, s0, s8, $0xb8;
	[tilespmem:$0x1B080] =	vst v63  }
0xab: {  	_ =	swait.ge [sflag:s5], $0x3200  }
0xac: {  	[sflag:s5] =	ssyncset.done $0x0  }
0xad: {  	s4 =	stileid.u32;
	[sflag:s5] =	ssyncadd.s32 $0xFFFFCE00  }
0xae: {  	s4 =	smul.u32 $0x2700, s4;
	_ =	swait.ge [sflag:s11], $0x3200  }
0xaf: {  	[sflag:s11] =	ssyncset.done $0x0  }
0xb0: {  	s21 =	simm.s32 $0xC80;
	s1 =	sadd.s32 s29, s4;
	[sflag:s11] =	ssyncadd.s32 $0xFFFFCE00  }
0xb1: {  	[spmem:s2] =	stream.indirect.scatter.add.f32 [tilespmem:s9], [sflag:$0x3], $0x80, s21, s8, $0xb8;
	[tilespmem:$0x1B080] =	vst v63  }
0xb2: {  	s7 =	sadd.s32 $0x27000, s29;
	_ =	swait.ge [sflag:s5], $0x3200;
	[dreg:$0x9] =	wrdreg s1  }
0xb3: {  	s29 =	simm.s32 $0x100;
	[dreg:$0x8] =	wrdreg s7  }
0xb4: {  	s1 =	simm.s32 $0x200;
	[sflag:s5] =	ssyncset.done $0x0;
	s7 =	rddreg [dreg:$0x4]  }
.LBB2_3:
0xb5: {  	[sflag:s5] =	ssyncadd.s32 $0xFFFFCE00;
	s7 =	sadd.s32 s29, s7  }
0xb6: {  	[tilespmem:s12], [sflag:$0x3] =	stream.linear.gather [hbm4b:s7+s12], $0x500, $0x38;
	[tilespmem:$0x1B080] =	vst v63  }
0xb7: {  	_ =	swait.ge [sflag:s5], $0x500  }
0xb8: {  	s7 =	rddreg [dreg:$0x3];
	[sflag:s5] =	ssyncset.done $0x0  }
0xb9: {  	[sflag:s5] =	ssyncadd.s32 $0xFFFFFB00;
	s7 =	sadd.s32 s29, s7  }
0xba: {  	[tilespmem:s13], [sflag:$0x3] =	stream.linear.gather [hbm4b:s7+s12], $0x500, $0x38;
	[tilespmem:$0x1B080] =	vst v63  }
0xbb: {  	_ =	swait.ge [sflag:s5], $0x500  }
0xbc: {  	[sflag:s5] =	ssyncset.done $0x0  }
0xbd: {  	[sflag:s5] =	ssyncadd.s32 $0xFFFFFB00  }
0xbe: {  	[tilespmem:s6], [sflag:$0x1] =	stream.indirect.gather [hbm4b:s3+s8], $0x80, s12, s8, $0xb8;
	[tilespmem:$0x1B080] =	vst v63  }
0xbf: {  	_ =	swait.ge [sflag:s10], $0x3200  }
0xc0: {  	[sflag:s10] =	ssyncset.done $0x0  }
0xc1: {  	s7 =	rddreg [dreg:$0x5];
	[sflag:s10] =	ssyncadd.s32 $0xFFFFCE00  }
0xc2: {  	[tilespmem:s9], [sflag:$0x2] =	stream.indirect.gather [hbm4b:s3+s8], $0x80, s7, s8, $0xb8;
	[tilespmem:$0x1B080] =	vst v63  }
0xc3: {  	_ = 	snop  }
0xc4: {  	[spmem:s2] =	stream.indirect.scatter.add.f32 [tilespmem:s6], [sflag:$0x3], $0x80, s13, s8, $0xb8;
	[tilespmem:$0x1B080] =	vst v63  }
0xc5: {  	_ =	swait.ge [sflag:s5], $0x3200  }
0xc6: {  	[sflag:s5] =	ssyncset.done $0x0  }
0xc7: {  	[sflag:s5] =	ssyncadd.s32 $0xFFFFCE00  }
0xc8: {  	_ =	swait.ge [sflag:s11], $0x3200  }
0xc9: {  	[sflag:s11] =	ssyncset.done $0x0  }
0xca: {  	[sflag:s11] =	ssyncadd.s32 $0xFFFFCE00  }
0xcb: {  	[tilespmem:s6], [sflag:$0x1] =	stream.indirect.gather [hbm4b:s3+s8], $0x80, s14, s8, $0xb8;
	[tilespmem:$0x1B080] =	vst v63  }
0xcc: {  	_ = 	snop  }
0xcd: {  	[spmem:s2] =	stream.indirect.scatter.add.f32 [tilespmem:s9], [sflag:$0x3], $0x80, s15, s8, $0xb8;
	[tilespmem:$0x1B080] =	vst v63  }
0xce: {  	_ =	swait.ge [sflag:s5], $0x3200  }
0xcf: {  	[sflag:s5] =	ssyncset.done $0x0  }
0xd0: {  	[sflag:s5] =	ssyncadd.s32 $0xFFFFCE00  }
0xd1: {  	_ =	swait.ge [sflag:s10], $0x3200  }
0xd2: {  	[sflag:s10] =	ssyncset.done $0x0  }
0xd3: {  	[sflag:s10] =	ssyncadd.s32 $0xFFFFCE00  }
0xd4: {  	[tilespmem:s9], [sflag:$0x2] =	stream.indirect.gather [hbm4b:s3+s8], $0x80, s16, s8, $0xb8;
	[tilespmem:$0x1B080] =	vst v63  }
0xd5: {  	_ = 	snop  }
0xd6: {  	[spmem:s2] =	stream.indirect.scatter.add.f32 [tilespmem:s6], [sflag:$0x3], $0x80, s17, s8, $0xb8;
	[tilespmem:$0x1B080] =	vst v63  }
0xd7: {  	_ =	swait.ge [sflag:s5], $0x3200  }
0xd8: {  	[sflag:s5] =	ssyncset.done $0x0  }
0xd9: {  	[sflag:s5] =	ssyncadd.s32 $0xFFFFCE00  }
0xda: {  	_ =	swait.ge [sflag:s11], $0x3200  }
0xdb: {  	[sflag:s11] =	ssyncset.done $0x0  }
0xdc: {  	[sflag:s11] =	ssyncadd.s32 $0xFFFFCE00  }
0xdd: {  	[tilespmem:s6], [sflag:$0x1] =	stream.indirect.gather [hbm4b:s3+s8], $0x80, s18, s8, $0xb8;
	[tilespmem:$0x1B080] =	vst v63  }
0xde: {  	_ = 	snop  }
0xdf: {  	[spmem:s2] =	stream.indirect.scatter.add.f32 [tilespmem:s9], [sflag:$0x3], $0x80, s19, s8, $0xb8;
	[tilespmem:$0x1B080] =	vst v63  }
0xe0: {  	_ =	swait.ge [sflag:s5], $0x3200  }
0xe1: {  	[sflag:s5] =	ssyncset.done $0x0  }
0xe2: {  	[sflag:s5] =	ssyncadd.s32 $0xFFFFCE00  }
0xe3: {  	_ =	swait.ge [sflag:s10], $0x3200  }
0xe4: {  	[sflag:s10] =	ssyncset.done $0x0  }
0xe5: {  	[sflag:s10] =	ssyncadd.s32 $0xFFFFCE00  }
0xe6: {  	[tilespmem:s9], [sflag:$0x2] =	stream.indirect.gather [hbm4b:s3+s8], $0x80, s20, s8, $0xb8;
	[tilespmem:$0x1B080] =	vst v63  }
0xe7: {  	_ = 	snop  }
0xe8: {  	[spmem:s2] =	stream.indirect.scatter.add.f32 [tilespmem:s6], [sflag:$0x3], $0x80, s22, s8, $0xb8;
	[tilespmem:$0x1B080] =	vst v63  }
0xe9: {  	_ =	swait.ge [sflag:s5], $0x3200  }
0xea: {  	[sflag:s5] =	ssyncset.done $0x0  }
0xeb: {  	[sflag:s5] =	ssyncadd.s32 $0xFFFFCE00  }
0xec: {  	_ =	swait.ge [sflag:s11], $0x3200  }
0xed: {  	[sflag:s11] =	ssyncset.done $0x0  }
0xee: {  	[sflag:s11] =	ssyncadd.s32 $0xFFFFCE00  }
0xef: {  	[tilespmem:s6], [sflag:$0x1] =	stream.indirect.gather [hbm4b:s3+s8], $0x80, s23, s8, $0xb8;
	[tilespmem:$0x1B080] =	vst v63  }
0xf0: {  	_ = 	snop  }
0xf1: {  	[spmem:s2] =	stream.indirect.scatter.add.f32 [tilespmem:s9], [sflag:$0x3], $0x80, s24, s8, $0xb8;
	[tilespmem:$0x1B080] =	vst v63  }
0xf2: {  	_ =	swait.ge [sflag:s5], $0x3200  }
0xf3: {  	[sflag:s5] =	ssyncset.done $0x0  }
0xf4: {  	[sflag:s5] =	ssyncadd.s32 $0xFFFFCE00  }
0xf5: {  	_ =	swait.ge [sflag:s10], $0x3200  }
0xf6: {  	[sflag:s10] =	ssyncset.done $0x0  }
0xf7: {  	[sflag:s10] =	ssyncadd.s32 $0xFFFFCE00  }
0xf8: {  	[tilespmem:s9], [sflag:$0x2] =	stream.indirect.gather [hbm4b:s3+s8], $0x80, s25, s8, $0xb8;
	[tilespmem:$0x1B080] =	vst v63  }
0xf9: {  	_ = 	snop  }
0xfa: {  	[spmem:s2] =	stream.indirect.scatter.add.f32 [tilespmem:s6], [sflag:$0x3], $0x80, s26, s8, $0xb8;
	[tilespmem:$0x1B080] =	vst v63  }
0xfb: {  	_ =	swait.ge [sflag:s5], $0x3200  }
0xfc: {  	[sflag:s5] =	ssyncset.done $0x0  }
0xfd: {  	[sflag:s5] =	ssyncadd.s32 $0xFFFFCE00  }
0xfe: {  	_ =	swait.ge [sflag:s11], $0x3200  }
0xff: {  	[sflag:s11] =	ssyncset.done $0x0  }
0x100: {  	[sflag:s11] =	ssyncadd.s32 $0xFFFFCE00  }
0x101: {  	[tilespmem:s6], [sflag:$0x1] =	stream.indirect.gather [hbm4b:s3+s8], $0x80, s28, s8, $0xb8;
	[tilespmem:$0x1B080] =	vst v63  }
0x102: {  	_ = 	snop  }
0x103: {  	[spmem:s2] =	stream.indirect.scatter.add.f32 [tilespmem:s9], [sflag:$0x3], $0x80, s30, s8, $0xb8;
	[tilespmem:$0x1B080] =	vst v63  }
0x104: {  	_ =	swait.ge [sflag:s5], $0x3200  }
0x105: {  	[sflag:s5] =	ssyncset.done $0x0  }
0x106: {  	[sflag:s5] =	ssyncadd.s32 $0xFFFFCE00  }
0x107: {  	_ =	swait.ge [sflag:s10], $0x3200  }
0x108: {  	[sflag:s10] =	ssyncset.done $0x0  }
0x109: {  	[sflag:s10] =	ssyncadd.s32 $0xFFFFCE00  }
0x10a: {  	[tilespmem:s9], [sflag:$0x2] =	stream.indirect.gather [hbm4b:s3+s8], $0x80, s31, s8, $0xb8;
	[tilespmem:$0x1B080] =	vst v63  }
0x10b: {  	_ = 	snop  }
0x10c: {  	[spmem:s2] =	stream.indirect.scatter.add.f32 [tilespmem:s6], [sflag:$0x3], $0x80, s0, s8, $0xb8;
	[tilespmem:$0x1B080] =	vst v63  }
0x10d: {  	_ =	swait.ge [sflag:s5], $0x3200  }
0x10e: {  	[sflag:s5] =	ssyncset.done $0x0  }
0x10f: {  	[sflag:s5] =	ssyncadd.s32 $0xFFFFCE00  }
0x110: {  	p1 =	sne.s32 s1, $0x1300;
	_ =	swait.ge [sflag:s11], $0x3200  }
.Ltmp1:
0x111: {  	[sflag:s11] =	ssyncset.done $0x0;
	(pc) =	sbr.rel @p1 .LBB2_3-.Ltmp1, $4  }
0x112: {  	[sflag:s11] =	ssyncadd.s32 $0xFFFFCE00  }
0x113: {  	[spmem:s2] =	stream.indirect.scatter.add.f32 [tilespmem:s9], [sflag:$0x3], $0x80, s21, s8, $0xb8;
	[tilespmem:$0x1B080] =	vst v63  }
0x114: {  	s4 =	smov.u32 s1;
	s1 =	sadd.s32 $0x100, s1;
	_ =	swait.ge [sflag:s5], $0x3200  }
0x115: {  	s29 =	smov.u32 s4;
	s7 =	rddreg [dreg:$0x4];
	[sflag:s5] =	ssyncset.done $0x0  }
0x116: {  	[sflag:s5] =	ssyncadd.s32 $0xFFFFCE00;
	s1 =	sadd.s32 s29, s7  }
0x117: {  	[tilespmem:s12], [sflag:$0x3] =	stream.linear.gather [hbm4b:s1+s12], $0x500, $0x38;
	[tilespmem:$0x1B080] =	vst v63  }
0x118: {  	_ =	swait.ge [sflag:s5], $0x500  }
0x119: {  	s7 =	rddreg [dreg:$0x3];
	[sflag:s5] =	ssyncset.done $0x0  }
0x11a: {  	s1 =	sadd.s32 s29, s7;
	[sflag:s5] =	ssyncadd.s32 $0xFFFFFB00  }
0x11b: {  	[tilespmem:s13], [sflag:$0x3] =	stream.linear.gather [hbm4b:s1+s12], $0x500, $0x38;
	[tilespmem:$0x1B080] =	vst v63  }
0x11c: {  	_ =	swait.ge [sflag:s5], $0x500  }
0x11d: {  	[sflag:s5] =	ssyncset.done $0x0  }
0x11e: {  	[sflag:s5] =	ssyncadd.s32 $0xFFFFFB00  }
0x11f: {  	[tilespmem:s6], [sflag:$0x1] =	stream.indirect.gather [hbm4b:s3+s8], $0x80, s12, s8, $0xb8;
	[tilespmem:$0x1B080] =	vst v63  }
0x120: {  	_ =	swait.ge [sflag:s10], $0x3200  }
0x121: {  	[sflag:s10] =	ssyncset.done $0x0  }
0x122: {  	s12 =	rddreg [dreg:$0x5];
	[sflag:s10] =	ssyncadd.s32 $0xFFFFCE00  }
0x123: {  	[tilespmem:s9], [sflag:$0x2] =	stream.indirect.gather [hbm4b:s3+s8], $0x80, s12, s8, $0xb8;
	[tilespmem:$0x1B080] =	vst v63  }
0x124: {  	_ = 	snop  }
0x125: {  	[spmem:s2] =	stream.indirect.scatter.add.f32 [tilespmem:s6], [sflag:$0x3], $0x80, s13, s8, $0xb8;
	[tilespmem:$0x1B080] =	vst v63  }
0x126: {  	_ =	swait.ge [sflag:s5], $0x3200  }
0x127: {  	[sflag:s5] =	ssyncset.done $0x0  }
0x128: {  	[sflag:s5] =	ssyncadd.s32 $0xFFFFCE00  }
0x129: {  	_ =	swait.ge [sflag:s11], $0x3200  }
0x12a: {  	[sflag:s11] =	ssyncset.done $0x0  }
0x12b: {  	[sflag:s11] =	ssyncadd.s32 $0xFFFFCE00  }
0x12c: {  	[tilespmem:s6], [sflag:$0x1] =	stream.indirect.gather [hbm4b:s3+s8], $0x80, s14, s8, $0xb8;
	[tilespmem:$0x1B080] =	vst v63  }
0x12d: {  	_ = 	snop  }
0x12e: {  	[spmem:s2] =	stream.indirect.scatter.add.f32 [tilespmem:s9], [sflag:$0x3], $0x80, s15, s8, $0xb8;
	[tilespmem:$0x1B080] =	vst v63  }
0x12f: {  	_ =	swait.ge [sflag:s5], $0x3200  }
0x130: {  	[sflag:s5] =	ssyncset.done $0x0  }
0x131: {  	[sflag:s5] =	ssyncadd.s32 $0xFFFFCE00  }
0x132: {  	_ =	swait.ge [sflag:s10], $0x3200  }
0x133: {  	[sflag:s10] =	ssyncset.done $0x0  }
0x134: {  	[sflag:s10] =	ssyncadd.s32 $0xFFFFCE00  }
0x135: {  	[tilespmem:s9], [sflag:$0x2] =	stream.indirect.gather [hbm4b:s3+s8], $0x80, s16, s8, $0xb8;
	[tilespmem:$0x1B080] =	vst v63  }
0x136: {  	_ = 	snop  }
0x137: {  	[spmem:s2] =	stream.indirect.scatter.add.f32 [tilespmem:s6], [sflag:$0x3], $0x80, s17, s8, $0xb8;
	[tilespmem:$0x1B080] =	vst v63  }
0x138: {  	_ =	swait.ge [sflag:s5], $0x3200  }
0x139: {  	[sflag:s5] =	ssyncset.done $0x0  }
0x13a: {  	[sflag:s5] =	ssyncadd.s32 $0xFFFFCE00  }
0x13b: {  	_ =	swait.ge [sflag:s11], $0x3200  }
0x13c: {  	[sflag:s11] =	ssyncset.done $0x0  }
0x13d: {  	[sflag:s11] =	ssyncadd.s32 $0xFFFFCE00  }
0x13e: {  	[tilespmem:s6], [sflag:$0x1] =	stream.indirect.gather [hbm4b:s3+s8], $0x80, s18, s8, $0xb8;
	[tilespmem:$0x1B080] =	vst v63  }
0x13f: {  	_ = 	snop  }
0x140: {  	[spmem:s2] =	stream.indirect.scatter.add.f32 [tilespmem:s9], [sflag:$0x3], $0x80, s19, s8, $0xb8;
	[tilespmem:$0x1B080] =	vst v63  }
0x141: {  	_ =	swait.ge [sflag:s5], $0x3200  }
0x142: {  	[sflag:s5] =	ssyncset.done $0x0  }
0x143: {  	[sflag:s5] =	ssyncadd.s32 $0xFFFFCE00  }
0x144: {  	_ =	swait.ge [sflag:s10], $0x3200  }
0x145: {  	[sflag:s10] =	ssyncset.done $0x0  }
0x146: {  	[sflag:s10] =	ssyncadd.s32 $0xFFFFCE00  }
0x147: {  	[tilespmem:s9], [sflag:$0x2] =	stream.indirect.gather [hbm4b:s3+s8], $0x80, s20, s8, $0xb8;
	[tilespmem:$0x1B080] =	vst v63  }
0x148: {  	_ = 	snop  }
0x149: {  	[spmem:s2] =	stream.indirect.scatter.add.f32 [tilespmem:s6], [sflag:$0x3], $0x80, s22, s8, $0xb8;
	[tilespmem:$0x1B080] =	vst v63  }
0x14a: {  	_ =	swait.ge [sflag:s5], $0x3200  }
0x14b: {  	[sflag:s5] =	ssyncset.done $0x0  }
0x14c: {  	[sflag:s5] =	ssyncadd.s32 $0xFFFFCE00  }
0x14d: {  	_ =	swait.ge [sflag:s11], $0x3200  }
0x14e: {  	[sflag:s11] =	ssyncset.done $0x0  }
0x14f: {  	[sflag:s11] =	ssyncadd.s32 $0xFFFFCE00  }
0x150: {  	[tilespmem:s6], [sflag:$0x1] =	stream.indirect.gather [hbm4b:s3+s8], $0x80, s23, s8, $0xb8;
	[tilespmem:$0x1B080] =	vst v63  }
0x151: {  	_ = 	snop  }
0x152: {  	[spmem:s2] =	stream.indirect.scatter.add.f32 [tilespmem:s9], [sflag:$0x3], $0x80, s24, s8, $0xb8;
	[tilespmem:$0x1B080] =	vst v63  }
0x153: {  	_ =	swait.ge [sflag:s5], $0x3200  }
0x154: {  	[sflag:s5] =	ssyncset.done $0x0  }
0x155: {  	[sflag:s5] =	ssyncadd.s32 $0xFFFFCE00  }
0x156: {  	_ =	swait.ge [sflag:s10], $0x3200  }
0x157: {  	[sflag:s10] =	ssyncset.done $0x0  }
0x158: {  	[sflag:s10] =	ssyncadd.s32 $0xFFFFCE00  }
0x159: {  	[tilespmem:s9], [sflag:$0x2] =	stream.indirect.gather [hbm4b:s3+s8], $0x80, s25, s8, $0xb8;
	[tilespmem:$0x1B080] =	vst v63  }
0x15a: {  	_ = 	snop  }
0x15b: {  	[spmem:s2] =	stream.indirect.scatter.add.f32 [tilespmem:s6], [sflag:$0x3], $0x80, s26, s8, $0xb8;
	[tilespmem:$0x1B080] =	vst v63  }
0x15c: {  	_ =	swait.ge [sflag:s5], $0x3200  }
0x15d: {  	[sflag:s5] =	ssyncset.done $0x0  }
0x15e: {  	[sflag:s5] =	ssyncadd.s32 $0xFFFFCE00  }
0x15f: {  	_ =	swait.ge [sflag:s11], $0x3200  }
0x160: {  	[sflag:s11] =	ssyncset.done $0x0  }
0x161: {  	[sflag:s11] =	ssyncadd.s32 $0xFFFFCE00  }
0x162: {  	[tilespmem:s6], [sflag:$0x1] =	stream.indirect.gather [hbm4b:s3+s8], $0x80, s28, s8, $0xb8;
	[tilespmem:$0x1B080] =	vst v63  }
0x163: {  	_ = 	snop  }
0x164: {  	[spmem:s2] =	stream.indirect.scatter.add.f32 [tilespmem:s9], [sflag:$0x3], $0x80, s30, s8, $0xb8;
	[tilespmem:$0x1B080] =	vst v63  }
0x165: {  	_ =	swait.ge [sflag:s5], $0x3200  }
0x166: {  	[sflag:s5] =	ssyncset.done $0x0  }
0x167: {  	[sflag:s5] =	ssyncadd.s32 $0xFFFFCE00  }
0x168: {  	_ =	swait.ge [sflag:s10], $0x3200  }
0x169: {  	[sflag:s10] =	ssyncset.done $0x0  }
0x16a: {  	[sflag:s10] =	ssyncadd.s32 $0xFFFFCE00  }
0x16b: {  	[tilespmem:s9], [sflag:$0x2] =	stream.indirect.gather [hbm4b:s3+s8], $0x80, s31, s8, $0xb8;
	[tilespmem:$0x1B080] =	vst v63  }
0x16c: {  	_ = 	snop  }
0x16d: {  	[spmem:s2] =	stream.indirect.scatter.add.f32 [tilespmem:s6], [sflag:$0x3], $0x80, s0, s8, $0xb8;
	[tilespmem:$0x1B080] =	vst v63  }
0x16e: {  	_ =	swait.ge [sflag:s5], $0x3200  }
0x16f: {  	[sflag:s5] =	ssyncset.done $0x0  }
0x170: {  	[sflag:s5] =	ssyncadd.s32 $0xFFFFCE00  }
0x171: {  	_ =	swait.ge [sflag:s11], $0x3200  }
0x172: {  	[sflag:s11] =	ssyncset.done $0x0  }
0x173: {  	[sflag:s11] =	ssyncadd.s32 $0xFFFFCE00  }
0x174: {  	[spmem:s2] =	stream.indirect.scatter.add.f32 [tilespmem:s9], [sflag:$0x3], $0x80, s21, s8, $0xb8;
	[tilespmem:$0x1B080] =	vst v63  }
0x175: {  	_ =	swait.ge [sflag:s5], $0x3200  }
0x176: {  	[sflag:s5] =	ssyncset.done $0x0  }
0x177: {  	[sflag:s5] =	ssyncadd.s32 $0xFFFFCE00  }
0x178: {  	s26 =	stileid.u32;
	[bflag:$0x0] =	sbarrier.arrive $0xFFFF  }
0x179: {  	s28 =	sshll.u32 s26, $0x6;
	s31 =	simm.s32 $0x3;
	s29 =	rddreg [dreg:$0x6]  }
0x17a: {  	s0 =	sor.u32 $0x1C03, s28;
	s30 =	rddreg [dreg:$0x9];
	s1 =	sshrl.u32 s29, $0x3  }
0x17b: {  	[hbm:s30], [sflag:s0] =	dma.local [spmem:s1], $0x2700  }
0x17c: {  	_ =	swait.ge [sflag:s31], $0x2700  }
0x17d: {  	[sflag:s31] =	ssyncset.done $0x0;
	s1 =	rddreg [dreg:$0x7]  }
0x17e: {  	s3 =	rddreg [dreg:$0x8];
	[sflag:s31] =	ssyncadd.s32 $0xFFFFD900;
	s1 =	sshrl.u32 @!p0 s1, $0x3  }
0x17f: {  	[hbm:s3], [sflag:s0] =	dma.local @!p0 [spmem:s1], $0x100  }
0x180: {  	s0 =	simm.s32 @!p0 $0x3  }
0x181: {  	_ =	swait.ge @!p0 [sflag:s0], $0x100  }
0x182: {  	[sflag:s0] =	ssyncset.done @!p0 $0x0  }
0x183: {  	[sflag:s0] =	ssyncadd.s32 @!p0 $0xFFFFFF00  }
0x184: {  	_ =	sfence.sel $0x180000  }
0x185: {  	[bflag:$0x0] =	sbarrier.arrive $0xFFFF  }
0x186: {  	_ =	strace $0x90000050  }
0x187: {  	[bflag:$0x2] =	sbarrier.arrive $0xFFFF  }
0x188: {  	p0 =	sne.s32 s26, $0x0;
	s0 =	rddreg [dreg:$0x2]  }
0x189: {  	s0 =	sadd.s32 @!p0 $0x100000, s0  }
0x18a: {  	[sflag:s0] =	ssyncadd.tile.s32 @!p0 $0x1;
	_ =	shalt  }
.Lfunc_end2:
_tile_overlayer_lowered:
.L_overlay_start_2:
0x18b: {  	(tag) =	ssettag $0x2  }
0x18c: {  	s0 =	rddreg [dreg:$0x0];
	s2 =	stileid.u32  }
0x18d: {  	s1 =	rddreg [dreg:$0x1];
	p0 =	sne.s32 s2, $0x0  }
0x18e: {  	s3 =	rddreg [dreg:$0x2];
	[bflag:$0x3] =	sbarrier.arrive $0xFFFF;
	s2 =	simm.s32 @!p0 $0x1C03  }
0x18f: {  	[timem:s3], [sflag:s2] =	dma.local @!p0 [hbm:s0], s1  }
0x190: {  	s0 =	simm.s32 @!p0 $0x3  }
0x191: {  	_ =	swait.ge @!p0 [sflag:s0], s1  }
0x192: {  	s1 =	ssub.s32 @!p0 $0x0, s1;
	[sflag:s0] =	ssyncset.done @!p0 $0x0  }
0x193: {  	[sflag:s0] =	ssyncadd.s32 @!p0 s1  }
0x194: {  	[bflag:$0x3] =	sbarrier.arrive $0xFFFF  }
0x195: {  	_ =	shalt  }

// kernel: kernel.18.cloned.1.call-start
scs
__scs_entry_jumppad:
0x0: {  	(pc) =	sbr.rel $0x88, $3  }
0x1: {  	(tag) =	ssettag $0x0;
	lr =	simm.s32 $0x1  }
0x2: {  	[smem:$0x3F98] =	sst lr;
	_ =	strace $0xD0000000  }
0x3: {  	_ = 	snop  }
0x4: {  	_ = 	snop  }
0x5: {  	_ = 	snop  }
0x6: {  	_ = 	snop  }
0x7: {  	_ = 	snop  }
__scs_overlays_trampoline_lowered:
0x8: {  	[smem:$0x3FA7] =	sst s0  }
0x9: {  	[smem:$0x3FA8] =	sst s1  }
0xa: {  	[smem:$0x3FA9] =	sst s2  }
0xb: {  	[smem:$0x3FAA] =	sst s3  }
0xc: {  	[smem:$0x3FAB] =	sst s4  }
0xd: {  	[smem:$0x3FAC] =	sst s5  }
0xe: {  	[smem:$0x3FAD] =	sst s6  }
0xf: {  	[smem:$0x3FAE] =	sst s7  }
0x10: {  	[smem:$0x3FAF] =	sst s8  }
0x11: {  	[smem:$0x3FB0] =	sst s9;
	s0 =	simm.s32 @!p0 $0x0  }
0x12: {  	s1 =	sld [smem:$0x3F96];
	s0 =	simm.s32 @p0 $0x1  }
0x13: {  	[smem:$0x3FB1] =	sst s0;
	s0 =	simm.s32 @!p1 $0x0  }
0x14: {  	s2 =	sld [smem:$0x3F95];
	s0 =	simm.s32 @p1 $0x1  }
0x15: {  	[smem:$0x3FB2] =	sst s0;
	s0 =	simm.s32 @!p2 $0x0  }
0x16: {  	s3 =	sld [smem:$0x3FDB];
	s0 =	simm.s32 @p2 $0x1  }
0x17: {  	s4 =	simm.s32 $0x1BF5;
	[smem:$0x3FB4] =	sst s0  }
0x18: {  	s0 =	sld [smem:$0x3F97];
	_ =	swait.ge [sflag:s4], $0x0  }
0x19: {  	s7 =	sld [smem:$0x3F98]  }
0x1a: {  	s8 =	sadd.s32 $0xFFFFE003, lr  }
0x1b: {  	s9 =	sadd.s32 $0xFFFFFEF7, lr;
	s5 =	simm.s32 $0xFFFFFFFF;
	p2 =	slt.u32 s8, $0xFFFFF086  }
0x1c: {  	p1 =	slt.u32 s9, $0xF7A;
	s5 =	simm.s32 @!p2 $0x0  }
0x1d: {  	s5 =	simm.s32 @p1 $0x1;
	p0 =	seq.s32 s7, s2  }
0x1e: {  	s7 =	smul.u32 @!p0 $0xF7A, s2;
	p2 =	seq.s32 @!p0 s5, $0x0  }
0x1f: {  	s9 =	smul.u32 $0xF7A, s1;
	s8 =	simm.s32 @!p0 $0x1BF5;
	p2 =	por !p2, p0  }
0x20: {  	[sflag:s8] =	ssyncset.s32 @!p0 $0xFFFFF086;
	s6 =	sadd.s32 @!p0 s3, s7;
	s7 =	simm.s32 @!p0 $0x108  }
0x21: {  	s3 =	sadd.s32 s3, s9;
	s6 =	sadd.s32 @!p0 $0x88, s6;
	s7 =	simm.s32 @p2 $0x1082  }
0x22: {  	[simem:s7], [sflag:s8] =	dma.local @!p0 [hbm:s6], $0xF7A  }
0x23: {  	s9 =	sor.u32 $0xD0000000, s2;
	s6 =	simm.s32 $0x108;
	_ =	swait.ge @!p0 [sflag:s8], $0x0  }
0x24: {  	s3 =	sadd.s32 $0x88, s3;
	s6 =	simm.s32 @!p1 $0x1082;
	[sflag:s4] =	ssyncset.s32 $0xFFFFF086  }
0x25: {  	[simem:s6], [sflag:s4] =	dma.local [hbm:s3], $0xF7A  }
0x26: {  	[smem:$0x3F98] =	sst s1;
	(tag) =	ssettag s2;
	_ =	strace s9  }
0x27: {  	s1 =	sld [smem:$0x3FA8]  }
0x28: {  	s2 =	sld [smem:$0x3FA9]  }
0x29: {  	s4 =	sld [smem:$0x3FAB]  }
0x2a: {  	p0 =	seq.s32 s5, $0x0;
	s5 =	sld [smem:$0x3FAC]  }
0x2b: {  	s6 =	sld [smem:$0x3FAD]  }
0x2c: {  	s7 =	sld [smem:$0x3FAE]  }
0x2d: {  	s3 =	simm.s32 $0x108;
	s8 =	sld [smem:$0x3FAF]  }
0x2e: {  	s3 =	simm.s32 @!p0 $0x1082;
	s9 =	sld [smem:$0x3FB0]  }
0x2f: {  	lr =	sadd.s32 s0, s3;
	s0 =	sld [smem:$0x3FA7]  }
0x30: {  	s3 =	sld [smem:$0x3FAA]  }
0x31: {  	[smem:$0x3FB3] =	sst s10  }
0x32: {  	s10 =	sld [smem:$0x3FB1];
	_ =	sdelay $0x3  }
0x33: {  	p0 =	seq.s32 s10, $0x1;
	s10 =	sld [smem:$0x3FB3];
	_ =	sdelay $0x3  }
0x34: {  	[smem:$0x3FB3] =	sst s10  }
0x35: {  	s10 =	sld [smem:$0x3FB2];
	_ =	sdelay $0x3  }
0x36: {  	p1 =	seq.s32 s10, $0x1;
	s10 =	sld [smem:$0x3FB3];
	_ =	sdelay $0x3  }
0x37: {  	[smem:$0x3FB3] =	sst s10  }
0x38: {  	s10 =	sld [smem:$0x3FB4]  }
0x39: {  	_ = 	snop;
	(pc) =	sbr.ind lr, $3  }
0x3a: {  	_ = 	snop  }
0x3b: {  	_ = 	snop  }
0x3c: {  	p2 =	seq.s32 s10, $0x1;
	s10 =	sld [smem:$0x3FB3]  }
0x3d: {  	_ =	shalt  }
0x3e: {  	_ =	shalt  }
0x3f: {  	_ =	shalt  }
0x40: {  	_ =	shalt  }
0x41: {  	_ =	shalt  }
0x42: {  	_ =	shalt  }
0x43: {  	_ =	shalt  }
0x44: {  	_ =	shalt  }
0x45: {  	_ =	shalt  }
0x46: {  	_ =	shalt  }
0x47: {  	_ =	shalt  }
0x48: {  	_ =	shalt  }
0x49: {  	_ =	shalt  }
0x4a: {  	_ =	shalt  }
0x4b: {  	_ =	shalt  }
0x4c: {  	_ =	shalt  }
0x4d: {  	_ =	shalt  }
0x4e: {  	_ =	shalt  }
0x4f: {  	_ =	shalt  }
0x50: {  	_ =	shalt  }
0x51: {  	_ =	shalt  }
0x52: {  	_ =	shalt  }
0x53: {  	_ =	shalt  }
0x54: {  	_ =	shalt  }
0x55: {  	_ =	shalt  }
0x56: {  	_ =	shalt  }
0x57: {  	_ =	shalt  }
0x58: {  	_ =	shalt  }
0x59: {  	_ =	shalt  }
0x5a: {  	_ =	shalt  }
0x5b: {  	_ =	shalt  }
0x5c: {  	_ =	shalt  }
0x5d: {  	_ =	shalt  }
0x5e: {  	_ =	shalt  }
0x5f: {  	_ =	shalt  }
0x60: {  	_ =	shalt  }
0x61: {  	_ =	shalt  }
0x62: {  	_ =	shalt  }
0x63: {  	_ =	shalt  }
0x64: {  	_ =	shalt  }
0x65: {  	_ =	shalt  }
0x66: {  	_ =	shalt  }
0x67: {  	_ =	shalt  }
0x68: {  	_ =	shalt  }
0x69: {  	_ =	shalt  }
0x6a: {  	_ =	shalt  }
0x6b: {  	_ =	shalt  }
0x6c: {  	_ =	shalt  }
0x6d: {  	_ =	shalt  }
0x6e: {  	_ =	shalt  }
0x6f: {  	_ =	shalt  }
0x70: {  	_ =	shalt  }
0x71: {  	_ =	shalt  }
0x72: {  	_ =	shalt  }
0x73: {  	_ =	shalt  }
0x74: {  	_ =	shalt  }
0x75: {  	_ =	shalt  }
0x76: {  	_ =	shalt  }
0x77: {  	_ =	shalt  }
0x78: {  	_ =	shalt  }
0x79: {  	_ =	shalt  }
0x7a: {  	_ =	shalt  }
0x7b: {  	_ =	shalt  }
0x7c: {  	_ =	shalt  }
0x7d: {  	_ =	shalt  }
0x7e: {  	_ =	shalt  }
0x7f: {  	_ =	shalt  }
0x80: {  	_ =	shalt  }
0x81: {  	_ =	shalt  }
0x82: {  	_ =	shalt  }
0x83: {  	_ =	shalt  }
0x84: {  	_ =	shalt  }
0x85: {  	_ =	shalt  }
0x86: {  	_ =	shalt  }
0x87: {  	_ =	shalt  }
.Lfunc_end0:
.L_simem_size_0:
called_computation.3_lowered:
.L_overlay_start_0:
0x88: {  	s0 =	sld [smem:$0x3FD9]  }
0x89: {  	s1 =	sld [smem:$0x3FFE];
	_ =	sdelay $0x3  }
0x8a: {  	s0 =	sadd.s32 s1, s0  }
0x8b: {  	[smem:$0x3FBF] =	sst s0  }
0x8c: {  	_ = 	snop  }
0x8d: {  	(tm) =	ssettm $0x1  }
0x8e: {  	s15 =	sld [smem:$0x3FFB];
	_ =	sdelay $0x3  }
0x8f: {  	_ =	strace s15  }
0x90: {  	s0 =	sld [smem:$0x3FFC];
	_ =	sdelay $0x3  }
0x91: {  	_ =	strace s0  }
0x92: {  	s0 =	sld [smem:$0x3FFD];
	_ =	sdelay $0x3  }
0x93: {  	_ =	strace s0  }
0x94: {  	_ =	strace $0x8FFFFFFF  }
0x95: {  	s16 =	sld [smem:$0x3FDB];
	_ =	sdelay $0x1  }
0x96: {  	s17 =	simm.s32 $_scs_section_size  }
0x97: {  	s2 =	simm.s32 $_size__tile_overlayer_lowered;
	s3 =	simm.s32 $_tile_overlayer_lowered  }
0x98: {  	s20 =	simm.s32 $0x1BFF;
	s19 =	sshll.u32 s3, $0x1;
	s0 =	sadd.s32 s17, s16  }
0x99: {  	s4 =	simm.s32 $0x0;
	s18 =	sshll.u32 s2, $0x1;
	s2 =	sadd.s32 s19, s0  }
0x9a: {  	[timem:s4], [sflag:s20] =	dma.local [hbm:s2], s18  }
0x9b: {  	_ =	swait.ge [sflag:s20], s18  }
0x9c: {  	s1 =	ssub.s32 $0x0, s18;
	[sflag:s20] =	ssyncset.done $0x0  }
0x9d: {  	[sflag:s20] =	ssyncadd.s32 s1;
	_ =	sdelay $0x1  }
0x9e: {  	s21 =	simm.s32 $0x1B8B  }
0x9f: {  	_ =	swait.ge [sflag:s21], $0x1  }
0xa0: {  	[sflag:s21] =	ssyncset.done $0x0  }
0xa1: {  	s23 =	simm.s32 $0x1B8E;
	s22 =	sld [smem:$0x3FFE];
	[sflag:s21] =	ssyncadd.s32 $0xFFFFFFFF  }
0xa2: {  	s24 =	simm.s32 $execute0_lowered;
	[smem:$0x3FD2] =	sst s23  }
0xa3: {  	s2 =	sshll.u32 s24, $0x1;
	_ =	strace $0x8000004C;
	[dreg:$0x1] =	wrdreg $0xFFFFFFFF  }
0xa4: {  	s25 =	simm.s32 $_size_execute0_lowered;
	s0 =	sadd.s32 s0, s2;
	[dreg:$0x0] =	wrdreg $0x0  }
0xa5: {  	s2 =	sshll.u32 s25, $0x1;
	[dreg:$0x2] =	wrdreg s0  }
0xa6: {  	[dreg:$0x3] =	wrdreg s2  }
0xa7: {  	[dreg:$0x4] =	wrdreg $0xC0  }
0xa8: {  	_ =	task [dreg:s4], $0x5FFFF  }
0xa9: {  	[dreg:$0x1] =	wrdreg $0xFFFFFFFF  }
0xaa: {  	[dreg:$0x0] =	wrdreg $0x60  }
0xab: {  	[dreg:$0x2] =	wrdreg s22  }
0xac: {  	[dreg:$0x3] =	wrdreg $0x78000  }
0xad: {  	[dreg:$0x4] =	wrdreg $0xA  }
0xae: {  	_ =	task.clear_ibuf [dreg:s4], $0x5FFFF;
	_ =	strace $0x9000004C  }
0xaf: {  	s26 =	simm.s32 $0xA;
	_ =	strace $0x8000004E  }
0xb0: {  	_ =	swait.ge [sflag:s26], $0x1  }
0xb1: {  	[sflag:s26] =	ssyncadd.s32 $0xFFFFFFFF  }
0xb2: {  	_ =	strace $0x9000004E  }
0xb3: {  	_ =	sfence  }
0xb4: {  	s28 =	sld [smem:$0x0];
	_ =	sdelay $0x1  }
0xb5: {  	s29 =	srdreg.scid  }
0xb6: {  	s30 =	sshll.u32 s29, $0xD;
	s31 =	sshrl.u32 s29, $0x2  }
0xb7: {  	s1 =	sand.u32 $0x1, s29;
	s2 =	sand.u32 $0x4000, s30;
	s0 =	sadd.s32 s31, s28  }
0xb8: {  	s1 =	sor.u32 s2, s1;
	s0 =	sshll.u32 s0, $0x11  }
0xb9: {  	s0 =	sor.u32 s0, s1  }
0xba: {  	s0 =	sadd.s32 $0x8F2B, s0  }
0xbb: {  	[sflag:s0] =	ssyncadd.remote.s32 $0x1  }
0xbc: {  	_ =	sfence.sel $0xFFFF  }
0xbd: {  	[dreg:$0x0] =	wrdreg $0xFFFFFFFF;
	(pc) =	sbr.abs _section_cstart, $3  }
0xbe: {  	[dreg:$0x1] =	wrdreg $0xFFFFFFFF  }
0xbf: {  	_ =	task.clear_ibuf [dreg:s4], $0x2FFFF;
	_ =	strace $0x9FFFFFFF  }
0xc0: {  	(tm) =	ssettm $0x7FFFFFFF  }
0xc1: {  	_ =	shalt  }
tec
execute0_lowered:
.L_overlay_start_1:
0x0: {  	(tag) =	ssettag $0x1  }
0x1: {  	s4 =	rddreg [dreg:$0x0]  }
0x2: {  	s2 =	rddreg [dreg:$0x1];
	s0 =	simm.s32 $0x0  }
0x3: {  	s5 =	simm.s32 $0x200;
	[smem:$0x7FF] =	sst s0  }
0x4: {  	s3 =	sadd.s32 $0x4F600, s4;
	s1 =	sadd.s32 $0x3B600, s4;
	s0 =	sadd.s32 $0x27600, s4  }
0x5: {  	v0 =	vimm.f32 $0.0e+00;
	s29 =	sadd.s32 $0xC4C00, s4;
	s4 =	simm.s32 $0x0;
	_ =	strace $0x8000004D  }
.LBB2_1:
0x6: {  	p0 =	sne.s32 s5, $0xC600;
	[tilespmem:s4+$0x1070] =	vst v0  }
0x7: {  	[tilespmem:s4+$0x1000] =	vst v0  }
0x8: {  	[tilespmem:s4+$0x1010] =	vst v0  }
.Ltmp0:
0x9: {  	[tilespmem:s4+$0x1020] =	vst v0;
	(pc) =	sbr.rel @p0 .LBB2_1-.Ltmp0, $4  }
0xa: {  	[tilespmem:s4+$0x1030] =	vst v0  }
0xb: {  	[tilespmem:s4+$0x1040] =	vst v0  }
0xc: {  	[tilespmem:s4+$0x1050] =	vst v0  }
0xd: {  	[tilespmem:s4+$0x1060] =	vst v0;
	s4 =	sshra.s32 s5, $0x2;
	s5 =	sadd.s32 $0x200, s5  }
0xe: {  	[tilespmem:s4+$0x1070] =	vst v0  }
0xf: {  	[tilespmem:s4+$0x1000] =	vst v0  }
0x10: {  	[tilespmem:s4+$0x1010] =	vst v0  }
0x11: {  	[tilespmem:s4+$0x1020] =	vst v0;
	s5 =	stileid.u32  }
0x12: {  	[tilespmem:s4+$0x1030] =	vst v0;
	s5 =	smul.u32 $0x4E000, s5  }
0x13: {  	[tilespmem:s4+$0x1040] =	vst v0  }
0x14: {  	[tilespmem:s4+$0x1050] =	vst v0;
	s5 =	sshrl.u32 s5, $0x2  }
0x15: {  	[tilespmem:s4+$0x1060] =	vst v0;
	s6 =	simm.s32 $0x1000;
	s12 =	sadd.s32 s5, s2;
	s5 =	simm.s32 $0x3  }
0x16: {  	[spmem:s12] =	stream.linear.scatter [tilespmem:s6], [sflag:$0x3], $0x1800, $0x38;
	[tilespmem:$0x1B080] =	vst v63  }
0x17: {  	_ =	swait.ge [sflag:s5], $0x1800  }
0x18: {  	[sflag:s5] =	ssyncset.done $0x0  }
0x19: {  	s7 =	sadd.s32 $0x1800, s12;
	[sflag:s5] =	ssyncadd.s32 $0xFFFFE800  }
0x1a: {  	[spmem:s7] =	stream.linear.scatter [tilespmem:s6], [sflag:$0x3], $0x1800, $0x38;
	[tilespmem:$0x1B080] =	vst v63  }
0x1b: {  	_ =	swait.ge [sflag:s5], $0x1800  }
0x1c: {  	[sflag:s5] =	ssyncset.done $0x0  }
0x1d: {  	s13 =	sadd.s32 $0x3000, s12;
	[sflag:s5] =	ssyncadd.s32 $0xFFFFE800  }
0x1e: {  	[spmem:s13] =	stream.linear.scatter [tilespmem:s6], [sflag:$0x3], $0x1800, $0x38;
	[tilespmem:$0x1B080] =	vst v63  }
0x1f: {  	_ =	swait.ge [sflag:s5], $0x1800  }
0x20: {  	[sflag:s5] =	ssyncset.done $0x0  }
0x21: {  	s14 =	sadd.s32 $0x4800, s12;
	[sflag:s5] =	ssyncadd.s32 $0xFFFFE800  }
0x22: {  	[spmem:s14] =	stream.linear.scatter [tilespmem:s6], [sflag:$0x3], $0x1800, $0x38;
	[tilespmem:$0x1B080] =	vst v63  }
0x23: {  	_ =	swait.ge [sflag:s5], $0x1800  }
0x24: {  	[sflag:s5] =	ssyncset.done $0x0  }
0x25: {  	s15 =	sadd.s32 $0x6000, s12;
	[sflag:s5] =	ssyncadd.s32 $0xFFFFE800  }
0x26: {  	[spmem:s15] =	stream.linear.scatter [tilespmem:s6], [sflag:$0x3], $0x1800, $0x38;
	[tilespmem:$0x1B080] =	vst v63  }
0x27: {  	_ =	swait.ge [sflag:s5], $0x1800  }
0x28: {  	[sflag:s5] =	ssyncset.done $0x0  }
0x29: {  	s16 =	sadd.s32 $0x7800, s12;
	[sflag:s5] =	ssyncadd.s32 $0xFFFFE800  }
0x2a: {  	[spmem:s16] =	stream.linear.scatter [tilespmem:s6], [sflag:$0x3], $0x1800, $0x38;
	[tilespmem:$0x1B080] =	vst v63  }
0x2b: {  	_ =	swait.ge [sflag:s5], $0x1800  }
0x2c: {  	[sflag:s5] =	ssyncset.done $0x0  }
0x2d: {  	s17 =	sadd.s32 $0x9000, s12;
	[sflag:s5] =	ssyncadd.s32 $0xFFFFE800  }
0x2e: {  	[spmem:s17] =	stream.linear.scatter [tilespmem:s6], [sflag:$0x3], $0x1800, $0x38;
	[tilespmem:$0x1B080] =	vst v63  }
0x2f: {  	_ =	swait.ge [sflag:s5], $0x1800  }
0x30: {  	[sflag:s5] =	ssyncset.done $0x0  }
0x31: {  	s18 =	sadd.s32 $0xA800, s12;
	[sflag:s5] =	ssyncadd.s32 $0xFFFFE800  }
0x32: {  	[spmem:s18] =	stream.linear.scatter [tilespmem:s6], [sflag:$0x3], $0x1800, $0x38;
	[tilespmem:$0x1B080] =	vst v63  }
0x33: {  	_ =	swait.ge [sflag:s5], $0x1800  }
0x34: {  	[sflag:s5] =	ssyncset.done $0x0  }
0x35: {  	s19 =	sadd.s32 $0xC000, s12;
	[sflag:s5] =	ssyncadd.s32 $0xFFFFE800  }
0x36: {  	[spmem:s19] =	stream.linear.scatter [tilespmem:s6], [sflag:$0x3], $0x1800, $0x38;
	[tilespmem:$0x1B080] =	vst v63  }
0x37: {  	_ =	swait.ge [sflag:s5], $0x1800  }
0x38: {  	[sflag:s5] =	ssyncset.done $0x0  }
0x39: {  	s20 =	sadd.s32 $0xD800, s12;
	[sflag:s5] =	ssyncadd.s32 $0xFFFFE800  }
0x3a: {  	[spmem:s20] =	stream.linear.scatter [tilespmem:s6], [sflag:$0x3], $0x1800, $0x38;
	[tilespmem:$0x1B080] =	vst v63  }
0x3b: {  	_ =	swait.ge [sflag:s5], $0x1800  }
0x3c: {  	[sflag:s5] =	ssyncset.done $0x0  }
0x3d: {  	s21 =	sadd.s32 $0xF000, s12;
	[sflag:s5] =	ssyncadd.s32 $0xFFFFE800  }
0x3e: {  	[spmem:s21] =	stream.linear.scatter [tilespmem:s6], [sflag:$0x3], $0x1800, $0x38;
	[tilespmem:$0x1B080] =	vst v63  }
0x3f: {  	_ =	swait.ge [sflag:s5], $0x1800  }
0x40: {  	[sflag:s5] =	ssyncset.done $0x0  }
0x41: {  	s22 =	sadd.s32 $0x10800, s12;
	[sflag:s5] =	ssyncadd.s32 $0xFFFFE800  }
0x42: {  	[spmem:s22] =	stream.linear.scatter [tilespmem:s6], [sflag:$0x3], $0x1800, $0x38;
	[tilespmem:$0x1B080] =	vst v63  }
0x43: {  	_ =	swait.ge [sflag:s5], $0x1800  }
0x44: {  	[sflag:s5] =	ssyncset.done $0x0  }
0x45: {  	s23 =	sadd.s32 $0x12000, s12;
	[dreg:$0x6] =	wrdreg s12;
	[sflag:s5] =	ssyncadd.s32 $0xFFFFE800  }
0x46: {  	[spmem:s23] =	stream.linear.scatter [tilespmem:s6], [sflag:$0x3], $0x1800, $0x38;
	[tilespmem:$0x1B080] =	vst v63  }
0x47: {  	s8 =	stileid.u32;
	_ =	swait.ge [sflag:s5], $0x1800  }
0x48: {  	p0 =	sne.s32 s8, $0xF;
	[sflag:s5] =	ssyncset.done $0x0  }
0x49: {  	s4 =	sadd.s32 $0x138000, s2;
	s7 =	simm.s32 @!p0 $0x1000;
	[sflag:s5] =	ssyncadd.s32 $0xFFFFE800  }
0x4a: {  	[spmem:s4] =	stream.linear.scatter @!p0 [tilespmem:s7], [sflag:$0x3], $0x800, $0x38;
	[tilespmem:$0x1B080] =	vst v63  }
0x4b: {  	[dreg:$0x7] =	wrdreg s4;
	s7 =	simm.s32 @!p0 $0x3  }
0x4c: {  	_ =	swait.ge @!p0 [sflag:s7], $0x800  }
0x4d: {  	s8 =	smul.u32 $0x1400, s8;
	[sflag:s7] =	ssyncset.done @!p0 $0x0  }
0x4e: {  	[sflag:s7] =	ssyncadd.s32 @!p0 $0xFFFFF800  }
0x4f: {  	s1 =	sadd.s32 s8, s1;
	[bflag:$0x0] =	sbarrier.arrive $0xFFFF  }
0x50: {  	s0 =	sadd.s32 s8, s0;
	[dreg:$0x4] =	wrdreg s1  }
0x51: {  	[dreg:$0x3] =	wrdreg s0  }
0x52: {  	s24 =	simm.s32 $0x80;
	s1 =	rddreg [dreg:$0x4]  }
0x53: {  	s12 =	simm.s32 $0x0;
	[dreg:$0x5] =	wrdreg s24;
	s25 =	sadd.s32 $0x0, s1  }
0x54: {  	[tilespmem:s12], [sflag:$0x3] =	stream.linear.gather [hbm4b:s25+s12], $0x500, $0x38;
	[tilespmem:$0x1B080] =	vst v63  }
0x55: {  	_ =	swait.ge [sflag:s5], $0x500  }
0x56: {  	s26 =	rddreg [dreg:$0x3];
	[sflag:s5] =	ssyncset.done $0x0  }
0x57: {  	s13 =	simm.s32 $0x800;
	[sflag:s5] =	ssyncadd.s32 $0xFFFFFB00;
	s0 =	sadd.s32 $0x0, s26  }
0x58: {  	[tilespmem:s13], [sflag:$0x3] =	stream.linear.gather [hbm4b:s0+s12], $0x500, $0x38;
	[tilespmem:$0x1B080] =	vst v63  }
0x59: {  	_ =	swait.ge [sflag:s5], $0x500  }
0x5a: {  	[sflag:s5] =	ssyncset.done $0x0  }
0x5b: {  	s10 =	simm.s32 $0x1;
	s8 =	simm.s32 $0x64;
	[sflag:s5] =	ssyncadd.s32 $0xFFFFFB00  }
0x5c: {  	[tilespmem:s6], [sflag:$0x1] =	stream.indirect.gather [hbm4b:s3+s8], $0x80, s12, s8, $0xb8;
	[tilespmem:$0x1B080] =	vst v63  }
0x5d: {  	_ =	swait.ge [sflag:s10], $0x3200  }
0x5e: {  	[sflag:s10] =	ssyncset.done $0x0  }
0x5f: {  	s9 =	simm.s32 $0x4400;
	s1 =	rddreg [dreg:$0x5];
	[sflag:s10] =	ssyncadd.s32 $0xFFFFCE00  }
0x60: {  	[tilespmem:s9], [sflag:$0x2] =	stream.indirect.gather [hbm4b:s3+s8], $0x80, s1, s8, $0xb8;
	[tilespmem:$0x1B080] =	vst v63  }
0x61: {  	_ = 	snop  }
0x62: {  	[spmem:s2] =	stream.indirect.scatter.add.f32 [tilespmem:s6], [sflag:$0x3], $0x80, s13, s8, $0xb8;
	[tilespmem:$0x1B080] =	vst v63  }
0x63: {  	_ =	swait.ge [sflag:s5], $0x3200  }
0x64: {  	[sflag:s5] =	ssyncset.done $0x0  }
0x65: {  	s11 =	simm.s32 $0x2;
	[sflag:s5] =	ssyncadd.s32 $0xFFFFCE00  }
0x66: {  	_ =	swait.ge [sflag:s11], $0x3200  }
0x67: {  	[sflag:s11] =	ssyncset.done $0x0  }
0x68: {  	s14 =	simm.s32 $0x100;
	[sflag:s11] =	ssyncadd.s32 $0xFFFFCE00  }
0x69: {  	[tilespmem:s6], [sflag:$0x1] =	stream.indirect.gather [hbm4b:s3+s8], $0x80, s14, s8, $0xb8;
	[tilespmem:$0x1B080] =	vst v63  }
0x6a: {  	s15 =	simm.s32 $0x880  }
0x6b: {  	[spmem:s2] =	stream.indirect.scatter.add.f32 [tilespmem:s9], [sflag:$0x3], $0x80, s15, s8, $0xb8;
	[tilespmem:$0x1B080] =	vst v63  }
0x6c: {  	_ =	swait.ge [sflag:s5], $0x3200  }
0x6d: {  	[sflag:s5] =	ssyncset.done $0x0  }
0x6e: {  	[sflag:s5] =	ssyncadd.s32 $0xFFFFCE00  }
0x6f: {  	_ =	swait.ge [sflag:s10], $0x3200  }
0x70: {  	[sflag:s10] =	ssyncset.done $0x0  }
0x71: {  	s16 =	simm.s32 $0x180;
	[sflag:s10] =	ssyncadd.s32 $0xFFFFCE00  }
0x72: {  	[tilespmem:s9], [sflag:$0x2] =	stream.indirect.gather [hbm4b:s3+s8], $0x80, s16, s8, $0xb8;
	[tilespmem:$0x1B080] =	vst v63  }
0x73: {  	s17 =	simm.s32 $0x900  }
0x74: {  	[spmem:s2] =	stream.indirect.scatter.add.f32 [tilespmem:s6], [sflag:$0x3], $0x80, s17, s8, $0xb8;
	[tilespmem:$0x1B080] =	vst v63  }
0x75: {  	_ =	swait.ge [sflag:s5], $0x3200  }
0x76: {  	[sflag:s5] =	ssyncset.done $0x0  }
0x77: {  	[sflag:s5] =	ssyncadd.s32 $0xFFFFCE00  }
0x78: {  	_ =	swait.ge [sflag:s11], $0x3200  }
0x79: {  	[sflag:s11] =	ssyncset.done $0x0  }
0x7a: {  	s18 =	simm.s32 $0x200;
	[sflag:s11] =	ssyncadd.s32 $0xFFFFCE00  }
0x7b: {  	[tilespmem:s6], [sflag:$0x1] =	stream.indirect.gather [hbm4b:s3+s8], $0x80, s18, s8, $0xb8;
	[tilespmem:$0x1B080] =	vst v63  }
0x7c: {  	s19 =	simm.s32 $0x980  }
0x7d: {  	[spmem:s2] =	stream.indirect.scatter.add.f32 [tilespmem:s9], [sflag:$0x3], $0x80, s19, s8, $0xb8;
	[tilespmem:$0x1B080] =	vst v63  }
0x7e: {  	_ =	swait.ge [sflag:s5], $0x3200  }
0x7f: {  	[sflag:s5] =	ssyncset.done $0x0  }
0x80: {  	[sflag:s5] =	ssyncadd.s32 $0xFFFFCE00  }
0x81: {  	_ =	swait.ge [sflag:s10], $0x3200  }
0x82: {  	[sflag:s10] =	ssyncset.done $0x0  }
0x83: {  	s20 =	simm.s32 $0x280;
	[sflag:s10] =	ssyncadd.s32 $0xFFFFCE00  }
0x84: {  	[tilespmem:s9], [sflag:$0x2] =	stream.indirect.gather [hbm4b:s3+s8], $0x80, s20, s8, $0xb8;
	[tilespmem:$0x1B080] =	vst v63  }
0x85: {  	s22 =	simm.s32 $0xA00  }
0x86: {  	[spmem:s2] =	stream.indirect.scatter.add.f32 [tilespmem:s6], [sflag:$0x3], $0x80, s22, s8, $0xb8;
	[tilespmem:$0x1B080] =	vst v63  }
0x87: {  	_ =	swait.ge [sflag:s5], $0x3200  }
0x88: {  	[sflag:s5] =	ssyncset.done $0x0  }
0x89: {  	[sflag:s5] =	ssyncadd.s32 $0xFFFFCE00  }
0x8a: {  	_ =	swait.ge [sflag:s11], $0x3200  }
0x8b: {  	[sflag:s11] =	ssyncset.done $0x0  }
0x8c: {  	s23 =	simm.s32 $0x300;
	[sflag:s11] =	ssyncadd.s32 $0xFFFFCE00  }
0x8d: {  	[tilespmem:s6], [sflag:$0x1] =	stream.indirect.gather [hbm4b:s3+s8], $0x80, s23, s8, $0xb8;
	[tilespmem:$0x1B080] =	vst v63  }
0x8e: {  	s24 =	simm.s32 $0xA80  }
0x8f: {  	[spmem:s2] =	stream.indirect.scatter.add.f32 [tilespmem:s9], [sflag:$0x3], $0x80, s24, s8, $0xb8;
	[tilespmem:$0x1B080] =	vst v63  }
0x90: {  	_ =	swait.ge [sflag:s5], $0x3200  }
0x91: {  	[sflag:s5] =	ssyncset.done $0x0  }
0x92: {  	[sflag:s5] =	ssyncadd.s32 $0xFFFFCE00  }
0x93: {  	_ =	swait.ge [sflag:s10], $0x3200  }
0x94: {  	[sflag:s10] =	ssyncset.done $0x0  }
0x95: {  	s25 =	simm.s32 $0x380;
	[sflag:s10] =	ssyncadd.s32 $0xFFFFCE00  }
0x96: {  	[tilespmem:s9], [sflag:$0x2] =	stream.indirect.gather [hbm4b:s3+s8], $0x80, s25, s8, $0xb8;
	[tilespmem:$0x1B080] =	vst v63  }
0x97: {  	s26 =	simm.s32 $0xB00  }
0x98: {  	[spmem:s2] =	stream.indirect.scatter.add.f32 [tilespmem:s6], [sflag:$0x3], $0x80, s26, s8, $0xb8;
	[tilespmem:$0x1B080] =	vst v63  }
0x99: {  	_ =	swait.ge [sflag:s5], $0x3200  }
0x9a: {  	[sflag:s5] =	ssyncset.done $0x0  }
0x9b: {  	[sflag:s5] =	ssyncadd.s32 $0xFFFFCE00  }
0x9c: {  	_ =	swait.ge [sflag:s11], $0x3200  }
0x9d: {  	[sflag:s11] =	ssyncset.done $0x0  }
0x9e: {  	s28 =	simm.s32 $0x400;
	[sflag:s11] =	ssyncadd.s32 $0xFFFFCE00  }
0x9f: {  	[tilespmem:s6], [sflag:$0x1] =	stream.indirect.gather [hbm4b:s3+s8], $0x80, s28, s8, $0xb8;
	[tilespmem:$0x1B080] =	vst v63  }
0xa0: {  	s30 =	simm.s32 $0xB80  }
0xa1: {  	[spmem:s2] =	stream.indirect.scatter.add.f32 [tilespmem:s9], [sflag:$0x3], $0x80, s30, s8, $0xb8;
	[tilespmem:$0x1B080] =	vst v63  }
0xa2: {  	_ =	swait.ge [sflag:s5], $0x3200  }
0xa3: {  	[sflag:s5] =	ssyncset.done $0x0  }
0xa4: {  	[sflag:s5] =	ssyncadd.s32 $0xFFFFCE00  }
0xa5: {  	_ =	swait.ge [sflag:s10], $0x3200  }
0xa6: {  	[sflag:s10] =	ssyncset.done $0x0  }
0xa7: {  	s31 =	simm.s32 $0x480;
	[sflag:s10] =	ssyncadd.s32 $0xFFFFCE00  }
0xa8: {  	[tilespmem:s9], [sflag:$0x2] =	stream.indirect.gather [hbm4b:s3+s8], $0x80, s31, s8, $0xb8;
	[tilespmem:$0x1B080] =	vst v63  }
0xa9: {  	s0 =	simm.s32 $0xC00  }
0xaa: {  	[spmem:s2] =	stream.indirect.scatter.add.f32 [tilespmem:s6], [sflag:$0x3], $0x80, s0, s8, $0xb8;
	[tilespmem:$0x1B080] =	vst v63  }
0xab: {  	_ =	swait.ge [sflag:s5], $0x3200  }
0xac: {  	[sflag:s5] =	ssyncset.done $0x0  }
0xad: {  	s4 =	stileid.u32;
	[sflag:s5] =	ssyncadd.s32 $0xFFFFCE00  }
0xae: {  	s4 =	smul.u32 $0x2700, s4;
	_ =	swait.ge [sflag:s11], $0x3200  }
0xaf: {  	[sflag:s11] =	ssyncset.done $0x0  }
0xb0: {  	s21 =	simm.s32 $0xC80;
	s1 =	sadd.s32 s29, s4;
	[sflag:s11] =	ssyncadd.s32 $0xFFFFCE00  }
0xb1: {  	[spmem:s2] =	stream.indirect.scatter.add.f32 [tilespmem:s9], [sflag:$0x3], $0x80, s21, s8, $0xb8;
	[tilespmem:$0x1B080] =	vst v63  }
0xb2: {  	s7 =	sadd.s32 $0x27000, s29;
	_ =	swait.ge [sflag:s5], $0x3200;
	[dreg:$0x9] =	wrdreg s1  }
0xb3: {  	s29 =	simm.s32 $0x100;
	[dreg:$0x8] =	wrdreg s7  }
0xb4: {  	s1 =	simm.s32 $0x200;
	[sflag:s5] =	ssyncset.done $0x0;
	s7 =	rddreg [dreg:$0x4]  }
.LBB2_3:
0xb5: {  	[sflag:s5] =	ssyncadd.s32 $0xFFFFCE00;
	s7 =	sadd.s32 s29, s7  }
0xb6: {  	[tilespmem:s12], [sflag:$0x3] =	stream.linear.gather [hbm4b:s7+s12], $0x500, $0x38;
	[tilespmem:$0x1B080] =	vst v63  }
0xb7: {  	_ =	swait.ge [sflag:s5], $0x500  }
0xb8: {  	s7 =	rddreg [dreg:$0x3];
	[sflag:s5] =	ssyncset.done $0x0  }
0xb9: {  	[sflag:s5] =	ssyncadd.s32 $0xFFFFFB00;
	s7 =	sadd.s32 s29, s7  }
0xba: {  	[tilespmem:s13], [sflag:$0x3] =	stream.linear.gather [hbm4b:s7+s12], $0x500, $0x38;
	[tilespmem:$0x1B080] =	vst v63  }
0xbb: {  	_ =	swait.ge [sflag:s5], $0x500  }
0xbc: {  	[sflag:s5] =	ssyncset.done $0x0  }
0xbd: {  	[sflag:s5] =	ssyncadd.s32 $0xFFFFFB00  }
0xbe: {  	[tilespmem:s6], [sflag:$0x1] =	stream.indirect.gather [hbm4b:s3+s8], $0x80, s12, s8, $0xb8;
	[tilespmem:$0x1B080] =	vst v63  }
0xbf: {  	_ =	swait.ge [sflag:s10], $0x3200  }
0xc0: {  	[sflag:s10] =	ssyncset.done $0x0  }
0xc1: {  	s7 =	rddreg [dreg:$0x5];
	[sflag:s10] =	ssyncadd.s32 $0xFFFFCE00  }
0xc2: {  	[tilespmem:s9], [sflag:$0x2] =	stream.indirect.gather [hbm4b:s3+s8], $0x80, s7, s8, $0xb8;
	[tilespmem:$0x1B080] =	vst v63  }
0xc3: {  	_ = 	snop  }
0xc4: {  	[spmem:s2] =	stream.indirect.scatter.add.f32 [tilespmem:s6], [sflag:$0x3], $0x80, s13, s8, $0xb8;
	[tilespmem:$0x1B080] =	vst v63  }
0xc5: {  	_ =	swait.ge [sflag:s5], $0x3200  }
0xc6: {  	[sflag:s5] =	ssyncset.done $0x0  }
0xc7: {  	[sflag:s5] =	ssyncadd.s32 $0xFFFFCE00  }
0xc8: {  	_ =	swait.ge [sflag:s11], $0x3200  }
0xc9: {  	[sflag:s11] =	ssyncset.done $0x0  }
0xca: {  	[sflag:s11] =	ssyncadd.s32 $0xFFFFCE00  }
0xcb: {  	[tilespmem:s6], [sflag:$0x1] =	stream.indirect.gather [hbm4b:s3+s8], $0x80, s14, s8, $0xb8;
	[tilespmem:$0x1B080] =	vst v63  }
0xcc: {  	_ = 	snop  }
0xcd: {  	[spmem:s2] =	stream.indirect.scatter.add.f32 [tilespmem:s9], [sflag:$0x3], $0x80, s15, s8, $0xb8;
	[tilespmem:$0x1B080] =	vst v63  }
0xce: {  	_ =	swait.ge [sflag:s5], $0x3200  }
0xcf: {  	[sflag:s5] =	ssyncset.done $0x0  }
0xd0: {  	[sflag:s5] =	ssyncadd.s32 $0xFFFFCE00  }
0xd1: {  	_ =	swait.ge [sflag:s10], $0x3200  }
0xd2: {  	[sflag:s10] =	ssyncset.done $0x0  }
0xd3: {  	[sflag:s10] =	ssyncadd.s32 $0xFFFFCE00  }
0xd4: {  	[tilespmem:s9], [sflag:$0x2] =	stream.indirect.gather [hbm4b:s3+s8], $0x80, s16, s8, $0xb8;
	[tilespmem:$0x1B080] =	vst v63  }
0xd5: {  	_ = 	snop  }
0xd6: {  	[spmem:s2] =	stream.indirect.scatter.add.f32 [tilespmem:s6], [sflag:$0x3], $0x80, s17, s8, $0xb8;
	[tilespmem:$0x1B080] =	vst v63  }
0xd7: {  	_ =	swait.ge [sflag:s5], $0x3200  }
0xd8: {  	[sflag:s5] =	ssyncset.done $0x0  }
0xd9: {  	[sflag:s5] =	ssyncadd.s32 $0xFFFFCE00  }
0xda: {  	_ =	swait.ge [sflag:s11], $0x3200  }
0xdb: {  	[sflag:s11] =	ssyncset.done $0x0  }
0xdc: {  	[sflag:s11] =	ssyncadd.s32 $0xFFFFCE00  }
0xdd: {  	[tilespmem:s6], [sflag:$0x1] =	stream.indirect.gather [hbm4b:s3+s8], $0x80, s18, s8, $0xb8;
	[tilespmem:$0x1B080] =	vst v63  }
0xde: {  	_ = 	snop  }
0xdf: {  	[spmem:s2] =	stream.indirect.scatter.add.f32 [tilespmem:s9], [sflag:$0x3], $0x80, s19, s8, $0xb8;
	[tilespmem:$0x1B080] =	vst v63  }
0xe0: {  	_ =	swait.ge [sflag:s5], $0x3200  }
0xe1: {  	[sflag:s5] =	ssyncset.done $0x0  }
0xe2: {  	[sflag:s5] =	ssyncadd.s32 $0xFFFFCE00  }
0xe3: {  	_ =	swait.ge [sflag:s10], $0x3200  }
0xe4: {  	[sflag:s10] =	ssyncset.done $0x0  }
0xe5: {  	[sflag:s10] =	ssyncadd.s32 $0xFFFFCE00  }
0xe6: {  	[tilespmem:s9], [sflag:$0x2] =	stream.indirect.gather [hbm4b:s3+s8], $0x80, s20, s8, $0xb8;
	[tilespmem:$0x1B080] =	vst v63  }
0xe7: {  	_ = 	snop  }
0xe8: {  	[spmem:s2] =	stream.indirect.scatter.add.f32 [tilespmem:s6], [sflag:$0x3], $0x80, s22, s8, $0xb8;
	[tilespmem:$0x1B080] =	vst v63  }
0xe9: {  	_ =	swait.ge [sflag:s5], $0x3200  }
0xea: {  	[sflag:s5] =	ssyncset.done $0x0  }
0xeb: {  	[sflag:s5] =	ssyncadd.s32 $0xFFFFCE00  }
0xec: {  	_ =	swait.ge [sflag:s11], $0x3200  }
0xed: {  	[sflag:s11] =	ssyncset.done $0x0  }
0xee: {  	[sflag:s11] =	ssyncadd.s32 $0xFFFFCE00  }
0xef: {  	[tilespmem:s6], [sflag:$0x1] =	stream.indirect.gather [hbm4b:s3+s8], $0x80, s23, s8, $0xb8;
	[tilespmem:$0x1B080] =	vst v63  }
0xf0: {  	_ = 	snop  }
0xf1: {  	[spmem:s2] =	stream.indirect.scatter.add.f32 [tilespmem:s9], [sflag:$0x3], $0x80, s24, s8, $0xb8;
	[tilespmem:$0x1B080] =	vst v63  }
0xf2: {  	_ =	swait.ge [sflag:s5], $0x3200  }
0xf3: {  	[sflag:s5] =	ssyncset.done $0x0  }
0xf4: {  	[sflag:s5] =	ssyncadd.s32 $0xFFFFCE00  }
0xf5: {  	_ =	swait.ge [sflag:s10], $0x3200  }
0xf6: {  	[sflag:s10] =	ssyncset.done $0x0  }
0xf7: {  	[sflag:s10] =	ssyncadd.s32 $0xFFFFCE00  }
0xf8: {  	[tilespmem:s9], [sflag:$0x2] =	stream.indirect.gather [hbm4b:s3+s8], $0x80, s25, s8, $0xb8;
	[tilespmem:$0x1B080] =	vst v63  }
0xf9: {  	_ = 	snop  }
0xfa: {  	[spmem:s2] =	stream.indirect.scatter.add.f32 [tilespmem:s6], [sflag:$0x3], $0x80, s26, s8, $0xb8;
	[tilespmem:$0x1B080] =	vst v63  }
0xfb: {  	_ =	swait.ge [sflag:s5], $0x3200  }
0xfc: {  	[sflag:s5] =	ssyncset.done $0x0  }
0xfd: {  	[sflag:s5] =	ssyncadd.s32 $0xFFFFCE00  }
0xfe: {  	_ =	swait.ge [sflag:s11], $0x3200  }
0xff: {  	[sflag:s11] =	ssyncset.done $0x0  }
0x100: {  	[sflag:s11] =	ssyncadd.s32 $0xFFFFCE00  }
0x101: {  	[tilespmem:s6], [sflag:$0x1] =	stream.indirect.gather [hbm4b:s3+s8], $0x80, s28, s8, $0xb8;
	[tilespmem:$0x1B080] =	vst v63  }
0x102: {  	_ = 	snop  }
0x103: {  	[spmem:s2] =	stream.indirect.scatter.add.f32 [tilespmem:s9], [sflag:$0x3], $0x80, s30, s8, $0xb8;
	[tilespmem:$0x1B080] =	vst v63  }
0x104: {  	_ =	swait.ge [sflag:s5], $0x3200  }
0x105: {  	[sflag:s5] =	ssyncset.done $0x0  }
0x106: {  	[sflag:s5] =	ssyncadd.s32 $0xFFFFCE00  }
0x107: {  	_ =	swait.ge [sflag:s10], $0x3200  }
0x108: {  	[sflag:s10] =	ssyncset.done $0x0  }
0x109: {  	[sflag:s10] =	ssyncadd.s32 $0xFFFFCE00  }
0x10a: {  	[tilespmem:s9], [sflag:$0x2] =	stream.indirect.gather [hbm4b:s3+s8], $0x80, s31, s8, $0xb8;
	[tilespmem:$0x1B080] =	vst v63  }
0x10b: {  	_ = 	snop  }
0x10c: {  	[spmem:s2] =	stream.indirect.scatter.add.f32 [tilespmem:s6], [sflag:$0x3], $0x80, s0, s8, $0xb8;
	[tilespmem:$0x1B080] =	vst v63  }
0x10d: {  	_ =	swait.ge [sflag:s5], $0x3200  }
0x10e: {  	[sflag:s5] =	ssyncset.done $0x0  }
0x10f: {  	[sflag:s5] =	ssyncadd.s32 $0xFFFFCE00  }
0x110: {  	p1 =	sne.s32 s1, $0x1300;
	_ =	swait.ge [sflag:s11], $0x3200  }
.Ltmp1:
0x111: {  	[sflag:s11] =	ssyncset.done $0x0;
	(pc) =	sbr.rel @p1 .LBB2_3-.Ltmp1, $4  }
0x112: {  	[sflag:s11] =	ssyncadd.s32 $0xFFFFCE00  }
0x113: {  	[spmem:s2] =	stream.indirect.scatter.add.f32 [tilespmem:s9], [sflag:$0x3], $0x80, s21, s8, $0xb8;
	[tilespmem:$0x1B080] =	vst v63  }
0x114: {  	s4 =	smov.u32 s1;
	s1 =	sadd.s32 $0x100, s1;
	_ =	swait.ge [sflag:s5], $0x3200  }
0x115: {  	s29 =	smov.u32 s4;
	s7 =	rddreg [dreg:$0x4];
	[sflag:s5] =	ssyncset.done $0x0  }
0x116: {  	[sflag:s5] =	ssyncadd.s32 $0xFFFFCE00;
	s1 =	sadd.s32 s29, s7  }
0x117: {  	[tilespmem:s12], [sflag:$0x3] =	stream.linear.gather [hbm4b:s1+s12], $0x500, $0x38;
	[tilespmem:$0x1B080] =	vst v63  }
0x118: {  	_ =	swait.ge [sflag:s5], $0x500  }
0x119: {  	s7 =	rddreg [dreg:$0x3];
	[sflag:s5] =	ssyncset.done $0x0  }
0x11a: {  	s1 =	sadd.s32 s29, s7;
	[sflag:s5] =	ssyncadd.s32 $0xFFFFFB00  }
0x11b: {  	[tilespmem:s13], [sflag:$0x3] =	stream.linear.gather [hbm4b:s1+s12], $0x500, $0x38;
	[tilespmem:$0x1B080] =	vst v63  }
0x11c: {  	_ =	swait.ge [sflag:s5], $0x500  }
0x11d: {  	[sflag:s5] =	ssyncset.done $0x0  }
0x11e: {  	[sflag:s5] =	ssyncadd.s32 $0xFFFFFB00  }
0x11f: {  	[tilespmem:s6], [sflag:$0x1] =	stream.indirect.gather [hbm4b:s3+s8], $0x80, s12, s8, $0xb8;
	[tilespmem:$0x1B080] =	vst v63  }
0x120: {  	_ =	swait.ge [sflag:s10], $0x3200  }
0x121: {  	[sflag:s10] =	ssyncset.done $0x0  }
0x122: {  	s12 =	rddreg [dreg:$0x5];
	[sflag:s10] =	ssyncadd.s32 $0xFFFFCE00  }
0x123: {  	[tilespmem:s9], [sflag:$0x2] =	stream.indirect.gather [hbm4b:s3+s8], $0x80, s12, s8, $0xb8;
	[tilespmem:$0x1B080] =	vst v63  }
0x124: {  	_ = 	snop  }
0x125: {  	[spmem:s2] =	stream.indirect.scatter.add.f32 [tilespmem:s6], [sflag:$0x3], $0x80, s13, s8, $0xb8;
	[tilespmem:$0x1B080] =	vst v63  }
0x126: {  	_ =	swait.ge [sflag:s5], $0x3200  }
0x127: {  	[sflag:s5] =	ssyncset.done $0x0  }
0x128: {  	[sflag:s5] =	ssyncadd.s32 $0xFFFFCE00  }
0x129: {  	_ =	swait.ge [sflag:s11], $0x3200  }
0x12a: {  	[sflag:s11] =	ssyncset.done $0x0  }
0x12b: {  	[sflag:s11] =	ssyncadd.s32 $0xFFFFCE00  }
0x12c: {  	[tilespmem:s6], [sflag:$0x1] =	stream.indirect.gather [hbm4b:s3+s8], $0x80, s14, s8, $0xb8;
	[tilespmem:$0x1B080] =	vst v63  }
0x12d: {  	_ = 	snop  }
0x12e: {  	[spmem:s2] =	stream.indirect.scatter.add.f32 [tilespmem:s9], [sflag:$0x3], $0x80, s15, s8, $0xb8;
	[tilespmem:$0x1B080] =	vst v63  }
0x12f: {  	_ =	swait.ge [sflag:s5], $0x3200  }
0x130: {  	[sflag:s5] =	ssyncset.done $0x0  }
0x131: {  	[sflag:s5] =	ssyncadd.s32 $0xFFFFCE00  }
0x132: {  	_ =	swait.ge [sflag:s10], $0x3200  }
0x133: {  	[sflag:s10] =	ssyncset.done $0x0  }
0x134: {  	[sflag:s10] =	ssyncadd.s32 $0xFFFFCE00  }
0x135: {  	[tilespmem:s9], [sflag:$0x2] =	stream.indirect.gather [hbm4b:s3+s8], $0x80, s16, s8, $0xb8;
	[tilespmem:$0x1B080] =	vst v63  }
0x136: {  	_ = 	snop  }
0x137: {  	[spmem:s2] =	stream.indirect.scatter.add.f32 [tilespmem:s6], [sflag:$0x3], $0x80, s17, s8, $0xb8;
	[tilespmem:$0x1B080] =	vst v63  }
0x138: {  	_ =	swait.ge [sflag:s5], $0x3200  }
0x139: {  	[sflag:s5] =	ssyncset.done $0x0  }
0x13a: {  	[sflag:s5] =	ssyncadd.s32 $0xFFFFCE00  }
0x13b: {  	_ =	swait.ge [sflag:s11], $0x3200  }
0x13c: {  	[sflag:s11] =	ssyncset.done $0x0  }
0x13d: {  	[sflag:s11] =	ssyncadd.s32 $0xFFFFCE00  }
0x13e: {  	[tilespmem:s6], [sflag:$0x1] =	stream.indirect.gather [hbm4b:s3+s8], $0x80, s18, s8, $0xb8;
	[tilespmem:$0x1B080] =	vst v63  }
0x13f: {  	_ = 	snop  }
0x140: {  	[spmem:s2] =	stream.indirect.scatter.add.f32 [tilespmem:s9], [sflag:$0x3], $0x80, s19, s8, $0xb8;
	[tilespmem:$0x1B080] =	vst v63  }
0x141: {  	_ =	swait.ge [sflag:s5], $0x3200  }
0x142: {  	[sflag:s5] =	ssyncset.done $0x0  }
0x143: {  	[sflag:s5] =	ssyncadd.s32 $0xFFFFCE00  }
0x144: {  	_ =	swait.ge [sflag:s10], $0x3200  }
0x145: {  	[sflag:s10] =	ssyncset.done $0x0  }
0x146: {  	[sflag:s10] =	ssyncadd.s32 $0xFFFFCE00  }
0x147: {  	[tilespmem:s9], [sflag:$0x2] =	stream.indirect.gather [hbm4b:s3+s8], $0x80, s20, s8, $0xb8;
	[tilespmem:$0x1B080] =	vst v63  }
0x148: {  	_ = 	snop  }
0x149: {  	[spmem:s2] =	stream.indirect.scatter.add.f32 [tilespmem:s6], [sflag:$0x3], $0x80, s22, s8, $0xb8;
	[tilespmem:$0x1B080] =	vst v63  }
0x14a: {  	_ =	swait.ge [sflag:s5], $0x3200  }
0x14b: {  	[sflag:s5] =	ssyncset.done $0x0  }
0x14c: {  	[sflag:s5] =	ssyncadd.s32 $0xFFFFCE00  }
0x14d: {  	_ =	swait.ge [sflag:s11], $0x3200  }
0x14e: {  	[sflag:s11] =	ssyncset.done $0x0  }
0x14f: {  	[sflag:s11] =	ssyncadd.s32 $0xFFFFCE00  }
0x150: {  	[tilespmem:s6], [sflag:$0x1] =	stream.indirect.gather [hbm4b:s3+s8], $0x80, s23, s8, $0xb8;
	[tilespmem:$0x1B080] =	vst v63  }
0x151: {  	_ = 	snop  }
0x152: {  	[spmem:s2] =	stream.indirect.scatter.add.f32 [tilespmem:s9], [sflag:$0x3], $0x80, s24, s8, $0xb8;
	[tilespmem:$0x1B080] =	vst v63  }
0x153: {  	_ =	swait.ge [sflag:s5], $0x3200  }
0x154: {  	[sflag:s5] =	ssyncset.done $0x0  }
0x155: {  	[sflag:s5] =	ssyncadd.s32 $0xFFFFCE00  }
0x156: {  	_ =	swait.ge [sflag:s10], $0x3200  }
0x157: {  	[sflag:s10] =	ssyncset.done $0x0  }
0x158: {  	[sflag:s10] =	ssyncadd.s32 $0xFFFFCE00  }
0x159: {  	[tilespmem:s9], [sflag:$0x2] =	stream.indirect.gather [hbm4b:s3+s8], $0x80, s25, s8, $0xb8;
	[tilespmem:$0x1B080] =	vst v63  }
0x15a: {  	_ = 	snop  }
0x15b: {  	[spmem:s2] =	stream.indirect.scatter.add.f32 [tilespmem:s6], [sflag:$0x3], $0x80, s26, s8, $0xb8;
	[tilespmem:$0x1B080] =	vst v63  }
0x15c: {  	_ =	swait.ge [sflag:s5], $0x3200  }
0x15d: {  	[sflag:s5] =	ssyncset.done $0x0  }
0x15e: {  	[sflag:s5] =	ssyncadd.s32 $0xFFFFCE00  }
0x15f: {  	_ =	swait.ge [sflag:s11], $0x3200  }
0x160: {  	[sflag:s11] =	ssyncset.done $0x0  }
0x161: {  	[sflag:s11] =	ssyncadd.s32 $0xFFFFCE00  }
0x162: {  	[tilespmem:s6], [sflag:$0x1] =	stream.indirect.gather [hbm4b:s3+s8], $0x80, s28, s8, $0xb8;
	[tilespmem:$0x1B080] =	vst v63  }
0x163: {  	_ = 	snop  }
0x164: {  	[spmem:s2] =	stream.indirect.scatter.add.f32 [tilespmem:s9], [sflag:$0x3], $0x80, s30, s8, $0xb8;
	[tilespmem:$0x1B080] =	vst v63  }
0x165: {  	_ =	swait.ge [sflag:s5], $0x3200  }
0x166: {  	[sflag:s5] =	ssyncset.done $0x0  }
0x167: {  	[sflag:s5] =	ssyncadd.s32 $0xFFFFCE00  }
0x168: {  	_ =	swait.ge [sflag:s10], $0x3200  }
0x169: {  	[sflag:s10] =	ssyncset.done $0x0  }
0x16a: {  	[sflag:s10] =	ssyncadd.s32 $0xFFFFCE00  }
0x16b: {  	[tilespmem:s9], [sflag:$0x2] =	stream.indirect.gather [hbm4b:s3+s8], $0x80, s31, s8, $0xb8;
	[tilespmem:$0x1B080] =	vst v63  }
0x16c: {  	_ = 	snop  }
0x16d: {  	[spmem:s2] =	stream.indirect.scatter.add.f32 [tilespmem:s6], [sflag:$0x3], $0x80, s0, s8, $0xb8;
	[tilespmem:$0x1B080] =	vst v63  }
0x16e: {  	_ =	swait.ge [sflag:s5], $0x3200  }
0x16f: {  	[sflag:s5] =	ssyncset.done $0x0  }
0x170: {  	[sflag:s5] =	ssyncadd.s32 $0xFFFFCE00  }
0x171: {  	_ =	swait.ge [sflag:s11], $0x3200  }
0x172: {  	[sflag:s11] =	ssyncset.done $0x0  }
0x173: {  	[sflag:s11] =	ssyncadd.s32 $0xFFFFCE00  }
0x174: {  	[spmem:s2] =	stream.indirect.scatter.add.f32 [tilespmem:s9], [sflag:$0x3], $0x80, s21, s8, $0xb8;
	[tilespmem:$0x1B080] =	vst v63  }
0x175: {  	_ =	swait.ge [sflag:s5], $0x3200  }
0x176: {  	[sflag:s5] =	ssyncset.done $0x0  }
0x177: {  	[sflag:s5] =	ssyncadd.s32 $0xFFFFCE00  }
0x178: {  	s26 =	stileid.u32;
	[bflag:$0x0] =	sbarrier.arrive $0xFFFF  }
0x179: {  	s28 =	sshll.u32 s26, $0x6;
	s31 =	simm.s32 $0x3;
	s29 =	rddreg [dreg:$0x6]  }
0x17a: {  	s0 =	sor.u32 $0x1C03, s28;
	s30 =	rddreg [dreg:$0x9];
	s1 =	sshrl.u32 s29, $0x3  }
0x17b: {  	[hbm:s30], [sflag:s0] =	dma.local [spmem:s1], $0x2700  }
0x17c: {  	_ =	swait.ge [sflag:s31], $0x2700  }
0x17d: {  	[sflag:s31] =	ssyncset.done $0x0;
	s1 =	rddreg [dreg:$0x7]  }
0x17e: {  	s3 =	rddreg [dreg:$0x8];
	[sflag:s31] =	ssyncadd.s32 $0xFFFFD900;
	s1 =	sshrl.u32 @!p0 s1, $0x3  }
0x17f: {  	[hbm:s3], [sflag:s0] =	dma.local @!p0 [spmem:s1], $0x100  }
0x180: {  	s0 =	simm.s32 @!p0 $0x3  }
0x181: {  	_ =	swait.ge @!p0 [sflag:s0], $0x100  }
0x182: {  	[sflag:s0] =	ssyncset.done @!p0 $0x0  }
0x183: {  	[sflag:s0] =	ssyncadd.s32 @!p0 $0xFFFFFF00  }
0x184: {  	_ =	sfence.sel $0x180000  }
0x185: {  	[bflag:$0x0] =	sbarrier.arrive $0xFFFF  }
0x186: {  	_ =	strace $0x9000004D  }
0x187: {  	[bflag:$0x2] =	sbarrier.arrive $0xFFFF  }
0x188: {  	p0 =	sne.s32 s26, $0x0;
	s0 =	rddreg [dreg:$0x2]  }
0x189: {  	s0 =	sadd.s32 @!p0 $0x100000, s0  }
0x18a: {  	[sflag:s0] =	ssyncadd.tile.s32 @!p0 $0x1;
	_ =	shalt  }
.Lfunc_end2:
_tile_overlayer_lowered:
.L_overlay_start_2:
0x18b: {  	(tag) =	ssettag $0x2  }
0x18c: {  	s0 =	rddreg [dreg:$0x0];
	s2 =	stileid.u32  }
0x18d: {  	s1 =	rddreg [dreg:$0x1];
	p0 =	sne.s32 s2, $0x0  }
0x18e: {  	s3 =	rddreg [dreg:$0x2];
	[bflag:$0x3] =	sbarrier.arrive $0xFFFF;
	s2 =	simm.s32 @!p0 $0x1C03  }
0x18f: {  	[timem:s3], [sflag:s2] =	dma.local @!p0 [hbm:s0], s1  }
0x190: {  	s0 =	simm.s32 @!p0 $0x3  }
0x191: {  	_ =	swait.ge @!p0 [sflag:s0], s1  }
0x192: {  	s1 =	ssub.s32 @!p0 $0x0, s1;
	[sflag:s0] =	ssyncset.done @!p0 $0x0  }
0x193: {  	[sflag:s0] =	ssyncadd.s32 @!p0 s1  }
0x194: {  	[bflag:$0x3] =	sbarrier.arrive $0xFFFF  }
0x195: {  	_ =	shalt  }

// kernel: kernel.9.cloned.1.call-start
scs
__scs_entry_jumppad:
0x0: {  	(pc) =	sbr.rel $0x88, $3  }
0x1: {  	(tag) =	ssettag $0x0;
	lr =	simm.s32 $0x1  }
0x2: {  	[smem:$0x3F98] =	sst lr;
	_ =	strace $0xD0000000  }
0x3: {  	_ = 	snop  }
0x4: {  	_ = 	snop  }
0x5: {  	_ = 	snop  }
0x6: {  	_ = 	snop  }
0x7: {  	_ = 	snop  }
__scs_overlays_trampoline_lowered:
0x8: {  	[smem:$0x3FA7] =	sst s0  }
0x9: {  	[smem:$0x3FA8] =	sst s1  }
0xa: {  	[smem:$0x3FA9] =	sst s2  }
0xb: {  	[smem:$0x3FAA] =	sst s3  }
0xc: {  	[smem:$0x3FAB] =	sst s4  }
0xd: {  	[smem:$0x3FAC] =	sst s5  }
0xe: {  	[smem:$0x3FAD] =	sst s6  }
0xf: {  	[smem:$0x3FAE] =	sst s7  }
0x10: {  	[smem:$0x3FAF] =	sst s8  }
0x11: {  	[smem:$0x3FB0] =	sst s9;
	s0 =	simm.s32 @!p0 $0x0  }
0x12: {  	s1 =	sld [smem:$0x3F96];
	s0 =	simm.s32 @p0 $0x1  }
0x13: {  	[smem:$0x3FB1] =	sst s0;
	s0 =	simm.s32 @!p1 $0x0  }
0x14: {  	s2 =	sld [smem:$0x3F95];
	s0 =	simm.s32 @p1 $0x1  }
0x15: {  	[smem:$0x3FB2] =	sst s0;
	s0 =	simm.s32 @!p2 $0x0  }
0x16: {  	s3 =	sld [smem:$0x3FDB];
	s0 =	simm.s32 @p2 $0x1  }
0x17: {  	s4 =	simm.s32 $0x1BF5;
	[smem:$0x3FB4] =	sst s0  }
0x18: {  	s0 =	sld [smem:$0x3F97];
	_ =	swait.ge [sflag:s4], $0x0  }
0x19: {  	s7 =	sld [smem:$0x3F98]  }
0x1a: {  	s8 =	sadd.s32 $0xFFFFE003, lr  }
0x1b: {  	s9 =	sadd.s32 $0xFFFFFEF7, lr;
	s5 =	simm.s32 $0xFFFFFFFF;
	p2 =	slt.u32 s8, $0xFFFFF086  }
0x1c: {  	p1 =	slt.u32 s9, $0xF7A;
	s5 =	simm.s32 @!p2 $0x0  }
0x1d: {  	s5 =	simm.s32 @p1 $0x1;
	p0 =	seq.s32 s7, s2  }
0x1e: {  	s7 =	smul.u32 @!p0 $0xF7A, s2;
	p2 =	seq.s32 @!p0 s5, $0x0  }
0x1f: {  	s9 =	smul.u32 $0xF7A, s1;
	s8 =	simm.s32 @!p0 $0x1BF5;
	p2 =	por !p2, p0  }
0x20: {  	[sflag:s8] =	ssyncset.s32 @!p0 $0xFFFFF086;
	s6 =	sadd.s32 @!p0 s3, s7;
	s7 =	simm.s32 @!p0 $0x108  }
0x21: {  	s3 =	sadd.s32 s3, s9;
	s6 =	sadd.s32 @!p0 $0x88, s6;
	s7 =	simm.s32 @p2 $0x1082  }
0x22: {  	[simem:s7], [sflag:s8] =	dma.local @!p0 [hbm:s6], $0xF7A  }
0x23: {  	s9 =	sor.u32 $0xD0000000, s2;
	s6 =	simm.s32 $0x108;
	_ =	swait.ge @!p0 [sflag:s8], $0x0  }
0x24: {  	s3 =	sadd.s32 $0x88, s3;
	s6 =	simm.s32 @!p1 $0x1082;
	[sflag:s4] =	ssyncset.s32 $0xFFFFF086  }
0x25: {  	[simem:s6], [sflag:s4] =	dma.local [hbm:s3], $0xF7A  }
0x26: {  	[smem:$0x3F98] =	sst s1;
	(tag) =	ssettag s2;
	_ =	strace s9  }
0x27: {  	s1 =	sld [smem:$0x3FA8]  }
0x28: {  	s2 =	sld [smem:$0x3FA9]  }
0x29: {  	s4 =	sld [smem:$0x3FAB]  }
0x2a: {  	p0 =	seq.s32 s5, $0x0;
	s5 =	sld [smem:$0x3FAC]  }
0x2b: {  	s6 =	sld [smem:$0x3FAD]  }
0x2c: {  	s7 =	sld [smem:$0x3FAE]  }
0x2d: {  	s3 =	simm.s32 $0x108;
	s8 =	sld [smem:$0x3FAF]  }
0x2e: {  	s3 =	simm.s32 @!p0 $0x1082;
	s9 =	sld [smem:$0x3FB0]  }
0x2f: {  	lr =	sadd.s32 s0, s3;
	s0 =	sld [smem:$0x3FA7]  }
0x30: {  	s3 =	sld [smem:$0x3FAA]  }
0x31: {  	[smem:$0x3FB3] =	sst s10  }
0x32: {  	s10 =	sld [smem:$0x3FB1];
	_ =	sdelay $0x3  }
0x33: {  	p0 =	seq.s32 s10, $0x1;
	s10 =	sld [smem:$0x3FB3];
	_ =	sdelay $0x3  }
0x34: {  	[smem:$0x3FB3] =	sst s10  }
0x35: {  	s10 =	sld [smem:$0x3FB2];
	_ =	sdelay $0x3  }
0x36: {  	p1 =	seq.s32 s10, $0x1;
	s10 =	sld [smem:$0x3FB3];
	_ =	sdelay $0x3  }
0x37: {  	[smem:$0x3FB3] =	sst s10  }
0x38: {  	s10 =	sld [smem:$0x3FB4]  }
0x39: {  	_ = 	snop;
	(pc) =	sbr.ind lr, $3  }
0x3a: {  	_ = 	snop  }
0x3b: {  	_ = 	snop  }
0x3c: {  	p2 =	seq.s32 s10, $0x1;
	s10 =	sld [smem:$0x3FB3]  }
0x3d: {  	_ =	shalt  }
0x3e: {  	_ =	shalt  }
0x3f: {  	_ =	shalt  }
0x40: {  	_ =	shalt  }
0x41: {  	_ =	shalt  }
0x42: {  	_ =	shalt  }
0x43: {  	_ =	shalt  }
0x44: {  	_ =	shalt  }
0x45: {  	_ =	shalt  }
0x46: {  	_ =	shalt  }
0x47: {  	_ =	shalt  }
0x48: {  	_ =	shalt  }
0x49: {  	_ =	shalt  }
0x4a: {  	_ =	shalt  }
0x4b: {  	_ =	shalt  }
0x4c: {  	_ =	shalt  }
0x4d: {  	_ =	shalt  }
0x4e: {  	_ =	shalt  }
0x4f: {  	_ =	shalt  }
0x50: {  	_ =	shalt  }
0x51: {  	_ =	shalt  }
0x52: {  	_ =	shalt  }
0x53: {  	_ =	shalt  }
0x54: {  	_ =	shalt  }
0x55: {  	_ =	shalt  }
0x56: {  	_ =	shalt  }
0x57: {  	_ =	shalt  }
0x58: {  	_ =	shalt  }
0x59: {  	_ =	shalt  }
0x5a: {  	_ =	shalt  }
0x5b: {  	_ =	shalt  }
0x5c: {  	_ =	shalt  }
0x5d: {  	_ =	shalt  }
0x5e: {  	_ =	shalt  }
0x5f: {  	_ =	shalt  }
0x60: {  	_ =	shalt  }
0x61: {  	_ =	shalt  }
0x62: {  	_ =	shalt  }
0x63: {  	_ =	shalt  }
0x64: {  	_ =	shalt  }
0x65: {  	_ =	shalt  }
0x66: {  	_ =	shalt  }
0x67: {  	_ =	shalt  }
0x68: {  	_ =	shalt  }
0x69: {  	_ =	shalt  }
0x6a: {  	_ =	shalt  }
0x6b: {  	_ =	shalt  }
0x6c: {  	_ =	shalt  }
0x6d: {  	_ =	shalt  }
0x6e: {  	_ =	shalt  }
0x6f: {  	_ =	shalt  }
0x70: {  	_ =	shalt  }
0x71: {  	_ =	shalt  }
0x72: {  	_ =	shalt  }
0x73: {  	_ =	shalt  }
0x74: {  	_ =	shalt  }
0x75: {  	_ =	shalt  }
0x76: {  	_ =	shalt  }
0x77: {  	_ =	shalt  }
0x78: {  	_ =	shalt  }
0x79: {  	_ =	shalt  }
0x7a: {  	_ =	shalt  }
0x7b: {  	_ =	shalt  }
0x7c: {  	_ =	shalt  }
0x7d: {  	_ =	shalt  }
0x7e: {  	_ =	shalt  }
0x7f: {  	_ =	shalt  }
0x80: {  	_ =	shalt  }
0x81: {  	_ =	shalt  }
0x82: {  	_ =	shalt  }
0x83: {  	_ =	shalt  }
0x84: {  	_ =	shalt  }
0x85: {  	_ =	shalt  }
0x86: {  	_ =	shalt  }
0x87: {  	_ =	shalt  }
.Lfunc_end0:
.L_simem_size_0:
called_computation_lowered:
.L_overlay_start_0:
0x88: {  	s2 =	sld [smem:$0x3FD9]  }
0x89: {  	s3 =	sld [smem:$0x3FFE];
	_ =	sdelay $0x1  }
0x8a: {  	s1 =	srdreg.scid  }
0x8b: {  	s0 =	sand.u32 $0x1, s1  }
0x8c: {  	s16 =	sshll.u32 s0, $0xA;
	s2 =	sadd.s32 s3, s2  }
0x8d: {  	s2 =	sadd.s32 s2, s16  }
0x8e: {  	[smem:$0x3FBF] =	sst s2  }
0x8f: {  	_ = 	snop  }
0x90: {  	(tm) =	ssettm $0x1  }
0x91: {  	s17 =	sld [smem:$0x3FFB];
	_ =	sdelay $0x3  }
0x92: {  	_ =	strace s17  }
0x93: {  	s2 =	sld [smem:$0x3FFC];
	_ =	sdelay $0x3  }
0x94: {  	_ =	strace s2  }
0x95: {  	s2 =	sld [smem:$0x3FFD];
	_ =	sdelay $0x3  }
0x96: {  	_ =	strace s2  }
0x97: {  	_ =	strace $0x8FFFFFFF  }
0x98: {  	s18 =	sld [smem:$0x3FDB];
	_ =	sdelay $0x1  }
0x99: {  	s19 =	simm.s32 $_scs_section_size  }
0x9a: {  	s4 =	simm.s32 $_size__tile_overlayer_lowered;
	s5 =	simm.s32 $_tile_overlayer_lowered  }
0x9b: {  	s22 =	simm.s32 $0x1BFF;
	s21 =	sshll.u32 s5, $0x1;
	s2 =	sadd.s32 s19, s18  }
0x9c: {  	s6 =	simm.s32 $0x0;
	s20 =	sshll.u32 s4, $0x1;
	s4 =	sadd.s32 s21, s2  }
0x9d: {  	[timem:s6], [sflag:s22] =	dma.local [hbm:s4], s20  }
0x9e: {  	_ =	swait.ge [sflag:s22], s20  }
0x9f: {  	s3 =	ssub.s32 $0x0, s20;
	[sflag:s22] =	ssyncset.done $0x0  }
0xa0: {  	[sflag:s22] =	ssyncadd.s32 s3;
	_ =	sdelay $0x1  }
0xa1: {  	s23 =	simm.s32 $0x1B8B  }
0xa2: {  	_ =	swait.ge [sflag:s23], $0x1  }
0xa3: {  	[sflag:s23] =	ssyncset.done $0x0  }
0xa4: {  	s25 =	simm.s32 $0x1B8E;
	s24 =	sld [smem:$0x3FFE];
	[sflag:s23] =	ssyncadd.s32 $0xFFFFFFFF  }
0xa5: {  	s26 =	simm.s32 $execute0_lowered;
	[smem:$0x3FD2] =	sst s25  }
0xa6: {  	s4 =	sshll.u32 s26, $0x1;
	_ =	strace $0x80000046;
	[dreg:$0x1] =	wrdreg $0xFFFFFFFF  }
0xa7: {  	s28 =	simm.s32 $_size_execute0_lowered;
	s2 =	sadd.s32 s2, s4;
	[dreg:$0x0] =	wrdreg $0x0  }
0xa8: {  	s4 =	sshll.u32 s28, $0x1;
	[dreg:$0x2] =	wrdreg s2  }
0xa9: {  	[dreg:$0x3] =	wrdreg s4  }
0xaa: {  	[dreg:$0x4] =	wrdreg $0xC0  }
0xab: {  	_ =	task [dreg:s6], $0x5FFFF  }
0xac: {  	[dreg:$0x1] =	wrdreg $0xFFFFFFFF  }
0xad: {  	[dreg:$0x0] =	wrdreg $0x60  }
0xae: {  	[dreg:$0x2] =	wrdreg s24  }
0xaf: {  	[dreg:$0x3] =	wrdreg $0x9  }
0xb0: {  	_ =	task.clear_ibuf [dreg:s6], $0x4FFFF;
	_ =	strace $0x90000046  }
0xb1: {  	s29 =	simm.s32 $0x9;
	_ =	strace $0x80000048  }
0xb2: {  	_ =	swait.ge [sflag:s29], $0x1  }
0xb3: {  	[sflag:s29] =	ssyncadd.s32 $0xFFFFFFFF  }
0xb4: {  	_ =	strace $0x90000048  }
0xb5: {  	_ =	sfence  }
0xb6: {  	s30 =	sld [smem:$0x0];
	_ =	sdelay $0x2  }
0xb7: {  	s31 =	sshll.u32 s1, $0xD;
	s1 =	sshrl.u32 s1, $0x2  }
0xb8: {  	s3 =	sand.u32 $0x4000, s31;
	s1 =	sadd.s32 s1, s30  }
0xb9: {  	s0 =	sor.u32 s3, s0;
	s1 =	sshll.u32 s1, $0x11  }
0xba: {  	s0 =	sor.u32 s1, s0  }
0xbb: {  	s0 =	sadd.s32 $0x8F2B, s0  }
0xbc: {  	[sflag:s0] =	ssyncadd.remote.s32 $0x1  }
0xbd: {  	_ =	sfence.sel $0xFFFF  }
0xbe: {  	[dreg:$0x0] =	wrdreg $0xFFFFFFFF;
	(pc) =	sbr.abs _section_cstart, $3  }
0xbf: {  	[dreg:$0x1] =	wrdreg $0xFFFFFFFF  }
0xc0: {  	_ =	task.clear_ibuf [dreg:s6], $0x2FFFF;
	_ =	strace $0x9FFFFFFF  }
0xc1: {  	(tm) =	ssettm $0x7FFFFFFF  }
tec
execute0_lowered:
.L_overlay_start_1:
0x0: {  	(tag) =	ssettag $0x1  }
0x1: {  	s0 =	srdreg.scid;
	s4 =	rddreg [dreg:$0x0]  }
0x2: {  	s9 =	simm.s32 $0x0;
	s3 =	sand.u32 $0x1, s0;
	s0 =	stileid.u32  }
0x3: {  	s1 =	sshll.u32 s3, $0x4;
	s5 =	smul.u32 $0x64000, s3;
	s7 =	sshll.u32 s0, $0x7  }
0x4: {  	s8 =	smul.u32 $0x6400, s0;
	s3 =	ssub.s32 $0x2, s3;
	s2 =	sor.u32 s0, s1  }
0x5: {  	s1 =	rddreg [dreg:$0x1];
	s7 =	sand.u32 $0x380, s7;
	s6 =	sshrl.u32 s2, $0x3  }
0x6: {  	s30 =	sshrl.u32 s3, $0x1;
	s2 =	simm.s32 $0x0;
	s6 =	smul.u32 $0x13C00, s6  }
0x7: {  	s5 =	sadd.s32 s8, s5;
	s31 =	ssub.s32 s3, s30;
	s8 =	simm.s32 $0x80  }
0x8: {  	[smem:$0x7FF] =	sst s2;
	s5 =	sshrl.u32 s5, $0x3;
	s6 =	sor.u32 s7, s6  }
0x9: {  	_ =	strace $0x80000047;
	s5 =	sadd.s32 s5, s4;
	s6 =	sshrl.u32 s6, $0x3  }
0xa: {  	s5 =	sadd.s32 $0x4800, s5;
	s7 =	simm.s32 $0x400;
	s6 =	sadd.s32 s6, s4  }
0xb: {  	v0 =	vimm.f32 $0.0e+00;
	v1 =	vimm.f32 $1.000000000e+00;
	s4 =	smax.u32 s31, $0x1;
	s3 =	sadd.s32 $0x1D800, s6;
	s6 =	simm.s32 $0x1  }
.LBB2_1:
0xc: {  	s10 =	simm.s32 $0x0  }
.LBB2_2:
0xd: {  	p0 =	sne.s32 s10, $0x9C00  }
.Ltmp0:
0xe: {  	_ = 	snop;
	(pc) =	sbr.rel @p0 .LBB2_2-.Ltmp0, $3  }
0xf: {  	_ =	sdelay $0x1  }
0x10: {  	s11 =	sshra.s32 s10, $0x2  }
0x11: {  	s10 =	sadd.s32 $0x40, s10;
	[tilespmem:s11+$0x400] =	vst v0  }
0x12: {  	s10 =	simm.s32 $0x0  }
.LBB2_4:
0x13: {  	s11 =	sadd.s32 s10, s5  }
0x14: {  	[tilespmem:s2], [sflag:$0x1] =	stream.linear.gather [hbm4b:s11+s2], $0x280, $0x38;
	[tilespmem:$0x2B80] =	vst v63  }
0x15: {  	_ =	swait.ge [sflag:s6], $0x280  }
0x16: {  	[sflag:s6] =	ssyncset.done $0x0  }
0x17: {  	[sflag:s6] =	ssyncadd.s32 $0xFFFFFD80  }
0x18: {  	v2 =	vld [tilespmem:$0x0];
	_ =	sdelay $0x7  }
0x19: {  	[tilespmem:v2+s7+$0x0] =	vst.idx.add.f32.msk $0xffff, v1  }
0x1a: {  	v2 =	vld [tilespmem:$0x10];
	_ =	sdelay $0x7  }
0x1b: {  	[tilespmem:v2+s7+$0x0] =	vst.idx.add.f32.msk $0xffff, v1  }
0x1c: {  	v2 =	vld [tilespmem:$0x20];
	_ =	sdelay $0x7  }
0x1d: {  	[tilespmem:v2+s7+$0x0] =	vst.idx.add.f32.msk $0xffff, v1  }
0x1e: {  	v2 =	vld [tilespmem:$0x30];
	_ =	sdelay $0x7  }
0x1f: {  	[tilespmem:v2+s7+$0x0] =	vst.idx.add.f32.msk $0xffff, v1  }
0x20: {  	v2 =	vld [tilespmem:$0x40];
	_ =	sdelay $0x7  }
0x21: {  	[tilespmem:v2+s7+$0x0] =	vst.idx.add.f32.msk $0xffff, v1  }
0x22: {  	v2 =	vld [tilespmem:$0x80];
	_ =	sdelay $0x7  }
0x23: {  	[tilespmem:v2+s7+$0x0] =	vst.idx.add.f32.msk $0xffff, v1  }
0x24: {  	v2 =	vld [tilespmem:$0x90];
	_ =	sdelay $0x7  }
0x25: {  	[tilespmem:v2+s7+$0x0] =	vst.idx.add.f32.msk $0xffff, v1  }
0x26: {  	v2 =	vld [tilespmem:$0xA0];
	_ =	sdelay $0x7  }
0x27: {  	[tilespmem:v2+s7+$0x0] =	vst.idx.add.f32.msk $0xffff, v1  }
0x28: {  	v2 =	vld [tilespmem:$0xB0];
	_ =	sdelay $0x7  }
0x29: {  	[tilespmem:v2+s7+$0x0] =	vst.idx.add.f32.msk $0xffff, v1  }
0x2a: {  	v2 =	vld [tilespmem:$0xC0];
	_ =	sdelay $0x7  }
0x2b: {  	[tilespmem:v2+s7+$0x0] =	vst.idx.add.f32.msk $0xffff, v1  }
0x2c: {  	v2 =	vld [tilespmem:$0x100];
	_ =	sdelay $0x7  }
0x2d: {  	[tilespmem:v2+s7+$0x0] =	vst.idx.add.f32.msk $0xffff, v1  }
0x2e: {  	v2 =	vld [tilespmem:$0x110];
	_ =	sdelay $0x7  }
0x2f: {  	[tilespmem:v2+s7+$0x0] =	vst.idx.add.f32.msk $0xffff, v1  }
0x30: {  	v2 =	vld [tilespmem:$0x120];
	_ =	sdelay $0x7  }
0x31: {  	[tilespmem:v2+s7+$0x0] =	vst.idx.add.f32.msk $0xffff, v1  }
0x32: {  	v2 =	vld [tilespmem:$0x130];
	_ =	sdelay $0x7  }
0x33: {  	[tilespmem:v2+s7+$0x0] =	vst.idx.add.f32.msk $0xffff, v1  }
0x34: {  	v2 =	vld [tilespmem:$0x140];
	_ =	sdelay $0x7  }
0x35: {  	[tilespmem:v2+s7+$0x0] =	vst.idx.add.f32.msk $0xffff, v1  }
0x36: {  	v2 =	vld [tilespmem:$0x180];
	_ =	sdelay $0x7  }
0x37: {  	[tilespmem:v2+s7+$0x0] =	vst.idx.add.f32.msk $0xffff, v1  }
0x38: {  	v2 =	vld [tilespmem:$0x190];
	_ =	sdelay $0x7  }
0x39: {  	[tilespmem:v2+s7+$0x0] =	vst.idx.add.f32.msk $0xffff, v1  }
0x3a: {  	v2 =	vld [tilespmem:$0x1A0];
	_ =	sdelay $0x7  }
0x3b: {  	[tilespmem:v2+s7+$0x0] =	vst.idx.add.f32.msk $0xffff, v1  }
0x3c: {  	v2 =	vld [tilespmem:$0x1B0];
	_ =	sdelay $0x7  }
0x3d: {  	[tilespmem:v2+s7+$0x0] =	vst.idx.add.f32.msk $0xffff, v1  }
0x3e: {  	v2 =	vld [tilespmem:$0x1C0];
	_ =	sdelay $0x7  }
0x3f: {  	[tilespmem:v2+s7+$0x0] =	vst.idx.add.f32.msk $0xffff, v1  }
0x40: {  	v2 =	vld [tilespmem:$0x200];
	_ =	sdelay $0x7  }
0x41: {  	[tilespmem:v2+s7+$0x0] =	vst.idx.add.f32.msk $0xffff, v1  }
0x42: {  	v2 =	vld [tilespmem:$0x210];
	_ =	sdelay $0x7  }
0x43: {  	[tilespmem:v2+s7+$0x0] =	vst.idx.add.f32.msk $0xffff, v1  }
0x44: {  	v2 =	vld [tilespmem:$0x220];
	_ =	sdelay $0x7  }
0x45: {  	[tilespmem:v2+s7+$0x0] =	vst.idx.add.f32.msk $0xffff, v1  }
0x46: {  	v2 =	vld [tilespmem:$0x230];
	_ =	sdelay $0x7  }
0x47: {  	[tilespmem:v2+s7+$0x0] =	vst.idx.add.f32.msk $0xffff, v1  }
0x48: {  	v2 =	vld [tilespmem:$0x240];
	_ =	sdelay $0x2  }
0x49: {  	p0 =	sne.s32 s10, $0xC00  }
.Ltmp1:
0x4a: {  	_ = 	snop;
	(pc) =	sbr.rel @p0 .LBB2_4-.Ltmp1, $2  }
0x4b: {  	_ =	sdelay $0x2  }
0x4c: {  	s10 =	sadd.s32 $0x80, s10;
	[tilespmem:v2+s7+$0x0] =	vst.idx.add.f32.msk $0xffff, v1  }
0x4d: {  	s9 =	sadd.s32 $0x1, s9  }
0x4e: {  	p0 =	sne.s32 s9, s4  }
.Ltmp2:
0x4f: {  	_ = 	snop;
	(pc) =	sbr.rel @p0 .LBB2_1-.Ltmp2, $4  }
0x50: {  	[hbm4b:s3+s8] =	stream.strided.scatter [tilespmem:s7], [sflag:$0x1], $0x2780, s7, s8, $0x38;
	[tilespmem:$0x2B80] =	vst v63  }
0x51: {  	_ =	swait.ge [sflag:s6], $0x2780  }
0x52: {  	[sflag:s6] =	ssyncset.done $0x0  }
0x53: {  	[sflag:s6] =	ssyncadd.s32 $0xFFFFD880  }
0x54: {  	_ =	sfence.sel $0x180000  }
0x55: {  	[bflag:$0x0] =	sbarrier.arrive $0xFFFF  }
0x56: {  	p0 =	sne.s32 s0, $0x0;
	_ =	strace $0x90000047  }
0x57: {  	s0 =	sadd.s32 @!p0 $0x100000, s1;
	[bflag:$0x2] =	sbarrier.arrive $0xFFFF  }
0x58: {  	[sflag:s0] =	ssyncadd.tile.s32 @!p0 $0x1;
	_ =	shalt  }
.Lfunc_end2:
_tile_overlayer_lowered:
.L_overlay_start_2:
0x59: {  	(tag) =	ssettag $0x2  }
0x5a: {  	s0 =	rddreg [dreg:$0x0];
	s2 =	stileid.u32  }
0x5b: {  	s1 =	rddreg [dreg:$0x1];
	p0 =	sne.s32 s2, $0x0  }
0x5c: {  	s3 =	rddreg [dreg:$0x2];
	[bflag:$0x3] =	sbarrier.arrive $0xFFFF;
	s2 =	simm.s32 @!p0 $0x1C01  }
0x5d: {  	[timem:s3], [sflag:s2] =	dma.local @!p0 [hbm:s0], s1  }
0x5e: {  	s0 =	simm.s32 @!p0 $0x1  }
0x5f: {  	_ =	swait.ge @!p0 [sflag:s0], s1  }
0x60: {  	s1 =	ssub.s32 @!p0 $0x0, s1;
	[sflag:s0] =	ssyncset.done @!p0 $0x0  }
0x61: {  	[sflag:s0] =	ssyncadd.s32 @!p0 s1  }
0x62: {  	[bflag:$0x3] =	sbarrier.arrive $0xFFFF  }
0x63: {  	_ =	shalt  }

</sc_bundles>
